<compile_context>
chip_gen: v7x
topology: tpu7x:2x2x1
jax: 0.10.2.dev20260603
libtpu: 0.0.44.dev20260713+nightly
codegen_flags: <defaults>
</compile_context>

<pallas_src>
import functools

import jax
import jax.numpy as jnp
import numpy as np
from jax import lax
from jax.experimental import pallas as pl
from jax.experimental.pallas import tpu as pltpu
from jax.experimental.pallas import tpu_sc as plsc

NUM_BASIS = 16
GRID_SIZE = 1000
Z_MIN = -8.0
Z_MAX = 8.0
GRID_PAD = 1024
TABLE_PAD = 1040

U_SCALE = np.float32((GRID_SIZE - 1) / (Z_MAX - Z_MIN + 1e-8))


def _make_I_grid_T_flat():
    z_grid = np.linspace(Z_MIN, Z_MAX, GRID_SIZE)
    knots = np.linspace(Z_MIN, Z_MAX, NUM_BASIS)
    d = np.abs(z_grid[:, None] - knots[None, :])
    dx = (Z_MAX - Z_MIN) / (NUM_BASIS - 1)
    H = np.clip(1.0 - d / dx, 0.0, None)
    H = H / (H.sum(axis=1, keepdims=True) + 1e-08)
    dz = z_grid[1] - z_grid[0]
    I = np.cumsum(H * dz, axis=0)
    I_max = I[-1, :].copy()
    I_max[I_max <= 0] = 1.0
    I = I / I_max[None, :]
    I_T = np.ascontiguousarray(I.T.astype(np.float32))
    out = np.zeros((NUM_BASIS, GRID_PAD), np.float32)
    out[:, :GRID_SIZE] = I_T
    return out.reshape(-1)


_IG_FLAT = _make_I_grid_T_flat()


def _make_sc_kernel(n_rows, n_cols):
    info = plsc.get_sparse_core_info()
    nc, ns, nl = info.num_cores, info.num_subcores, info.num_lanes
    nw = nc * ns
    rows_per_w = n_rows // nw
    crows = 16
    nchunk = rows_per_w // crows
    vecs_per_row = n_cols // nl
    nblk = GRID_PAD // nl
    mesh = plsc.VectorSubcoreMesh(core_axis_name="c", subcore_axis_name="s")

    @functools.partial(
        pl.kernel,
        mesh=mesh,
        out_type=jax.ShapeDtypeStruct((n_rows, n_cols), jnp.float32),
        scratch_types=[
            pltpu.VMEM((NUM_BASIS * GRID_PAD,), jnp.float32),
            pltpu.VMEM((nl,), jnp.float32),
            pltpu.VMEM((nl,), jnp.float32),
            pltpu.VMEM((2 * nl,), jnp.float32),
            pltpu.VMEM((TABLE_PAD,), jnp.float32),
            pltpu.VMEM((GRID_PAD,), jnp.float32),
            pltpu.VMEM((crows, n_cols), jnp.float32),
            pltpu.VMEM((crows, n_cols), jnp.float32),
            pltpu.VMEM((crows, n_cols), jnp.float32),
            pltpu.VMEM((crows, n_cols), jnp.float32),
            pltpu.SemaphoreType.DMA,
            pltpu.SemaphoreType.DMA,
            pltpu.SemaphoreType.DMA,
            pltpu.SemaphoreType.DMA,
        ],
        compiler_params=pltpu.CompilerParams(needs_layout_passes=False),
    )
    def sck(ig_hbm, params_hbm, rw_hbm, z_hbm, out_hbm,
            ig_v, par_v, w_v, w2_v, t0_v, t1_v,
            zb0, zb1, ob0, ob1, is0, is1, os0, os1):
        wid = lax.axis_index("s") * nc + lax.axis_index("c")
        base = wid * rows_per_w
        zbufs, obufs = (zb0, zb1), (ob0, ob1)
        isems, osems = (is0, is1), (os0, os1)

        in_h = [None, None]
        out_h = [None, None]
        in_h[0] = pltpu.async_copy(
            z_hbm.at[pl.ds(base, crows), :], zb0, is0)

        pltpu.sync_copy(params_hbm, par_v)
        pltpu.sync_copy(rw_hbm, w_v)
        pltpu.sync_copy(ig_hbm, ig_v)

        x = w_v[...]
        q = jnp.exp(-jnp.abs(x))
        a1 = 1.0 + q
        L = (2.0 * q) / (2.0 + q)
        L = L + a1 * jnp.exp(-L) - 1.0
        L = L + a1 * jnp.exp(-L) - 1.0
        L = L + a1 * jnp.exp(-L) - 1.0
        w2_v[pl.ds(nl, nl)] = jnp.maximum(x, 0.0) + L

        def splat(ref, j):
            return plsc.load_gather(ref, [jnp.full((nl,), j, jnp.int32)])

        an = splat(par_v, 1)
        bn = splat(par_v, 2)
        cn = splat(par_v, 3)
        wspl = [splat(w2_v, nl + m) for m in range(NUM_BASIS)]

        @plsc.parallel_loop(0, nblk, unroll=2)
        def _tbl(b):
            acc = wspl[0] * ig_v[pl.ds(b * nl, nl)]
            for m in range(1, NUM_BASIS):
                acc = acc + wspl[m] * ig_v[pl.ds(m * GRID_PAD + b * nl, nl)]
            t0_v[pl.ds(b * nl, nl)] = cn + bn * acc

        t0_v[pl.ds(GRID_PAD, TABLE_PAD - GRID_PAD)] = jnp.zeros(
            (TABLE_PAD - GRID_PAD,), jnp.float32)

        @plsc.parallel_loop(0, nblk, unroll=2)
        def _shift(b):
            idxv = lax.iota(jnp.int32, nl) + (b * nl + 1)
            t1_v[pl.ds(b * nl, nl)] = plsc.load_gather(t0_v, [idxv])

        def compute(zb, ob):
            @plsc.parallel_loop(0, crows * vecs_per_row, unroll=8)
            def _body(i):
                r = i // vecs_per_row
                col = (i % vecs_per_row) * nl
                zv = zb[r, pl.ds(col, nl)]
                zc = jnp.minimum(jnp.maximum(zv, Z_MIN), Z_MAX)
                u = (zc - Z_MIN) * U_SCALE
                idx = u.astype(jnp.int32)
                fr = u - idx.astype(jnp.float32)
                t0 = plsc.load_gather(t0_v, [idx])
                t1 = plsc.load_gather(t1_v, [idx])
                gneg = an * zc + (t0 + fr * (t1 - t0))
                ob[r, pl.ds(col, nl)] = 1.0 / (1.0 + jnp.exp(gneg))

        for c in range(nchunk):
            b = c & 1
            r0 = base + c * crows
            in_h[b].wait()
            if c + 1 < nchunk:
                nb = (c + 1) & 1
                in_h[nb] = pltpu.async_copy(
                    z_hbm.at[pl.ds(base + (c + 1) * crows, crows), :],
                    zbufs[nb], isems[nb])
            if c >= 2:
                out_h[b].wait()
            compute(zbufs[b], obufs[b])
            out_h[b] = pltpu.async_copy(
                obufs[b], out_hbm.at[pl.ds(r0, crows), :], osems[b])
        out_h[(nchunk - 2) & 1].wait()
        out_h[(nchunk - 1) & 1].wait()

    return sck


def kernel(z, raw_weights, alpha, beta, bias):
    orig_shape = z.shape
    n_total = int(np.prod(orig_shape))
    n_cols = orig_shape[-1]
    n_rows = n_total // n_cols
    params = jnp.concatenate([
        jnp.zeros((1,), jnp.float32),
        (-alpha).reshape(1), (-beta).reshape(1), (-bias).reshape(1),
        jnp.zeros((12,), jnp.float32)]).astype(jnp.float32)
    sck = _make_sc_kernel(n_rows, n_cols)
    out = sck(jnp.asarray(_IG_FLAT), params, raw_weights.astype(jnp.float32),
              z.reshape(n_rows, n_cols))
    return out.reshape(orig_shape)

# --- scband reference (transcript-rebuilt; emitter-appended) ---
"""Pipeline reference for scband-monotone-ispline-link-82892868813296 (READ-ONLY COPY).

The authoritative reference and input builder live on the scoring server;
editing this copy changes nothing except your own understanding.
"""

import jax, jax.numpy as jnp
import numpy as np

NUM_BASIS = 16
GRID_SIZE = 1000
Z_MIN = -8.0
Z_MAX = 8.0


def _make_I_grid():
    z_grid = jnp.linspace(Z_MIN, Z_MAX, GRID_SIZE)
    knots = jnp.linspace(Z_MIN, Z_MAX, NUM_BASIS)
    d = jnp.abs(z_grid[:, None] - knots[None, :])
    dx = (Z_MAX - Z_MIN) / (NUM_BASIS - 1)
    H = jnp.clip(1.0 - d / dx, 0.0, None)
    H = H / (H.sum(axis=1, keepdims=True) + 1e-08)
    dz = z_grid[1] - z_grid[0]
    I = jnp.cumsum(H * dz, axis=0)
    I_max = I[-1, :]
    I_max = jnp.where(I_max <= 0, 1.0, I_max)
    return I / I_max[None, :]


def setup_inputs(seed: int = 0) -> dict:
    key = jax.random.key(seed)
    z = jax.random.normal(jax.random.fold_in(key, 0), (2, 2048, 1024), dtype=jnp.float32)
    raw_weights = jnp.full((NUM_BASIS,), -8.0, dtype=jnp.float32)
    alpha = jnp.asarray(1.0 - 1e-06, dtype=jnp.float32)
    beta = jnp.asarray(0.0 + 1e-06, dtype=jnp.float32)
    bias = jnp.zeros((1,), dtype=jnp.float32)
    return {"z": z, "raw_weights": raw_weights, "alpha": alpha, "beta": beta, "bias": bias}


def reference(z, raw_weights, alpha, beta, bias):
    I_grid = _make_I_grid()
    G = GRID_SIZE
    z_clamped = jnp.clip(z, Z_MIN, Z_MAX)
    orig_shape = z_clamped.shape
    z_flat = z_clamped.reshape(-1)
    u = (z_flat - Z_MIN) / (Z_MAX - Z_MIN + 1e-08) * (G - 1)
    u_clamped = jnp.clip(u, 0.0, G - 1 - 1e-06)
    idx0 = jnp.floor(u_clamped).astype(jnp.int32)
    idx1 = jnp.minimum(idx0 + 1, G - 1)
    w1 = (u_clamped - idx0.astype(jnp.float32))[:, None]
    I0 = jnp.take(I_grid, idx0, axis=0)
    I1 = jnp.take(I_grid, idx1, axis=0)
    I_z = (1.0 - w1) * I0 + w1 * I1
    w_pos = jax.nn.softplus(raw_weights)
    spline_term = I_z @ w_pos
    g_flat = bias + alpha * z_flat + beta * spline_term
    h_flat = jax.nn.sigmoid(g_flat)
    return h_flat.reshape(orig_shape)

if __name__ == "__main__":
    import jax
    _d = setup_inputs()
    print(jax.jit(kernel)(*tuple(_d.values())))

</pallas_src>

<mosaic_0001>
#map = affine_map<(d0, d1) -> (0)>
#map1 = affine_map<(d0, d1) -> (0, 0)>
module attributes {stable_mosaic.version = 14 : i64} {
  func.func @sck(%arg0: i32, %arg1: i32, %arg2: memref<16384xf32, #tpu.memory_space<hbm>>, %arg3: memref<16xf32, #tpu.memory_space<hbm>>, %arg4: memref<16xf32, #tpu.memory_space<hbm>>, %arg5: memref<4096x1024xf32, #tpu.memory_space<hbm>>, %arg6: memref<4096x1024xf32, #tpu.memory_space<hbm>>, %arg7: memref<16384xf32, #tpu.memory_space<vmem>>, %arg8: memref<16xf32, #tpu.memory_space<vmem>>, %arg9: memref<16xf32, #tpu.memory_space<vmem>>, %arg10: memref<32xf32, #tpu.memory_space<vmem>>, %arg11: memref<1040xf32, #tpu.memory_space<vmem>>, %arg12: memref<1024xf32, #tpu.memory_space<vmem>>, %arg13: memref<16x1024xf32, #tpu.memory_space<vmem>>, %arg14: memref<16x1024xf32, #tpu.memory_space<vmem>>, %arg15: memref<16x1024xf32, #tpu.memory_space<vmem>>, %arg16: memref<16x1024xf32, #tpu.memory_space<vmem>>, %arg17: memref<!tpu.dma_semaphore, #tpu.memory_space<semaphore_mem>>, %arg18: memref<!tpu.dma_semaphore, #tpu.memory_space<semaphore_mem>>, %arg19: memref<!tpu.dma_semaphore, #tpu.memory_space<semaphore_mem>>, %arg20: memref<!tpu.dma_semaphore, #tpu.memory_space<semaphore_mem>>) attributes {dimension_semantics = [#tpu.dimension_semantics<core_parallel>, #tpu.dimension_semantics<subcore_parallel>], iteration_bounds = array<i64: 2, 16>, scalar_prefetch = 0 : i64, scratch_operands = 14 : i64, tpu.core_type = #tpu.core_type<sc_vector_subcore>, window_params = [{transform_indices = #map}, {transform_indices = #map}, {transform_indices = #map}, {transform_indices = #map1}, {transform_indices = #map1}]} {
    %mul3A = arith.constant 2 : i32
    %mul3A_0 = arith.muli %arg1, %mul3A : i32
    %add3A = arith.addi %mul3A_0, %arg0 : i32
    %mul3A_1 = arith.constant 128 : i32
    %mul3A_2 = arith.muli %add3A, %mul3A_1 : i32
    %dma_start3A = arith.constant 0 : i32
    %dma_start3A_3 = tpu.memref_slice %arg5[%mul3A_2, %dma_start3A] : memref<4096x1024xf32, #tpu.memory_space<hbm>> -> memref<16x1024xf32, #tpu.memory_space<hbm>>
    %dma_start3A_4 = arith.constant 0 : i32
    %dma_start3A_5 = tpu.memref_slice %arg5[%mul3A_2, %dma_start3A_4] : memref<4096x1024xf32, #tpu.memory_space<hbm>> -> memref<16x1024xf32, #tpu.memory_space<hbm>>
    tpu.enqueue_dma source(%dma_start3A_5 : memref<16x1024xf32, #tpu.memory_space<hbm>>) target(%arg13 : memref<16x1024xf32, #tpu.memory_space<vmem>>) target_semaphore(%arg17 : memref<!tpu.dma_semaphore, #tpu.memory_space<semaphore_mem>>)
    "tpu.region"() ({
      %run_scoped3A = tpu.sem_alloc : memref<!tpu.dma_semaphore, #tpu.memory_space<semaphore_mem>>
      tpu.enqueue_dma source(%arg3 : memref<16xf32, #tpu.memory_space<hbm>>) target(%arg8 : memref<16xf32, #tpu.memory_space<vmem>>) target_semaphore(%run_scoped3A : memref<!tpu.dma_semaphore, #tpu.memory_space<semaphore_mem>>)
      tpu.wait_dma2 semaphore(%run_scoped3A : memref<!tpu.dma_semaphore, #tpu.memory_space<semaphore_mem>>) src(%arg3 : memref<16xf32, #tpu.memory_space<hbm>>) dst(%arg8 : memref<16xf32, #tpu.memory_space<vmem>>)
      tpu.yield
    }) : () -> ()
    "tpu.region"() ({
      %run_scoped3A = tpu.sem_alloc : memref<!tpu.dma_semaphore, #tpu.memory_space<semaphore_mem>>
      tpu.enqueue_dma source(%arg4 : memref<16xf32, #tpu.memory_space<hbm>>) target(%arg9 : memref<16xf32, #tpu.memory_space<vmem>>) target_semaphore(%run_scoped3A : memref<!tpu.dma_semaphore, #tpu.memory_space<semaphore_mem>>)
      tpu.wait_dma2 semaphore(%run_scoped3A : memref<!tpu.dma_semaphore, #tpu.memory_space<semaphore_mem>>) src(%arg4 : memref<16xf32, #tpu.memory_space<hbm>>) dst(%arg9 : memref<16xf32, #tpu.memory_space<vmem>>)
      tpu.yield
    }) : () -> ()
    "tpu.region"() ({
      %run_scoped3A = tpu.sem_alloc : memref<!tpu.dma_semaphore, #tpu.memory_space<semaphore_mem>>
      tpu.enqueue_dma source(%arg2 : memref<16384xf32, #tpu.memory_space<hbm>>) target(%arg7 : memref<16384xf32, #tpu.memory_space<vmem>>) target_semaphore(%run_scoped3A : memref<!tpu.dma_semaphore, #tpu.memory_space<semaphore_mem>>)
      tpu.wait_dma2 semaphore(%run_scoped3A : memref<!tpu.dma_semaphore, #tpu.memory_space<semaphore_mem>>) src(%arg2 : memref<16384xf32, #tpu.memory_space<hbm>>) dst(%arg7 : memref<16384xf32, #tpu.memory_space<vmem>>)
      tpu.yield
    }) : () -> ()
    %get3A = arith.constant 0 : index
    %get3A_6 = tpu.vector_load %arg9[%get3A] {strides = array<i32>} : memref<16xf32, #tpu.memory_space<vmem>>, vector<16xf32>,
    %abs3A = math.absf %get3A_6 : vector<16xf32>
    %neg3A = arith.constant 0.000000e+00 : f32
    %neg3A_7 = vector.broadcast %neg3A : f32 to vector<16xf32>
    %neg3A_8 = arith.subf %neg3A_7, %abs3A : vector<16xf32>
    %exp3A = math.exp %neg3A_8 : vector<16xf32>
    %add3A_9 = arith.constant 1.000000e+00 : f32
    %add3A_10 = vector.broadcast %add3A_9 : f32 to vector<16xf32>
    %add3A_11 = arith.addf %add3A_10, %exp3A : vector<16xf32>
    %mul3A_12 = arith.constant 2.000000e+00 : f32
    %mul3A_13 = vector.broadcast %mul3A_12 : f32 to vector<16xf32>
    %mul3A_14 = arith.mulf %mul3A_13, %exp3A : vector<16xf32>
    %add3A_15 = arith.constant 2.000000e+00 : f32
    %add3A_16 = vector.broadcast %add3A_15 : f32 to vector<16xf32>
    %add3A_17 = arith.addf %add3A_16, %exp3A : vector<16xf32>
    %div3A = arith.divf %mul3A_14, %add3A_17 : vector<16xf32>
    %neg3A_18 = arith.constant 0.000000e+00 : f32
    %neg3A_19 = vector.broadcast %neg3A_18 : f32 to vector<16xf32>
    %neg3A_20 = arith.subf %neg3A_19, %div3A : vector<16xf32>
    %exp3A_21 = math.exp %neg3A_20 : vector<16xf32>
    %mul3A_22 = arith.mulf %add3A_11, %exp3A_21 : vector<16xf32>
    %add3A_23 = arith.addf %div3A, %mul3A_22 : vector<16xf32>
    %sub3A = arith.constant 1.000000e+00 : f32
    %sub3A_24 = vector.broadcast %sub3A : f32 to vector<16xf32>
    %sub3A_25 = arith.subf %add3A_23, %sub3A_24 : vector<16xf32>
    %neg3A_26 = arith.constant 0.000000e+00 : f32
    %neg3A_27 = vector.broadcast %neg3A_26 : f32 to vector<16xf32>
    %neg3A_28 = arith.subf %neg3A_27, %sub3A_25 : vector<16xf32>
    %exp3A_29 = math.exp %neg3A_28 : vector<16xf32>
    %mul3A_30 = arith.mulf %add3A_11, %exp3A_29 : vector<16xf32>
    %add3A_31 = arith.addf %sub3A_25, %mul3A_30 : vector<16xf32>
    %sub3A_32 = arith.constant 1.000000e+00 : f32
    %sub3A_33 = vector.broadcast %sub3A_32 : f32 to vector<16xf32>
    %sub3A_34 = arith.subf %add3A_31, %sub3A_33 : vector<16xf32>
    %neg3A_35 = arith.constant 0.000000e+00 : f32
    %neg3A_36 = vector.broadcast %neg3A_35 : f32 to vector<16xf32>
    %neg3A_37 = arith.subf %neg3A_36, %sub3A_34 : vector<16xf32>
    %exp3A_38 = math.exp %neg3A_37 : vector<16xf32>
    %mul3A_39 = arith.mulf %add3A_11, %exp3A_38 : vector<16xf32>
    %add3A_40 = arith.addf %sub3A_34, %mul3A_39 : vector<16xf32>
    %sub3A_41 = arith.constant 1.000000e+00 : f32
    %sub3A_42 = vector.broadcast %sub3A_41 : f32 to vector<16xf32>
    %sub3A_43 = arith.subf %add3A_40, %sub3A_42 : vector<16xf32>
    %max3A = arith.constant 0.000000e+00 : f32
    %max3A_44 = vector.broadcast %max3A : f32 to vector<16xf32>
    %max3A_45 = arith.maximumf %get3A_6, %max3A_44 : vector<16xf32>
    %add3A_46 = arith.addf %max3A_45, %sub3A_43 : vector<16xf32>
    %swap3A = arith.constant 16 : index
    %swap3A_47 = tpu.vector_load %arg10[%swap3A] {strides = array<i32>} : memref<32xf32, #tpu.memory_space<vmem>>, vector<16xf32>,
    tpu.vector_store %arg10[%swap3A], %add3A_46 {strides = array<i32>} : memref<32xf32, #tpu.memory_space<vmem>>, vector<16xf32>,
    %broadcast_in_dim3A = arith.constant 1 : i32
    %broadcast_in_dim3A_48 = vector.broadcast %broadcast_in_dim3A : i32 to vector<16xi32>
    %gather3A = tpu.vector_load_idx %arg8[%broadcast_in_dim3A_48] : memref<16xf32, #tpu.memory_space<vmem>>[vector<16xi32>], vector<16xf32>,
    %broadcast_in_dim3A_49 = arith.constant 2 : i32
    %broadcast_in_dim3A_50 = vector.broadcast %broadcast_in_dim3A_49 : i32 to vector<16xi32>
    %gather3A_51 = tpu.vector_load_idx %arg8[%broadcast_in_dim3A_50] : memref<16xf32, #tpu.memory_space<vmem>>[vector<16xi32>], vector<16xf32>,
    %broadcast_in_dim3A_52 = arith.constant 3 : i32
    %broadcast_in_dim3A_53 = vector.broadcast %broadcast_in_dim3A_52 : i32 to vector<16xi32>
    %gather3A_54 = tpu.vector_load_idx %arg8[%broadcast_in_dim3A_53] : memref<16xf32, #tpu.memory_space<vmem>>[vector<16xi32>], vector<16xf32>,
    %broadcast_in_dim3A_55 = arith.constant 16 : i32
    %broadcast_in_dim3A_56 = vector.broadcast %broadcast_in_dim3A_55 : i32 to vector<16xi32>
    %gather3A_57 = tpu.vector_load_idx %arg10[%broadcast_in_dim3A_56] : memref<32xf32, #tpu.memory_space<vmem>>[vector<16xi32>], vector<16xf32>,
    %broadcast_in_dim3A_58 = arith.constant 17 : i32
    %broadcast_in_dim3A_59 = vector.broadcast %broadcast_in_dim3A_58 : i32 to vector<16xi32>
    %gather3A_60 = tpu.vector_load_idx %arg10[%broadcast_in_dim3A_59] : memref<32xf32, #tpu.memory_space<vmem>>[vector<16xi32>], vector<16xf32>,
    %broadcast_in_dim3A_61 = arith.constant 18 : i32
    %broadcast_in_dim3A_62 = vector.broadcast %broadcast_in_dim3A_61 : i32 to vector<16xi32>
    %gather3A_63 = tpu.vector_load_idx %arg10[%broadcast_in_dim3A_62] : memref<32xf32, #tpu.memory_space<vmem>>[vector<16xi32>], vector<16xf32>,
    %broadcast_in_dim3A_64 = arith.constant 19 : i32
    %broadcast_in_dim3A_65 = vector.broadcast %broadcast_in_dim3A_64 : i32 to vector<16xi32>
    %gather3A_66 = tpu.vector_load_idx %arg10[%broadcast_in_dim3A_65] : memref<32xf32, #tpu.memory_space<vmem>>[vector<16xi32>], vector<16xf32>,
    %broadcast_in_dim3A_67 = arith.constant 20 : i32
    %broadcast_in_dim3A_68 = vector.broadcast %broadcast_in_dim3A_67 : i32 to vector<16xi32>
    %gather3A_69 = tpu.vector_load_idx %arg10[%broadcast_in_dim3A_68] : memref<32xf32, #tpu.memory_space<vmem>>[vector<16xi32>], vector<16xf32>,
    %broadcast_in_dim3A_70 = arith.constant 21 : i32
    %broadcast_in_dim3A_71 = vector.broadcast %broadcast_in_dim3A_70 : i32 to vector<16xi32>
    %gather3A_72 = tpu.vector_load_idx %arg10[%broadcast_in_dim3A_71] : memref<32xf32, #tpu.memory_space<vmem>>[vector<16xi32>], vector<16xf32>,
    %broadcast_in_dim3A_73 = arith.constant 22 : i32
    %broadcast_in_dim3A_74 = vector.broadcast %broadcast_in_dim3A_73 : i32 to vector<16xi32>
    %gather3A_75 = tpu.vector_load_idx %arg10[%broadcast_in_dim3A_74] : memref<32xf32, #tpu.memory_space<vmem>>[vector<16xi32>], vector<16xf32>,
    %broadcast_in_dim3A_76 = arith.constant 23 : i32
    %broadcast_in_dim3A_77 = vector.broadcast %broadcast_in_dim3A_76 : i32 to vector<16xi32>
    %gather3A_78 = tpu.vector_load_idx %arg10[%broadcast_in_dim3A_77] : memref<32xf32, #tpu.memory_space<vmem>>[vector<16xi32>], vector<16xf32>,
    %broadcast_in_dim3A_79 = arith.constant 24 : i32
    %broadcast_in_dim3A_80 = vector.broadcast %broadcast_in_dim3A_79 : i32 to vector<16xi32>
    %gather3A_81 = tpu.vector_load_idx %arg10[%broadcast_in_dim3A_80] : memref<32xf32, #tpu.memory_space<vmem>>[vector<16xi32>], vector<16xf32>,
    %broadcast_in_dim3A_82 = arith.constant 25 : i32
    %broadcast_in_dim3A_83 = vector.broadcast %broadcast_in_dim3A_82 : i32 to vector<16xi32>
    %gather3A_84 = tpu.vector_load_idx %arg10[%broadcast_in_dim3A_83] : memref<32xf32, #tpu.memory_space<vmem>>[vector<16xi32>], vector<16xf32>,
    %broadcast_in_dim3A_85 = arith.constant 26 : i32
    %broadcast_in_dim3A_86 = vector.broadcast %broadcast_in_dim3A_85 : i32 to vector<16xi32>
    %gather3A_87 = tpu.vector_load_idx %arg10[%broadcast_in_dim3A_86] : memref<32xf32, #tpu.memory_space<vmem>>[vector<16xi32>], vector<16xf32>,
    %broadcast_in_dim3A_88 = arith.constant 27 : i32
    %broadcast_in_dim3A_89 = vector.broadcast %broadcast_in_dim3A_88 : i32 to vector<16xi32>
    %gather3A_90 = tpu.vector_load_idx %arg10[%broadcast_in_dim3A_89] : memref<32xf32, #tpu.memory_space<vmem>>[vector<16xi32>], vector<16xf32>,
    %broadcast_in_dim3A_91 = arith.constant 28 : i32
    %broadcast_in_dim3A_92 = vector.broadcast %broadcast_in_dim3A_91 : i32 to vector<16xi32>
    %gather3A_93 = tpu.vector_load_idx %arg10[%broadcast_in_dim3A_92] : memref<32xf32, #tpu.memory_space<vmem>>[vector<16xi32>], vector<16xf32>,
    %broadcast_in_dim3A_94 = arith.constant 29 : i32
    %broadcast_in_dim3A_95 = vector.broadcast %broadcast_in_dim3A_94 : i32 to vector<16xi32>
    %gather3A_96 = tpu.vector_load_idx %arg10[%broadcast_in_dim3A_95] : memref<32xf32, #tpu.memory_space<vmem>>[vector<16xi32>], vector<16xf32>,
    %broadcast_in_dim3A_97 = arith.constant 30 : i32
    %broadcast_in_dim3A_98 = vector.broadcast %broadcast_in_dim3A_97 : i32 to vector<16xi32>
    %gather3A_99 = tpu.vector_load_idx %arg10[%broadcast_in_dim3A_98] : memref<32xf32, #tpu.memory_space<vmem>>[vector<16xi32>], vector<16xf32>,
    %broadcast_in_dim3A_100 = arith.constant 31 : i32
    %broadcast_in_dim3A_101 = vector.broadcast %broadcast_in_dim3A_100 : i32 to vector<16xi32>
    %gather3A_102 = tpu.vector_load_idx %arg10[%broadcast_in_dim3A_101] : memref<32xf32, #tpu.memory_space<vmem>>[vector<16xi32>], vector<16xf32>,
    %parallel_loop3A = arith.constant 0 : i32
    %parallel_loop3A_103 = arith.constant 64 : i32
    %parallel_loop3A_104 = arith.constant 1 : i32
    scf.for %parallel_loop3A_289 = %parallel_loop3A to %parallel_loop3A_103 step %parallel_loop3A_104  : i32 {
      %parallel_loop3A_290 = arith.constant 16 : i32
      %parallel_loop3A_291 = arith.muli %parallel_loop3A_289, %parallel_loop3A_290 : i32
      %parallel_loop3A_292 = arith.index_cast %parallel_loop3A_291 : i32 to index
      %parallel_loop3A_293 = tpu.vector_load %arg7[%parallel_loop3A_292] {strides = array<i32>} : memref<16384xf32, #tpu.memory_space<vmem>>, vector<16xf32>,
      %parallel_loop3A_294 = arith.mulf %gather3A_57, %parallel_loop3A_293 : vector<16xf32>
      %parallel_loop3A_295 = arith.constant 16 : i32
      %parallel_loop3A_296 = arith.muli %parallel_loop3A_289, %parallel_loop3A_295 : i32
      %parallel_loop3A_297 = arith.constant 1024 : i32
      %parallel_loop3A_298 = arith.addi %parallel_loop3A_297, %parallel_loop3A_296 : i32
      %parallel_loop3A_299 = arith.index_cast %parallel_loop3A_298 : i32 to index
      %parallel_loop3A_300 = tpu.vector_load %arg7[%parallel_loop3A_299] {strides = array<i32>} : memref<16384xf32, #tpu.memory_space<vmem>>, vector<16xf32>,
      %parallel_loop3A_301 = arith.mulf %gather3A_60, %parallel_loop3A_300 : vector<16xf32>
      %parallel_loop3A_302 = arith.addf %parallel_loop3A_294, %parallel_loop3A_301 : vector<16xf32>
      %parallel_loop3A_303 = arith.constant 16 : i32
      %parallel_loop3A_304 = arith.muli %parallel_loop3A_289, %parallel_loop3A_303 : i32
      %parallel_loop3A_305 = arith.constant 2048 : i32
      %parallel_loop3A_306 = arith.addi %parallel_loop3A_305, %parallel_loop3A_304 : i32
      %parallel_loop3A_307 = arith.index_cast %parallel_loop3A_306 : i32 to index
      %parallel_loop3A_308 = tpu.vector_load %arg7[%parallel_loop3A_307] {strides = array<i32>} : memref<16384xf32, #tpu.memory_space<vmem>>, vector<16xf32>,
      %parallel_loop3A_309 = arith.mulf %gather3A_63, %parallel_loop3A_308 : vector<16xf32>
      %parallel_loop3A_310 = arith.addf %parallel_loop3A_302, %parallel_loop3A_309 : vector<16xf32>
      %parallel_loop3A_311 = arith.constant 16 : i32
      %parallel_loop3A_312 = arith.muli %parallel_loop3A_289, %parallel_loop3A_311 : i32
      %parallel_loop3A_313 = arith.constant 3072 : i32
      %parallel_loop3A_314 = arith.addi %parallel_loop3A_313, %parallel_loop3A_312 : i32
      %parallel_loop3A_315 = arith.index_cast %parallel_loop3A_314 : i32 to index
      %parallel_loop3A_316 = tpu.vector_load %arg7[%parallel_loop3A_315] {strides = array<i32>} : memref<16384xf32, #tpu.memory_space<vmem>>, vector<16xf32>,
      %parallel_loop3A_317 = arith.mulf %gather3A_66, %parallel_loop3A_316 : vector<16xf32>
      %parallel_loop3A_318 = arith.addf %parallel_loop3A_310, %parallel_loop3A_317 : vector<16xf32>
      %parallel_loop3A_319 = arith.constant 16 : i32
      %parallel_loop3A_320 = arith.muli %parallel_loop3A_289, %parallel_loop3A_319 : i32
      %parallel_loop3A_321 = arith.constant 4096 : i32
      %parallel_loop3A_322 = arith.addi %parallel_loop3A_321, %parallel_loop3A_320 : i32
      %parallel_loop3A_323 = arith.index_cast %parallel_loop3A_322 : i32 to index
      %parallel_loop3A_324 = tpu.vector_load %arg7[%parallel_loop3A_323] {strides = array<i32>} : memref<16384xf32, #tpu.memory_space<vmem>>, vector<16xf32>,
      %parallel_loop3A_325 = arith.mulf %gather3A_69, %parallel_loop3A_324 : vector<16xf32>
      %parallel_loop3A_326 = arith.addf %parallel_loop3A_318, %parallel_loop3A_325 : vector<16xf32>
      %parallel_loop3A_327 = arith.constant 16 : i32
      %parallel_loop3A_328 = arith.muli %parallel_loop3A_289, %parallel_loop3A_327 : i32
      %parallel_loop3A_329 = arith.constant 5120 : i32
      %parallel_loop3A_330 = arith.addi %parallel_loop3A_329, %parallel_loop3A_328 : i32
      %parallel_loop3A_331 = arith.index_cast %parallel_loop3A_330 : i32 to index
      %parallel_loop3A_332 = tpu.vector_load %arg7[%parallel_loop3A_331] {strides = array<i32>} : memref<16384xf32, #tpu.memory_space<vmem>>, vector<16xf32>,
      %parallel_loop3A_333 = arith.mulf %gather3A_72, %parallel_loop3A_332 : vector<16xf32>
      %parallel_loop3A_334 = arith.addf %parallel_loop3A_326, %parallel_loop3A_333 : vector<16xf32>
      %parallel_loop3A_335 = arith.constant 16 : i32
      %parallel_loop3A_336 = arith.muli %parallel_loop3A_289, %parallel_loop3A_335 : i32
      %parallel_loop3A_337 = arith.constant 6144 : i32
      %parallel_loop3A_338 = arith.addi %parallel_loop3A_337, %parallel_loop3A_336 : i32
      %parallel_loop3A_339 = arith.index_cast %parallel_loop3A_338 : i32 to index
      %parallel_loop3A_340 = tpu.vector_load %arg7[%parallel_loop3A_339] {strides = array<i32>} : memref<16384xf32, #tpu.memory_space<vmem>>, vector<16xf32>,
      %parallel_loop3A_341 = arith.mulf %gather3A_75, %parallel_loop3A_340 : vector<16xf32>
      %parallel_loop3A_342 = arith.addf %parallel_loop3A_334, %parallel_loop3A_341 : vector<16xf32>
      %parallel_loop3A_343 = arith.constant 16 : i32
      %parallel_loop3A_344 = arith.muli %parallel_loop3A_289, %parallel_loop3A_343 : i32
      %parallel_loop3A_345 = arith.constant 7168 : i32
      %parallel_loop3A_346 = arith.addi %parallel_loop3A_345, %parallel_loop3A_344 : i32
      %parallel_loop3A_347 = arith.index_cast %parallel_loop3A_346 : i32 to index
      %parallel_loop3A_348 = tpu.vector_load %arg7[%parallel_loop3A_347] {strides = array<i32>} : memref<16384xf32, #tpu.memory_space<vmem>>, vector<16xf32>,
      %parallel_loop3A_349 = arith.mulf %gather3A_78, %parallel_loop3A_348 : vector<16xf32>
      %parallel_loop3A_350 = arith.addf %parallel_loop3A_342, %parallel_loop3A_349 : vector<16xf32>
      %parallel_loop3A_351 = arith.constant 16 : i32
      %parallel_loop3A_352 = arith.muli %parallel_loop3A_289, %parallel_loop3A_351 : i32
      %parallel_loop3A_353 = arith.constant 8192 : i32
      %parallel_loop3A_354 = arith.addi %parallel_loop3A_353, %parallel_loop3A_352 : i32
      %parallel_loop3A_355 = arith.index_cast %parallel_loop3A_354 : i32 to index
      %parallel_loop3A_356 = tpu.vector_load %arg7[%parallel_loop3A_355] {strides = array<i32>} : memref<16384xf32, #tpu.memory_space<vmem>>, vector<16xf32>,
      %parallel_loop3A_357 = arith.mulf %gather3A_81, %parallel_loop3A_356 : vector<16xf32>
      %parallel_loop3A_358 = arith.addf %parallel_loop3A_350, %parallel_loop3A_357 : vector<16xf32>
      %parallel_loop3A_359 = arith.constant 16 : i32
      %parallel_loop3A_360 = arith.muli %parallel_loop3A_289, %parallel_loop3A_359 : i32
      %parallel_loop3A_361 = arith.constant 9216 : i32
      %parallel_loop3A_362 = arith.addi %parallel_loop3A_361, %parallel_loop3A_360 : i32
      %parallel_loop3A_363 = arith.index_cast %parallel_loop3A_362 : i32 to index
      %parallel_loop3A_364 = tpu.vector_load %arg7[%parallel_loop3A_363] {strides = array<i32>} : memref<16384xf32, #tpu.memory_space<vmem>>, vector<16xf32>,
      %parallel_loop3A_365 = arith.mulf %gather3A_84, %parallel_loop3A_364 : vector<16xf32>
      %parallel_loop3A_366 = arith.addf %parallel_loop3A_358, %parallel_loop3A_365 : vector<16xf32>
      %parallel_loop3A_367 = arith.constant 16 : i32
      %parallel_loop3A_368 = arith.muli %parallel_loop3A_289, %parallel_loop3A_367 : i32
      %parallel_loop3A_369 = arith.constant 10240 : i32
      %parallel_loop3A_370 = arith.addi %parallel_loop3A_369, %parallel_loop3A_368 : i32
      %parallel_loop3A_371 = arith.index_cast %parallel_loop3A_370 : i32 to index
      %parallel_loop3A_372 = tpu.vector_load %arg7[%parallel_loop3A_371] {strides = array<i32>} : memref<16384xf32, #tpu.memory_space<vmem>>, vector<16xf32>,
      %parallel_loop3A_373 = arith.mulf %gather3A_87, %parallel_loop3A_372 : vector<16xf32>
      %parallel_loop3A_374 = arith.addf %parallel_loop3A_366, %parallel_loop3A_373 : vector<16xf32>
      %parallel_loop3A_375 = arith.constant 16 : i32
      %parallel_loop3A_376 = arith.muli %parallel_loop3A_289, %parallel_loop3A_375 : i32
      %parallel_loop3A_377 = arith.constant 11264 : i32
      %parallel_loop3A_378 = arith.addi %parallel_loop3A_377, %parallel_loop3A_376 : i32
      %parallel_loop3A_379 = arith.index_cast %parallel_loop3A_378 : i32 to index
      %parallel_loop3A_380 = tpu.vector_load %arg7[%parallel_loop3A_379] {strides = array<i32>} : memref<16384xf32, #tpu.memory_space<vmem>>, vector<16xf32>,
      %parallel_loop3A_381 = arith.mulf %gather3A_90, %parallel_loop3A_380 : vector<16xf32>
      %parallel_loop3A_382 = arith.addf %parallel_loop3A_374, %parallel_loop3A_381 : vector<16xf32>
      %parallel_loop3A_383 = arith.constant 16 : i32
      %parallel_loop3A_384 = arith.muli %parallel_loop3A_289, %parallel_loop3A_383 : i32
      %parallel_loop3A_385 = arith.constant 12288 : i32
      %parallel_loop3A_386 = arith.addi %parallel_loop3A_385, %parallel_loop3A_384 : i32
      %parallel_loop3A_387 = arith.index_cast %parallel_loop3A_386 : i32 to index
      %parallel_loop3A_388 = tpu.vector_load %arg7[%parallel_loop3A_387] {strides = array<i32>} : memref<16384xf32, #tpu.memory_space<vmem>>, vector<16xf32>,
      %parallel_loop3A_389 = arith.mulf %gather3A_93, %parallel_loop3A_388 : vector<16xf32>
      %parallel_loop3A_390 = arith.addf %parallel_loop3A_382, %parallel_loop3A_389 : vector<16xf32>
      %parallel_loop3A_391 = arith.constant 16 : i32
      %parallel_loop3A_392 = arith.muli %parallel_loop3A_289, %parallel_loop3A_391 : i32
      %parallel_loop3A_393 = arith.constant 13312 : i32
      %parallel_loop3A_394 = arith.addi %parallel_loop3A_393, %parallel_loop3A_392 : i32
      %parallel_loop3A_395 = arith.index_cast %parallel_loop3A_394 : i32 to index
      %parallel_loop3A_396 = tpu.vector_load %arg7[%parallel_loop3A_395] {strides = array<i32>} : memref<16384xf32, #tpu.memory_space<vmem>>, vector<16xf32>,
      %parallel_loop3A_397 = arith.mulf %gather3A_96, %parallel_loop3A_396 : vector<16xf32>
      %parallel_loop3A_398 = arith.addf %parallel_loop3A_390, %parallel_loop3A_397 : vector<16xf32>
      %parallel_loop3A_399 = arith.constant 16 : i32
      %parallel_loop3A_400 = arith.muli %parallel_loop3A_289, %parallel_loop3A_399 : i32
      %parallel_loop3A_401 = arith.constant 14336 : i32
      %parallel_loop3A_402 = arith.addi %parallel_loop3A_401, %parallel_loop3A_400 : i32
      %parallel_loop3A_403 = arith.index_cast %parallel_loop3A_402 : i32 to index
      %parallel_loop3A_404 = tpu.vector_load %arg7[%parallel_loop3A_403] {strides = array<i32>} : memref<16384xf32, #tpu.memory_space<vmem>>, vector<16xf32>,
      %parallel_loop3A_405 = arith.mulf %gather3A_99, %parallel_loop3A_404 : vector<16xf32>
      %parallel_loop3A_406 = arith.addf %parallel_loop3A_398, %parallel_loop3A_405 : vector<16xf32>
      %parallel_loop3A_407 = arith.constant 16 : i32
      %parallel_loop3A_408 = arith.muli %parallel_loop3A_289, %parallel_loop3A_407 : i32
      %parallel_loop3A_409 = arith.constant 15360 : i32
      %parallel_loop3A_410 = arith.addi %parallel_loop3A_409, %parallel_loop3A_408 : i32
      %parallel_loop3A_411 = arith.index_cast %parallel_loop3A_410 : i32 to index
      %parallel_loop3A_412 = tpu.vector_load %arg7[%parallel_loop3A_411] {strides = array<i32>} : memref<16384xf32, #tpu.memory_space<vmem>>, vector<16xf32>,
      %parallel_loop3A_413 = arith.mulf %gather3A_102, %parallel_loop3A_412 : vector<16xf32>
      %parallel_loop3A_414 = arith.addf %parallel_loop3A_406, %parallel_loop3A_413 : vector<16xf32>
      %parallel_loop3A_415 = arith.mulf %gather3A_51, %parallel_loop3A_414 : vector<16xf32>
      %parallel_loop3A_416 = arith.addf %gather3A_54, %parallel_loop3A_415 : vector<16xf32>
      %parallel_loop3A_417 = arith.constant 16 : i32
      %parallel_loop3A_418 = arith.muli %parallel_loop3A_289, %parallel_loop3A_417 : i32
      %parallel_loop3A_419 = arith.index_cast %parallel_loop3A_418 : i32 to index
      %parallel_loop3A_420 = tpu.vector_load %arg11[%parallel_loop3A_419] {strides = array<i32>} : memref<1040xf32, #tpu.memory_space<vmem>>, vector<16xf32>,
      tpu.vector_store %arg11[%parallel_loop3A_419], %parallel_loop3A_416 {strides = array<i32>} : memref<1040xf32, #tpu.memory_space<vmem>>, vector<16xf32>,
    } {sc.loop_unroll_factor = 2 : i64, sc.parallel_access}
    %broadcast_in_dim3A_105 = arith.constant 0.000000e+00 : f32
    %broadcast_in_dim3A_106 = vector.broadcast %broadcast_in_dim3A_105 : f32 to vector<16xf32>
    %swap3A_107 = arith.constant 1024 : index
    %swap3A_108 = tpu.vector_load %arg11[%swap3A_107] {strides = array<i32>} : memref<1040xf32, #tpu.memory_space<vmem>>, vector<16xf32>,
    tpu.vector_store %arg11[%swap3A_107], %broadcast_in_dim3A_106 {strides = array<i32>} : memref<1040xf32, #tpu.memory_space<vmem>>, vector<16xf32>,
    %parallel_loop3A_109 = arith.constant 0 : i32
    %parallel_loop3A_110 = arith.constant 64 : i32
    %parallel_loop3A_111 = arith.constant 1 : i32
    scf.for %parallel_loop3A_289 = %parallel_loop3A_109 to %parallel_loop3A_110 step %parallel_loop3A_111  : i32 {
      %parallel_loop3A_290 = tpu.iota {dimensions = array<i32: 0>} : vector<16xi32>
      %parallel_loop3A_291 = arith.constant 16 : i32
      %parallel_loop3A_292 = arith.muli %parallel_loop3A_289, %parallel_loop3A_291 : i32
      %parallel_loop3A_293 = arith.constant 1 : i32
      %parallel_loop3A_294 = arith.addi %parallel_loop3A_292, %parallel_loop3A_293 : i32
      %parallel_loop3A_295 = vector.broadcast %parallel_loop3A_294 : i32 to vector<16xi32>
      %parallel_loop3A_296 = arith.addi %parallel_loop3A_290, %parallel_loop3A_295 : vector<16xi32>
      %parallel_loop3A_297 = tpu.vector_load_idx %arg11[%parallel_loop3A_296] : memref<1040xf32, #tpu.memory_space<vmem>>[vector<16xi32>], vector<16xf32>,
      %parallel_loop3A_298 = arith.constant 16 : i32
      %parallel_loop3A_299 = arith.muli %parallel_loop3A_289, %parallel_loop3A_298 : i32
      %parallel_loop3A_300 = arith.index_cast %parallel_loop3A_299 : i32 to index
      %parallel_loop3A_301 = tpu.vector_load %arg12[%parallel_loop3A_300] {strides = array<i32>} : memref<1024xf32, #tpu.memory_space<vmem>>, vector<16xf32>,
      tpu.vector_store %arg12[%parallel_loop3A_300], %parallel_loop3A_297 {strides = array<i32>} : memref<1024xf32, #tpu.memory_space<vmem>>, vector<16xf32>,
    } {sc.loop_unroll_factor = 2 : i64, sc.parallel_access}
    %add3A_112 = arith.constant 0 : i32
    %add3A_113 = arith.addi %mul3A_2, %add3A_112 : i32
    %dma_wait3A = arith.constant 0 : i32
    %dma_wait3A_114 = tpu.memref_slice %arg5[%mul3A_2, %dma_wait3A] : memref<4096x1024xf32, #tpu.memory_space<hbm>> -> memref<16x1024xf32, #tpu.memory_space<hbm>>
    %dma_wait3A_115 = arith.constant 0 : i32
    %dma_wait3A_116 = tpu.memref_slice %arg5[%mul3A_2, %dma_wait3A_115] : memref<4096x1024xf32, #tpu.memory_space<hbm>> -> memref<16x1024xf32, #tpu.memory_space<hbm>>
    tpu.wait_dma2 semaphore(%arg17 : memref<!tpu.dma_semaphore, #tpu.memory_space<semaphore_mem>>) src(%dma_wait3A_116 : memref<16x1024xf32, #tpu.memory_space<hbm>>) dst(%arg13 : memref<16x1024xf32, #tpu.memory_space<vmem>>)
    %add3A_117 = arith.constant 16 : i32
    %add3A_118 = arith.addi %mul3A_2, %add3A_117 : i32
    %dma_start3A_119 = arith.constant 0 : i32
    %dma_start3A_120 = tpu.memref_slice %arg5[%add3A_118, %dma_start3A_119] : memref<4096x1024xf32, #tpu.memory_space<hbm>> -> memref<16x1024xf32, #tpu.memory_space<hbm>>
    %dma_start3A_121 = arith.constant 0 : i32
    %dma_start3A_122 = tpu.memref_slice %arg5[%add3A_118, %dma_start3A_121] : memref<4096x1024xf32, #tpu.memory_space<hbm>> -> memref<16x1024xf32, #tpu.memory_space<hbm>>
    tpu.enqueue_dma source(%dma_start3A_122 : memref<16x1024xf32, #tpu.memory_space<hbm>>) target(%arg14 : memref<16x1024xf32, #tpu.memory_space<vmem>>) target_semaphore(%arg18 : memref<!tpu.dma_semaphore, #tpu.memory_space<semaphore_mem>>)
    %parallel_loop3A_123 = arith.constant 0 : i32
    %parallel_loop3A_124 = arith.constant 1024 : i32
    %parallel_loop3A_125 = arith.constant 1 : i32
    scf.for %parallel_loop3A_289 = %parallel_loop3A_123 to %parallel_loop3A_124 step %parallel_loop3A_125  : i32 {
      %parallel_loop3A_290 = arith.constant 64 : i32
      %parallel_loop3A_291 = arith.divsi %parallel_loop3A_289, %parallel_loop3A_290 : i32
      %parallel_loop3A_292 = arith.constant 0 : i32
      %parallel_loop3A_293 = arith.cmpi sgt, %parallel_loop3A_289, %parallel_loop3A_292 : i32
      %parallel_loop3A_294 = arith.extui %parallel_loop3A_293 : i1 to i32
      %parallel_loop3A_295 = arith.constant 0 : i32
      %parallel_loop3A_296 = arith.cmpi slt, %parallel_loop3A_289, %parallel_loop3A_295 : i32
      %parallel_loop3A_297 = arith.extui %parallel_loop3A_296 : i1 to i32
      %parallel_loop3A_298 = arith.subi %parallel_loop3A_294, %parallel_loop3A_297 : i32
      %parallel_loop3A_299 = arith.constant 0 : i32
      %parallel_loop3A_300 = arith.cmpi sgt, %parallel_loop3A_290, %parallel_loop3A_299 : i32
      %parallel_loop3A_301 = arith.extui %parallel_loop3A_300 : i1 to i32
      %parallel_loop3A_302 = arith.constant 0 : i32
      %parallel_loop3A_303 = arith.cmpi slt, %parallel_loop3A_290, %parallel_loop3A_302 : i32
      %parallel_loop3A_304 = arith.extui %parallel_loop3A_303 : i1 to i32
      %parallel_loop3A_305 = arith.subi %parallel_loop3A_301, %parallel_loop3A_304 : i32
      %parallel_loop3A_306 = arith.cmpi ne, %parallel_loop3A_298, %parallel_loop3A_305 : i32
      %parallel_loop3A_307 = arith.remsi %parallel_loop3A_289, %parallel_loop3A_290 : i32
      %parallel_loop3A_308 = arith.constant 0 : i32
      %parallel_loop3A_309 = arith.cmpi ne, %parallel_loop3A_307, %parallel_loop3A_308 : i32
      %parallel_loop3A_310 = arith.andi %parallel_loop3A_306, %parallel_loop3A_309 : i1
      %parallel_loop3A_311 = arith.constant 1 : i32
      %parallel_loop3A_312 = arith.subi %parallel_loop3A_291, %parallel_loop3A_311 : i32
      %parallel_loop3A_313 = arith.select %parallel_loop3A_310, %parallel_loop3A_312, %parallel_loop3A_291 : i32
      %parallel_loop3A_314 = arith.constant 64 : i32
      %parallel_loop3A_315 = arith.constant 0 : i32
      %parallel_loop3A_316 = arith.cmpi eq, %parallel_loop3A_314, %parallel_loop3A_315 : i32
      %parallel_loop3A_317 = arith.constant 1 : i32
      %parallel_loop3A_318 = arith.select %parallel_loop3A_316, %parallel_loop3A_317, %parallel_loop3A_314 : i32
      %parallel_loop3A_319 = arith.remsi %parallel_loop3A_289, %parallel_loop3A_318 : i32
      %parallel_loop3A_320 = arith.constant 0 : i32
      %parallel_loop3A_321 = arith.cmpi ne, %parallel_loop3A_319, %parallel_loop3A_320 : i32
      %parallel_loop3A_322 = arith.constant 0 : i32
      %parallel_loop3A_323 = arith.cmpi slt, %parallel_loop3A_319, %parallel_loop3A_322 : i32
      %parallel_loop3A_324 = arith.constant 0 : i32
      %parallel_loop3A_325 = arith.cmpi slt, %parallel_loop3A_318, %parallel_loop3A_324 : i32
      %parallel_loop3A_326 = arith.xori %parallel_loop3A_323, %parallel_loop3A_325 : i1
      %parallel_loop3A_327 = arith.andi %parallel_loop3A_326, %parallel_loop3A_321 : i1
      %parallel_loop3A_328 = arith.addi %parallel_loop3A_319, %parallel_loop3A_318 : i32
      %parallel_loop3A_329 = arith.select %parallel_loop3A_327, %parallel_loop3A_328, %parallel_loop3A_319 : i32
      %parallel_loop3A_330 = arith.constant 16 : i32
      %parallel_loop3A_331 = arith.muli %parallel_loop3A_329, %parallel_loop3A_330 : i32
      %parallel_loop3A_332 = arith.index_cast %parallel_loop3A_313 : i32 to index
      %parallel_loop3A_333 = arith.index_cast %parallel_loop3A_331 : i32 to index
      %parallel_loop3A_334 = tpu.vector_load %arg13[%parallel_loop3A_332, %parallel_loop3A_333] {strides = array<i32>} : memref<16x1024xf32, #tpu.memory_space<vmem>>, vector<16xf32>,
      %parallel_loop3A_335 = arith.constant -8.000000e+00 : f32
      %parallel_loop3A_336 = vector.broadcast %parallel_loop3A_335 : f32 to vector<16xf32>
      %parallel_loop3A_337 = arith.maximumf %parallel_loop3A_334, %parallel_loop3A_336 : vector<16xf32>
      %parallel_loop3A_338 = arith.constant 8.000000e+00 : f32
      %parallel_loop3A_339 = vector.broadcast %parallel_loop3A_338 : f32 to vector<16xf32>
      %parallel_loop3A_340 = arith.minimumf %parallel_loop3A_337, %parallel_loop3A_339 : vector<16xf32>
      %parallel_loop3A_341 = arith.constant -8.000000e+00 : f32
      %parallel_loop3A_342 = vector.broadcast %parallel_loop3A_341 : f32 to vector<16xf32>
      %parallel_loop3A_343 = arith.subf %parallel_loop3A_340, %parallel_loop3A_342 : vector<16xf32>
      %parallel_loop3A_344 = arith.constant 6.243750e+01 : f32
      %parallel_loop3A_345 = vector.broadcast %parallel_loop3A_344 : f32 to vector<16xf32>
      %parallel_loop3A_346 = arith.mulf %parallel_loop3A_343, %parallel_loop3A_345 : vector<16xf32>
      %parallel_loop3A_347 = arith.fptosi %parallel_loop3A_346 : vector<16xf32> to vector<16xi32>
      %parallel_loop3A_348 = arith.sitofp %parallel_loop3A_347 : vector<16xi32> to vector<16xf32>
      %parallel_loop3A_349 = arith.subf %parallel_loop3A_346, %parallel_loop3A_348 : vector<16xf32>
      %parallel_loop3A_350 = tpu.vector_load_idx %arg11[%parallel_loop3A_347] : memref<1040xf32, #tpu.memory_space<vmem>>[vector<16xi32>], vector<16xf32>,
      %parallel_loop3A_351 = tpu.vector_load_idx %arg12[%parallel_loop3A_347] : memref<1024xf32, #tpu.memory_space<vmem>>[vector<16xi32>], vector<16xf32>,
      %parallel_loop3A_352 = arith.mulf %gather3A, %parallel_loop3A_340 : vector<16xf32>
      %parallel_loop3A_353 = arith.subf %parallel_loop3A_351, %parallel_loop3A_350 : vector<16xf32>
      %parallel_loop3A_354 = arith.mulf %parallel_loop3A_349, %parallel_loop3A_353 : vector<16xf32>
      %parallel_loop3A_355 = arith.addf %parallel_loop3A_350, %parallel_loop3A_354 : vector<16xf32>
      %parallel_loop3A_356 = arith.addf %parallel_loop3A_352, %parallel_loop3A_355 : vector<16xf32>
      %parallel_loop3A_357 = math.exp %parallel_loop3A_356 : vector<16xf32>
      %parallel_loop3A_358 = arith.constant 1.000000e+00 : f32
      %parallel_loop3A_359 = vector.broadcast %parallel_loop3A_358 : f32 to vector<16xf32>
      %parallel_loop3A_360 = arith.addf %parallel_loop3A_359, %parallel_loop3A_357 : vector<16xf32>
      %parallel_loop3A_361 = arith.constant 1.000000e+00 : f32
      %parallel_loop3A_362 = vector.broadcast %parallel_loop3A_361 : f32 to vector<16xf32>
      %parallel_loop3A_363 = arith.divf %parallel_loop3A_362, %parallel_loop3A_360 : vector<16xf32>
      %parallel_loop3A_364 = arith.index_cast %parallel_loop3A_313 : i32 to index
      %parallel_loop3A_365 = arith.index_cast %parallel_loop3A_331 : i32 to index
      %parallel_loop3A_366 = tpu.vector_load %arg15[%parallel_loop3A_364, %parallel_loop3A_365] {strides = array<i32>} : memref<16x1024xf32, #tpu.memory_space<vmem>>, vector<16xf32>,
      tpu.vector_store %arg15[%parallel_loop3A_364, %parallel_loop3A_365], %parallel_loop3A_363 {strides = array<i32>} : memref<16x1024xf32, #tpu.memory_space<vmem>>, vector<16xf32>,
    } {sc.loop_unroll_factor = 8 : i64, sc.parallel_access}
    %dma_start3A_126 = arith.constant 0 : i32
    %dma_start3A_127 = tpu.memref_slice %arg6[%add3A_113, %dma_start3A_126] : memref<4096x1024xf32, #tpu.memory_space<hbm>> -> memref<16x1024xf32, #tpu.memory_space<hbm>>
    %dma_start3A_128 = arith.constant 0 : i32
    %dma_start3A_129 = tpu.memref_slice %arg6[%add3A_113, %dma_start3A_128] : memref<4096x1024xf32, #tpu.memory_space<hbm>> -> memref<16x1024xf32, #tpu.memory_space<hbm>>
    tpu.enqueue_dma source(%arg15 : memref<16x1024xf32, #tpu.memory_space<vmem>>) target(%dma_start3A_129 : memref<16x1024xf32, #tpu.memory_space<hbm>>) target_semaphore(%arg19 : memref<!tpu.dma_semaphore, #tpu.memory_space<semaphore_mem>>)
    %add3A_130 = arith.constant 16 : i32
    %add3A_131 = arith.addi %mul3A_2, %add3A_130 : i32
    %dma_wait3A_132 = arith.constant 0 : i32
    %dma_wait3A_133 = tpu.memref_slice %arg5[%add3A_118, %dma_wait3A_132] : memref<4096x1024xf32, #tpu.memory_space<hbm>> -> memref<16x1024xf32, #tpu.memory_space<hbm>>
    %dma_wait3A_134 = arith.constant 0 : i32
    %dma_wait3A_135 = tpu.memref_slice %arg5[%add3A_118, %dma_wait3A_134] : memref<4096x1024xf32, #tpu.memory_space<hbm>> -> memref<16x1024xf32, #tpu.memory_space<hbm>>
    tpu.wait_dma2 semaphore(%arg18 : memref<!tpu.dma_semaphore, #tpu.memory_space<semaphore_mem>>) src(%dma_wait3A_135 : memref<16x1024xf32, #tpu.memory_space<hbm>>) dst(%arg14 : memref<16x1024xf32, #tpu.memory_space<vmem>>)
    %add3A_136 = arith.constant 32 : i32
    %add3A_137 = arith.addi %mul3A_2, %add3A_136 : i32
    %dma_start3A_138 = arith.constant 0 : i32
    %dma_start3A_139 = tpu.memref_slice %arg5[%add3A_137, %dma_start3A_138] : memref<4096x1024xf32, #tpu.memory_space<hbm>> -> memref<16x1024xf32, #tpu.memory_space<hbm>>
    %dma_start3A_140 = arith.constant 0 : i32
    %dma_start3A_141 = tpu.memref_slice %arg5[%add3A_137, %dma_start3A_140] : memref<4096x1024xf32, #tpu.memory_space<hbm>> -> memref<16x1024xf32, #tpu.memory_space<hbm>>
    tpu.enqueue_dma source(%dma_start3A_141 : memref<16x1024xf32, #tpu.memory_space<hbm>>) target(%arg13 : memref<16x1024xf32, #tpu.memory_space<vmem>>) target_semaphore(%arg17 : memref<!tpu.dma_semaphore, #tpu.memory_space<semaphore_mem>>)
    %parallel_loop3A_142 = arith.constant 0 : i32
    %parallel_loop3A_143 = arith.constant 1024 : i32
    %parallel_loop3A_144 = arith.constant 1 : i32
    scf.for %parallel_loop3A_289 = %parallel_loop3A_142 to %parallel_loop3A_143 step %parallel_loop3A_144  : i32 {
      %parallel_loop3A_290 = arith.constant 64 : i32
      %parallel_loop3A_291 = arith.divsi %parallel_loop3A_289, %parallel_loop3A_290 : i32
      %parallel_loop3A_292 = arith.constant 0 : i32
      %parallel_loop3A_293 = arith.cmpi sgt, %parallel_loop3A_289, %parallel_loop3A_292 : i32
      %parallel_loop3A_294 = arith.extui %parallel_loop3A_293 : i1 to i32
      %parallel_loop3A_295 = arith.constant 0 : i32
      %parallel_loop3A_296 = arith.cmpi slt, %parallel_loop3A_289, %parallel_loop3A_295 : i32
      %parallel_loop3A_297 = arith.extui %parallel_loop3A_296 : i1 to i32
      %parallel_loop3A_298 = arith.subi %parallel_loop3A_294, %parallel_loop3A_297 : i32
      %parallel_loop3A_299 = arith.constant 0 : i32
      %parallel_loop3A_300 = arith.cmpi sgt, %parallel_loop3A_290, %parallel_loop3A_299 : i32
      %parallel_loop3A_301 = arith.extui %parallel_loop3A_300 : i1 to i32
      %parallel_loop3A_302 = arith.constant 0 : i32
      %parallel_loop3A_303 = arith.cmpi slt, %parallel_loop3A_290, %parallel_loop3A_302 : i32
      %parallel_loop3A_304 = arith.extui %parallel_loop3A_303 : i1 to i32
      %parallel_loop3A_305 = arith.subi %parallel_loop3A_301, %parallel_loop3A_304 : i32
      %parallel_loop3A_306 = arith.cmpi ne, %parallel_loop3A_298, %parallel_loop3A_305 : i32
      %parallel_loop3A_307 = arith.remsi %parallel_loop3A_289, %parallel_loop3A_290 : i32
      %parallel_loop3A_308 = arith.constant 0 : i32
      %parallel_loop3A_309 = arith.cmpi ne, %parallel_loop3A_307, %parallel_loop3A_308 : i32
      %parallel_loop3A_310 = arith.andi %parallel_loop3A_306, %parallel_loop3A_309 : i1
      %parallel_loop3A_311 = arith.constant 1 : i32
      %parallel_loop3A_312 = arith.subi %parallel_loop3A_291, %parallel_loop3A_311 : i32
      %parallel_loop3A_313 = arith.select %parallel_loop3A_310, %parallel_loop3A_312, %parallel_loop3A_291 : i32
      %parallel_loop3A_314 = arith.constant 64 : i32
      %parallel_loop3A_315 = arith.constant 0 : i32
      %parallel_loop3A_316 = arith.cmpi eq, %parallel_loop3A_314, %parallel_loop3A_315 : i32
      %parallel_loop3A_317 = arith.constant 1 : i32
      %parallel_loop3A_318 = arith.select %parallel_loop3A_316, %parallel_loop3A_317, %parallel_loop3A_314 : i32
      %parallel_loop3A_319 = arith.remsi %parallel_loop3A_289, %parallel_loop3A_318 : i32
      %parallel_loop3A_320 = arith.constant 0 : i32
      %parallel_loop3A_321 = arith.cmpi ne, %parallel_loop3A_319, %parallel_loop3A_320 : i32
      %parallel_loop3A_322 = arith.constant 0 : i32
      %parallel_loop3A_323 = arith.cmpi slt, %parallel_loop3A_319, %parallel_loop3A_322 : i32
      %parallel_loop3A_324 = arith.constant 0 : i32
      %parallel_loop3A_325 = arith.cmpi slt, %parallel_loop3A_318, %parallel_loop3A_324 : i32
      %parallel_loop3A_326 = arith.xori %parallel_loop3A_323, %parallel_loop3A_325 : i1
      %parallel_loop3A_327 = arith.andi %parallel_loop3A_326, %parallel_loop3A_321 : i1
      %parallel_loop3A_328 = arith.addi %parallel_loop3A_319, %parallel_loop3A_318 : i32
      %parallel_loop3A_329 = arith.select %parallel_loop3A_327, %parallel_loop3A_328, %parallel_loop3A_319 : i32
      %parallel_loop3A_330 = arith.constant 16 : i32
      %parallel_loop3A_331 = arith.muli %parallel_loop3A_329, %parallel_loop3A_330 : i32
      %parallel_loop3A_332 = arith.index_cast %parallel_loop3A_313 : i32 to index
      %parallel_loop3A_333 = arith.index_cast %parallel_loop3A_331 : i32 to index
      %parallel_loop3A_334 = tpu.vector_load %arg14[%parallel_loop3A_332, %parallel_loop3A_333] {strides = array<i32>} : memref<16x1024xf32, #tpu.memory_space<vmem>>, vector<16xf32>,
      %parallel_loop3A_335 = arith.constant -8.000000e+00 : f32
      %parallel_loop3A_336 = vector.broadcast %parallel_loop3A_335 : f32 to vector<16xf32>
      %parallel_loop3A_337 = arith.maximumf %parallel_loop3A_334, %parallel_loop3A_336 : vector<16xf32>
      %parallel_loop3A_338 = arith.constant 8.000000e+00 : f32
      %parallel_loop3A_339 = vector.broadcast %parallel_loop3A_338 : f32 to vector<16xf32>
      %parallel_loop3A_340 = arith.minimumf %parallel_loop3A_337, %parallel_loop3A_339 : vector<16xf32>
      %parallel_loop3A_341 = arith.constant -8.000000e+00 : f32
      %parallel_loop3A_342 = vector.broadcast %parallel_loop3A_341 : f32 to vector<16xf32>
      %parallel_loop3A_343 = arith.subf %parallel_loop3A_340, %parallel_loop3A_342 : vector<16xf32>
      %parallel_loop3A_344 = arith.constant 6.243750e+01 : f32
      %parallel_loop3A_345 = vector.broadcast %parallel_loop3A_344 : f32 to vector<16xf32>
      %parallel_loop3A_346 = arith.mulf %parallel_loop3A_343, %parallel_loop3A_345 : vector<16xf32>
      %parallel_loop3A_347 = arith.fptosi %parallel_loop3A_346 : vector<16xf32> to vector<16xi32>
      %parallel_loop3A_348 = arith.sitofp %parallel_loop3A_347 : vector<16xi32> to vector<16xf32>
      %parallel_loop3A_349 = arith.subf %parallel_loop3A_346, %parallel_loop3A_348 : vector<16xf32>
      %parallel_loop3A_350 = tpu.vector_load_idx %arg11[%parallel_loop3A_347] : memref<1040xf32, #tpu.memory_space<vmem>>[vector<16xi32>], vector<16xf32>,
      %parallel_loop3A_351 = tpu.vector_load_idx %arg12[%parallel_loop3A_347] : memref<1024xf32, #tpu.memory_space<vmem>>[vector<16xi32>], vector<16xf32>,
      %parallel_loop3A_352 = arith.mulf %gather3A, %parallel_loop3A_340 : vector<16xf32>
      %parallel_loop3A_353 = arith.subf %parallel_loop3A_351, %parallel_loop3A_350 : vector<16xf32>
      %parallel_loop3A_354 = arith.mulf %parallel_loop3A_349, %parallel_loop3A_353 : vector<16xf32>
      %parallel_loop3A_355 = arith.addf %parallel_loop3A_350, %parallel_loop3A_354 : vector<16xf32>
      %parallel_loop3A_356 = arith.addf %parallel_loop3A_352, %parallel_loop3A_355 : vector<16xf32>
      %parallel_loop3A_357 = math.exp %parallel_loop3A_356 : vector<16xf32>
      %parallel_loop3A_358 = arith.constant 1.000000e+00 : f32
      %parallel_loop3A_359 = vector.broadcast %parallel_loop3A_358 : f32 to vector<16xf32>
      %parallel_loop3A_360 = arith.addf %parallel_loop3A_359, %parallel_loop3A_357 : vector<16xf32>
      %parallel_loop3A_361 = arith.constant 1.000000e+00 : f32
      %parallel_loop3A_362 = vector.broadcast %parallel_loop3A_361 : f32 to vector<16xf32>
      %parallel_loop3A_363 = arith.divf %parallel_loop3A_362, %parallel_loop3A_360 : vector<16xf32>
      %parallel_loop3A_364 = arith.index_cast %parallel_loop3A_313 : i32 to index
      %parallel_loop3A_365 = arith.index_cast %parallel_loop3A_331 : i32 to index
      %parallel_loop3A_366 = tpu.vector_load %arg16[%parallel_loop3A_364, %parallel_loop3A_365] {strides = array<i32>} : memref<16x1024xf32, #tpu.memory_space<vmem>>, vector<16xf32>,
      tpu.vector_store %arg16[%parallel_loop3A_364, %parallel_loop3A_365], %parallel_loop3A_363 {strides = array<i32>} : memref<16x1024xf32, #tpu.memory_space<vmem>>, vector<16xf32>,
    } {sc.loop_unroll_factor = 8 : i64, sc.parallel_access}
    %dma_start3A_145 = arith.constant 0 : i32
    %dma_start3A_146 = tpu.memref_slice %arg6[%add3A_131, %dma_start3A_145] : memref<4096x1024xf32, #tpu.memory_space<hbm>> -> memref<16x1024xf32, #tpu.memory_space<hbm>>
    %dma_start3A_147 = arith.constant 0 : i32
    %dma_start3A_148 = tpu.memref_slice %arg6[%add3A_131, %dma_start3A_147] : memref<4096x1024xf32, #tpu.memory_space<hbm>> -> memref<16x1024xf32, #tpu.memory_space<hbm>>
    tpu.enqueue_dma source(%arg16 : memref<16x1024xf32, #tpu.memory_space<vmem>>) target(%dma_start3A_148 : memref<16x1024xf32, #tpu.memory_space<hbm>>) target_semaphore(%arg20 : memref<!tpu.dma_semaphore, #tpu.memory_space<semaphore_mem>>)
    %add3A_149 = arith.constant 32 : i32
    %add3A_150 = arith.addi %mul3A_2, %add3A_149 : i32
    %dma_wait3A_151 = arith.constant 0 : i32
    %dma_wait3A_152 = tpu.memref_slice %arg5[%add3A_137, %dma_wait3A_151] : memref<4096x1024xf32, #tpu.memory_space<hbm>> -> memref<16x1024xf32, #tpu.memory_space<hbm>>
    %dma_wait3A_153 = arith.constant 0 : i32
    %dma_wait3A_154 = tpu.memref_slice %arg5[%add3A_137, %dma_wait3A_153] : memref<4096x1024xf32, #tpu.memory_space<hbm>> -> memref<16x1024xf32, #tpu.memory_space<hbm>>
    tpu.wait_dma2 semaphore(%arg17 : memref<!tpu.dma_semaphore, #tpu.memory_space<semaphore_mem>>) src(%dma_wait3A_154 : memref<16x1024xf32, #tpu.memory_space<hbm>>) dst(%arg13 : memref<16x1024xf32, #tpu.memory_space<vmem>>)
    %add3A_155 = arith.constant 48 : i32
    %add3A_156 = arith.addi %mul3A_2, %add3A_155 : i32
    %dma_start3A_157 = arith.constant 0 : i32
    %dma_start3A_158 = tpu.memref_slice %arg5[%add3A_156, %dma_start3A_157] : memref<4096x1024xf32, #tpu.memory_space<hbm>> -> memref<16x1024xf32, #tpu.memory_space<hbm>>
    %dma_start3A_159 = arith.constant 0 : i32
    %dma_start3A_160 = tpu.memref_slice %arg5[%add3A_156, %dma_start3A_159] : memref<4096x1024xf32, #tpu.memory_space<hbm>> -> memref<16x1024xf32, #tpu.memory_space<hbm>>
    tpu.enqueue_dma source(%dma_start3A_160 : memref<16x1024xf32, #tpu.memory_space<hbm>>) target(%arg14 : memref<16x1024xf32, #tpu.memory_space<vmem>>) target_semaphore(%arg18 : memref<!tpu.dma_semaphore, #tpu.memory_space<semaphore_mem>>)
    %dma_wait3A_161 = arith.constant 0 : i32
    %dma_wait3A_162 = tpu.memref_slice %arg6[%add3A_113, %dma_wait3A_161] : memref<4096x1024xf32, #tpu.memory_space<hbm>> -> memref<16x1024xf32, #tpu.memory_space<hbm>>
    %dma_wait3A_163 = arith.constant 0 : i32
    %dma_wait3A_164 = tpu.memref_slice %arg6[%add3A_113, %dma_wait3A_163] : memref<4096x1024xf32, #tpu.memory_space<hbm>> -> memref<16x1024xf32, #tpu.memory_space<hbm>>
    tpu.wait_dma2 semaphore(%arg19 : memref<!tpu.dma_semaphore, #tpu.memory_space<semaphore_mem>>) src(%arg15 : memref<16x1024xf32, #tpu.memory_space<vmem>>) dst(%dma_wait3A_164 : memref<16x1024xf32, #tpu.memory_space<hbm>>)
    %parallel_loop3A_165 = arith.constant 0 : i32
    %parallel_loop3A_166 = arith.constant 1024 : i32
    %parallel_loop3A_167 = arith.constant 1 : i32
    scf.for %parallel_loop3A_289 = %parallel_loop3A_165 to %parallel_loop3A_166 step %parallel_loop3A_167  : i32 {
      %parallel_loop3A_290 = arith.constant 64 : i32
      %parallel_loop3A_291 = arith.divsi %parallel_loop3A_289, %parallel_loop3A_290 : i32
      %parallel_loop3A_292 = arith.constant 0 : i32
      %parallel_loop3A_293 = arith.cmpi sgt, %parallel_loop3A_289, %parallel_loop3A_292 : i32
      %parallel_loop3A_294 = arith.extui %parallel_loop3A_293 : i1 to i32
      %parallel_loop3A_295 = arith.constant 0 : i32
      %parallel_loop3A_296 = arith.cmpi slt, %parallel_loop3A_289, %parallel_loop3A_295 : i32
      %parallel_loop3A_297 = arith.extui %parallel_loop3A_296 : i1 to i32
      %parallel_loop3A_298 = arith.subi %parallel_loop3A_294, %parallel_loop3A_297 : i32
      %parallel_loop3A_299 = arith.constant 0 : i32
      %parallel_loop3A_300 = arith.cmpi sgt, %parallel_loop3A_290, %parallel_loop3A_299 : i32
      %parallel_loop3A_301 = arith.extui %parallel_loop3A_300 : i1 to i32
      %parallel_loop3A_302 = arith.constant 0 : i32
      %parallel_loop3A_303 = arith.cmpi slt, %parallel_loop3A_290, %parallel_loop3A_302 : i32
      %parallel_loop3A_304 = arith.extui %parallel_loop3A_303 : i1 to i32
      %parallel_loop3A_305 = arith.subi %parallel_loop3A_301, %parallel_loop3A_304 : i32
      %parallel_loop3A_306 = arith.cmpi ne, %parallel_loop3A_298, %parallel_loop3A_305 : i32
      %parallel_loop3A_307 = arith.remsi %parallel_loop3A_289, %parallel_loop3A_290 : i32
      %parallel_loop3A_308 = arith.constant 0 : i32
      %parallel_loop3A_309 = arith.cmpi ne, %parallel_loop3A_307, %parallel_loop3A_308 : i32
      %parallel_loop3A_310 = arith.andi %parallel_loop3A_306, %parallel_loop3A_309 : i1
      %parallel_loop3A_311 = arith.constant 1 : i32
      %parallel_loop3A_312 = arith.subi %parallel_loop3A_291, %parallel_loop3A_311 : i32
      %parallel_loop3A_313 = arith.select %parallel_loop3A_310, %parallel_loop3A_312, %parallel_loop3A_291 : i32
      %parallel_loop3A_314 = arith.constant 64 : i32
      %parallel_loop3A_315 = arith.constant 0 : i32
      %parallel_loop3A_316 = arith.cmpi eq, %parallel_loop3A_314, %parallel_loop3A_315 : i32
      %parallel_loop3A_317 = arith.constant 1 : i32
      %parallel_loop3A_318 = arith.select %parallel_loop3A_316, %parallel_loop3A_317, %parallel_loop3A_314 : i32
      %parallel_loop3A_319 = arith.remsi %parallel_loop3A_289, %parallel_loop3A_318 : i32
      %parallel_loop3A_320 = arith.constant 0 : i32
      %parallel_loop3A_321 = arith.cmpi ne, %parallel_loop3A_319, %parallel_loop3A_320 : i32
      %parallel_loop3A_322 = arith.constant 0 : i32
      %parallel_loop3A_323 = arith.cmpi slt, %parallel_loop3A_319, %parallel_loop3A_322 : i32
      %parallel_loop3A_324 = arith.constant 0 : i32
      %parallel_loop3A_325 = arith.cmpi slt, %parallel_loop3A_318, %parallel_loop3A_324 : i32
      %parallel_loop3A_326 = arith.xori %parallel_loop3A_323, %parallel_loop3A_325 : i1
      %parallel_loop3A_327 = arith.andi %parallel_loop3A_326, %parallel_loop3A_321 : i1
      %parallel_loop3A_328 = arith.addi %parallel_loop3A_319, %parallel_loop3A_318 : i32
      %parallel_loop3A_329 = arith.select %parallel_loop3A_327, %parallel_loop3A_328, %parallel_loop3A_319 : i32
      %parallel_loop3A_330 = arith.constant 16 : i32
      %parallel_loop3A_331 = arith.muli %parallel_loop3A_329, %parallel_loop3A_330 : i32
      %parallel_loop3A_332 = arith.index_cast %parallel_loop3A_313 : i32 to index
      %parallel_loop3A_333 = arith.index_cast %parallel_loop3A_331 : i32 to index
      %parallel_loop3A_334 = tpu.vector_load %arg13[%parallel_loop3A_332, %parallel_loop3A_333] {strides = array<i32>} : memref<16x1024xf32, #tpu.memory_space<vmem>>, vector<16xf32>,
      %parallel_loop3A_335 = arith.constant -8.000000e+00 : f32
      %parallel_loop3A_336 = vector.broadcast %parallel_loop3A_335 : f32 to vector<16xf32>
      %parallel_loop3A_337 = arith.maximumf %parallel_loop3A_334, %parallel_loop3A_336 : vector<16xf32>
      %parallel_loop3A_338 = arith.constant 8.000000e+00 : f32
      %parallel_loop3A_339 = vector.broadcast %parallel_loop3A_338 : f32 to vector<16xf32>
      %parallel_loop3A_340 = arith.minimumf %parallel_loop3A_337, %parallel_loop3A_339 : vector<16xf32>
      %parallel_loop3A_341 = arith.constant -8.000000e+00 : f32
      %parallel_loop3A_342 = vector.broadcast %parallel_loop3A_341 : f32 to vector<16xf32>
      %parallel_loop3A_343 = arith.subf %parallel_loop3A_340, %parallel_loop3A_342 : vector<16xf32>
      %parallel_loop3A_344 = arith.constant 6.243750e+01 : f32
      %parallel_loop3A_345 = vector.broadcast %parallel_loop3A_344 : f32 to vector<16xf32>
      %parallel_loop3A_346 = arith.mulf %parallel_loop3A_343, %parallel_loop3A_345 : vector<16xf32>
      %parallel_loop3A_347 = arith.fptosi %parallel_loop3A_346 : vector<16xf32> to vector<16xi32>
      %parallel_loop3A_348 = arith.sitofp %parallel_loop3A_347 : vector<16xi32> to vector<16xf32>
      %parallel_loop3A_349 = arith.subf %parallel_loop3A_346, %parallel_loop3A_348 : vector<16xf32>
      %parallel_loop3A_350 = tpu.vector_load_idx %arg11[%parallel_loop3A_347] : memref<1040xf32, #tpu.memory_space<vmem>>[vector<16xi32>], vector<16xf32>,
      %parallel_loop3A_351 = tpu.vector_load_idx %arg12[%parallel_loop3A_347] : memref<1024xf32, #tpu.memory_space<vmem>>[vector<16xi32>], vector<16xf32>,
      %parallel_loop3A_352 = arith.mulf %gather3A, %parallel_loop3A_340 : vector<16xf32>
      %parallel_loop3A_353 = arith.subf %parallel_loop3A_351, %parallel_loop3A_350 : vector<16xf32>
      %parallel_loop3A_354 = arith.mulf %parallel_loop3A_349, %parallel_loop3A_353 : vector<16xf32>
      %parallel_loop3A_355 = arith.addf %parallel_loop3A_350, %parallel_loop3A_354 : vector<16xf32>
      %parallel_loop3A_356 = arith.addf %parallel_loop3A_352, %parallel_loop3A_355 : vector<16xf32>
      %parallel_loop3A_357 = math.exp %parallel_loop3A_356 : vector<16xf32>
      %parallel_loop3A_358 = arith.constant 1.000000e+00 : f32
      %parallel_loop3A_359 = vector.broadcast %parallel_loop3A_358 : f32 to vector<16xf32>
      %parallel_loop3A_360 = arith.addf %parallel_loop3A_359, %parallel_loop3A_357 : vector<16xf32>
      %parallel_loop3A_361 = arith.constant 1.000000e+00 : f32
      %parallel_loop3A_362 = vector.broadcast %parallel_loop3A_361 : f32 to vector<16xf32>
      %parallel_loop3A_363 = arith.divf %parallel_loop3A_362, %parallel_loop3A_360 : vector<16xf32>
      %parallel_loop3A_364 = arith.index_cast %parallel_loop3A_313 : i32 to index
      %parallel_loop3A_365 = arith.index_cast %parallel_loop3A_331 : i32 to index
      %parallel_loop3A_366 = tpu.vector_load %arg15[%parallel_loop3A_364, %parallel_loop3A_365] {strides = array<i32>} : memref<16x1024xf32, #tpu.memory_space<vmem>>, vector<16xf32>,
      tpu.vector_store %arg15[%parallel_loop3A_364, %parallel_loop3A_365], %parallel_loop3A_363 {strides = array<i32>} : memref<16x1024xf32, #tpu.memory_space<vmem>>, vector<16xf32>,
    } {sc.loop_unroll_factor = 8 : i64, sc.parallel_access}
    %dma_start3A_168 = arith.constant 0 : i32
    %dma_start3A_169 = tpu.memref_slice %arg6[%add3A_150, %dma_start3A_168] : memref<4096x1024xf32, #tpu.memory_space<hbm>> -> memref<16x1024xf32, #tpu.memory_space<hbm>>
    %dma_start3A_170 = arith.constant 0 : i32
    %dma_start3A_171 = tpu.memref_slice %arg6[%add3A_150, %dma_start3A_170] : memref<4096x1024xf32, #tpu.memory_space<hbm>> -> memref<16x1024xf32, #tpu.memory_space<hbm>>
    tpu.enqueue_dma source(%arg15 : memref<16x1024xf32, #tpu.memory_space<vmem>>) target(%dma_start3A_171 : memref<16x1024xf32, #tpu.memory_space<hbm>>) target_semaphore(%arg19 : memref<!tpu.dma_semaphore, #tpu.memory_space<semaphore_mem>>)
    %add3A_172 = arith.constant 48 : i32
    %add3A_173 = arith.addi %mul3A_2, %add3A_172 : i32
    %dma_wait3A_174 = arith.constant 0 : i32
    %dma_wait3A_175 = tpu.memref_slice %arg5[%add3A_156, %dma_wait3A_174] : memref<4096x1024xf32, #tpu.memory_space<hbm>> -> memref<16x1024xf32, #tpu.memory_space<hbm>>
    %dma_wait3A_176 = arith.constant 0 : i32
    %dma_wait3A_177 = tpu.memref_slice %arg5[%add3A_156, %dma_wait3A_176] : memref<4096x1024xf32, #tpu.memory_space<hbm>> -> memref<16x1024xf32, #tpu.memory_space<hbm>>
    tpu.wait_dma2 semaphore(%arg18 : memref<!tpu.dma_semaphore, #tpu.memory_space<semaphore_mem>>) src(%dma_wait3A_177 : memref<16x1024xf32, #tpu.memory_space<hbm>>) dst(%arg14 : memref<16x1024xf32, #tpu.memory_space<vmem>>)
    %add3A_178 = arith.constant 64 : i32
    %add3A_179 = arith.addi %mul3A_2, %add3A_178 : i32
    %dma_start3A_180 = arith.constant 0 : i32
    %dma_start3A_181 = tpu.memref_slice %arg5[%add3A_179, %dma_start3A_180] : memref<4096x1024xf32, #tpu.memory_space<hbm>> -> memref<16x1024xf32, #tpu.memory_space<hbm>>
    %dma_start3A_182 = arith.constant 0 : i32
    %dma_start3A_183 = tpu.memref_slice %arg5[%add3A_179, %dma_start3A_182] : memref<4096x1024xf32, #tpu.memory_space<hbm>> -> memref<16x1024xf32, #tpu.memory_space<hbm>>
    tpu.enqueue_dma source(%dma_start3A_183 : memref<16x1024xf32, #tpu.memory_space<hbm>>) target(%arg13 : memref<16x1024xf32, #tpu.memory_space<vmem>>) target_semaphore(%arg17 : memref<!tpu.dma_semaphore, #tpu.memory_space<semaphore_mem>>)
    %dma_wait3A_184 = arith.constant 0 : i32
    %dma_wait3A_185 = tpu.memref_slice %arg6[%add3A_131, %dma_wait3A_184] : memref<4096x1024xf32, #tpu.memory_space<hbm>> -> memref<16x1024xf32, #tpu.memory_space<hbm>>
    %dma_wait3A_186 = arith.constant 0 : i32
    %dma_wait3A_187 = tpu.memref_slice %arg6[%add3A_131, %dma_wait3A_186] : memref<4096x1024xf32, #tpu.memory_space<hbm>> -> memref<16x1024xf32, #tpu.memory_space<hbm>>
    tpu.wait_dma2 semaphore(%arg20 : memref<!tpu.dma_semaphore, #tpu.memory_space<semaphore_mem>>) src(%arg16 : memref<16x1024xf32, #tpu.memory_space<vmem>>) dst(%dma_wait3A_187 : memref<16x1024xf32, #tpu.memory_space<hbm>>)
    %parallel_loop3A_188 = arith.constant 0 : i32
    %parallel_loop3A_189 = arith.constant 1024 : i32
    %parallel_loop3A_190 = arith.constant 1 : i32
    scf.for %parallel_loop3A_289 = %parallel_loop3A_188 to %parallel_loop3A_189 step %parallel_loop3A_190  : i32 {
      %parallel_loop3A_290 = arith.constant 64 : i32
      %parallel_loop3A_291 = arith.divsi %parallel_loop3A_289, %parallel_loop3A_290 : i32
      %parallel_loop3A_292 = arith.constant 0 : i32
      %parallel_loop3A_293 = arith.cmpi sgt, %parallel_loop3A_289, %parallel_loop3A_292 : i32
      %parallel_loop3A_294 = arith.extui %parallel_loop3A_293 : i1 to i32
      %parallel_loop3A_295 = arith.constant 0 : i32
      %parallel_loop3A_296 = arith.cmpi slt, %parallel_loop3A_289, %parallel_loop3A_295 : i32
      %parallel_loop3A_297 = arith.extui %parallel_loop3A_296 : i1 to i32
      %parallel_loop3A_298 = arith.subi %parallel_loop3A_294, %parallel_loop3A_297 : i32
      %parallel_loop3A_299 = arith.constant 0 : i32
      %parallel_loop3A_300 = arith.cmpi sgt, %parallel_loop3A_290, %parallel_loop3A_299 : i32
      %parallel_loop3A_301 = arith.extui %parallel_loop3A_300 : i1 to i32
      %parallel_loop3A_302 = arith.constant 0 : i32
      %parallel_loop3A_303 = arith.cmpi slt, %parallel_loop3A_290, %parallel_loop3A_302 : i32
      %parallel_loop3A_304 = arith.extui %parallel_loop3A_303 : i1 to i32
      %parallel_loop3A_305 = arith.subi %parallel_loop3A_301, %parallel_loop3A_304 : i32
      %parallel_loop3A_306 = arith.cmpi ne, %parallel_loop3A_298, %parallel_loop3A_305 : i32
      %parallel_loop3A_307 = arith.remsi %parallel_loop3A_289, %parallel_loop3A_290 : i32
      %parallel_loop3A_308 = arith.constant 0 : i32
      %parallel_loop3A_309 = arith.cmpi ne, %parallel_loop3A_307, %parallel_loop3A_308 : i32
      %parallel_loop3A_310 = arith.andi %parallel_loop3A_306, %parallel_loop3A_309 : i1
      %parallel_loop3A_311 = arith.constant 1 : i32
      %parallel_loop3A_312 = arith.subi %parallel_loop3A_291, %parallel_loop3A_311 : i32
      %parallel_loop3A_313 = arith.select %parallel_loop3A_310, %parallel_loop3A_312, %parallel_loop3A_291 : i32
      %parallel_loop3A_314 = arith.constant 64 : i32
      %parallel_loop3A_315 = arith.constant 0 : i32
      %parallel_loop3A_316 = arith.cmpi eq, %parallel_loop3A_314, %parallel_loop3A_315 : i32
      %parallel_loop3A_317 = arith.constant 1 : i32
      %parallel_loop3A_318 = arith.select %parallel_loop3A_316, %parallel_loop3A_317, %parallel_loop3A_314 : i32
      %parallel_loop3A_319 = arith.remsi %parallel_loop3A_289, %parallel_loop3A_318 : i32
      %parallel_loop3A_320 = arith.constant 0 : i32
      %parallel_loop3A_321 = arith.cmpi ne, %parallel_loop3A_319, %parallel_loop3A_320 : i32
      %parallel_loop3A_322 = arith.constant 0 : i32
      %parallel_loop3A_323 = arith.cmpi slt, %parallel_loop3A_319, %parallel_loop3A_322 : i32
      %parallel_loop3A_324 = arith.constant 0 : i32
      %parallel_loop3A_325 = arith.cmpi slt, %parallel_loop3A_318, %parallel_loop3A_324 : i32
      %parallel_loop3A_326 = arith.xori %parallel_loop3A_323, %parallel_loop3A_325 : i1
      %parallel_loop3A_327 = arith.andi %parallel_loop3A_326, %parallel_loop3A_321 : i1
      %parallel_loop3A_328 = arith.addi %parallel_loop3A_319, %parallel_loop3A_318 : i32
      %parallel_loop3A_329 = arith.select %parallel_loop3A_327, %parallel_loop3A_328, %parallel_loop3A_319 : i32
      %parallel_loop3A_330 = arith.constant 16 : i32
      %parallel_loop3A_331 = arith.muli %parallel_loop3A_329, %parallel_loop3A_330 : i32
      %parallel_loop3A_332 = arith.index_cast %parallel_loop3A_313 : i32 to index
      %parallel_loop3A_333 = arith.index_cast %parallel_loop3A_331 : i32 to index
      %parallel_loop3A_334 = tpu.vector_load %arg14[%parallel_loop3A_332, %parallel_loop3A_333] {strides = array<i32>} : memref<16x1024xf32, #tpu.memory_space<vmem>>, vector<16xf32>,
      %parallel_loop3A_335 = arith.constant -8.000000e+00 : f32
      %parallel_loop3A_336 = vector.broadcast %parallel_loop3A_335 : f32 to vector<16xf32>
      %parallel_loop3A_337 = arith.maximumf %parallel_loop3A_334, %parallel_loop3A_336 : vector<16xf32>
      %parallel_loop3A_338 = arith.constant 8.000000e+00 : f32
      %parallel_loop3A_339 = vector.broadcast %parallel_loop3A_338 : f32 to vector<16xf32>
      %parallel_loop3A_340 = arith.minimumf %parallel_loop3A_337, %parallel_loop3A_339 : vector<16xf32>
      %parallel_loop3A_341 = arith.constant -8.000000e+00 : f32
      %parallel_loop3A_342 = vector.broadcast %parallel_loop3A_341 : f32 to vector<16xf32>
      %parallel_loop3A_343 = arith.subf %parallel_loop3A_340, %parallel_loop3A_342 : vector<16xf32>
      %parallel_loop3A_344 = arith.constant 6.243750e+01 : f32
      %parallel_loop3A_345 = vector.broadcast %parallel_loop3A_344 : f32 to vector<16xf32>
      %parallel_loop3A_346 = arith.mulf %parallel_loop3A_343, %parallel_loop3A_345 : vector<16xf32>
      %parallel_loop3A_347 = arith.fptosi %parallel_loop3A_346 : vector<16xf32> to vector<16xi32>
      %parallel_loop3A_348 = arith.sitofp %parallel_loop3A_347 : vector<16xi32> to vector<16xf32>
      %parallel_loop3A_349 = arith.subf %parallel_loop3A_346, %parallel_loop3A_348 : vector<16xf32>
      %parallel_loop3A_350 = tpu.vector_load_idx %arg11[%parallel_loop3A_347] : memref<1040xf32, #tpu.memory_space<vmem>>[vector<16xi32>], vector<16xf32>,
      %parallel_loop3A_351 = tpu.vector_load_idx %arg12[%parallel_loop3A_347] : memref<1024xf32, #tpu.memory_space<vmem>>[vector<16xi32>], vector<16xf32>,
      %parallel_loop3A_352 = arith.mulf %gather3A, %parallel_loop3A_340 : vector<16xf32>
      %parallel_loop3A_353 = arith.subf %parallel_loop3A_351, %parallel_loop3A_350 : vector<16xf32>
      %parallel_loop3A_354 = arith.mulf %parallel_loop3A_349, %parallel_loop3A_353 : vector<16xf32>
      %parallel_loop3A_355 = arith.addf %parallel_loop3A_350, %parallel_loop3A_354 : vector<16xf32>
      %parallel_loop3A_356 = arith.addf %parallel_loop3A_352, %parallel_loop3A_355 : vector<16xf32>
      %parallel_loop3A_357 = math.exp %parallel_loop3A_356 : vector<16xf32>
      %parallel_loop3A_358 = arith.constant 1.000000e+00 : f32
      %parallel_loop3A_359 = vector.broadcast %parallel_loop3A_358 : f32 to vector<16xf32>
      %parallel_loop3A_360 = arith.addf %parallel_loop3A_359, %parallel_loop3A_357 : vector<16xf32>
      %parallel_loop3A_361 = arith.constant 1.000000e+00 : f32
      %parallel_loop3A_362 = vector.broadcast %parallel_loop3A_361 : f32 to vector<16xf32>
      %parallel_loop3A_363 = arith.divf %parallel_loop3A_362, %parallel_loop3A_360 : vector<16xf32>
      %parallel_loop3A_364 = arith.index_cast %parallel_loop3A_313 : i32 to index
      %parallel_loop3A_365 = arith.index_cast %parallel_loop3A_331 : i32 to index
      %parallel_loop3A_366 = tpu.vector_load %arg16[%parallel_loop3A_364, %parallel_loop3A_365] {strides = array<i32>} : memref<16x1024xf32, #tpu.memory_space<vmem>>, vector<16xf32>,
      tpu.vector_store %arg16[%parallel_loop3A_364, %parallel_loop3A_365], %parallel_loop3A_363 {strides = array<i32>} : memref<16x1024xf32, #tpu.memory_space<vmem>>, vector<16xf32>,
    } {sc.loop_unroll_factor = 8 : i64, sc.parallel_access}
    %dma_start3A_191 = arith.constant 0 : i32
    %dma_start3A_192 = tpu.memref_slice %arg6[%add3A_173, %dma_start3A_191] : memref<4096x1024xf32, #tpu.memory_space<hbm>> -> memref<16x1024xf32, #tpu.memory_space<hbm>>
    %dma_start3A_193 = arith.constant 0 : i32
    %dma_start3A_194 = tpu.memref_slice %arg6[%add3A_173, %dma_start3A_193] : memref<4096x1024xf32, #tpu.memory_space<hbm>> -> memref<16x1024xf32, #tpu.memory_space<hbm>>
    tpu.enqueue_dma source(%arg16 : memref<16x1024xf32, #tpu.memory_space<vmem>>) target(%dma_start3A_194 : memref<16x1024xf32, #tpu.memory_space<hbm>>) target_semaphore(%arg20 : memref<!tpu.dma_semaphore, #tpu.memory_space<semaphore_mem>>)
    %add3A_195 = arith.constant 64 : i32
    %add3A_196 = arith.addi %mul3A_2, %add3A_195 : i32
    %dma_wait3A_197 = arith.constant 0 : i32
    %dma_wait3A_198 = tpu.memref_slice %arg5[%add3A_179, %dma_wait3A_197] : memref<4096x1024xf32, #tpu.memory_space<hbm>> -> memref<16x1024xf32, #tpu.memory_space<hbm>>
    %dma_wait3A_199 = arith.constant 0 : i32
    %dma_wait3A_200 = tpu.memref_slice %arg5[%add3A_179, %dma_wait3A_199] : memref<4096x1024xf32, #tpu.memory_space<hbm>> -> memref<16x1024xf32, #tpu.memory_space<hbm>>
    tpu.wait_dma2 semaphore(%arg17 : memref<!tpu.dma_semaphore, #tpu.memory_space<semaphore_mem>>) src(%dma_wait3A_200 : memref<16x1024xf32, #tpu.memory_space<hbm>>) dst(%arg13 : memref<16x1024xf32, #tpu.memory_space<vmem>>)
    %add3A_201 = arith.constant 80 : i32
    %add3A_202 = arith.addi %mul3A_2, %add3A_201 : i32
    %dma_start3A_203 = arith.constant 0 : i32
    %dma_start3A_204 = tpu.memref_slice %arg5[%add3A_202, %dma_start3A_203] : memref<4096x1024xf32, #tpu.memory_space<hbm>> -> memref<16x1024xf32, #tpu.memory_space<hbm>>
    %dma_start3A_205 = arith.constant 0 : i32
    %dma_start3A_206 = tpu.memref_slice %arg5[%add3A_202, %dma_start3A_205] : memref<4096x1024xf32, #tpu.memory_space<hbm>> -> memref<16x1024xf32, #tpu.memory_space<hbm>>
    tpu.enqueue_dma source(%dma_start3A_206 : memref<16x1024xf32, #tpu.memory_space<hbm>>) target(%arg14 : memref<16x1024xf32, #tpu.memory_space<vmem>>) target_semaphore(%arg18 : memref<!tpu.dma_semaphore, #tpu.memory_space<semaphore_mem>>)
    %dma_wait3A_207 = arith.constant 0 : i32
    %dma_wait3A_208 = tpu.memref_slice %arg6[%add3A_150, %dma_wait3A_207] : memref<4096x1024xf32, #tpu.memory_space<hbm>> -> memref<16x1024xf32, #tpu.memory_space<hbm>>
    %dma_wait3A_209 = arith.constant 0 : i32
    %dma_wait3A_210 = tpu.memref_slice %arg6[%add3A_150, %dma_wait3A_209] : memref<4096x1024xf32, #tpu.memory_space<hbm>> -> memref<16x1024xf32, #tpu.memory_space<hbm>>
    tpu.wait_dma2 semaphore(%arg19 : memref<!tpu.dma_semaphore, #tpu.memory_space<semaphore_mem>>) src(%arg15 : memref<16x1024xf32, #tpu.memory_space<vmem>>) dst(%dma_wait3A_210 : memref<16x1024xf32, #tpu.memory_space<hbm>>)
    %parallel_loop3A_211 = arith.constant 0 : i32
    %parallel_loop3A_212 = arith.constant 1024 : i32
    %parallel_loop3A_213 = arith.constant 1 : i32
    scf.for %parallel_loop3A_289 = %parallel_loop3A_211 to %parallel_loop3A_212 step %parallel_loop3A_213  : i32 {
      %parallel_loop3A_290 = arith.constant 64 : i32
      %parallel_loop3A_291 = arith.divsi %parallel_loop3A_289, %parallel_loop3A_290 : i32
      %parallel_loop3A_292 = arith.constant 0 : i32
      %parallel_loop3A_293 = arith.cmpi sgt, %parallel_loop3A_289, %parallel_loop3A_292 : i32
      %parallel_loop3A_294 = arith.extui %parallel_loop3A_293 : i1 to i32
      %parallel_loop3A_295 = arith.constant 0 : i32
      %parallel_loop3A_296 = arith.cmpi slt, %parallel_loop3A_289, %parallel_loop3A_295 : i32
      %parallel_loop3A_297 = arith.extui %parallel_loop3A_296 : i1 to i32
      %parallel_loop3A_298 = arith.subi %parallel_loop3A_294, %parallel_loop3A_297 : i32
      %parallel_loop3A_299 = arith.constant 0 : i32
      %parallel_loop3A_300 = arith.cmpi sgt, %parallel_loop3A_290, %parallel_loop3A_299 : i32
      %parallel_loop3A_301 = arith.extui %parallel_loop3A_300 : i1 to i32
      %parallel_loop3A_302 = arith.constant 0 : i32
      %parallel_loop3A_303 = arith.cmpi slt, %parallel_loop3A_290, %parallel_loop3A_302 : i32
      %parallel_loop3A_304 = arith.extui %parallel_loop3A_303 : i1 to i32
      %parallel_loop3A_305 = arith.subi %parallel_loop3A_301, %parallel_loop3A_304 : i32
      %parallel_loop3A_306 = arith.cmpi ne, %parallel_loop3A_298, %parallel_loop3A_305 : i32
      %parallel_loop3A_307 = arith.remsi %parallel_loop3A_289, %parallel_loop3A_290 : i32
      %parallel_loop3A_308 = arith.constant 0 : i32
      %parallel_loop3A_309 = arith.cmpi ne, %parallel_loop3A_307, %parallel_loop3A_308 : i32
      %parallel_loop3A_310 = arith.andi %parallel_loop3A_306, %parallel_loop3A_309 : i1
      %parallel_loop3A_311 = arith.constant 1 : i32
      %parallel_loop3A_312 = arith.subi %parallel_loop3A_291, %parallel_loop3A_311 : i32
      %parallel_loop3A_313 = arith.select %parallel_loop3A_310, %parallel_loop3A_312, %parallel_loop3A_291 : i32
      %parallel_loop3A_314 = arith.constant 64 : i32
      %parallel_loop3A_315 = arith.constant 0 : i32
      %parallel_loop3A_316 = arith.cmpi eq, %parallel_loop3A_314, %parallel_loop3A_315 : i32
      %parallel_loop3A_317 = arith.constant 1 : i32
      %parallel_loop3A_318 = arith.select %parallel_loop3A_316, %parallel_loop3A_317, %parallel_loop3A_314 : i32
      %parallel_loop3A_319 = arith.remsi %parallel_loop3A_289, %parallel_loop3A_318 : i32
      %parallel_loop3A_320 = arith.constant 0 : i32
      %parallel_loop3A_321 = arith.cmpi ne, %parallel_loop3A_319, %parallel_loop3A_320 : i32
      %parallel_loop3A_322 = arith.constant 0 : i32
      %parallel_loop3A_323 = arith.cmpi slt, %parallel_loop3A_319, %parallel_loop3A_322 : i32
      %parallel_loop3A_324 = arith.constant 0 : i32
      %parallel_loop3A_325 = arith.cmpi slt, %parallel_loop3A_318, %parallel_loop3A_324 : i32
      %parallel_loop3A_326 = arith.xori %parallel_loop3A_323, %parallel_loop3A_325 : i1
      %parallel_loop3A_327 = arith.andi %parallel_loop3A_326, %parallel_loop3A_321 : i1
      %parallel_loop3A_328 = arith.addi %parallel_loop3A_319, %parallel_loop3A_318 : i32
      %parallel_loop3A_329 = arith.select %parallel_loop3A_327, %parallel_loop3A_328, %parallel_loop3A_319 : i32
      %parallel_loop3A_330 = arith.constant 16 : i32
      %parallel_loop3A_331 = arith.muli %parallel_loop3A_329, %parallel_loop3A_330 : i32
      %parallel_loop3A_332 = arith.index_cast %parallel_loop3A_313 : i32 to index
      %parallel_loop3A_333 = arith.index_cast %parallel_loop3A_331 : i32 to index
      %parallel_loop3A_334 = tpu.vector_load %arg13[%parallel_loop3A_332, %parallel_loop3A_333] {strides = array<i32>} : memref<16x1024xf32, #tpu.memory_space<vmem>>, vector<16xf32>,
      %parallel_loop3A_335 = arith.constant -8.000000e+00 : f32
      %parallel_loop3A_336 = vector.broadcast %parallel_loop3A_335 : f32 to vector<16xf32>
      %parallel_loop3A_337 = arith.maximumf %parallel_loop3A_334, %parallel_loop3A_336 : vector<16xf32>
      %parallel_loop3A_338 = arith.constant 8.000000e+00 : f32
      %parallel_loop3A_339 = vector.broadcast %parallel_loop3A_338 : f32 to vector<16xf32>
      %parallel_loop3A_340 = arith.minimumf %parallel_loop3A_337, %parallel_loop3A_339 : vector<16xf32>
      %parallel_loop3A_341 = arith.constant -8.000000e+00 : f32
      %parallel_loop3A_342 = vector.broadcast %parallel_loop3A_341 : f32 to vector<16xf32>
      %parallel_loop3A_343 = arith.subf %parallel_loop3A_340, %parallel_loop3A_342 : vector<16xf32>
      %parallel_loop3A_344 = arith.constant 6.243750e+01 : f32
      %parallel_loop3A_345 = vector.broadcast %parallel_loop3A_344 : f32 to vector<16xf32>
      %parallel_loop3A_346 = arith.mulf %parallel_loop3A_343, %parallel_loop3A_345 : vector<16xf32>
      %parallel_loop3A_347 = arith.fptosi %parallel_loop3A_346 : vector<16xf32> to vector<16xi32>
      %parallel_loop3A_348 = arith.sitofp %parallel_loop3A_347 : vector<16xi32> to vector<16xf32>
      %parallel_loop3A_349 = arith.subf %parallel_loop3A_346, %parallel_loop3A_348 : vector<16xf32>
      %parallel_loop3A_350 = tpu.vector_load_idx %arg11[%parallel_loop3A_347] : memref<1040xf32, #tpu.memory_space<vmem>>[vector<16xi32>], vector<16xf32>,
      %parallel_loop3A_351 = tpu.vector_load_idx %arg12[%parallel_loop3A_347] : memref<1024xf32, #tpu.memory_space<vmem>>[vector<16xi32>], vector<16xf32>,
      %parallel_loop3A_352 = arith.mulf %gather3A, %parallel_loop3A_340 : vector<16xf32>
      %parallel_loop3A_353 = arith.subf %parallel_loop3A_351, %parallel_loop3A_350 : vector<16xf32>
      %parallel_loop3A_354 = arith.mulf %parallel_loop3A_349, %parallel_loop3A_353 : vector<16xf32>
      %parallel_loop3A_355 = arith.addf %parallel_loop3A_350, %parallel_loop3A_354 : vector<16xf32>
      %parallel_loop3A_356 = arith.addf %parallel_loop3A_352, %parallel_loop3A_355 : vector<16xf32>
      %parallel_loop3A_357 = math.exp %parallel_loop3A_356 : vector<16xf32>
      %parallel_loop3A_358 = arith.constant 1.000000e+00 : f32
      %parallel_loop3A_359 = vector.broadcast %parallel_loop3A_358 : f32 to vector<16xf32>
      %parallel_loop3A_360 = arith.addf %parallel_loop3A_359, %parallel_loop3A_357 : vector<16xf32>
      %parallel_loop3A_361 = arith.constant 1.000000e+00 : f32
      %parallel_loop3A_362 = vector.broadcast %parallel_loop3A_361 : f32 to vector<16xf32>
      %parallel_loop3A_363 = arith.divf %parallel_loop3A_362, %parallel_loop3A_360 : vector<16xf32>
      %parallel_loop3A_364 = arith.index_cast %parallel_loop3A_313 : i32 to index
      %parallel_loop3A_365 = arith.index_cast %parallel_loop3A_331 : i32 to index
      %parallel_loop3A_366 = tpu.vector_load %arg15[%parallel_loop3A_364, %parallel_loop3A_365] {strides = array<i32>} : memref<16x1024xf32, #tpu.memory_space<vmem>>, vector<16xf32>,
      tpu.vector_store %arg15[%parallel_loop3A_364, %parallel_loop3A_365], %parallel_loop3A_363 {strides = array<i32>} : memref<16x1024xf32, #tpu.memory_space<vmem>>, vector<16xf32>,
    } {sc.loop_unroll_factor = 8 : i64, sc.parallel_access}
    %dma_start3A_214 = arith.constant 0 : i32
    %dma_start3A_215 = tpu.memref_slice %arg6[%add3A_196, %dma_start3A_214] : memref<4096x1024xf32, #tpu.memory_space<hbm>> -> memref<16x1024xf32, #tpu.memory_space<hbm>>
    %dma_start3A_216 = arith.constant 0 : i32
    %dma_start3A_217 = tpu.memref_slice %arg6[%add3A_196, %dma_start3A_216] : memref<4096x1024xf32, #tpu.memory_space<hbm>> -> memref<16x1024xf32, #tpu.memory_space<hbm>>
    tpu.enqueue_dma source(%arg15 : memref<16x1024xf32, #tpu.memory_space<vmem>>) target(%dma_start3A_217 : memref<16x1024xf32, #tpu.memory_space<hbm>>) target_semaphore(%arg19 : memref<!tpu.dma_semaphore, #tpu.memory_space<semaphore_mem>>)
    %add3A_218 = arith.constant 80 : i32
    %add3A_219 = arith.addi %mul3A_2, %add3A_218 : i32
    %dma_wait3A_220 = arith.constant 0 : i32
    %dma_wait3A_221 = tpu.memref_slice %arg5[%add3A_202, %dma_wait3A_220] : memref<4096x1024xf32, #tpu.memory_space<hbm>> -> memref<16x1024xf32, #tpu.memory_space<hbm>>
    %dma_wait3A_222 = arith.constant 0 : i32
    %dma_wait3A_223 = tpu.memref_slice %arg5[%add3A_202, %dma_wait3A_222] : memref<4096x1024xf32, #tpu.memory_space<hbm>> -> memref<16x1024xf32, #tpu.memory_space<hbm>>
    tpu.wait_dma2 semaphore(%arg18 : memref<!tpu.dma_semaphore, #tpu.memory_space<semaphore_mem>>) src(%dma_wait3A_223 : memref<16x1024xf32, #tpu.memory_space<hbm>>) dst(%arg14 : memref<16x1024xf32, #tpu.memory_space<vmem>>)
    %add3A_224 = arith.constant 96 : i32
    %add3A_225 = arith.addi %mul3A_2, %add3A_224 : i32
    %dma_start3A_226 = arith.constant 0 : i32
    %dma_start3A_227 = tpu.memref_slice %arg5[%add3A_225, %dma_start3A_226] : memref<4096x1024xf32, #tpu.memory_space<hbm>> -> memref<16x1024xf32, #tpu.memory_space<hbm>>
    %dma_start3A_228 = arith.constant 0 : i32
    %dma_start3A_229 = tpu.memref_slice %arg5[%add3A_225, %dma_start3A_228] : memref<4096x1024xf32, #tpu.memory_space<hbm>> -> memref<16x1024xf32, #tpu.memory_space<hbm>>
    tpu.enqueue_dma source(%dma_start3A_229 : memref<16x1024xf32, #tpu.memory_space<hbm>>) target(%arg13 : memref<16x1024xf32, #tpu.memory_space<vmem>>) target_semaphore(%arg17 : memref<!tpu.dma_semaphore, #tpu.memory_space<semaphore_mem>>)
    %dma_wait3A_230 = arith.constant 0 : i32
    %dma_wait3A_231 = tpu.memref_slice %arg6[%add3A_173, %dma_wait3A_230] : memref<4096x1024xf32, #tpu.memory_space<hbm>> -> memref<16x1024xf32, #tpu.memory_space<hbm>>
    %dma_wait3A_232 = arith.constant 0 : i32
    %dma_wait3A_233 = tpu.memref_slice %arg6[%add3A_173, %dma_wait3A_232] : memref<4096x1024xf32, #tpu.memory_space<hbm>> -> memref<16x1024xf32, #tpu.memory_space<hbm>>
    tpu.wait_dma2 semaphore(%arg20 : memref<!tpu.dma_semaphore, #tpu.memory_space<semaphore_mem>>) src(%arg16 : memref<16x1024xf32, #tpu.memory_space<vmem>>) dst(%dma_wait3A_233 : memref<16x1024xf32, #tpu.memory_space<hbm>>)
    %parallel_loop3A_234 = arith.constant 0 : i32
    %parallel_loop3A_235 = arith.constant 1024 : i32
    %parallel_loop3A_236 = arith.constant 1 : i32
    scf.for %parallel_loop3A_289 = %parallel_loop3A_234 to %parallel_loop3A_235 step %parallel_loop3A_236  : i32 {
      %parallel_loop3A_290 = arith.constant 64 : i32
      %parallel_loop3A_291 = arith.divsi %parallel_loop3A_289, %parallel_loop3A_290 : i32
      %parallel_loop3A_292 = arith.constant 0 : i32
      %parallel_loop3A_293 = arith.cmpi sgt, %parallel_loop3A_289, %parallel_loop3A_292 : i32
      %parallel_loop3A_294 = arith.extui %parallel_loop3A_293 : i1 to i32
      %parallel_loop3A_295 = arith.constant 0 : i32
      %parallel_loop3A_296 = arith.cmpi slt, %parallel_loop3A_289, %parallel_loop3A_295 : i32
      %parallel_loop3A_297 = arith.extui %parallel_loop3A_296 : i1 to i32
      %parallel_loop3A_298 = arith.subi %parallel_loop3A_294, %parallel_loop3A_297 : i32
      %parallel_loop3A_299 = arith.constant 0 : i32
      %parallel_loop3A_300 = arith.cmpi sgt, %parallel_loop3A_290, %parallel_loop3A_299 : i32
      %parallel_loop3A_301 = arith.extui %parallel_loop3A_300 : i1 to i32
      %parallel_loop3A_302 = arith.constant 0 : i32
      %parallel_loop3A_303 = arith.cmpi slt, %parallel_loop3A_290, %parallel_loop3A_302 : i32
      %parallel_loop3A_304 = arith.extui %parallel_loop3A_303 : i1 to i32
      %parallel_loop3A_305 = arith.subi %parallel_loop3A_301, %parallel_loop3A_304 : i32
      %parallel_loop3A_306 = arith.cmpi ne, %parallel_loop3A_298, %parallel_loop3A_305 : i32
      %parallel_loop3A_307 = arith.remsi %parallel_loop3A_289, %parallel_loop3A_290 : i32
      %parallel_loop3A_308 = arith.constant 0 : i32
      %parallel_loop3A_309 = arith.cmpi ne, %parallel_loop3A_307, %parallel_loop3A_308 : i32
      %parallel_loop3A_310 = arith.andi %parallel_loop3A_306, %parallel_loop3A_309 : i1
      %parallel_loop3A_311 = arith.constant 1 : i32
      %parallel_loop3A_312 = arith.subi %parallel_loop3A_291, %parallel_loop3A_311 : i32
      %parallel_loop3A_313 = arith.select %parallel_loop3A_310, %parallel_loop3A_312, %parallel_loop3A_291 : i32
      %parallel_loop3A_314 = arith.constant 64 : i32
      %parallel_loop3A_315 = arith.constant 0 : i32
      %parallel_loop3A_316 = arith.cmpi eq, %parallel_loop3A_314, %parallel_loop3A_315 : i32
      %parallel_loop3A_317 = arith.constant 1 : i32
      %parallel_loop3A_318 = arith.select %parallel_loop3A_316, %parallel_loop3A_317, %parallel_loop3A_314 : i32
      %parallel_loop3A_319 = arith.remsi %parallel_loop3A_289, %parallel_loop3A_318 : i32
      %parallel_loop3A_320 = arith.constant 0 : i32
      %parallel_loop3A_321 = arith.cmpi ne, %parallel_loop3A_319, %parallel_loop3A_320 : i32
      %parallel_loop3A_322 = arith.constant 0 : i32
      %parallel_loop3A_323 = arith.cmpi slt, %parallel_loop3A_319, %parallel_loop3A_322 : i32
      %parallel_loop3A_324 = arith.constant 0 : i32
      %parallel_loop3A_325 = arith.cmpi slt, %parallel_loop3A_318, %parallel_loop3A_324 : i32
      %parallel_loop3A_326 = arith.xori %parallel_loop3A_323, %parallel_loop3A_325 : i1
      %parallel_loop3A_327 = arith.andi %parallel_loop3A_326, %parallel_loop3A_321 : i1
      %parallel_loop3A_328 = arith.addi %parallel_loop3A_319, %parallel_loop3A_318 : i32
      %parallel_loop3A_329 = arith.select %parallel_loop3A_327, %parallel_loop3A_328, %parallel_loop3A_319 : i32
      %parallel_loop3A_330 = arith.constant 16 : i32
      %parallel_loop3A_331 = arith.muli %parallel_loop3A_329, %parallel_loop3A_330 : i32
      %parallel_loop3A_332 = arith.index_cast %parallel_loop3A_313 : i32 to index
      %parallel_loop3A_333 = arith.index_cast %parallel_loop3A_331 : i32 to index
      %parallel_loop3A_334 = tpu.vector_load %arg14[%parallel_loop3A_332, %parallel_loop3A_333] {strides = array<i32>} : memref<16x1024xf32, #tpu.memory_space<vmem>>, vector<16xf32>,
      %parallel_loop3A_335 = arith.constant -8.000000e+00 : f32
      %parallel_loop3A_336 = vector.broadcast %parallel_loop3A_335 : f32 to vector<16xf32>
      %parallel_loop3A_337 = arith.maximumf %parallel_loop3A_334, %parallel_loop3A_336 : vector<16xf32>
      %parallel_loop3A_338 = arith.constant 8.000000e+00 : f32
      %parallel_loop3A_339 = vector.broadcast %parallel_loop3A_338 : f32 to vector<16xf32>
      %parallel_loop3A_340 = arith.minimumf %parallel_loop3A_337, %parallel_loop3A_339 : vector<16xf32>
      %parallel_loop3A_341 = arith.constant -8.000000e+00 : f32
      %parallel_loop3A_342 = vector.broadcast %parallel_loop3A_341 : f32 to vector<16xf32>
      %parallel_loop3A_343 = arith.subf %parallel_loop3A_340, %parallel_loop3A_342 : vector<16xf32>
      %parallel_loop3A_344 = arith.constant 6.243750e+01 : f32
      %parallel_loop3A_345 = vector.broadcast %parallel_loop3A_344 : f32 to vector<16xf32>
      %parallel_loop3A_346 = arith.mulf %parallel_loop3A_343, %parallel_loop3A_345 : vector<16xf32>
      %parallel_loop3A_347 = arith.fptosi %parallel_loop3A_346 : vector<16xf32> to vector<16xi32>
      %parallel_loop3A_348 = arith.sitofp %parallel_loop3A_347 : vector<16xi32> to vector<16xf32>
      %parallel_loop3A_349 = arith.subf %parallel_loop3A_346, %parallel_loop3A_348 : vector<16xf32>
      %parallel_loop3A_350 = tpu.vector_load_idx %arg11[%parallel_loop3A_347] : memref<1040xf32, #tpu.memory_space<vmem>>[vector<16xi32>], vector<16xf32>,
      %parallel_loop3A_351 = tpu.vector_load_idx %arg12[%parallel_loop3A_347] : memref<1024xf32, #tpu.memory_space<vmem>>[vector<16xi32>], vector<16xf32>,
      %parallel_loop3A_352 = arith.mulf %gather3A, %parallel_loop3A_340 : vector<16xf32>
      %parallel_loop3A_353 = arith.subf %parallel_loop3A_351, %parallel_loop3A_350 : vector<16xf32>
      %parallel_loop3A_354 = arith.mulf %parallel_loop3A_349, %parallel_loop3A_353 : vector<16xf32>
      %parallel_loop3A_355 = arith.addf %parallel_loop3A_350, %parallel_loop3A_354 : vector<16xf32>
      %parallel_loop3A_356 = arith.addf %parallel_loop3A_352, %parallel_loop3A_355 : vector<16xf32>
      %parallel_loop3A_357 = math.exp %parallel_loop3A_356 : vector<16xf32>
      %parallel_loop3A_358 = arith.constant 1.000000e+00 : f32
      %parallel_loop3A_359 = vector.broadcast %parallel_loop3A_358 : f32 to vector<16xf32>
      %parallel_loop3A_360 = arith.addf %parallel_loop3A_359, %parallel_loop3A_357 : vector<16xf32>
      %parallel_loop3A_361 = arith.constant 1.000000e+00 : f32
      %parallel_loop3A_362 = vector.broadcast %parallel_loop3A_361 : f32 to vector<16xf32>
      %parallel_loop3A_363 = arith.divf %parallel_loop3A_362, %parallel_loop3A_360 : vector<16xf32>
      %parallel_loop3A_364 = arith.index_cast %parallel_loop3A_313 : i32 to index
      %parallel_loop3A_365 = arith.index_cast %parallel_loop3A_331 : i32 to index
      %parallel_loop3A_366 = tpu.vector_load %arg16[%parallel_loop3A_364, %parallel_loop3A_365] {strides = array<i32>} : memref<16x1024xf32, #tpu.memory_space<vmem>>, vector<16xf32>,
      tpu.vector_store %arg16[%parallel_loop3A_364, %parallel_loop3A_365], %parallel_loop3A_363 {strides = array<i32>} : memref<16x1024xf32, #tpu.memory_space<vmem>>, vector<16xf32>,
    } {sc.loop_unroll_factor = 8 : i64, sc.parallel_access}
    %dma_start3A_237 = arith.constant 0 : i32
    %dma_start3A_238 = tpu.memref_slice %arg6[%add3A_219, %dma_start3A_237] : memref<4096x1024xf32, #tpu.memory_space<hbm>> -> memref<16x1024xf32, #tpu.memory_space<hbm>>
    %dma_start3A_239 = arith.constant 0 : i32
    %dma_start3A_240 = tpu.memref_slice %arg6[%add3A_219, %dma_start3A_239] : memref<4096x1024xf32, #tpu.memory_space<hbm>> -> memref<16x1024xf32, #tpu.memory_space<hbm>>
    tpu.enqueue_dma source(%arg16 : memref<16x1024xf32, #tpu.memory_space<vmem>>) target(%dma_start3A_240 : memref<16x1024xf32, #tpu.memory_space<hbm>>) target_semaphore(%arg20 : memref<!tpu.dma_semaphore, #tpu.memory_space<semaphore_mem>>)
    %add3A_241 = arith.constant 96 : i32
    %add3A_242 = arith.addi %mul3A_2, %add3A_241 : i32
    %dma_wait3A_243 = arith.constant 0 : i32
    %dma_wait3A_244 = tpu.memref_slice %arg5[%add3A_225, %dma_wait3A_243] : memref<4096x1024xf32, #tpu.memory_space<hbm>> -> memref<16x1024xf32, #tpu.memory_space<hbm>>
    %dma_wait3A_245 = arith.constant 0 : i32
    %dma_wait3A_246 = tpu.memref_slice %arg5[%add3A_225, %dma_wait3A_245] : memref<4096x1024xf32, #tpu.memory_space<hbm>> -> memref<16x1024xf32, #tpu.memory_space<hbm>>
    tpu.wait_dma2 semaphore(%arg17 : memref<!tpu.dma_semaphore, #tpu.memory_space<semaphore_mem>>) src(%dma_wait3A_246 : memref<16x1024xf32, #tpu.memory_space<hbm>>) dst(%arg13 : memref<16x1024xf32, #tpu.memory_space<vmem>>)
    %add3A_247 = arith.constant 112 : i32
    %add3A_248 = arith.addi %mul3A_2, %add3A_247 : i32
    %dma_start3A_249 = arith.constant 0 : i32
    %dma_start3A_250 = tpu.memref_slice %arg5[%add3A_248, %dma_start3A_249] : memref<4096x1024xf32, #tpu.memory_space<hbm>> -> memref<16x1024xf32, #tpu.memory_space<hbm>>
    %dma_start3A_251 = arith.constant 0 : i32
    %dma_start3A_252 = tpu.memref_slice %arg5[%add3A_248, %dma_start3A_251] : memref<4096x1024xf32, #tpu.memory_space<hbm>> -> memref<16x1024xf32, #tpu.memory_space<hbm>>
    tpu.enqueue_dma source(%dma_start3A_252 : memref<16x1024xf32, #tpu.memory_space<hbm>>) target(%arg14 : memref<16x1024xf32, #tpu.memory_space<vmem>>) target_semaphore(%arg18 : memref<!tpu.dma_semaphore, #tpu.memory_space<semaphore_mem>>)
    %dma_wait3A_253 = arith.constant 0 : i32
    %dma_wait3A_254 = tpu.memref_slice %arg6[%add3A_196, %dma_wait3A_253] : memref<4096x1024xf32, #tpu.memory_space<hbm>> -> memref<16x1024xf32, #tpu.memory_space<hbm>>
    %dma_wait3A_255 = arith.constant 0 : i32
    %dma_wait3A_256 = tpu.memref_slice %arg6[%add3A_196, %dma_wait3A_255] : memref<4096x1024xf32, #tpu.memory_space<hbm>> -> memref<16x1024xf32, #tpu.memory_space<hbm>>
    tpu.wait_dma2 semaphore(%arg19 : memref<!tpu.dma_semaphore, #tpu.memory_space<semaphore_mem>>) src(%arg15 : memref<16x1024xf32, #tpu.memory_space<vmem>>) dst(%dma_wait3A_256 : memref<16x1024xf32, #tpu.memory_space<hbm>>)
    %parallel_loop3A_257 = arith.constant 0 : i32
    %parallel_loop3A_258 = arith.constant 1024 : i32
    %parallel_loop3A_259 = arith.constant 1 : i32
    scf.for %parallel_loop3A_289 = %parallel_loop3A_257 to %parallel_loop3A_258 step %parallel_loop3A_259  : i32 {
      %parallel_loop3A_290 = arith.constant 64 : i32
      %parallel_loop3A_291 = arith.divsi %parallel_loop3A_289, %parallel_loop3A_290 : i32
      %parallel_loop3A_292 = arith.constant 0 : i32
      %parallel_loop3A_293 = arith.cmpi sgt, %parallel_loop3A_289, %parallel_loop3A_292 : i32
      %parallel_loop3A_294 = arith.extui %parallel_loop3A_293 : i1 to i32
      %parallel_loop3A_295 = arith.constant 0 : i32
      %parallel_loop3A_296 = arith.cmpi slt, %parallel_loop3A_289, %parallel_loop3A_295 : i32
      %parallel_loop3A_297 = arith.extui %parallel_loop3A_296 : i1 to i32
      %parallel_loop3A_298 = arith.subi %parallel_loop3A_294, %parallel_loop3A_297 : i32
      %parallel_loop3A_299 = arith.constant 0 : i32
      %parallel_loop3A_300 = arith.cmpi sgt, %parallel_loop3A_290, %parallel_loop3A_299 : i32
      %parallel_loop3A_301 = arith.extui %parallel_loop3A_300 : i1 to i32
      %parallel_loop3A_302 = arith.constant 0 : i32
      %parallel_loop3A_303 = arith.cmpi slt, %parallel_loop3A_290, %parallel_loop3A_302 : i32
      %parallel_loop3A_304 = arith.extui %parallel_loop3A_303 : i1 to i32
      %parallel_loop3A_305 = arith.subi %parallel_loop3A_301, %parallel_loop3A_304 : i32
      %parallel_loop3A_306 = arith.cmpi ne, %parallel_loop3A_298, %parallel_loop3A_305 : i32
      %parallel_loop3A_307 = arith.remsi %parallel_loop3A_289, %parallel_loop3A_290 : i32
      %parallel_loop3A_308 = arith.constant 0 : i32
      %parallel_loop3A_309 = arith.cmpi ne, %parallel_loop3A_307, %parallel_loop3A_308 : i32
      %parallel_loop3A_310 = arith.andi %parallel_loop3A_306, %parallel_loop3A_309 : i1
      %parallel_loop3A_311 = arith.constant 1 : i32
      %parallel_loop3A_312 = arith.subi %parallel_loop3A_291, %parallel_loop3A_311 : i32
      %parallel_loop3A_313 = arith.select %parallel_loop3A_310, %parallel_loop3A_312, %parallel_loop3A_291 : i32
      %parallel_loop3A_314 = arith.constant 64 : i32
      %parallel_loop3A_315 = arith.constant 0 : i32
      %parallel_loop3A_316 = arith.cmpi eq, %parallel_loop3A_314, %parallel_loop3A_315 : i32
      %parallel_loop3A_317 = arith.constant 1 : i32
      %parallel_loop3A_318 = arith.select %parallel_loop3A_316, %parallel_loop3A_317, %parallel_loop3A_314 : i32
      %parallel_loop3A_319 = arith.remsi %parallel_loop3A_289, %parallel_loop3A_318 : i32
      %parallel_loop3A_320 = arith.constant 0 : i32
      %parallel_loop3A_321 = arith.cmpi ne, %parallel_loop3A_319, %parallel_loop3A_320 : i32
      %parallel_loop3A_322 = arith.constant 0 : i32
      %parallel_loop3A_323 = arith.cmpi slt, %parallel_loop3A_319, %parallel_loop3A_322 : i32
      %parallel_loop3A_324 = arith.constant 0 : i32
      %parallel_loop3A_325 = arith.cmpi slt, %parallel_loop3A_318, %parallel_loop3A_324 : i32
      %parallel_loop3A_326 = arith.xori %parallel_loop3A_323, %parallel_loop3A_325 : i1
      %parallel_loop3A_327 = arith.andi %parallel_loop3A_326, %parallel_loop3A_321 : i1
      %parallel_loop3A_328 = arith.addi %parallel_loop3A_319, %parallel_loop3A_318 : i32
      %parallel_loop3A_329 = arith.select %parallel_loop3A_327, %parallel_loop3A_328, %parallel_loop3A_319 : i32
      %parallel_loop3A_330 = arith.constant 16 : i32
      %parallel_loop3A_331 = arith.muli %parallel_loop3A_329, %parallel_loop3A_330 : i32
      %parallel_loop3A_332 = arith.index_cast %parallel_loop3A_313 : i32 to index
      %parallel_loop3A_333 = arith.index_cast %parallel_loop3A_331 : i32 to index
      %parallel_loop3A_334 = tpu.vector_load %arg13[%parallel_loop3A_332, %parallel_loop3A_333] {strides = array<i32>} : memref<16x1024xf32, #tpu.memory_space<vmem>>, vector<16xf32>,
      %parallel_loop3A_335 = arith.constant -8.000000e+00 : f32
      %parallel_loop3A_336 = vector.broadcast %parallel_loop3A_335 : f32 to vector<16xf32>
      %parallel_loop3A_337 = arith.maximumf %parallel_loop3A_334, %parallel_loop3A_336 : vector<16xf32>
      %parallel_loop3A_338 = arith.constant 8.000000e+00 : f32
      %parallel_loop3A_339 = vector.broadcast %parallel_loop3A_338 : f32 to vector<16xf32>
      %parallel_loop3A_340 = arith.minimumf %parallel_loop3A_337, %parallel_loop3A_339 : vector<16xf32>
      %parallel_loop3A_341 = arith.constant -8.000000e+00 : f32
      %parallel_loop3A_342 = vector.broadcast %parallel_loop3A_341 : f32 to vector<16xf32>
      %parallel_loop3A_343 = arith.subf %parallel_loop3A_340, %parallel_loop3A_342 : vector<16xf32>
      %parallel_loop3A_344 = arith.constant 6.243750e+01 : f32
      %parallel_loop3A_345 = vector.broadcast %parallel_loop3A_344 : f32 to vector<16xf32>
      %parallel_loop3A_346 = arith.mulf %parallel_loop3A_343, %parallel_loop3A_345 : vector<16xf32>
      %parallel_loop3A_347 = arith.fptosi %parallel_loop3A_346 : vector<16xf32> to vector<16xi32>
      %parallel_loop3A_348 = arith.sitofp %parallel_loop3A_347 : vector<16xi32> to vector<16xf32>
      %parallel_loop3A_349 = arith.subf %parallel_loop3A_346, %parallel_loop3A_348 : vector<16xf32>
      %parallel_loop3A_350 = tpu.vector_load_idx %arg11[%parallel_loop3A_347] : memref<1040xf32, #tpu.memory_space<vmem>>[vector<16xi32>], vector<16xf32>,
      %parallel_loop3A_351 = tpu.vector_load_idx %arg12[%parallel_loop3A_347] : memref<1024xf32, #tpu.memory_space<vmem>>[vector<16xi32>], vector<16xf32>,
      %parallel_loop3A_352 = arith.mulf %gather3A, %parallel_loop3A_340 : vector<16xf32>
      %parallel_loop3A_353 = arith.subf %parallel_loop3A_351, %parallel_loop3A_350 : vector<16xf32>
      %parallel_loop3A_354 = arith.mulf %parallel_loop3A_349, %parallel_loop3A_353 : vector<16xf32>
      %parallel_loop3A_355 = arith.addf %parallel_loop3A_350, %parallel_loop3A_354 : vector<16xf32>
      %parallel_loop3A_356 = arith.addf %parallel_loop3A_352, %parallel_loop3A_355 : vector<16xf32>
      %parallel_loop3A_357 = math.exp %parallel_loop3A_356 : vector<16xf32>
      %parallel_loop3A_358 = arith.constant 1.000000e+00 : f32
      %parallel_loop3A_359 = vector.broadcast %parallel_loop3A_358 : f32 to vector<16xf32>
      %parallel_loop3A_360 = arith.addf %parallel_loop3A_359, %parallel_loop3A_357 : vector<16xf32>
      %parallel_loop3A_361 = arith.constant 1.000000e+00 : f32
      %parallel_loop3A_362 = vector.broadcast %parallel_loop3A_361 : f32 to vector<16xf32>
      %parallel_loop3A_363 = arith.divf %parallel_loop3A_362, %parallel_loop3A_360 : vector<16xf32>
      %parallel_loop3A_364 = arith.index_cast %parallel_loop3A_313 : i32 to index
      %parallel_loop3A_365 = arith.index_cast %parallel_loop3A_331 : i32 to index
      %parallel_loop3A_366 = tpu.vector_load %arg15[%parallel_loop3A_364, %parallel_loop3A_365] {strides = array<i32>} : memref<16x1024xf32, #tpu.memory_space<vmem>>, vector<16xf32>,
      tpu.vector_store %arg15[%parallel_loop3A_364, %parallel_loop3A_365], %parallel_loop3A_363 {strides = array<i32>} : memref<16x1024xf32, #tpu.memory_space<vmem>>, vector<16xf32>,
    } {sc.loop_unroll_factor = 8 : i64, sc.parallel_access}
    %dma_start3A_260 = arith.constant 0 : i32
    %dma_start3A_261 = tpu.memref_slice %arg6[%add3A_242, %dma_start3A_260] : memref<4096x1024xf32, #tpu.memory_space<hbm>> -> memref<16x1024xf32, #tpu.memory_space<hbm>>
    %dma_start3A_262 = arith.constant 0 : i32
    %dma_start3A_263 = tpu.memref_slice %arg6[%add3A_242, %dma_start3A_262] : memref<4096x1024xf32, #tpu.memory_space<hbm>> -> memref<16x1024xf32, #tpu.memory_space<hbm>>
    tpu.enqueue_dma source(%arg15 : memref<16x1024xf32, #tpu.memory_space<vmem>>) target(%dma_start3A_263 : memref<16x1024xf32, #tpu.memory_space<hbm>>) target_semaphore(%arg19 : memref<!tpu.dma_semaphore, #tpu.memory_space<semaphore_mem>>)
    %add3A_264 = arith.constant 112 : i32
    %add3A_265 = arith.addi %mul3A_2, %add3A_264 : i32
    %dma_wait3A_266 = arith.constant 0 : i32
    %dma_wait3A_267 = tpu.memref_slice %arg5[%add3A_248, %dma_wait3A_266] : memref<4096x1024xf32, #tpu.memory_space<hbm>> -> memref<16x1024xf32, #tpu.memory_space<hbm>>
    %dma_wait3A_268 = arith.constant 0 : i32
    %dma_wait3A_269 = tpu.memref_slice %arg5[%add3A_248, %dma_wait3A_268] : memref<4096x1024xf32, #tpu.memory_space<hbm>> -> memref<16x1024xf32, #tpu.memory_space<hbm>>
    tpu.wait_dma2 semaphore(%arg18 : memref<!tpu.dma_semaphore, #tpu.memory_space<semaphore_mem>>) src(%dma_wait3A_269 : memref<16x1024xf32, #tpu.memory_space<hbm>>) dst(%arg14 : memref<16x1024xf32, #tpu.memory_space<vmem>>)
    %dma_wait3A_270 = arith.constant 0 : i32
    %dma_wait3A_271 = tpu.memref_slice %arg6[%add3A_219, %dma_wait3A_270] : memref<4096x1024xf32, #tpu.memory_space<hbm>> -> memref<16x1024xf32, #tpu.memory_space<hbm>>
    %dma_wait3A_272 = arith.constant 0 : i32
    %dma_wait3A_273 = tpu.memref_slice %arg6[%add3A_219, %dma_wait3A_272] : memref<4096x1024xf32, #tpu.memory_space<hbm>> -> memref<16x1024xf32, #tpu.memory_space<hbm>>
    tpu.wait_dma2 semaphore(%arg20 : memref<!tpu.dma_semaphore, #tpu.memory_space<semaphore_mem>>) src(%arg16 : memref<16x1024xf32, #tpu.memory_space<vmem>>) dst(%dma_wait3A_273 : memref<16x1024xf32, #tpu.memory_space<hbm>>)
    %parallel_loop3A_274 = arith.constant 0 : i32
    %parallel_loop3A_275 = arith.constant 1024 : i32
    %parallel_loop3A_276 = arith.constant 1 : i32
    scf.for %parallel_loop3A_289 = %parallel_loop3A_274 to %parallel_loop3A_275 step %parallel_loop3A_276  : i32 {
      %parallel_loop3A_290 = arith.constant 64 : i32
      %parallel_loop3A_291 = arith.divsi %parallel_loop3A_289, %parallel_loop3A_290 : i32
      %parallel_loop3A_292 = arith.constant 0 : i32
      %parallel_loop3A_293 = arith.cmpi sgt, %parallel_loop3A_289, %parallel_loop3A_292 : i32
      %parallel_loop3A_294 = arith.extui %parallel_loop3A_293 : i1 to i32
      %parallel_loop3A_295 = arith.constant 0 : i32
      %parallel_loop3A_296 = arith.cmpi slt, %parallel_loop3A_289, %parallel_loop3A_295 : i32
      %parallel_loop3A_297 = arith.extui %parallel_loop3A_296 : i1 to i32
      %parallel_loop3A_298 = arith.subi %parallel_loop3A_294, %parallel_loop3A_297 : i32
      %parallel_loop3A_299 = arith.constant 0 : i32
      %parallel_loop3A_300 = arith.cmpi sgt, %parallel_loop3A_290, %parallel_loop3A_299 : i32
      %parallel_loop3A_301 = arith.extui %parallel_loop3A_300 : i1 to i32
      %parallel_loop3A_302 = arith.constant 0 : i32
      %parallel_loop3A_303 = arith.cmpi slt, %parallel_loop3A_290, %parallel_loop3A_302 : i32
      %parallel_loop3A_304 = arith.extui %parallel_loop3A_303 : i1 to i32
      %parallel_loop3A_305 = arith.subi %parallel_loop3A_301, %parallel_loop3A_304 : i32
      %parallel_loop3A_306 = arith.cmpi ne, %parallel_loop3A_298, %parallel_loop3A_305 : i32
      %parallel_loop3A_307 = arith.remsi %parallel_loop3A_289, %parallel_loop3A_290 : i32
      %parallel_loop3A_308 = arith.constant 0 : i32
      %parallel_loop3A_309 = arith.cmpi ne, %parallel_loop3A_307, %parallel_loop3A_308 : i32
      %parallel_loop3A_310 = arith.andi %parallel_loop3A_306, %parallel_loop3A_309 : i1
      %parallel_loop3A_311 = arith.constant 1 : i32
      %parallel_loop3A_312 = arith.subi %parallel_loop3A_291, %parallel_loop3A_311 : i32
      %parallel_loop3A_313 = arith.select %parallel_loop3A_310, %parallel_loop3A_312, %parallel_loop3A_291 : i32
      %parallel_loop3A_314 = arith.constant 64 : i32
      %parallel_loop3A_315 = arith.constant 0 : i32
      %parallel_loop3A_316 = arith.cmpi eq, %parallel_loop3A_314, %parallel_loop3A_315 : i32
      %parallel_loop3A_317 = arith.constant 1 : i32
      %parallel_loop3A_318 = arith.select %parallel_loop3A_316, %parallel_loop3A_317, %parallel_loop3A_314 : i32
      %parallel_loop3A_319 = arith.remsi %parallel_loop3A_289, %parallel_loop3A_318 : i32
      %parallel_loop3A_320 = arith.constant 0 : i32
      %parallel_loop3A_321 = arith.cmpi ne, %parallel_loop3A_319, %parallel_loop3A_320 : i32
      %parallel_loop3A_322 = arith.constant 0 : i32
      %parallel_loop3A_323 = arith.cmpi slt, %parallel_loop3A_319, %parallel_loop3A_322 : i32
      %parallel_loop3A_324 = arith.constant 0 : i32
      %parallel_loop3A_325 = arith.cmpi slt, %parallel_loop3A_318, %parallel_loop3A_324 : i32
      %parallel_loop3A_326 = arith.xori %parallel_loop3A_323, %parallel_loop3A_325 : i1
      %parallel_loop3A_327 = arith.andi %parallel_loop3A_326, %parallel_loop3A_321 : i1
      %parallel_loop3A_328 = arith.addi %parallel_loop3A_319, %parallel_loop3A_318 : i32
      %parallel_loop3A_329 = arith.select %parallel_loop3A_327, %parallel_loop3A_328, %parallel_loop3A_319 : i32
      %parallel_loop3A_330 = arith.constant 16 : i32
      %parallel_loop3A_331 = arith.muli %parallel_loop3A_329, %parallel_loop3A_330 : i32
      %parallel_loop3A_332 = arith.index_cast %parallel_loop3A_313 : i32 to index
      %parallel_loop3A_333 = arith.index_cast %parallel_loop3A_331 : i32 to index
      %parallel_loop3A_334 = tpu.vector_load %arg14[%parallel_loop3A_332, %parallel_loop3A_333] {strides = array<i32>} : memref<16x1024xf32, #tpu.memory_space<vmem>>, vector<16xf32>,
      %parallel_loop3A_335 = arith.constant -8.000000e+00 : f32
      %parallel_loop3A_336 = vector.broadcast %parallel_loop3A_335 : f32 to vector<16xf32>
      %parallel_loop3A_337 = arith.maximumf %parallel_loop3A_334, %parallel_loop3A_336 : vector<16xf32>
      %parallel_loop3A_338 = arith.constant 8.000000e+00 : f32
      %parallel_loop3A_339 = vector.broadcast %parallel_loop3A_338 : f32 to vector<16xf32>
      %parallel_loop3A_340 = arith.minimumf %parallel_loop3A_337, %parallel_loop3A_339 : vector<16xf32>
      %parallel_loop3A_341 = arith.constant -8.000000e+00 : f32
      %parallel_loop3A_342 = vector.broadcast %parallel_loop3A_341 : f32 to vector<16xf32>
      %parallel_loop3A_343 = arith.subf %parallel_loop3A_340, %parallel_loop3A_342 : vector<16xf32>
      %parallel_loop3A_344 = arith.constant 6.243750e+01 : f32
      %parallel_loop3A_345 = vector.broadcast %parallel_loop3A_344 : f32 to vector<16xf32>
      %parallel_loop3A_346 = arith.mulf %parallel_loop3A_343, %parallel_loop3A_345 : vector<16xf32>
      %parallel_loop3A_347 = arith.fptosi %parallel_loop3A_346 : vector<16xf32> to vector<16xi32>
      %parallel_loop3A_348 = arith.sitofp %parallel_loop3A_347 : vector<16xi32> to vector<16xf32>
      %parallel_loop3A_349 = arith.subf %parallel_loop3A_346, %parallel_loop3A_348 : vector<16xf32>
      %parallel_loop3A_350 = tpu.vector_load_idx %arg11[%parallel_loop3A_347] : memref<1040xf32, #tpu.memory_space<vmem>>[vector<16xi32>], vector<16xf32>,
      %parallel_loop3A_351 = tpu.vector_load_idx %arg12[%parallel_loop3A_347] : memref<1024xf32, #tpu.memory_space<vmem>>[vector<16xi32>], vector<16xf32>,
      %parallel_loop3A_352 = arith.mulf %gather3A, %parallel_loop3A_340 : vector<16xf32>
      %parallel_loop3A_353 = arith.subf %parallel_loop3A_351, %parallel_loop3A_350 : vector<16xf32>
      %parallel_loop3A_354 = arith.mulf %parallel_loop3A_349, %parallel_loop3A_353 : vector<16xf32>
      %parallel_loop3A_355 = arith.addf %parallel_loop3A_350, %parallel_loop3A_354 : vector<16xf32>
      %parallel_loop3A_356 = arith.addf %parallel_loop3A_352, %parallel_loop3A_355 : vector<16xf32>
      %parallel_loop3A_357 = math.exp %parallel_loop3A_356 : vector<16xf32>
      %parallel_loop3A_358 = arith.constant 1.000000e+00 : f32
      %parallel_loop3A_359 = vector.broadcast %parallel_loop3A_358 : f32 to vector<16xf32>
      %parallel_loop3A_360 = arith.addf %parallel_loop3A_359, %parallel_loop3A_357 : vector<16xf32>
      %parallel_loop3A_361 = arith.constant 1.000000e+00 : f32
      %parallel_loop3A_362 = vector.broadcast %parallel_loop3A_361 : f32 to vector<16xf32>
      %parallel_loop3A_363 = arith.divf %parallel_loop3A_362, %parallel_loop3A_360 : vector<16xf32>
      %parallel_loop3A_364 = arith.index_cast %parallel_loop3A_313 : i32 to index
      %parallel_loop3A_365 = arith.index_cast %parallel_loop3A_331 : i32 to index
      %parallel_loop3A_366 = tpu.vector_load %arg16[%parallel_loop3A_364, %parallel_loop3A_365] {strides = array<i32>} : memref<16x1024xf32, #tpu.memory_space<vmem>>, vector<16xf32>,
      tpu.vector_store %arg16[%parallel_loop3A_364, %parallel_loop3A_365], %parallel_loop3A_363 {strides = array<i32>} : memref<16x1024xf32, #tpu.memory_space<vmem>>, vector<16xf32>,
    } {sc.loop_unroll_factor = 8 : i64, sc.parallel_access}
    %dma_start3A_277 = arith.constant 0 : i32
    %dma_start3A_278 = tpu.memref_slice %arg6[%add3A_265, %dma_start3A_277] : memref<4096x1024xf32, #tpu.memory_space<hbm>> -> memref<16x1024xf32, #tpu.memory_space<hbm>>
    %dma_start3A_279 = arith.constant 0 : i32
    %dma_start3A_280 = tpu.memref_slice %arg6[%add3A_265, %dma_start3A_279] : memref<4096x1024xf32, #tpu.memory_space<hbm>> -> memref<16x1024xf32, #tpu.memory_space<hbm>>
    tpu.enqueue_dma source(%arg16 : memref<16x1024xf32, #tpu.memory_space<vmem>>) target(%dma_start3A_280 : memref<16x1024xf32, #tpu.memory_space<hbm>>) target_semaphore(%arg20 : memref<!tpu.dma_semaphore, #tpu.memory_space<semaphore_mem>>)
    %dma_wait3A_281 = arith.constant 0 : i32
    %dma_wait3A_282 = tpu.memref_slice %arg6[%add3A_242, %dma_wait3A_281] : memref<4096x1024xf32, #tpu.memory_space<hbm>> -> memref<16x1024xf32, #tpu.memory_space<hbm>>
    %dma_wait3A_283 = arith.constant 0 : i32
    %dma_wait3A_284 = tpu.memref_slice %arg6[%add3A_242, %dma_wait3A_283] : memref<4096x1024xf32, #tpu.memory_space<hbm>> -> memref<16x1024xf32, #tpu.memory_space<hbm>>
    tpu.wait_dma2 semaphore(%arg19 : memref<!tpu.dma_semaphore, #tpu.memory_space<semaphore_mem>>) src(%arg15 : memref<16x1024xf32, #tpu.memory_space<vmem>>) dst(%dma_wait3A_284 : memref<16x1024xf32, #tpu.memory_space<hbm>>)
    %dma_wait3A_285 = arith.constant 0 : i32
    %dma_wait3A_286 = tpu.memref_slice %arg6[%add3A_265, %dma_wait3A_285] : memref<4096x1024xf32, #tpu.memory_space<hbm>> -> memref<16x1024xf32, #tpu.memory_space<hbm>>
    %dma_wait3A_287 = arith.constant 0 : i32
    %dma_wait3A_288 = tpu.memref_slice %arg6[%add3A_265, %dma_wait3A_287] : memref<4096x1024xf32, #tpu.memory_space<hbm>> -> memref<16x1024xf32, #tpu.memory_space<hbm>>
    tpu.wait_dma2 semaphore(%arg20 : memref<!tpu.dma_semaphore, #tpu.memory_space<semaphore_mem>>) src(%arg16 : memref<16x1024xf32, #tpu.memory_space<vmem>>) dst(%dma_wait3A_288 : memref<16x1024xf32, #tpu.memory_space<hbm>>)
    return
  }
}

</mosaic_0001>

<sc_bundles>
// kernel: kernel.3.cloned.1.call-start
scs
__scs_entry_jumppad:
0x0: {  	(pc) =	sbr.rel $0x88, $3  }
0x1: {  	(tag) =	ssettag $0x0;
	lr =	simm.s32 $0x1  }
0x2: {  	[smem:$0x3F9C] =	sst lr;
	_ =	strace $0xD0000000  }
0x3: {  	_ = 	snop  }
0x4: {  	_ = 	snop  }
0x5: {  	_ = 	snop  }
0x6: {  	_ = 	snop  }
0x7: {  	_ = 	snop  }
__scs_overlays_trampoline_lowered:
0x8: {  	[smem:$0x3FAB] =	sst s0  }
0x9: {  	[smem:$0x3FAC] =	sst s1  }
0xa: {  	[smem:$0x3FAD] =	sst s2  }
0xb: {  	[smem:$0x3FAE] =	sst s3  }
0xc: {  	[smem:$0x3FAF] =	sst s4  }
0xd: {  	[smem:$0x3FB0] =	sst s5  }
0xe: {  	[smem:$0x3FB1] =	sst s6  }
0xf: {  	[smem:$0x3FB2] =	sst s7  }
0x10: {  	[smem:$0x3FB3] =	sst s8  }
0x11: {  	[smem:$0x3FB4] =	sst s9;
	s0 =	simm.s32 @!p0 $0x0  }
0x12: {  	s1 =	sld [smem:$0x3F9A];
	s0 =	simm.s32 @p0 $0x1  }
0x13: {  	[smem:$0x3FB5] =	sst s0;
	s0 =	simm.s32 @!p1 $0x0  }
0x14: {  	s2 =	sld [smem:$0x3F99];
	s0 =	simm.s32 @p1 $0x1  }
0x15: {  	[smem:$0x3FB6] =	sst s0;
	s0 =	simm.s32 @!p2 $0x0  }
0x16: {  	s3 =	sld [smem:$0x3FDB];
	s0 =	simm.s32 @p2 $0x1  }
0x17: {  	s4 =	simm.s32 $0x1BF5;
	[smem:$0x3FB8] =	sst s0  }
0x18: {  	s0 =	sld [smem:$0x3F9B];
	_ =	swait.ge [sflag:s4], $0x0  }
0x19: {  	s7 =	sld [smem:$0x3F9C]  }
0x1a: {  	s8 =	sadd.s32 $0xFFFFE003, lr  }
0x1b: {  	s9 =	sadd.s32 $0xFFFFFEF7, lr;
	s5 =	simm.s32 $0xFFFFFFFF;
	p2 =	slt.u32 s8, $0xFFFFF086  }
0x1c: {  	p1 =	slt.u32 s9, $0xF7A;
	s5 =	simm.s32 @!p2 $0x0  }
0x1d: {  	s5 =	simm.s32 @p1 $0x1;
	p0 =	seq.s32 s7, s2  }
0x1e: {  	s7 =	smul.u32 @!p0 $0xF7A, s2;
	p2 =	seq.s32 @!p0 s5, $0x0  }
0x1f: {  	s9 =	smul.u32 $0xF7A, s1;
	s8 =	simm.s32 @!p0 $0x1BF5;
	p2 =	por !p2, p0  }
0x20: {  	[sflag:s8] =	ssyncset.s32 @!p0 $0xFFFFF086;
	s6 =	sadd.s32 @!p0 s3, s7;
	s7 =	simm.s32 @!p0 $0x108  }
0x21: {  	s3 =	sadd.s32 s3, s9;
	s6 =	sadd.s32 @!p0 $0x88, s6;
	s7 =	simm.s32 @p2 $0x1082  }
0x22: {  	[simem:s7], [sflag:s8] =	dma.local @!p0 [hbm:s6], $0xF7A  }
0x23: {  	s9 =	sor.u32 $0xD0000000, s2;
	s6 =	simm.s32 $0x108;
	_ =	swait.ge @!p0 [sflag:s8], $0x0  }
0x24: {  	s3 =	sadd.s32 $0x88, s3;
	s6 =	simm.s32 @!p1 $0x1082;
	[sflag:s4] =	ssyncset.s32 $0xFFFFF086  }
0x25: {  	[simem:s6], [sflag:s4] =	dma.local [hbm:s3], $0xF7A  }
0x26: {  	[smem:$0x3F9C] =	sst s1;
	(tag) =	ssettag s2;
	_ =	strace s9  }
0x27: {  	s1 =	sld [smem:$0x3FAC]  }
0x28: {  	s2 =	sld [smem:$0x3FAD]  }
0x29: {  	s4 =	sld [smem:$0x3FAF]  }
0x2a: {  	p0 =	seq.s32 s5, $0x0;
	s5 =	sld [smem:$0x3FB0]  }
0x2b: {  	s6 =	sld [smem:$0x3FB1]  }
0x2c: {  	s7 =	sld [smem:$0x3FB2]  }
0x2d: {  	s3 =	simm.s32 $0x108;
	s8 =	sld [smem:$0x3FB3]  }
0x2e: {  	s3 =	simm.s32 @!p0 $0x1082;
	s9 =	sld [smem:$0x3FB4]  }
0x2f: {  	lr =	sadd.s32 s0, s3;
	s0 =	sld [smem:$0x3FAB]  }
0x30: {  	s3 =	sld [smem:$0x3FAE]  }
0x31: {  	[smem:$0x3FB7] =	sst s10  }
0x32: {  	s10 =	sld [smem:$0x3FB5];
	_ =	sdelay $0x3  }
0x33: {  	p0 =	seq.s32 s10, $0x1;
	s10 =	sld [smem:$0x3FB7];
	_ =	sdelay $0x3  }
0x34: {  	[smem:$0x3FB7] =	sst s10  }
0x35: {  	s10 =	sld [smem:$0x3FB6];
	_ =	sdelay $0x3  }
0x36: {  	p1 =	seq.s32 s10, $0x1;
	s10 =	sld [smem:$0x3FB7];
	_ =	sdelay $0x3  }
0x37: {  	[smem:$0x3FB7] =	sst s10  }
0x38: {  	s10 =	sld [smem:$0x3FB8]  }
0x39: {  	_ = 	snop;
	(pc) =	sbr.ind lr, $3  }
0x3a: {  	_ = 	snop  }
0x3b: {  	_ = 	snop  }
0x3c: {  	p2 =	seq.s32 s10, $0x1;
	s10 =	sld [smem:$0x3FB7]  }
0x3d: {  	_ =	shalt  }
0x3e: {  	_ =	shalt  }
0x3f: {  	_ =	shalt  }
0x40: {  	_ =	shalt  }
0x41: {  	_ =	shalt  }
0x42: {  	_ =	shalt  }
0x43: {  	_ =	shalt  }
0x44: {  	_ =	shalt  }
0x45: {  	_ =	shalt  }
0x46: {  	_ =	shalt  }
0x47: {  	_ =	shalt  }
0x48: {  	_ =	shalt  }
0x49: {  	_ =	shalt  }
0x4a: {  	_ =	shalt  }
0x4b: {  	_ =	shalt  }
0x4c: {  	_ =	shalt  }
0x4d: {  	_ =	shalt  }
0x4e: {  	_ =	shalt  }
0x4f: {  	_ =	shalt  }
0x50: {  	_ =	shalt  }
0x51: {  	_ =	shalt  }
0x52: {  	_ =	shalt  }
0x53: {  	_ =	shalt  }
0x54: {  	_ =	shalt  }
0x55: {  	_ =	shalt  }
0x56: {  	_ =	shalt  }
0x57: {  	_ =	shalt  }
0x58: {  	_ =	shalt  }
0x59: {  	_ =	shalt  }
0x5a: {  	_ =	shalt  }
0x5b: {  	_ =	shalt  }
0x5c: {  	_ =	shalt  }
0x5d: {  	_ =	shalt  }
0x5e: {  	_ =	shalt  }
0x5f: {  	_ =	shalt  }
0x60: {  	_ =	shalt  }
0x61: {  	_ =	shalt  }
0x62: {  	_ =	shalt  }
0x63: {  	_ =	shalt  }
0x64: {  	_ =	shalt  }
0x65: {  	_ =	shalt  }
0x66: {  	_ =	shalt  }
0x67: {  	_ =	shalt  }
0x68: {  	_ =	shalt  }
0x69: {  	_ =	shalt  }
0x6a: {  	_ =	shalt  }
0x6b: {  	_ =	shalt  }
0x6c: {  	_ =	shalt  }
0x6d: {  	_ =	shalt  }
0x6e: {  	_ =	shalt  }
0x6f: {  	_ =	shalt  }
0x70: {  	_ =	shalt  }
0x71: {  	_ =	shalt  }
0x72: {  	_ =	shalt  }
0x73: {  	_ =	shalt  }
0x74: {  	_ =	shalt  }
0x75: {  	_ =	shalt  }
0x76: {  	_ =	shalt  }
0x77: {  	_ =	shalt  }
0x78: {  	_ =	shalt  }
0x79: {  	_ =	shalt  }
0x7a: {  	_ =	shalt  }
0x7b: {  	_ =	shalt  }
0x7c: {  	_ =	shalt  }
0x7d: {  	_ =	shalt  }
0x7e: {  	_ =	shalt  }
0x7f: {  	_ =	shalt  }
0x80: {  	_ =	shalt  }
0x81: {  	_ =	shalt  }
0x82: {  	_ =	shalt  }
0x83: {  	_ =	shalt  }
0x84: {  	_ =	shalt  }
0x85: {  	_ =	shalt  }
0x86: {  	_ =	shalt  }
0x87: {  	_ =	shalt  }
.Lfunc_end0:
.L_simem_size_0:
called_computation_lowered:
.L_overlay_start_0:
0x88: {  	s2 =	sld [smem:$0x3FD9]  }
0x89: {  	s3 =	sld [smem:$0x3FFE];
	_ =	sdelay $0x1  }
0x8a: {  	s1 =	srdreg.scid  }
0x8b: {  	s0 =	sand.u32 $0x1, s1  }
0x8c: {  	s17 =	sshll.u32 s0, $0xA;
	s2 =	sadd.s32 s3, s2  }
0x8d: {  	s2 =	sadd.s32 s2, s17  }
0x8e: {  	[smem:$0x3FC3] =	sst s2  }
0x8f: {  	_ = 	snop  }
0x90: {  	s2 =	sld [smem:$0x3FC9]  }
0x91: {  	s18 =	sld [smem:$0x3FC8]  }
0x92: {  	s4 =	sld [smem:$0x3FD0];
	(tm) =	ssettm $0x1  }
0x93: {  	s5 =	sld [smem:$0x3FFB];
	_ =	sdelay $0x3  }
0x94: {  	_ =	strace s5  }
0x95: {  	s5 =	sld [smem:$0x3FFC];
	_ =	sdelay $0x3  }
0x96: {  	_ =	strace s5  }
0x97: {  	s5 =	sld [smem:$0x3FFD];
	_ =	sdelay $0x3  }
0x98: {  	_ =	strace s5  }
0x99: {  	_ =	strace $0x8FFFFFFF  }
0x9a: {  	s19 =	sld [smem:$0x3FDB];
	_ =	sdelay $0x1  }
0x9b: {  	s6 =	simm.s32 $_scs_section_size  }
0x9c: {  	s7 =	simm.s32 $_size__tile_overlayer_lowered;
	s8 =	simm.s32 $_tile_overlayer_lowered  }
0x9d: {  	s22 =	simm.s32 $0x1BFF;
	s21 =	sshll.u32 s8, $0x1;
	s5 =	sadd.s32 s6, s19  }
0x9e: {  	s9 =	simm.s32 $0x0;
	s20 =	sshll.u32 s7, $0x1;
	s7 =	sadd.s32 s21, s5  }
0x9f: {  	[timem:s9], [sflag:s22] =	dma.local [hbm:s7], s20  }
0xa0: {  	_ =	swait.ge [sflag:s22], s20  }
0xa1: {  	s6 =	ssub.s32 $0x0, s20;
	[sflag:s22] =	ssyncset.done $0x0  }
0xa2: {  	[sflag:s22] =	ssyncadd.s32 s6;
	_ =	sdelay $0x1  }
0xa3: {  	s23 =	simm.s32 $0x1B8B  }
0xa4: {  	_ =	swait.ge [sflag:s23], $0x1  }
0xa5: {  	[sflag:s23] =	ssyncset.done $0x0  }
0xa6: {  	s25 =	simm.s32 $0x1B8E;
	s24 =	sld [smem:$0x3FFE];
	[sflag:s23] =	ssyncadd.s32 $0xFFFFFFFF  }
0xa7: {  	s26 =	simm.s32 $execute0_lowered;
	[smem:$0x3FD2] =	sst s25  }
0xa8: {  	s7 =	sshll.u32 s26, $0x1;
	_ =	strace $0x80000046;
	[dreg:$0x1] =	wrdreg $0xFFFFFFFF  }
0xa9: {  	s28 =	simm.s32 $_size_execute0_lowered;
	s5 =	sadd.s32 s5, s7;
	[dreg:$0x0] =	wrdreg $0x0  }
0xaa: {  	s7 =	sshll.u32 s28, $0x1;
	[dreg:$0x2] =	wrdreg s5  }
0xab: {  	[dreg:$0x3] =	wrdreg s7  }
0xac: {  	[dreg:$0x4] =	wrdreg $0xC0  }
0xad: {  	_ =	task [dreg:s9], $0x5FFFF  }
0xae: {  	[dreg:$0x1] =	wrdreg $0xFFFFFFFF  }
0xaf: {  	[dreg:$0x0] =	wrdreg $0x60  }
0xb0: {  	[dreg:$0x2] =	wrdreg s24  }
0xb1: {  	[dreg:$0x3] =	wrdreg s18  }
0xb2: {  	[dreg:$0x4] =	wrdreg s2  }
0xb3: {  	[dreg:$0x5] =	wrdreg s4  }
0xb4: {  	[dreg:$0x6] =	wrdreg $0x9  }
0xb5: {  	_ =	task.clear_ibuf [dreg:s9], $0x7FFFF;
	_ =	strace $0x90000046  }
0xb6: {  	s29 =	simm.s32 $0x9;
	_ =	strace $0x80000048  }
0xb7: {  	_ =	swait.ge [sflag:s29], $0x1  }
0xb8: {  	[sflag:s29] =	ssyncadd.s32 $0xFFFFFFFF  }
0xb9: {  	_ =	strace $0x90000048  }
0xba: {  	_ =	sfence  }
0xbb: {  	s30 =	sld [smem:$0x0];
	_ =	sdelay $0x2  }
0xbc: {  	s31 =	sshll.u32 s1, $0xD;
	s1 =	sshrl.u32 s1, $0x2  }
0xbd: {  	s3 =	sand.u32 $0x4000, s31;
	s1 =	sadd.s32 s1, s30  }
0xbe: {  	s0 =	sor.u32 s3, s0;
	s1 =	sshll.u32 s1, $0x11  }
0xbf: {  	s0 =	sor.u32 s1, s0  }
0xc0: {  	s0 =	sadd.s32 $0x8F2B, s0  }
0xc1: {  	[sflag:s0] =	ssyncadd.remote.s32 $0x1  }
0xc2: {  	_ =	sfence.sel $0xFFFF  }
0xc3: {  	[dreg:$0x0] =	wrdreg $0xFFFFFFFF;
	(pc) =	sbr.abs _section_cstart, $3  }
0xc4: {  	[dreg:$0x1] =	wrdreg $0xFFFFFFFF  }
0xc5: {  	_ =	task.clear_ibuf [dreg:s9], $0x2FFFF;
	_ =	strace $0x9FFFFFFF  }
0xc6: {  	(tm) =	ssettm $0x7FFFFFFF  }
0xc7: {  	_ =	shalt  }
tec
execute0_lowered:
.L_overlay_start_1:
0x0: {  	(tag) =	ssettag $0x1  }
0x1: {  	s0 =	rddreg [dreg:$0x0]  }
0x2: {  	s1 =	rddreg [dreg:$0x2]  }
0x3: {  	s2 =	rddreg [dreg:$0x3];
	s3 =	simm.s32 $0x0;
	s4 =	srdreg.scid  }
0x4: {  	s5 =	stileid.u32;
	s28 =	simm.s32 $0x4100;
	s29 =	simm.s32 $0x4180  }
0x5: {  	s30 =	simm.s32 $0x1;
	s31 =	simm.s32 $0x8A00;
	[smem:$0x7FF] =	sst s3  }
0x6: {  	s4 =	sand.u32 $0x1, s4;
	s5 =	sshll.u32 s5, $0xF;
	s7 =	sadd.s32 $0x800, s0  }
0x7: {  	s0 =	sadd.s32 $0x600, s0;
	_ =	strace $0x80000047;
	s6 =	sshll.u32 s4, $0xE  }
0x8: {  	[dreg:$0x5] =	wrdreg s7;
	s4 =	ssub.s32 $0x2, s4;
	s5 =	sor.u32 s6, s5  }
0x9: {  	[dreg:$0x6] =	wrdreg s0;
	s16 =	sshrl.u32 s4, $0x1;
	s6 =	sor.u32 $0x800, s5  }
0xa: {  	s0 =	ssub.s32 s4, s16;
	s17 =	sadd.s32 s1, s5;
	s19 =	sadd.s32 s2, s5  }
0xb: {  	s20 =	sor.u32 $0x1000, s5;
	s21 =	sor.u32 $0x1800, s5;
	s23 =	sor.u32 $0x2000, s5  }
0xc: {  	s24 =	sor.u32 $0x2800, s5;
	s26 =	sor.u32 $0x3000, s5;
	[dreg:$0x7] =	wrdreg s17  }
0xd: {  	s5 =	sor.u32 $0x3800, s5;
	s18 =	sadd.s32 s1, s6;
	[dreg:$0x9] =	wrdreg s19  }
0xe: {  	s8 =	sadd.s32 s1, s20;
	s6 =	sadd.s32 s2, s6;
	s22 =	sadd.s32 s1, s21  }
0xf: {  	s4 =	sadd.s32 s2, s20;
	s25 =	sadd.s32 s1, s23;
	s14 =	sadd.s32 s2, s21  }
0x10: {  	s15 =	sadd.s32 s1, s24;
	s16 =	sadd.s32 s2, s23;
	[dreg:$0x8] =	wrdreg s18  }
0x11: {  	v0 =	vimm.s32 $0x1;
	v1 =	vimm.s32 $0x2;
	v2 =	vimm.s32 $0x3;
	s17 =	sadd.s32 s1, s26;
	s19 =	sadd.s32 s1, s5;
	[dreg:$0xa] =	wrdreg s8  }
0x12: {  	v3 =	vimm.s32 $0x10;
	v4 =	vimm.s32 $0x11;
	v5 =	vimm.s32 $0x12;
	s20 =	sadd.s32 s2, s26;
	s21 =	sadd.s32 s2, s5;
	[dreg:$0xb] =	wrdreg s6  }
0x13: {  	v6 =	vimm.s32 $0x13;
	v7 =	vimm.s32 $0x14;
	v8 =	vimm.s32 $0x15;
	s23 =	simm.s32 $0x4A00;
	s1 =	simm.s32 $0x2;
	[dreg:$0xc] =	wrdreg s22  }
0x14: {  	v9 =	vimm.s32 $0x16;
	v10 =	vimm.s32 $0x17;
	v11 =	vimm.s32 $0x18;
	s26 =	simm.s32 $0x10A00;
	s5 =	simm.s32 $0x4;
	[dreg:$0xd] =	wrdreg s4  }
0x15: {  	v12 =	vimm.s32 $0x19;
	v13 =	vimm.s32 $0x1A;
	v14 =	vimm.s32 $0x1B;
	[dreg:$0xe] =	wrdreg s25;
	s18 =	sadd.s32 s2, s24;
	s22 =	smax.u32 s0, $0x1  }
0x16: {  	v15 =	vimm.s32 $0x1C;
	v16 =	vimm.s32 $0x1D;
	v17 =	vimm.s32 $0x1E;
	s24 =	simm.s32 $0x4000;
	s25 =	simm.s32 $0x5;
	s0 =	simm.s32 $0x4600  }
0x17: {  	v18 =	vimm.s32 $0x1F;
	v19 =	vimm.f32 $0.0e+00;
	v20 =	vlaneseq.u32;
	s2 =	simm.s32 $0xCA00;
	s4 =	simm.s32 $0x3;
	s6 =	simm.s32 $0x0  }
.LBB2_1:
0x18: {  	s7 =	rddreg [dreg:$0x7]  }
0x19: {  	[tilespmem:s23], [sflag:$0x1] =	stream.linear.gather [hbm4b:s7+s3], $0x4000, $0x38;
	[tilespmem:$0x14A00] =	vst v63  }
0x1a: {  	s12 =	rddreg [dreg:$0x6]  }
0x1b: {  	[tilespmem:s24], [sflag:$0x5] =	stream.linear.gather [hbm4b:s12+s3], $0x80, $0x38;
	[tilespmem:$0x14A00] =	vst v63  }
0x1c: {  	_ =	swait.ge [sflag:s25], $0x80  }
0x1d: {  	[sflag:s25] =	ssyncset.done $0x0  }
0x1e: {  	[sflag:s25] =	ssyncadd.s32 $0xFFFFFF80  }
0x1f: {  	s8 =	simm.s32 $0x4080;
	s13 =	rddreg [dreg:$0x1]  }
0x20: {  	[tilespmem:s8], [sflag:$0x5] =	stream.linear.gather [hbm4b:s13+s3], $0x80, $0x38;
	[tilespmem:$0x14A00] =	vst v63  }
0x21: {  	_ =	swait.ge [sflag:s25], $0x80  }
0x22: {  	[sflag:s25] =	ssyncset.done $0x0  }
0x23: {  	s9 =	rddreg [dreg:$0x5];
	[sflag:s25] =	ssyncadd.s32 $0xFFFFFF80  }
0x24: {  	[tilespmem:s3], [sflag:$0x5] =	stream.linear.gather [hbm4b:s9+s3], $0x4000, $0x38;
	[tilespmem:$0x14A00] =	vst v63  }
0x25: {  	_ =	swait.ge [sflag:s25], $0x4000  }
0x26: {  	[sflag:s25] =	ssyncset.done $0x0  }
0x27: {  	[sflag:s25] =	ssyncadd.s32 $0xFFFFC000  }
0x28: {  	v21 =	vld [tilespmem:$0x4080];
	_ =	sdelay $0x4  }
0x29: {  	v22 =	vand.u32 $0x7FFFFFFF, v21  }
0x2a: {  	v22 =	vsub.f32 $0.0e+00, v22;
	_ =	sdelay $0x1  }
0x2b: {  	v22 =	vmul.f32 $1.442695020e+00, v22;
	_ =	sdelay $0x1  }
0x2c: {  	(erf) = vpow2.f32 v22;
	_ =	sdelay $0x8  }
0x2d: {  	v22 =	vpop (erf)  }
0x2e: {  	v23 =	vadd.f32 $2.000000000e+00, v22;
	_ =	sdelay $0x1  }
0x2f: {  	(erf) = vrcp.f32 v23;
	_ =	sdelay $0x7  }
0x30: {  	v23 =	vadd.f32 v22, v22  }
0x31: {  	v24 =	vpop (erf)  }
0x32: {  	v23 =	vmul.f32 v24, v23;
	_ =	sdelay $0x1  }
0x33: {  	v24 =	vsub.f32 $0.0e+00, v23;
	_ =	sdelay $0x1  }
0x34: {  	v24 =	vmul.f32 $1.442695020e+00, v24;
	_ =	sdelay $0x1  }
0x35: {  	(erf) = vpow2.f32 v24;
	_ =	sdelay $0x7  }
0x36: {  	v22 =	vadd.f32 $1.000000000e+00, v22  }
0x37: {  	v24 =	vpop (erf)  }
0x38: {  	v24 =	vmul.f32 v24, v22;
	_ =	sdelay $0x1  }
0x39: {  	v23 =	vadd.f32 v24, v23;
	_ =	sdelay $0x1  }
0x3a: {  	v23 =	vadd.f32 $-1.000000000e+00, v23;
	_ =	sdelay $0x1  }
0x3b: {  	v24 =	vsub.f32 $0.0e+00, v23;
	_ =	sdelay $0x1  }
0x3c: {  	v24 =	vmul.f32 $1.442695020e+00, v24;
	_ =	sdelay $0x1  }
0x3d: {  	(erf) = vpow2.f32 v24;
	_ =	sdelay $0x8  }
0x3e: {  	v24 =	vpop (erf)  }
0x3f: {  	v24 =	vmul.f32 v24, v22;
	_ =	sdelay $0x1  }
0x40: {  	v23 =	vadd.f32 v24, v23;
	_ =	sdelay $0x1  }
0x41: {  	v23 =	vadd.f32 $-1.000000000e+00, v23;
	_ =	sdelay $0x1  }
0x42: {  	v24 =	vsub.f32 $0.0e+00, v23;
	_ =	sdelay $0x1  }
0x43: {  	v24 =	vmul.f32 $1.442695020e+00, v24;
	_ =	sdelay $0x1  }
0x44: {  	(erf) = vpow2.f32 v24;
	_ =	sdelay $0x8  }
0x45: {  	v24 =	vpop (erf)  }
0x46: {  	v22 =	vmul.f32 v24, v22;
	_ =	sdelay $0x1  }
0x47: {  	v22 =	vadd.f32 v22, v23;
	_ =	sdelay $0x1  }
0x48: {  	v22 =	vadd.f32 $-1.000000000e+00, v22  }
0x49: {  	v21 =	vmax.f32 v21, $0.0e+00  }
0x4a: {  	v21 =	vadd.f32 v22, v21;
	_ =	sdelay $0x1  }
0x4b: {  	[tilespmem:$0x4110] =	vst v21  }
0x4c: {  	v21 =	vld.idx.msk [tilespmem:v0+s24+$0x0], $0xffff  }
0x4d: {  	v23 =	vld.idx.msk [tilespmem:v1+s24+$0x0], $0xffff  }
0x4e: {  	v22 =	vld.idx.msk [tilespmem:v2+s24+$0x0], $0xffff  }
0x4f: {  	v24 =	vld.idx.msk [tilespmem:v3+s28+$0x0], $0xffff  }
0x50: {  	v25 =	vld.idx.msk [tilespmem:v4+s28+$0x0], $0xffff  }
0x51: {  	v26 =	vld.idx.msk [tilespmem:v5+s28+$0x0], $0xffff  }
0x52: {  	v27 =	vld.idx.msk [tilespmem:v6+s28+$0x0], $0xffff  }
0x53: {  	v28 =	vld.idx.msk [tilespmem:v7+s28+$0x0], $0xffff  }
0x54: {  	v29 =	vld.idx.msk [tilespmem:v8+s28+$0x0], $0xffff  }
0x55: {  	v31 =	vld.idx.msk [tilespmem:v9+s28+$0x0], $0xffff  }
0x56: {  	v32 =	vld.idx.msk [tilespmem:v10+s28+$0x0], $0xffff  }
0x57: {  	v34 =	vld.idx.msk [tilespmem:v11+s28+$0x0], $0xffff  }
0x58: {  	v35 =	vld.idx.msk [tilespmem:v12+s28+$0x0], $0xffff  }
0x59: {  	v36 =	vld.idx.msk [tilespmem:v13+s28+$0x0], $0xffff  }
0x5a: {  	v38 =	vld.idx.msk [tilespmem:v14+s28+$0x0], $0xffff  }
0x5b: {  	v39 =	vld.idx.msk [tilespmem:v15+s28+$0x0], $0xffff  }
0x5c: {  	v37 =	vld.idx.msk [tilespmem:v16+s28+$0x0], $0xffff  }
0x5d: {  	v33 =	vld.idx.msk [tilespmem:v17+s28+$0x0], $0xffff  }
0x5e: {  	s10 =	simm.s32 $0x2010;
	v30 =	vld.idx.msk [tilespmem:v18+s28+$0x0], $0xffff  }
0x5f: {  	s11 =	sand.u32 $0x3E0, s3;
	v40 =	vld [tilespmem:s10+$0xFFFFDFF0]  }
0x60: {  	v41 =	vld [tilespmem:s11+$0x400]  }
0x61: {  	v42 =	vld [tilespmem:s10+$0xFFFFE000]  }
0x62: {  	v43 =	vld [tilespmem:s11+$0x800]  }
0x63: {  	v44 =	vld [tilespmem:s10+$0xFFFFE400]  }
0x64: {  	v45 =	vld [tilespmem:s11+$0xC00]  }
0x65: {  	v46 =	vld [tilespmem:s10+$0xFFFFE800]  }
0x66: {  	v47 =	vld [tilespmem:s11+$0x1000]  }
0x67: {  	v48 =	vld [tilespmem:s10+$0xFFFFEC00]  }
0x68: {  	v49 =	vld [tilespmem:s11+$0x1400]  }
0x69: {  	v50 =	vld [tilespmem:s10+$0xFFFFF000]  }
0x6a: {  	v51 =	vld [tilespmem:s11+$0x1800]  }
0x6b: {  	v52 =	vld [tilespmem:s10+$0xFFFFF400]  }
0x6c: {  	v53 =	vld [tilespmem:s11+$0x1C00]  }
0x6d: {  	v54 =	vld [tilespmem:s10+$0xFFFFF800]  }
0x6e: {  	v55 =	vld [tilespmem:s11+$0x2000]  }
0x6f: {  	v56 =	vld [tilespmem:s10+$0xFFFFFC00]  }
0x70: {  	v57 =	vld [tilespmem:s11+$0x2400]  }
0x71: {  	v58 =	vld [tilespmem:s10+$0x0];
	v40 =	vmul.f32 v40, v24;
	v41 =	vmul.f32 v41, v25  }
0x72: {  	v59 =	vld [tilespmem:s11+$0x2800];
	v42 =	vmul.f32 v42, v24;
	v44 =	vmul.f32 v44, v25  }
0x73: {  	v60 =	vmul.f32 v43, v26;
	v43 =	vld [tilespmem:s10+$0x400];
	v40 =	vadd.f32 v41, v40  }
0x74: {  	v61 =	vmul.f32 v46, v26;
	v46 =	vld [tilespmem:s11+$0x2C00];
	v42 =	vadd.f32 v44, v42  }
0x75: {  	s12 =	simm.s32 $0x20;
	v62 =	vmul.f32 v45, v27;
	v45 =	vld [tilespmem:s10+$0x800];
	v40 =	vadd.f32 v60, v40  }
0x76: {  	s13 =	sand.u32 $0x3E0, s12;
	v63 =	vmul.f32 v48, v27;
	v48 =	vld [tilespmem:s11+$0x3000];
	v42 =	vadd.f32 v61, v42  }
0x77: {  	v44 =	vld [tilespmem:s13+$0x800];
	v60 =	vmul.f32 v47, v28;
	v40 =	vadd.f32 v62, v40  }
0x78: {  	v47 =	vld [tilespmem:s10+$0xC00];
	v61 =	vmul.f32 v50, v28;
	v42 =	vadd.f32 v63, v42  }
0x79: {  	v50 =	vld [tilespmem:s11+$0x3400];
	v62 =	vmul.f32 v49, v29;
	v40 =	vadd.f32 v60, v40  }
0x7a: {  	v49 =	vld [tilespmem:s10+$0x1000];
	v63 =	vmul.f32 v52, v29;
	v42 =	vadd.f32 v61, v42  }
0x7b: {  	v52 =	vld [tilespmem:s11+$0x3800];
	v60 =	vmul.f32 v51, v31;
	v40 =	vadd.f32 v62, v40  }
0x7c: {  	v51 =	vld [tilespmem:s10+$0x1400];
	v61 =	vmul.f32 v54, v31;
	v42 =	vadd.f32 v63, v42  }
0x7d: {  	v54 =	vld [tilespmem:s11+$0x3C00];
	v62 =	vmul.f32 v53, v32;
	v40 =	vadd.f32 v60, v40  }
0x7e: {  	s9 =	simm.s32 $0x2030;
	v53 =	vld [tilespmem:s10+$0x1800];
	v63 =	vmul.f32 v56, v32;
	v42 =	vadd.f32 v61, v42  }
0x7f: {  	v60 =	vmul.f32 v55, v34;
	v55 =	vld [tilespmem:s9+$0xFFFFDFF0];
	v40 =	vadd.f32 v62, v40  }
0x80: {  	v61 =	vmul.f32 v58, v34;
	v58 =	vld [tilespmem:s13+$0x400];
	v42 =	vadd.f32 v63, v42  }
0x81: {  	v62 =	vmul.f32 v57, v35;
	v57 =	vld [tilespmem:s9+$0xFFFFE000];
	v40 =	vadd.f32 v60, v40  }
0x82: {  	v43 =	vmul.f32 v43, v35;
	v63 =	vmul.f32 v59, v36;
	v59 =	vld [tilespmem:s9+$0xFFFFE400];
	v42 =	vadd.f32 v61, v42  }
0x83: {  	v60 =	vmul.f32 v45, v36;
	v45 =	vld [tilespmem:s13+$0xC00];
	v40 =	vadd.f32 v62, v40  }
0x84: {  	v61 =	vmul.f32 v55, v24;
	v55 =	vld [tilespmem:s13+$0x1400];
	v42 =	vadd.f32 v43, v42  }
0x85: {  	v46 =	vmul.f32 v46, v38;
	v62 =	vmul.f32 v58, v25;
	v58 =	vld [tilespmem:s9+$0xFFFFE800];
	v40 =	vadd.f32 v63, v40  }
0x86: {  	v48 =	vmul.f32 v48, v39;
	v44 =	vmul.f32 v44, v26;
	v42 =	vadd.f32 v60, v42;
	v60 =	vld [tilespmem:s13+$0x1000]  }
0x87: {  	v63 =	vmul.f32 v47, v38;
	v41 =	vadd.f32 v62, v61;
	v40 =	vadd.f32 v46, v40;
	v46 =	vld [tilespmem:s9+$0xFFFFEC00]  }
0x88: {  	v61 =	vmul.f32 v57, v24;
	v62 =	vmul.f32 v59, v25;
	v57 =	vld [tilespmem:s13+$0x1800]  }
0x89: {  	v42 =	vadd.f32 v63, v42;
	v41 =	vadd.f32 v44, v41;
	v63 =	vmul.f32 v45, v27;
	v45 =	vld [tilespmem:s9+$0xFFFFF000]  }
0x8a: {  	v49 =	vmul.f32 v49, v39;
	v59 =	vld [tilespmem:s9+$0xFFFFFC00];
	v43 =	vadd.f32 v62, v61;
	v58 =	vmul.f32 v58, v26  }
0x8b: {  	v51 =	vmul.f32 v51, v37;
	v61 =	vld [tilespmem:s9+$0xFFFFF400];
	v41 =	vadd.f32 v63, v41;
	v60 =	vmul.f32 v60, v28  }
0x8c: {  	v62 =	vld [tilespmem:s13+$0x1C00];
	v55 =	vmul.f32 v55, v29;
	v43 =	vadd.f32 v58, v43;
	v46 =	vmul.f32 v46, v27  }
0x8d: {  	v40 =	vadd.f32 v48, v40;
	v63 =	vmul.f32 v50, v37;
	v50 =	vld [tilespmem:s9+$0xFFFFF800];
	v41 =	vadd.f32 v60, v41  }
0x8e: {  	v42 =	vadd.f32 v49, v42;
	v45 =	vmul.f32 v45, v28;
	v43 =	vadd.f32 v46, v43;
	v46 =	vld [tilespmem:s13+$0x2000]  }
0x8f: {  	v56 =	vld [tilespmem:s10+$0x1C00];
	v58 =	vmul.f32 v57, v31;
	v49 =	vmul.f32 v59, v32;
	v41 =	vadd.f32 v55, v41  }
0x90: {  	v40 =	vadd.f32 v63, v40;
	v60 =	vld [tilespmem:s13+$0x2400];
	v47 =	vmul.f32 v61, v29;
	v43 =	vadd.f32 v45, v43  }
0x91: {  	v48 =	vld [tilespmem:s9+$0x0];
	v42 =	vadd.f32 v51, v42;
	v62 =	vmul.f32 v62, v32;
	v41 =	vadd.f32 v58, v41  }
0x92: {  	v57 =	vld [tilespmem:s13+$0x2800];
	v63 =	vmul.f32 v53, v33;
	v50 =	vmul.f32 v50, v31;
	v43 =	vadd.f32 v47, v43  }
0x93: {  	v61 =	vmul.f32 v52, v33;
	v41 =	vadd.f32 v62, v41;
	v58 =	vmul.f32 v46, v34;
	v46 =	vld [tilespmem:s9+$0x400]  }
0x94: {  	v59 =	vmul.f32 v54, v30;
	v42 =	vadd.f32 v63, v42;
	v43 =	vadd.f32 v50, v43;
	v50 =	vld [tilespmem:s13+$0x2C00]  }
0x95: {  	v40 =	vadd.f32 v61, v40;
	v61 =	vld [tilespmem:s9+$0x800];
	v60 =	vmul.f32 v60, v35;
	v41 =	vadd.f32 v58, v41  }
0x96: {  	v63 =	vld [tilespmem:s13+$0x3000];
	v48 =	vmul.f32 v48, v34;
	v62 =	vmul.f32 v56, v30;
	v43 =	vadd.f32 v49, v43  }
0x97: {  	v40 =	vadd.f32 v59, v40;
	v56 =	vmul.f32 v57, v36;
	v57 =	vld [tilespmem:s9+$0xC00];
	v41 =	vadd.f32 v60, v41  }
0x98: {  	v42 =	vadd.f32 v62, v42;
	v58 =	vld [tilespmem:s13+$0x3400];
	v43 =	vadd.f32 v48, v43;
	v46 =	vmul.f32 v46, v35  }
0x99: {  	v51 =	vmul.f32 v40, v23;
	v60 =	vld [tilespmem:s9+$0x1000];
	v41 =	vadd.f32 v56, v41;
	v59 =	vmul.f32 v50, v38  }
0x9a: {  	v40 =	vld [tilespmem:s13+$0x3800];
	v45 =	vmul.f32 v61, v36;
	v52 =	vmul.f32 v42, v23;
	v43 =	vadd.f32 v46, v43  }
0x9b: {  	v61 =	vadd.f32 v51, v22;
	v49 =	vmul.f32 v63, v39;
	v42 =	vld [tilespmem:s9+$0x1400];
	v44 =	vadd.f32 v59, v41  }
0x9c: {  	s7 =	simm.s32 $0x4190;
	v47 =	vmul.f32 v57, v38;
	v62 =	vadd.f32 v52, v22;
	v41 =	vld [tilespmem:s13+$0x3C00];
	v63 =	vadd.f32 v45, v43  }
0x9d: {  	[tilespmem:s7+$0xFFFFFFF0] =	vst v61;
	v46 =	vmul.f32 v58, v37;
	v43 =	vld [tilespmem:s9+$0x1800];
	v45 =	vadd.f32 v49, v44  }
0x9e: {  	s8 =	simm.s32 $0x2;
	s10 =	simm.s32 $0x40;
	[tilespmem:s7+$0x0] =	vst v62;
	v48 =	vmul.f32 v60, v39;
	v44 =	vld [tilespmem:s9+$0x1C00];
	s9 =	simm.s32 $0x2050;
	v47 =	vadd.f32 v47, v63  }
.LBB2_2:
0x9f: {  	v49 =	vld [tilespmem:s9+$0xFFFFDFF0];
	s11 =	sand.u32 $0x3E0, s10;
	s8 =	sadd.s32 $0x2, s8;
	v45 =	vadd.f32 v46, v45;
	v40 =	vmul.f32 v40, v33  }
0xa0: {  	v46 =	vld [tilespmem:s11+$0x400];
	p0 =	slt.u32 s8, $0x3E;
	v47 =	vadd.f32 v48, v47;
	v42 =	vmul.f32 v42, v37  }
0xa1: {  	v48 =	vld [tilespmem:s9+$0xFFFFE000];
	v40 =	vadd.f32 v40, v45;
	v41 =	vmul.f32 v41, v30  }
0xa2: {  	v45 =	vld [tilespmem:s11+$0x800];
	v42 =	vadd.f32 v42, v47;
	v43 =	vmul.f32 v43, v33  }
0xa3: {  	v47 =	vld [tilespmem:s9+$0xFFFFE400];
	v40 =	vadd.f32 v41, v40;
	v41 =	vmul.f32 v44, v30  }
0xa4: {  	v44 =	vmul.f32 v49, v24;
	v49 =	vld [tilespmem:s11+$0xC00];
	v42 =	vadd.f32 v43, v42  }
0xa5: {  	v43 =	vmul.f32 v46, v25;
	v46 =	vld [tilespmem:s9+$0xFFFFE800];
	v40 =	vmul.f32 v40, v23  }
0xa6: {  	v50 =	vld [tilespmem:s11+$0x1000];
	v48 =	vmul.f32 v48, v24;
	v41 =	vadd.f32 v41, v42  }
0xa7: {  	v42 =	vadd.f32 v43, v44;
	v43 =	vmul.f32 v45, v26;
	v44 =	vld [tilespmem:s9+$0xFFFFEC00];
	v40 =	vadd.f32 v40, v22  }
0xa8: {  	s7 =	sadd.s32 $0x20, s7;
	v45 =	vld [tilespmem:s11+$0x1400];
	v47 =	vmul.f32 v47, v25;
	v41 =	vmul.f32 v41, v23  }
0xa9: {  	v42 =	vadd.f32 v43, v42;
	v43 =	vmul.f32 v49, v27;
	v49 =	vld [tilespmem:s9+$0xFFFFF000];
	[tilespmem:s7+$0xFFFFFFF0] =	vst v40  }
0xaa: {  	v40 =	vld [tilespmem:s11+$0x1800];
	v47 =	vadd.f32 v47, v48;
	v46 =	vmul.f32 v46, v26;
	v41 =	vadd.f32 v41, v22  }
0xab: {  	v42 =	vadd.f32 v43, v42;
	v43 =	vmul.f32 v50, v28;
	v48 =	vld [tilespmem:s9+$0xFFFFF400]  }
0xac: {  	v50 =	vld [tilespmem:s11+$0x1C00];
	v46 =	vadd.f32 v46, v47;
	v44 =	vmul.f32 v44, v27;
	[tilespmem:s7+$0x0] =	vst v41  }
0xad: {  	v41 =	vadd.f32 v43, v42;
	v42 =	vmul.f32 v45, v29;
	v43 =	vld [tilespmem:s9+$0xFFFFF800]  }
0xae: {  	v45 =	vld [tilespmem:s11+$0x2000];
	v44 =	vadd.f32 v44, v46;
	v46 =	vmul.f32 v49, v28  }
0xaf: {  	v41 =	vadd.f32 v42, v41;
	v40 =	vmul.f32 v40, v31;
	v42 =	vld [tilespmem:s9+$0xFFFFFC00]  }
0xb0: {  	v47 =	vld [tilespmem:s11+$0x2400];
	v44 =	vadd.f32 v46, v44;
	v46 =	vmul.f32 v48, v29  }
0xb1: {  	v40 =	vadd.f32 v40, v41;
	v41 =	vmul.f32 v50, v32;
	v48 =	vld [tilespmem:s9+$0x0]  }
0xb2: {  	v49 =	vld [tilespmem:s11+$0x2800];
	v44 =	vadd.f32 v46, v44;
	v43 =	vmul.f32 v43, v31  }
0xb3: {  	v40 =	vadd.f32 v41, v40;
	v41 =	vmul.f32 v45, v34;
	v45 =	vld [tilespmem:s9+$0x400]  }
0xb4: {  	v46 =	vld [tilespmem:s11+$0x2C00];
	v43 =	vadd.f32 v43, v44;
	v42 =	vmul.f32 v42, v32  }
0xb5: {  	v40 =	vadd.f32 v41, v40;
	v41 =	vmul.f32 v47, v35;
	v44 =	vld [tilespmem:s9+$0x800]  }
0xb6: {  	v47 =	vld [tilespmem:s11+$0x3000];
	v42 =	vadd.f32 v42, v43;
	v43 =	vmul.f32 v48, v34  }
0xb7: {  	v40 =	vadd.f32 v41, v40;
	v41 =	vmul.f32 v49, v36;
	v48 =	vld [tilespmem:s9+$0xC00]  }
0xb8: {  	v49 =	vld [tilespmem:s11+$0x3400];
	v42 =	vadd.f32 v43, v42;
	v43 =	vmul.f32 v45, v35  }
0xb9: {  	v41 =	vadd.f32 v41, v40;
	v45 =	vmul.f32 v46, v38;
	v50 =	vld [tilespmem:s9+$0x1000]  }
.Ltmp0:
0xba: {  	v40 =	vld [tilespmem:s11+$0x3800];
	v43 =	vadd.f32 v43, v42;
	v44 =	vmul.f32 v44, v36;
	(pc) =	sbr.rel @p0 .LBB2_2-.Ltmp0, $4  }
0xbb: {  	v45 =	vadd.f32 v45, v41;
	v46 =	vmul.f32 v47, v39;
	v42 =	vld [tilespmem:s9+$0x1400]  }
0xbc: {  	v41 =	vld [tilespmem:s11+$0x3C00];
	v44 =	vadd.f32 v44, v43;
	v47 =	vmul.f32 v48, v38  }
0xbd: {  	v45 =	vadd.f32 v46, v45;
	v46 =	vmul.f32 v49, v37;
	v43 =	vld [tilespmem:s9+$0x1800]  }
0xbe: {  	s10 =	sadd.s32 $0x20, s10;
	v47 =	vadd.f32 v47, v44;
	v48 =	vmul.f32 v50, v39;
	v44 =	vld [tilespmem:s9+$0x1C00];
	s9 =	sadd.s32 $0x20, s9  }
0xbf: {  	_ = 	snop  }
0xc0: {  	v24 =	vadd.f32 v48, v47;
	v25 =	vmul.f32 v42, v37  }
0xc1: {  	v26 =	vadd.f32 v46, v45;
	v27 =	vmul.f32 v40, v33  }
0xc2: {  	v24 =	vadd.f32 v25, v24;
	v25 =	vmul.f32 v43, v33  }
0xc3: {  	v26 =	vadd.f32 v27, v26;
	v27 =	vmul.f32 v41, v30  }
0xc4: {  	v28 =	vmul.f32 v44, v30;
	v24 =	vadd.f32 v25, v24  }
0xc5: {  	v25 =	vadd.f32 v27, v26  }
0xc6: {  	v24 =	vadd.f32 v28, v24  }
0xc7: {  	v25 =	vmul.f32 v25, v23  }
0xc8: {  	s8 =	simm.s32 $0x1;
	v23 =	vmul.f32 v24, v23  }
0xc9: {  	s9 =	simm.s32 $0x11;
	v24 =	vadd.f32 v25, v22;
	v25 =	vadd.s32 s8, v20  }
0xca: {  	s7 =	sadd.s32 $0x20, s7;
	v22 =	vadd.f32 v23, v22;
	v23 =	vadd.s32 s9, v20  }
0xcb: {  	[tilespmem:s7+$0xFFFFFFF0] =	vst v24  }
0xcc: {  	[tilespmem:s7+$0x0] =	vst v22  }
0xcd: {  	s10 =	simm.s32 $0x21;
	[tilespmem:$0x4580] =	vst v19  }
0xce: {  	s13 =	simm.s32 $0x31;
	v22 =	vld.idx.msk [tilespmem:v25+s29+$0x0], $0xffff;
	v25 =	vadd.s32 s10, v20  }
0xcf: {  	v24 =	vadd.s32 s13, v20;
	v23 =	vld.idx.msk [tilespmem:v23+s29+$0x0], $0xffff  }
0xd0: {  	s8 =	simm.s32 $0x4610  }
0xd1: {  	s9 =	simm.s32 $0x4;
	s7 =	simm.s32 $0x4610;
	s10 =	simm.s32 $0x51  }
.LBB2_4:
0xd2: {  	s9 =	sadd.s32 $0x2, s9  }
0xd3: {  	s11 =	sadd.s32 $0xFFFFFFF0, s10;
	[tilespmem:s7+$0xFFFFFFF0] =	vst v22;
	v22 =	vld.idx.msk [tilespmem:v25+s29+$0x0], $0xffff;
	s8 =	sadd.s32 $0x20, s8;
	p0 =	slt.u32 s9, $0x3E  }
.Ltmp1:
0xd4: {  	v25 =	vadd.s32 s11, v20;
	[tilespmem:s7+$0x0] =	vst v23;
	v23 =	vld.idx.msk [tilespmem:v24+s29+$0x0], $0xffff;
	v24 =	vadd.s32 s10, v20;
	s7 =	smov.u32 s8;
	(pc) =	sbr.rel @p0 .LBB2_4-.Ltmp1, $2  }
0xd5: {  	_ =	sdelay $0x2  }
0xd6: {  	s10 =	sadd.s32 $0x20, s10  }
0xd7: {  	_ = 	snop  }
0xd8: {  	s9 =	sadd.s32 $0xFFFFFFF0, s10;
	v27 =	vadd.s32 s10, v20  }
0xd9: {  	v26 =	vadd.s32 s9, v20;
	_ =	sdelay $0x1  }
0xda: {  	v25 =	vld.idx.msk [tilespmem:v25+s29+$0x0], $0xffff  }
0xdb: {  	v24 =	vld.idx.msk [tilespmem:v24+s29+$0x0], $0xffff  }
0xdc: {  	[tilespmem:s7+$0xFFFFFFF0] =	vst v22;
	v22 =	vld.idx.msk [tilespmem:v27+s29+$0x0], $0xffff  }
0xdd: {  	v26 =	vld.idx.msk [tilespmem:v26+s29+$0x0], $0xffff  }
0xde: {  	s8 =	sadd.s32 $0x20, s8;
	[tilespmem:s7+$0x0] =	vst v23  }
0xdf: {  	[tilespmem:s8+$0xFFFFFFF0] =	vst v25  }
0xe0: {  	s11 =	sadd.s32 $0x20, s8;
	[tilespmem:s8+$0x0] =	vst v24  }
0xe1: {  	[tilespmem:s11+$0x0] =	vst v22  }
0xe2: {  	s12 =	simm.s32 $0x0;
	s10 =	simm.s32 $0x0;
	s9 =	simm.s32 $0x0;
	[tilespmem:s11+$0xFFFFFFF0] =	vst v26  }
0xe3: {  	s7 =	sand.u32 $0x1C00, s12;
	s8 =	sand.u32 $0x2000, s9;
	_ =	swait.ge [sflag:s30], $0x4000  }
0xe4: {  	s7 =	sor.u32 s7, s8;
	s11 =	sand.u32 $0x380, s10;
	[sflag:s30] =	ssyncset.done $0x0  }
0xe5: {  	s7 =	sor.u32 s11, s7;
	s13 =	rddreg [dreg:$0x8];
	[sflag:s30] =	ssyncadd.s32 $0xFFFFC000  }
0xe6: {  	[tilespmem:s31], [sflag:$0x2] =	stream.linear.gather [hbm4b:s13+s12], $0x4000, $0x38;
	[tilespmem:$0x14A00] =	vst v63  }
0xe7: {  	v22 =	vld [tilespmem:s7+$0x4A70]  }
0xe8: {  	v23 =	vld [tilespmem:s7+$0x4A10]  }
0xe9: {  	v24 =	vld [tilespmem:s7+$0x4A00]  }
0xea: {  	v27 =	vld [tilespmem:s7+$0x4A40]  }
0xeb: {  	v32 =	vld [tilespmem:s7+$0x4A30];
	_ =	sdelay $0x1  }
0xec: {  	v22 =	vmax.f32 v22, $-8.000000000e+00  }
0xed: {  	v23 =	vmax.f32 v23, $-8.000000000e+00;
	v24 =	vmax.f32 v24, $-8.000000000e+00;
	v22 =	vmin.f32 v22, $8.000000000e+00  }
0xee: {  	v26 =	vld [tilespmem:s7+$0x4A20];
	v27 =	vmax.f32 v27, $-8.000000000e+00;
	v23 =	vmin.f32 v23, $8.000000000e+00;
	v25 =	vadd.f32 $8.000000000e+00, v22  }
0xef: {  	v35 =	vld [tilespmem:s7+$0x4A60];
	v32 =	vmax.f32 v32, $-8.000000000e+00;
	v24 =	vmin.f32 v24, $8.000000000e+00;
	v28 =	vadd.f32 $8.000000000e+00, v23  }
0xf0: {  	v27 =	vmin.f32 v27, $8.000000000e+00;
	v31 =	vadd.f32 $8.000000000e+00, v24;
	v25 =	vmul.f32 $6.243750000e+01, v25  }
0xf1: {  	v32 =	vmin.f32 v32, $8.000000000e+00;
	v36 =	vadd.f32 $8.000000000e+00, v27;
	v28 =	vmul.f32 $6.243750000e+01, v28  }
0xf2: {  	v29 =	vld [tilespmem:s7+$0x4A50];
	v40 =	vadd.f32 $8.000000000e+00, v32;
	v31 =	vmul.f32 $6.243750000e+01, v31;
	v30 =	vtrunc.f32 v25  }
0xf3: {  	s9 =	simm.s32 $0x400;
	s12 =	simm.s32 $0x80;
	v26 =	vmax.f32 v26, $-8.000000000e+00;
	v36 =	vmul.f32 $6.243750000e+01, v36;
	v30 =	vcvt.f32.s32 v30  }
0xf4: {  	s11 =	sand.u32 $0x1C00, s9;
	s13 =	simm.s32 $0x10;
	s8 =	sand.u32 $0x2000, s12;
	v35 =	vmax.f32 v35, $-8.000000000e+00;
	v40 =	vmul.f32 $6.243750000e+01, v40;
	v33 =	vtrunc.f32 v28  }
0xf5: {  	s10 =	sand.u32 $0x380, s13;
	s8 =	sor.u32 s11, s8;
	v35 =	vmin.f32 v35, $8.000000000e+00;
	v34 =	vtrunc.f32 v31;
	v33 =	vcvt.f32.s32 v33  }
0xf6: {  	s8 =	sor.u32 s10, s8;
	v49 =	vadd.f32 $8.000000000e+00, v35;
	v47 =	vtrunc.f32 v40;
	v48 =	vtrunc.f32 v36  }
0xf7: {  	v51 =	vld [tilespmem:s8+$0x4A10];
	v29 =	vmax.f32 v29, $-8.000000000e+00;
	v34 =	vcvt.f32.s32 v34;
	v47 =	vcvt.f32.s32 v47  }
0xf8: {  	v29 =	vmin.f32 v29, $8.000000000e+00;
	v63 =	vcvt.f32.s32 v48;
	v48 =	vmul.f32 $6.243750000e+01, v49;
	v49 =	vld [tilespmem:s8+$0x4A60]  }
0xf9: {  	v26 =	vmin.f32 v26, $8.000000000e+00;
	v37 =	vadd.f32 $8.000000000e+00, v29;
	v39 =	vld.idx.msk [tilespmem:v30+s29+$0x0], $0xffff  }
0xfa: {  	v38 =	vadd.f32 $8.000000000e+00, v26;
	v23 =	vmul.f32 v23, v21;
	v22 =	vmul.f32 v22, v21;
	v41 =	vld.idx.msk [tilespmem:v30+s0+$0x0], $0xffff  }
0xfb: {  	v24 =	vmul.f32 v24, v21;
	v37 =	vmul.f32 $6.243750000e+01, v37;
	v42 =	vld.idx.msk [tilespmem:v33+s0+$0x0], $0xffff  }
0xfc: {  	v29 =	vmul.f32 v29, v21;
	v38 =	vmul.f32 $6.243750000e+01, v38;
	v43 =	vld.idx.msk [tilespmem:v33+s29+$0x0], $0xffff  }
0xfd: {  	v32 =	vmul.f32 v32, v21;
	v44 =	vtrunc.f32 v37;
	v45 =	vld.idx.msk [tilespmem:v34+s29+$0x0], $0xffff  }
0xfe: {  	v62 =	vtrunc.f32 v38;
	v44 =	vcvt.f32.s32 v44;
	v54 =	vld.idx.msk [tilespmem:v47+s29+$0x0], $0xffff  }
0xff: {  	v46 =	vcvt.s32.f32 v34;
	v33 =	vcvt.s32.f32 v33;
	v57 =	vld.idx.msk [tilespmem:v47+s0+$0x0], $0xffff  }
0x100: {  	v52 =	vcvt.s32.f32 v47;
	v30 =	vcvt.s32.f32 v30;
	v34 =	vld.idx.msk [tilespmem:v34+s0+$0x0], $0xffff  }
0x101: {  	v56 =	vcvt.s32.f32 v44;
	v59 =	vcvt.s32.f32 v63;
	v58 =	vld.idx.msk [tilespmem:v63+s0+$0x0], $0xffff;
	v28 =	vsub.f32 v28, v33  }
0x102: {  	v25 =	vsub.f32 v25, v30;
	v33 =	vcvt.f32.s32 v62;
	v30 =	vsub.f32 v42, v43;
	v42 =	vld.idx.msk [tilespmem:v63+s29+$0x0], $0xffff  }
0x103: {  	v31 =	vsub.f32 v31, v46;
	v55 =	vsub.f32 v40, v52;
	v46 =	vmul.f32 v26, v21;
	v63 =	vld [tilespmem:s8+$0x4A20]  }
0x104: {  	v61 =	vcvt.s32.f32 v33;
	v41 =	vsub.f32 v41, v39;
	v26 =	vsub.f32 v57, v54;
	v57 =	vld [tilespmem:s8+$0x4A50]  }
0x105: {  	v36 =	vsub.f32 v36, v59;
	v34 =	vsub.f32 v34, v45;
	v28 =	vmul.f32 v28, v30  }
0x106: {  	v38 =	vsub.f32 v38, v61;
	v25 =	vmul.f32 v25, v41;
	v26 =	vmul.f32 v55, v26  }
0x107: {  	v53 =	vld.idx.msk [tilespmem:v44+s0+$0x0], $0xffff;
	v31 =	vmul.f32 v31, v34;
	v41 =	vmax.f32 v49, $-8.000000000e+00;
	v28 =	vadd.f32 v28, v43  }
0x108: {  	v30 =	vld.idx.msk [tilespmem:v44+s29+$0x0], $0xffff;
	v25 =	vadd.f32 v25, v39;
	v26 =	vadd.f32 v26, v54;
	v54 =	vmax.f32 v51, $-8.000000000e+00  }
0x109: {  	v50 =	vsub.f32 v58, v42;
	v52 =	vmax.f32 v63, $-8.000000000e+00;
	v47 =	vmax.f32 v57, $-8.000000000e+00  }
0x10a: {  	v44 =	vld.idx.msk [tilespmem:v33+s29+$0x0], $0xffff;
	v23 =	vadd.f32 v28, v23;
	v28 =	vadd.f32 v31, v45;
	v31 =	vmul.f32 v35, v21  }
0x10b: {  	v33 =	vld.idx.msk [tilespmem:v33+s0+$0x0], $0xffff;
	v22 =	vadd.f32 v25, v22;
	v25 =	vtrunc.f32 v48;
	v26 =	vadd.f32 v26, v32  }
0x10c: {  	v45 =	vmin.f32 v54, $8.000000000e+00;
	v25 =	vcvt.f32.s32 v25;
	v34 =	vmul.f32 v36, v50  }
0x10d: {  	v60 =	vld [tilespmem:s8+$0x4A70];
	v62 =	vsub.f32 v53, v30;
	v35 =	vmul.f32 v45, v21;
	v23 =	vmul.f32 $1.442695020e+00, v23  }
0x10e: {  	v24 =	vadd.f32 v28, v24;
	v28 =	vsub.f32 v37, v56;
	v40 =	vmul.f32 $1.442695020e+00, v22  }
0x10f: {  	v32 =	vadd.f32 $8.000000000e+00, v45;
	v22 =	vld [tilespmem:s8+$0x4A00];
	v37 =	vmul.f32 v27, v21;
	v26 =	vmul.f32 $1.442695020e+00, v26  }
0x110: {  	v33 =	vsub.f32 v33, v44;
	v28 =	vmul.f32 v28, v62;
	(erf) = vpow2.f32 v23;
	v23 =	vld [tilespmem:s8+$0x4A40]  }
0x111: {  	v27 =	vcvt.s32.f32 v25;
	v34 =	vadd.f32 v34, v42;
	v24 =	vmul.f32 $1.442695020e+00, v24  }
0x112: {  	v38 =	vmul.f32 v38, v33;
	v28 =	vadd.f32 v28, v30;
	v30 =	vmax.f32 v60, $-8.000000000e+00  }
0x113: {  	v34 =	vadd.f32 v34, v37;
	(erf) = vpow2.f32 v24;
	v30 =	vmin.f32 v30, $8.000000000e+00  }
0x114: {  	v22 =	vmax.f32 v22, $-8.000000000e+00;
	v53 =	vadd.f32 $8.000000000e+00, v30;
	v28 =	vadd.f32 v28, v29;
	v29 =	vld [tilespmem:s8+$0x4A30]  }
0x115: {  	(erf) = vpow2.f32 v26;
	v24 =	vmin.f32 v22, $8.000000000e+00;
	v22 =	vmax.f32 v23, $-8.000000000e+00  }
0x116: {  	v34 =	vmul.f32 $1.442695020e+00, v34;
	v43 =	vmul.f32 $6.243750000e+01, v53;
	v22 =	vmin.f32 v22, $8.000000000e+00  }
0x117: {  	v36 =	vld.idx.msk [tilespmem:v25+s29+$0x0], $0xffff;
	v23 =	vmin.f32 v41, $8.000000000e+00;
	v41 =	vsub.f32 v48, v27;
	v56 =	vadd.f32 $8.000000000e+00, v22  }
0x118: {  	v27 =	vld.idx.msk [tilespmem:v25+s0+$0x0], $0xffff;
	v25 =	vmin.f32 v52, $8.000000000e+00;
	v50 =	vmul.f32 $1.442695020e+00, v28;
	v55 =	vtrunc.f32 v43  }
0x119: {  	v58 =	vpop (erf);
	v29 =	vmax.f32 v29, $-8.000000000e+00;
	v28 =	vmul.f32 $6.243750000e+01, v56;
	v39 =	vcvt.f32.s32 v55  }
0x11a: {  	v55 =	vadd.f32 $8.000000000e+00, v23;
	v23 =	vmul.f32 v23, v21;
	v48 =	vadd.f32 $1.000000000e+00, v58  }
0x11b: {  	v26 =	vmin.f32 v29, $8.000000000e+00;
	v29 =	vadd.f32 $8.000000000e+00, v25;
	v53 =	vcvt.s32.f32 v39  }
0x11c: {  	v59 =	vadd.f32 $8.000000000e+00, v24;
	(erf) = vrcp.f32 v48;
	v48 =	vmul.f32 $6.243750000e+01, v32  }
0x11d: {  	v60 =	vsub.f32 v27, v36;
	v54 =	vtrunc.f32 v28;
	v27 =	vmul.f32 $6.243750000e+01, v29  }
0x11e: {  	v29 =	vmin.f32 v47, $8.000000000e+00;
	v47 =	vmul.f32 $6.243750000e+01, v59;
	v52 =	vtrunc.f32 v48  }
0x11f: {  	v38 =	vadd.f32 v38, v44;
	v41 =	vmul.f32 v41, v60;
	v52 =	vcvt.f32.s32 v52  }
0x120: {  	v61 =	vpop (erf);
	v62 =	vadd.f32 $8.000000000e+00, v29;
	(erf) = vpow2.f32 v40;
	v40 =	vcvt.f32.s32 v54  }
0x121: {  	v57 =	vtrunc.f32 v47;
	v58 =	vtrunc.f32 v27;
	v36 =	vadd.f32 v41, v36;
	v56 =	vld.idx.msk [tilespmem:v39+s29+$0x0], $0xffff  }
0x122: {  	v51 =	vadd.f32 $8.000000000e+00, v26;
	(erf) = vpow2.f32 v50;
	v42 =	vcvt.f32.s32 v57;
	v39 =	vld.idx.msk [tilespmem:v39+s0+$0x0], $0xffff  }
0x123: {  	v33 =	vmul.f32 $6.243750000e+01, v62;
	v31 =	vadd.f32 v36, v31;
	v63 =	vcvt.s32.f32 v52  }
0x124: {  	v32 =	vadd.f32 $1.000000000e+00, v61;
	(erf) = vpow2.f32 v34;
	v59 =	vcvt.s32.f32 v42  }
0x125: {  	v61 =	vtrunc.f32 v33;
	v31 =	vmul.f32 $1.442695020e+00, v31;
	v37 =	vsub.f32 v48, v63;
	v60 =	vld.idx.msk [tilespmem:v52+s0+$0x0], $0xffff  }
0x126: {  	v48 =	vmul.f32 $6.243750000e+01, v51;
	v63 =	vsub.f32 v43, v53;
	v53 =	vcvt.f32.s32 v61;
	v41 =	vld.idx.msk [tilespmem:v52+s29+$0x0], $0xffff  }
0x127: {  	v57 =	vpop (erf);
	v49 =	vsub.f32 v39, v56;
	(erf) = vpow2.f32 v31;
	v31 =	vmul.f32 $6.243750000e+01, v55  }
0x128: {  	v46 =	vadd.f32 v38, v46;
	v62 =	vtrunc.f32 v48;
	v52 =	vmul.f32 v30, v21;
	v34 =	vld.idx.msk [tilespmem:v42+s29+$0x0], $0xffff  }
0x129: {  	v38 =	vsub.f32 v47, v59;
	v30 =	vcvt.f32.s32 v58;
	v42 =	vld.idx.msk [tilespmem:v42+s0+$0x0], $0xffff;
	v36 =	vmul.f32 v63, v49  }
0x12a: {  	v59 =	vadd.f32 $1.000000000e+00, v57;
	v58 =	vmul.f32 $1.442695020e+00, v46;
	v43 =	vcvt.f32.s32 v62  }
0x12b: {  	v45 =	vcvt.s32.f32 v53;
	v62 =	vpop (erf);
	v63 =	vadd.f32 v36, v56;
	v60 =	vsub.f32 v60, v41  }
0x12c: {  	v61 =	vcvt.s32.f32 v43;
	v46 =	vpop (erf);
	(erf) = vpow2.f32 v58  }
0x12d: {  	v36 =	vld.idx.msk [tilespmem:v53+s29+$0x0], $0xffff;
	v39 =	vadd.f32 v63, v52;
	v49 =	vpop (erf);
	(erf) = vrcp.f32 v59;
	v47 =	vmul.f32 v37, v60  }
0x12e: {  	s10 =	simm.s32 $0x8;
	[tilespmem:s7+$0xCA10] =	vst v62;
	v44 =	vld.idx.msk [tilespmem:v53+s0+$0x0], $0xffff;
	v50 =	vpop (erf);
	v37 =	vsub.f32 v48, v61;
	v48 =	vsub.f32 v42, v34;
	v42 =	vtrunc.f32 v31  }
.LBB2_6:
0x12f: {  	s10 =	sadd.s32 $0x8, s10;
	v41 =	vadd.f32 v47, v41;
	v47 =	vadd.f32 $1.000000000e+00, v49;
	(erf) = vrcp.f32 v32  }
0x130: {  	s9 =	sadd.s32 $0x400, s9;
	v46 =	vadd.f32 $1.000000000e+00, v46;
	s11 =	sshll.u32 s10, $0x4;
	s12 =	sshll.u32 s10, $0x1;
	v32 =	vmul.f32 v38, v48;
	v48 =	vld.idx.msk [tilespmem:v43+s29+$0x0], $0xffff;
	v38 =	vadd.f32 $1.000000000e+00, v50  }
0x131: {  	s13 =	sand.u32 $0x1C00, s9;
	p0 =	slt.u32 s10, $0x3F8;
	s11 =	sand.u32 $0x2000, s11;
	v35 =	vadd.f32 v41, v35;
	v41 =	vld.idx.msk [tilespmem:v43+s0+$0x0], $0xffff;
	v43 =	vcvt.s32.f32 v40;
	(erf) = vrcp.f32 v47  }
0x132: {  	v24 =	vmul.f32 v24, v21;
	s12 =	sand.u32 $0x380, s12;
	s11 =	sor.u32 s13, s11;
	v32 =	vadd.f32 v32, v34;
	v47 =	vld.idx.msk [tilespmem:v40+s0+$0x0], $0xffff;
	(erf) = vrcp.f32 v46  }
0x133: {  	v33 =	vsub.f32 v33, v45;
	s11 =	sor.u32 s12, s11;
	v46 =	vmul.f32 $1.442695020e+00, v35;
	v28 =	vsub.f32 v28, v43;
	v35 =	vld.idx.msk [tilespmem:v40+s29+$0x0], $0xffff;
	v34 =	vpop (erf)  }
0x134: {  	v40 =	vld [tilespmem:s11+$0x4A70];
	v24 =	vadd.f32 v32, v24;
	v32 =	vadd.f32 $1.000000000e+00, v34;
	(erf) = vrcp.f32 v38  }
0x135: {  	v38 =	vcvt.s32.f32 v30;
	v34 =	vmul.f32 v25, v21;
	v25 =	vsub.f32 v44, v36;
	v43 =	vld [tilespmem:s11+$0x4A20];
	v44 =	vpop (erf)  }
0x136: {  	v24 =	vmul.f32 $1.442695020e+00, v24;
	v44 =	vadd.f32 $1.000000000e+00, v44;
	(erf) = vrcp.f32 v32  }
0x137: {  	v29 =	vmul.f32 v29, v21;
	v50 =	vsub.f32 v41, v48;
	v25 =	vmul.f32 v33, v25;
	v32 =	vld [tilespmem:s11+$0x4A60];
	v33 =	vpop (erf)  }
0x138: {  	v49 =	vmul.f32 $1.442695020e+00, v39;
	v45 =	vsub.f32 v27, v38;
	v38 =	vld.idx.msk [tilespmem:v30+s29+$0x0], $0xffff;
	v27 =	vpop (erf);
	(erf) = vrcp.f32 v44  }
0x139: {  	v26 =	vmul.f32 v26, v21;
	v37 =	vmul.f32 v37, v50;
	v25 =	vadd.f32 v25, v36;
	v39 =	vld [tilespmem:s11+$0x4A00];
	[tilespmem:s7+$0xCA30] =	vst v33  }
0x13a: {  	v36 =	vcvt.f32.s32 v42;
	v33 =	vld [tilespmem:s11+$0x4A40];
	(erf) = vpow2.f32 v46;
	v41 =	vpop (erf)  }
0x13b: {  	v42 =	vsub.f32 v47, v35;
	v40 =	vmax.f32 v40, $-8.000000000e+00;
	v37 =	vadd.f32 v37, v48;
	[tilespmem:s7+$0xCA50] =	vst v41;
	v41 =	vpop (erf)  }
0x13c: {  	v40 =	vmin.f32 v40, $8.000000000e+00;
	v46 =	vmul.f32 v22, v21;
	v22 =	vcvt.s32.f32 v36;
	v44 =	vld [tilespmem:s11+$0x4A10];
	[tilespmem:s7+$0xCA00] =	vst v27  }
0x13d: {  	v27 =	vmax.f32 v43, $-8.000000000e+00;
	v43 =	vadd.f32 $8.000000000e+00, v40;
	(erf) = vpow2.f32 v24;
	[tilespmem:s7+$0xCA70] =	vst v41;
	v24 =	vpop (erf)  }
0x13e: {  	v29 =	vadd.f32 v25, v29;
	v32 =	vmax.f32 v32, $-8.000000000e+00;
	v39 =	vmax.f32 v39, $-8.000000000e+00;
	[tilespmem:s7+$0xCA40] =	vst v24  }
0x13f: {  	v26 =	vadd.f32 v37, v26;
	v43 =	vmul.f32 $6.243750000e+01, v43;
	v24 =	vmin.f32 v39, $8.000000000e+00;
	v41 =	vld [tilespmem:s11+$0x4A30];
	v25 =	vpop (erf)  }
0x140: {  	v31 =	vsub.f32 v31, v22;
	v33 =	vmax.f32 v33, $-8.000000000e+00;
	v39 =	vmin.f32 v32, $8.000000000e+00;
	v32 =	vld.idx.msk [tilespmem:v36+s0+$0x0], $0xffff;
	[tilespmem:s7+$0xCA60] =	vst v25  }
0x141: {  	v42 =	vmul.f32 v28, v42;
	v37 =	vtrunc.f32 v43;
	v22 =	vmax.f32 v44, $-8.000000000e+00;
	v36 =	vld.idx.msk [tilespmem:v36+s29+$0x0], $0xffff;
	v28 =	vpop (erf)  }
0x142: {  	v25 =	vmin.f32 v27, $8.000000000e+00;
	v44 =	vmin.f32 v22, $8.000000000e+00;
	v22 =	vmin.f32 v33, $8.000000000e+00;
	v27 =	vld.idx.msk [tilespmem:v30+s0+$0x0], $0xffff;
	[tilespmem:s7+$0xCA20] =	vst v28;
	s7 =	smov.u32 s8;
	s8 =	smov.u32 s11  }
0x143: {  	v26 =	vmul.f32 $1.442695020e+00, v26;
	v30 =	vadd.f32 $8.000000000e+00, v44;
	v28 =	vadd.f32 $8.000000000e+00, v22;
	v33 =	vld [tilespmem:s8+$0x4A50];
	v47 =	vpop (erf)  }
0x144: {  	v50 =	vmul.f32 $1.442695020e+00, v29;
	v48 =	vadd.f32 $8.000000000e+00, v24;
	v47 =	vadd.f32 $1.000000000e+00, v47  }
0x145: {  	v41 =	vmax.f32 v41, $-8.000000000e+00;
	v28 =	vmul.f32 $6.243750000e+01, v28;
	(erf) = vpow2.f32 v26  }
0x146: {  	v37 =	vcvt.f32.s32 v37;
	v26 =	vmin.f32 v41, $8.000000000e+00;
	v29 =	vpop (erf);
	(erf) = vrcp.f32 v47  }
0x147: {  	v30 =	vmul.f32 $6.243750000e+01, v30;
	v41 =	vadd.f32 $8.000000000e+00, v25;
	v47 =	vsub.f32 v32, v36  }
0x148: {  	v51 =	vadd.f32 $8.000000000e+00, v26;
	v52 =	vsub.f32 v27, v38;
	v33 =	vmax.f32 v33, $-8.000000000e+00  }
0x149: {  	v53 =	vtrunc.f32 v30;
	v27 =	vmul.f32 $6.243750000e+01, v41;
	v32 =	vadd.f32 $1.000000000e+00, v29  }
0x14a: {  	v41 =	vcvt.f32.s32 v53;
	v53 =	vcvt.s32.f32 v37;
	v29 =	vmin.f32 v33, $8.000000000e+00  }
0x14b: {  	v48 =	vmul.f32 $6.243750000e+01, v48;
	v45 =	vmul.f32 v45, v52;
	v33 =	vadd.f32 $8.000000000e+00, v29  }
0x14c: {  	v42 =	vadd.f32 v42, v35;
	v54 =	vtrunc.f32 v28;
	v52 =	vcvt.s32.f32 v41;
	v55 =	vld.idx.msk [tilespmem:v37+s29+$0x0], $0xffff  }
0x14d: {  	v56 =	vadd.f32 $8.000000000e+00, v39;
	v35 =	vtrunc.f32 v48;
	v31 =	vmul.f32 v31, v47  }
0x14e: {  	v47 =	vcvt.f32.s32 v35;
	v52 =	vsub.f32 v30, v52;
	v37 =	vld.idx.msk [tilespmem:v37+s0+$0x0], $0xffff;
	v57 =	vpop (erf);
	(erf) = vpow2.f32 v49  }
0x14f: {  	v42 =	vadd.f32 v42, v46;
	v35 =	vmul.f32 v44, v21;
	v30 =	vtrunc.f32 v27;
	v44 =	vpop (erf)  }
0x150: {  	v46 =	vcvt.s32.f32 v47;
	v31 =	vadd.f32 v31, v36;
	v33 =	vmul.f32 $6.243750000e+01, v33;
	[tilespmem:s7+$0xCA10] =	vst v44  }
0x151: {  	v42 =	vmul.f32 $1.442695020e+00, v42;
	v45 =	vadd.f32 v45, v38;
	v44 =	vmul.f32 $6.243750000e+01, v51;
	v36 =	vld.idx.msk [tilespmem:v41+s0+$0x0], $0xffff  }
0x152: {  	v38 =	vsub.f32 v48, v46;
	v46 =	vtrunc.f32 v33;
	v41 =	vld.idx.msk [tilespmem:v41+s29+$0x0], $0xffff;
	(erf) = vpow2.f32 v50  }
0x153: {  	v45 =	vadd.f32 v45, v34;
	v48 =	vtrunc.f32 v44;
	(erf) = vpow2.f32 v42  }
0x154: {  	v23 =	vadd.f32 v31, v23;
	v49 =	vmul.f32 v40, v21;
	v42 =	vsub.f32 v43, v53;
	v34 =	vld.idx.msk [tilespmem:v47+s29+$0x0], $0xffff  }
0x155: {  	v30 =	vcvt.f32.s32 v30;
	v50 =	vcvt.f32.s32 v46;
	v31 =	vsub.f32 v37, v55  }
0x156: {  	v23 =	vmul.f32 $1.442695020e+00, v23;
	v43 =	vcvt.f32.s32 v48;
	v51 =	vld.idx.msk [tilespmem:v47+s0+$0x0], $0xffff  }
0x157: {  	v53 =	vadd.f32 $1.000000000e+00, v57;
	v37 =	vmul.f32 v42, v31;
	v42 =	vmul.f32 $1.442695020e+00, v45;
	v46 =	vpop (erf)  }
.Ltmp2:
0x158: {  	v45 =	vcvt.s32.f32 v43;
	v36 =	vsub.f32 v36, v41;
	(erf) = vpow2.f32 v23;
	(pc) =	sbr.rel @p0 .LBB2_6-.Ltmp2, $4  }
0x159: {  	v40 =	vcvt.f32.s32 v54;
	v31 =	vmul.f32 $6.243750000e+01, v56;
	v48 =	vadd.f32 v37, v55  }
0x15a: {  	v37 =	vsub.f32 v44, v45;
	v47 =	vmul.f32 v52, v36;
	(erf) = vpow2.f32 v42  }
0x15b: {  	v45 =	vcvt.s32.f32 v50;
	v23 =	vmul.f32 v39, v21;
	v39 =	vadd.f32 v48, v49;
	v36 =	vld.idx.msk [tilespmem:v50+s29+$0x0], $0xffff;
	v49 =	vpop (erf)  }
0x15c: {  	v42 =	vtrunc.f32 v31;
	v48 =	vsub.f32 v51, v34;
	v44 =	vld.idx.msk [tilespmem:v50+s0+$0x0], $0xffff;
	(erf) = vrcp.f32 v53;
	v50 =	vpop (erf)  }
0x15d: {  	_ =	sdelay $0x3  }
0x15e: {  	v57 =	vadd.f32 $1.000000000e+00, v49;
	v58 =	vadd.f32 $1.000000000e+00, v46;
	v46 =	vld.idx.msk [tilespmem:v43+s29+$0x0], $0xffff  }
0x15f: {  	v41 =	vadd.f32 v47, v41;
	(erf) = vrcp.f32 v32;
	v61 =	vld.idx.msk [tilespmem:v43+s0+$0x0], $0xffff;
	v42 =	vcvt.f32.s32 v42  }
0x160: {  	v59 =	vadd.f32 $1.000000000e+00, v50;
	v24 =	vmul.f32 v24, v21;
	(erf) = vrcp.f32 v57;
	v60 =	vpop (erf)  }
0x161: {  	v35 =	vadd.f32 v41, v35;
	(erf) = vrcp.f32 v58;
	v62 =	vadd.f32 $1.000000000e+00, v60;
	v63 =	vpop (erf)  }
0x162: {  	v49 =	vld.idx.msk [tilespmem:v40+s29+$0x0], $0xffff;
	v38 =	vmul.f32 v38, v48;
	(erf) = vrcp.f32 v59;
	v41 =	vadd.f32 $1.000000000e+00, v63  }
0x163: {  	v52 =	vld.idx.msk [tilespmem:v30+s29+$0x0], $0xffff;
	v35 =	vmul.f32 $1.442695020e+00, v35;
	(erf) = vrcp.f32 v62  }
0x164: {  	v33 =	vsub.f32 v33, v45;
	v48 =	vld.idx.msk [tilespmem:v40+s0+$0x0], $0xffff;
	v51 =	vsub.f32 v61, v46;
	(erf) = vrcp.f32 v41  }
0x165: {  	v50 =	vcvt.s32.f32 v40;
	v47 =	vadd.f32 v38, v34;
	v55 =	vld.idx.msk [tilespmem:v42+s0+$0x0], $0xffff;
	(erf) = vpow2.f32 v35  }
0x166: {  	v54 =	vcvt.s32.f32 v30;
	v44 =	vsub.f32 v44, v36;
	v57 =	vld.idx.msk [tilespmem:v42+s29+$0x0], $0xffff;
	v32 =	vmul.f32 v37, v51  }
0x167: {  	v30 =	vld.idx.msk [tilespmem:v30+s0+$0x0], $0xffff;
	v26 =	vmul.f32 v26, v21;
	v28 =	vsub.f32 v28, v50;
	v24 =	vadd.f32 v47, v24;
	v53 =	vpop (erf)  }
0x168: {  	v27 =	vsub.f32 v27, v54;
	v33 =	vmul.f32 v33, v44;
	v56 =	vpop (erf);
	v32 =	vadd.f32 v32, v46  }
0x169: {  	v60 =	vcvt.s32.f32 v42;
	v34 =	vsub.f32 v48, v49;
	v24 =	vmul.f32 $1.442695020e+00, v24;
	v58 =	vpop (erf)  }
0x16a: {  	v29 =	vmul.f32 v29, v21;
	v33 =	vadd.f32 v33, v36;
	v26 =	vadd.f32 v32, v26;
	v59 =	vpop (erf)  }
0x16b: {  	(erf) = vpow2.f32 v24;
	v24 =	vsub.f32 v31, v60;
	v63 =	vsub.f32 v55, v57;
	v61 =	vpop (erf)  }
0x16c: {  	v30 =	vsub.f32 v30, v52;
	v28 =	vmul.f32 v28, v34;
	v26 =	vmul.f32 $1.442695020e+00, v26;
	v62 =	vpop (erf)  }
0x16d: {  	v22 =	vmul.f32 v22, v21;
	v29 =	vadd.f32 v33, v29;
	v24 =	vmul.f32 v24, v63;
	v31 =	vpop (erf)  }
0x16e: {  	(erf) = vpow2.f32 v26;
	v26 =	vmul.f32 v27, v30;
	v27 =	vadd.f32 v28, v49;
	v44 =	vpop (erf)  }
0x16f: {  	v25 =	vmul.f32 v25, v21;
	v24 =	vadd.f32 v24, v57;
	v45 =	vadd.f32 $1.000000000e+00, v44  }
0x170: {  	v39 =	vmul.f32 $1.442695020e+00, v39;
	v28 =	vmul.f32 $1.442695020e+00, v29;
	v22 =	vadd.f32 v27, v22  }
0x171: {  	v26 =	vadd.f32 v26, v52;
	v23 =	vadd.f32 v24, v23;
	(erf) = vrcp.f32 v45  }
0x172: {  	v22 =	vmul.f32 $1.442695020e+00, v22;
	(erf) = vpow2.f32 v39  }
0x173: {  	v24 =	vadd.f32 v26, v25;
	v23 =	vmul.f32 $1.442695020e+00, v23;
	(erf) = vpow2.f32 v28;
	_ =	sdelay $0x1  }
0x174: {  	(erf) = vpow2.f32 v22;
	v22 =	vmul.f32 $1.442695020e+00, v24  }
0x175: {  	(erf) = vpow2.f32 v23  }
0x176: {  	v23 =	vpop (erf);
	(erf) = vpow2.f32 v22;
	_ =	sdelay $0x1  }
0x177: {  	v22 =	vpop (erf)  }
0x178: {  	v23 =	vadd.f32 $1.000000000e+00, v23;
	v24 =	vpop (erf)  }
0x179: {  	v22 =	vadd.f32 $1.000000000e+00, v22;
	v25 =	vpop (erf)  }
0x17a: {  	v26 =	vpop (erf);
	v25 =	vadd.f32 $1.000000000e+00, v25  }
0x17b: {  	(erf) = vrcp.f32 v22;
	v22 =	vadd.f32 $1.000000000e+00, v26  }
0x17c: {  	(erf) = vrcp.f32 v23;
	v23 =	vpop (erf)  }
0x17d: {  	[tilespmem:s7+$0xCA30] =	vst v53;
	(erf) = vrcp.f32 v22;
	v22 =	vadd.f32 $1.000000000e+00, v23;
	v23 =	vpop (erf)  }
0x17e: {  	[tilespmem:s7+$0xCA00] =	vst v56;
	(erf) = vrcp.f32 v25;
	v23 =	vadd.f32 $1.000000000e+00, v23;
	v25 =	vpop (erf)  }
0x17f: {  	[tilespmem:s7+$0xCA50] =	vst v58;
	(erf) = vrcp.f32 v22;
	v22 =	vadd.f32 $1.000000000e+00, v25  }
0x180: {  	[tilespmem:s7+$0xCA70] =	vst v59;
	(erf) = vrcp.f32 v23  }
0x181: {  	[tilespmem:s7+$0xCA40] =	vst v61;
	(erf) = vrcp.f32 v22  }
0x182: {  	[tilespmem:s7+$0xCA60] =	vst v62  }
0x183: {  	[tilespmem:s7+$0xCA20] =	vst v31  }
0x184: {  	[tilespmem:s8+$0xCA10] =	vst v24;
	v22 =	vpop (erf)  }
0x185: {  	v23 =	vpop (erf);
	[tilespmem:s8+$0xCA30] =	vst v22  }
0x186: {  	[tilespmem:s8+$0xCA00] =	vst v23;
	v22 =	vpop (erf)  }
0x187: {  	[tilespmem:s8+$0xCA50] =	vst v22;
	v22 =	vpop (erf)  }
0x188: {  	[tilespmem:s8+$0xCA70] =	vst v22;
	v22 =	vpop (erf)  }
0x189: {  	[tilespmem:s8+$0xCA40] =	vst v22;
	v22 =	vpop (erf)  }
0x18a: {  	[tilespmem:s8+$0xCA60] =	vst v22;
	v22 =	vpop (erf)  }
0x18b: {  	s13 =	simm.s32 $0x0;
	[tilespmem:s8+$0xCA20] =	vst v22  }
0x18c: {  	s11 =	simm.s32 $0x0;
	s9 =	simm.s32 $0x0;
	s8 =	rddreg [dreg:$0x9]  }
0x18d: {  	[hbm4b:s8+s13] =	stream.linear.scatter [tilespmem:s2], [sflag:$0x3], $0x4000, $0x38;
	[tilespmem:$0x14A00] =	vst v63  }
0x18e: {  	s7 =	sand.u32 $0x1C00, s13;
	s8 =	sand.u32 $0x2000, s11;
	_ =	swait.ge [sflag:s1], $0x4000  }
0x18f: {  	s12 =	sand.u32 $0x380, s9;
	s7 =	sor.u32 s7, s8;
	[sflag:s1] =	ssyncset.done $0x0  }
0x190: {  	s10 =	rddreg [dreg:$0xa];
	s7 =	sor.u32 s12, s7;
	[sflag:s1] =	ssyncadd.s32 $0xFFFFC000  }
0x191: {  	[tilespmem:s23], [sflag:$0x1] =	stream.linear.gather [hbm4b:s10+s13], $0x4000, $0x38;
	[tilespmem:$0x14A00] =	vst v63  }
0x192: {  	v22 =	vld [tilespmem:s7+$0x8A70];
	_ =	sdelay $0x1  }
0x193: {  	v23 =	vld [tilespmem:s7+$0x8A10];
	_ =	sdelay $0x1  }
0x194: {  	v24 =	vld [tilespmem:s7+$0x8A00]  }
0x195: {  	v27 =	vld [tilespmem:s7+$0x8A40];
	v22 =	vmax.f32 v22, $-8.000000000e+00  }
0x196: {  	v22 =	vmin.f32 v22, $8.000000000e+00  }
0x197: {  	v23 =	vmax.f32 v23, $-8.000000000e+00;
	v25 =	vadd.f32 $8.000000000e+00, v22  }
0x198: {  	v23 =	vmin.f32 v23, $8.000000000e+00  }
0x199: {  	v46 =	vld [tilespmem:s7+$0x8A30];
	v24 =	vmax.f32 v24, $-8.000000000e+00;
	v28 =	vadd.f32 $8.000000000e+00, v23;
	v25 =	vmul.f32 $6.243750000e+01, v25  }
0x19a: {  	v27 =	vmax.f32 v27, $-8.000000000e+00;
	v24 =	vmin.f32 v24, $8.000000000e+00  }
0x19b: {  	v26 =	vld [tilespmem:s7+$0x8A20];
	v31 =	vadd.f32 $8.000000000e+00, v24;
	v28 =	vmul.f32 $6.243750000e+01, v28;
	v30 =	vtrunc.f32 v25  }
0x19c: {  	v29 =	vld [tilespmem:s7+$0x8A50];
	v27 =	vmin.f32 v27, $8.000000000e+00;
	v30 =	vcvt.f32.s32 v30  }
0x19d: {  	v50 =	vadd.f32 $8.000000000e+00, v27;
	v31 =	vmul.f32 $6.243750000e+01, v31;
	v47 =	vtrunc.f32 v28  }
0x19e: {  	v32 =	vmax.f32 v46, $-8.000000000e+00;
	v33 =	vcvt.f32.s32 v47  }
0x19f: {  	v32 =	vmin.f32 v32, $8.000000000e+00;
	v36 =	vmul.f32 $6.243750000e+01, v50;
	v48 =	vtrunc.f32 v31  }
0x1a0: {  	v49 =	vld [tilespmem:s7+$0x8A60];
	v53 =	vadd.f32 $8.000000000e+00, v32;
	v34 =	vcvt.f32.s32 v48  }
0x1a1: {  	v26 =	vmax.f32 v26, $-8.000000000e+00;
	v29 =	vmax.f32 v29, $-8.000000000e+00;
	v60 =	vtrunc.f32 v36  }
0x1a2: {  	v26 =	vmin.f32 v26, $8.000000000e+00;
	v40 =	vmul.f32 $6.243750000e+01, v53;
	v63 =	vcvt.f32.s32 v60;
	v39 =	vld.idx.msk [tilespmem:v30+s29+$0x0], $0xffff  }
0x1a3: {  	v29 =	vmin.f32 v29, $8.000000000e+00;
	v23 =	vmul.f32 v23, v21;
	v22 =	vmul.f32 v22, v21;
	v54 =	vld.idx.msk [tilespmem:v30+s0+$0x0], $0xffff  }
0x1a4: {  	v51 =	vadd.f32 $8.000000000e+00, v29;
	v24 =	vmul.f32 v24, v21;
	v59 =	vtrunc.f32 v40;
	v55 =	vld.idx.msk [tilespmem:v33+s0+$0x0], $0xffff  }
0x1a5: {  	v35 =	vmax.f32 v49, $-8.000000000e+00;
	v46 =	vmul.f32 v26, v21;
	v47 =	vcvt.f32.s32 v59;
	v56 =	vld.idx.msk [tilespmem:v33+s29+$0x0], $0xffff  }
0x1a6: {  	s9 =	simm.s32 $0x400;
	s13 =	simm.s32 $0x80;
	v52 =	vadd.f32 $8.000000000e+00, v26;
	v37 =	vmul.f32 $6.243750000e+01, v51;
	v58 =	vcvt.s32.f32 v34;
	v45 =	vld.idx.msk [tilespmem:v34+s29+$0x0], $0xffff  }
0x1a7: {  	s11 =	sand.u32 $0x1C00, s9;
	s10 =	simm.s32 $0x10;
	s8 =	sand.u32 $0x2000, s13;
	v35 =	vmin.f32 v35, $8.000000000e+00;
	v29 =	vmul.f32 v29, v21;
	v32 =	vmul.f32 v32, v21;
	v34 =	vld.idx.msk [tilespmem:v34+s0+$0x0], $0xffff  }
0x1a8: {  	s10 =	sand.u32 $0x380, s10;
	s8 =	sor.u32 s11, s8;
	v38 =	vmul.f32 $6.243750000e+01, v52;
	v57 =	vtrunc.f32 v37;
	v31 =	vsub.f32 v31, v58;
	v58 =	vld.idx.msk [tilespmem:v63+s0+$0x0], $0xffff  }
0x1a9: {  	s8 =	sor.u32 s10, s8;
	v61 =	vadd.f32 $8.000000000e+00, v35;
	v44 =	vcvt.f32.s32 v57;
	v59 =	vcvt.s32.f32 v63;
	v42 =	vld.idx.msk [tilespmem:v63+s29+$0x0], $0xffff  }
0x1aa: {  	v49 =	vld [tilespmem:s8+$0x8A60];
	v30 =	vcvt.s32.f32 v30;
	v33 =	vcvt.s32.f32 v33  }
0x1ab: {  	v62 =	vtrunc.f32 v38;
	v48 =	vmul.f32 $6.243750000e+01, v61;
	v36 =	vsub.f32 v36, v59;
	v57 =	vld.idx.msk [tilespmem:v47+s0+$0x0], $0xffff  }
0x1ac: {  	v63 =	vld [tilespmem:s8+$0x8A20];
	v28 =	vsub.f32 v28, v33;
	v25 =	vsub.f32 v25, v30;
	v33 =	vcvt.f32.s32 v62  }
0x1ad: {  	v52 =	vcvt.s32.f32 v47;
	v30 =	vsub.f32 v55, v56;
	v41 =	vsub.f32 v54, v39;
	v54 =	vld.idx.msk [tilespmem:v47+s29+$0x0], $0xffff  }
0x1ae: {  	v61 =	vcvt.s32.f32 v33;
	v34 =	vsub.f32 v34, v45;
	v50 =	vsub.f32 v58, v42  }
0x1af: {  	v53 =	vld.idx.msk [tilespmem:v44+s0+$0x0], $0xffff;
	v55 =	vsub.f32 v40, v52;
	v28 =	vmul.f32 v28, v30;
	v25 =	vmul.f32 v25, v41  }
0x1b0: {  	v38 =	vsub.f32 v38, v61;
	v30 =	vld.idx.msk [tilespmem:v44+s29+$0x0], $0xffff;
	v31 =	vmul.f32 v31, v34;
	v34 =	vmul.f32 v36, v50  }
0x1b1: {  	v52 =	vmax.f32 v63, $-8.000000000e+00;
	v28 =	vadd.f32 v28, v56;
	v25 =	vadd.f32 v25, v39  }
0x1b2: {  	v51 =	vld [tilespmem:s8+$0x8A10];
	v41 =	vmax.f32 v49, $-8.000000000e+00;
	v34 =	vadd.f32 v34, v42;
	v26 =	vsub.f32 v57, v54  }
0x1b3: {  	v56 =	vcvt.s32.f32 v44;
	v44 =	vld.idx.msk [tilespmem:v33+s29+$0x0], $0xffff;
	v23 =	vadd.f32 v28, v23;
	v28 =	vadd.f32 v31, v45  }
0x1b4: {  	v33 =	vld.idx.msk [tilespmem:v33+s0+$0x0], $0xffff;
	v31 =	vmul.f32 v35, v21;
	v22 =	vadd.f32 v25, v22;
	v25 =	vtrunc.f32 v48  }
0x1b5: {  	v57 =	vld [tilespmem:s8+$0x8A50];
	v62 =	vsub.f32 v53, v30;
	v26 =	vmul.f32 v55, v26;
	v25 =	vcvt.f32.s32 v25  }
0x1b6: {  	v23 =	vmul.f32 $1.442695020e+00, v23;
	v24 =	vadd.f32 v28, v24;
	v28 =	vsub.f32 v37, v56  }
0x1b7: {  	v60 =	vld [tilespmem:s8+$0x8A70];
	v40 =	vmul.f32 $1.442695020e+00, v22;
	v37 =	vmul.f32 v27, v21;
	v26 =	vadd.f32 v26, v54  }
0x1b8: {  	v27 =	vcvt.s32.f32 v25;
	v54 =	vmax.f32 v51, $-8.000000000e+00;
	v24 =	vmul.f32 $1.442695020e+00, v24  }
0x1b9: {  	v22 =	vld [tilespmem:s8+$0x8A00];
	v33 =	vsub.f32 v33, v44;
	v28 =	vmul.f32 v28, v62;
	(erf) = vpow2.f32 v23  }
0x1ba: {  	v23 =	vld [tilespmem:s8+$0x8A40];
	v45 =	vmin.f32 v54, $8.000000000e+00;
	v47 =	vmax.f32 v57, $-8.000000000e+00;
	v34 =	vadd.f32 v34, v37  }
0x1bb: {  	v26 =	vadd.f32 v26, v32;
	v32 =	vadd.f32 $8.000000000e+00, v45;
	v38 =	vmul.f32 v38, v33  }
0x1bc: {  	v35 =	vmul.f32 v45, v21;
	v28 =	vadd.f32 v28, v30;
	v30 =	vmax.f32 v60, $-8.000000000e+00  }
0x1bd: {  	(erf) = vpow2.f32 v24;
	v34 =	vmul.f32 $1.442695020e+00, v34;
	v30 =	vmin.f32 v30, $8.000000000e+00  }
0x1be: {  	v22 =	vmax.f32 v22, $-8.000000000e+00;
	v53 =	vadd.f32 $8.000000000e+00, v30;
	v28 =	vadd.f32 v28, v29;
	v29 =	vld [tilespmem:s8+$0x8A30]  }
0x1bf: {  	v26 =	vmul.f32 $1.442695020e+00, v26;
	v24 =	vmin.f32 v22, $8.000000000e+00;
	v22 =	vmax.f32 v23, $-8.000000000e+00  }
0x1c0: {  	v23 =	vmin.f32 v41, $8.000000000e+00;
	v43 =	vmul.f32 $6.243750000e+01, v53;
	v22 =	vmin.f32 v22, $8.000000000e+00  }
0x1c1: {  	v36 =	vld.idx.msk [tilespmem:v25+s29+$0x0], $0xffff;
	v41 =	vsub.f32 v48, v27;
	(erf) = vpow2.f32 v26;
	v56 =	vadd.f32 $8.000000000e+00, v22  }
0x1c2: {  	v27 =	vld.idx.msk [tilespmem:v25+s0+$0x0], $0xffff;
	v25 =	vmin.f32 v52, $8.000000000e+00;
	v50 =	vmul.f32 $1.442695020e+00, v28;
	v55 =	vtrunc.f32 v43  }
0x1c3: {  	v58 =	vpop (erf);
	v29 =	vmax.f32 v29, $-8.000000000e+00;
	v28 =	vmul.f32 $6.243750000e+01, v56;
	v39 =	vcvt.f32.s32 v55  }
0x1c4: {  	v55 =	vadd.f32 $8.000000000e+00, v23;
	v23 =	vmul.f32 v23, v21;
	v48 =	vadd.f32 $1.000000000e+00, v58  }
0x1c5: {  	v26 =	vmin.f32 v29, $8.000000000e+00;
	v29 =	vadd.f32 $8.000000000e+00, v25;
	v53 =	vcvt.s32.f32 v39  }
0x1c6: {  	v59 =	vadd.f32 $8.000000000e+00, v24;
	(erf) = vrcp.f32 v48;
	v48 =	vmul.f32 $6.243750000e+01, v32  }
0x1c7: {  	v60 =	vsub.f32 v27, v36;
	v54 =	vtrunc.f32 v28;
	v27 =	vmul.f32 $6.243750000e+01, v29  }
0x1c8: {  	v29 =	vmin.f32 v47, $8.000000000e+00;
	v47 =	vmul.f32 $6.243750000e+01, v59;
	v52 =	vtrunc.f32 v48  }
0x1c9: {  	v38 =	vadd.f32 v38, v44;
	v41 =	vmul.f32 v41, v60;
	v52 =	vcvt.f32.s32 v52  }
0x1ca: {  	v62 =	vadd.f32 $8.000000000e+00, v29;
	(erf) = vpow2.f32 v40;
	v40 =	vcvt.f32.s32 v54  }
0x1cb: {  	v57 =	vtrunc.f32 v47;
	v58 =	vtrunc.f32 v27;
	v36 =	vadd.f32 v41, v36;
	v56 =	vld.idx.msk [tilespmem:v39+s29+$0x0], $0xffff  }
0x1cc: {  	v51 =	vadd.f32 $8.000000000e+00, v26;
	(erf) = vpow2.f32 v50;
	v42 =	vcvt.f32.s32 v57;
	v39 =	vld.idx.msk [tilespmem:v39+s0+$0x0], $0xffff  }
0x1cd: {  	v61 =	vpop (erf);
	v33 =	vmul.f32 $6.243750000e+01, v62;
	v31 =	vadd.f32 v36, v31;
	v63 =	vcvt.s32.f32 v52  }
0x1ce: {  	v32 =	vadd.f32 $1.000000000e+00, v61;
	(erf) = vpow2.f32 v34;
	v59 =	vcvt.s32.f32 v42  }
0x1cf: {  	v61 =	vtrunc.f32 v33;
	v31 =	vmul.f32 $1.442695020e+00, v31;
	v37 =	vsub.f32 v48, v63;
	v60 =	vld.idx.msk [tilespmem:v52+s0+$0x0], $0xffff  }
0x1d0: {  	v48 =	vmul.f32 $6.243750000e+01, v51;
	v63 =	vsub.f32 v43, v53;
	v53 =	vcvt.f32.s32 v61;
	v41 =	vld.idx.msk [tilespmem:v52+s29+$0x0], $0xffff  }
0x1d1: {  	v57 =	vpop (erf);
	v49 =	vsub.f32 v39, v56;
	(erf) = vpow2.f32 v31;
	v31 =	vmul.f32 $6.243750000e+01, v55  }
0x1d2: {  	v46 =	vadd.f32 v38, v46;
	v62 =	vtrunc.f32 v48;
	v52 =	vmul.f32 v30, v21;
	v34 =	vld.idx.msk [tilespmem:v42+s29+$0x0], $0xffff  }
0x1d3: {  	v38 =	vsub.f32 v47, v59;
	v30 =	vcvt.f32.s32 v58;
	v42 =	vld.idx.msk [tilespmem:v42+s0+$0x0], $0xffff;
	v36 =	vmul.f32 v63, v49  }
0x1d4: {  	v59 =	vadd.f32 $1.000000000e+00, v57;
	v58 =	vmul.f32 $1.442695020e+00, v46;
	v43 =	vcvt.f32.s32 v62  }
0x1d5: {  	v45 =	vcvt.s32.f32 v53;
	v62 =	vpop (erf);
	v63 =	vadd.f32 v36, v56;
	v60 =	vsub.f32 v60, v41  }
0x1d6: {  	v61 =	vcvt.s32.f32 v43;
	v46 =	vpop (erf);
	(erf) = vpow2.f32 v58  }
0x1d7: {  	v36 =	vld.idx.msk [tilespmem:v53+s29+$0x0], $0xffff;
	v39 =	vadd.f32 v63, v52;
	v49 =	vpop (erf);
	(erf) = vrcp.f32 v59;
	v47 =	vmul.f32 v37, v60  }
0x1d8: {  	s10 =	simm.s32 $0x8;
	[tilespmem:s7+$0x10A10] =	vst v62;
	v44 =	vld.idx.msk [tilespmem:v53+s0+$0x0], $0xffff;
	v50 =	vpop (erf);
	v37 =	vsub.f32 v48, v61;
	v48 =	vsub.f32 v42, v34;
	v42 =	vtrunc.f32 v31  }
.LBB2_8:
0x1d9: {  	s10 =	sadd.s32 $0x8, s10;
	v41 =	vadd.f32 v47, v41;
	v47 =	vadd.f32 $1.000000000e+00, v49;
	(erf) = vrcp.f32 v32  }
0x1da: {  	s9 =	sadd.s32 $0x400, s9;
	v46 =	vadd.f32 $1.000000000e+00, v46;
	s11 =	sshll.u32 s10, $0x4;
	s12 =	sshll.u32 s10, $0x1;
	v32 =	vmul.f32 v38, v48;
	v48 =	vld.idx.msk [tilespmem:v43+s29+$0x0], $0xffff;
	v38 =	vadd.f32 $1.000000000e+00, v50  }
0x1db: {  	s13 =	sand.u32 $0x1C00, s9;
	p0 =	slt.u32 s10, $0x3F8;
	s11 =	sand.u32 $0x2000, s11;
	v35 =	vadd.f32 v41, v35;
	v41 =	vld.idx.msk [tilespmem:v43+s0+$0x0], $0xffff;
	v43 =	vcvt.s32.f32 v40;
	(erf) = vrcp.f32 v47  }
0x1dc: {  	v24 =	vmul.f32 v24, v21;
	s12 =	sand.u32 $0x380, s12;
	s11 =	sor.u32 s13, s11;
	v32 =	vadd.f32 v32, v34;
	v47 =	vld.idx.msk [tilespmem:v40+s0+$0x0], $0xffff;
	(erf) = vrcp.f32 v46  }
0x1dd: {  	v33 =	vsub.f32 v33, v45;
	s11 =	sor.u32 s12, s11;
	v46 =	vmul.f32 $1.442695020e+00, v35;
	v28 =	vsub.f32 v28, v43;
	v35 =	vld.idx.msk [tilespmem:v40+s29+$0x0], $0xffff;
	v34 =	vpop (erf)  }
0x1de: {  	v40 =	vld [tilespmem:s11+$0x8A70];
	v24 =	vadd.f32 v32, v24;
	v32 =	vadd.f32 $1.000000000e+00, v34;
	(erf) = vrcp.f32 v38  }
0x1df: {  	v38 =	vcvt.s32.f32 v30;
	v34 =	vmul.f32 v25, v21;
	v25 =	vsub.f32 v44, v36;
	v43 =	vld [tilespmem:s11+$0x8A20];
	v44 =	vpop (erf)  }
0x1e0: {  	v24 =	vmul.f32 $1.442695020e+00, v24;
	v44 =	vadd.f32 $1.000000000e+00, v44;
	(erf) = vrcp.f32 v32  }
0x1e1: {  	v29 =	vmul.f32 v29, v21;
	v50 =	vsub.f32 v41, v48;
	v25 =	vmul.f32 v33, v25;
	v32 =	vld [tilespmem:s11+$0x8A60];
	v33 =	vpop (erf)  }
0x1e2: {  	v49 =	vmul.f32 $1.442695020e+00, v39;
	v45 =	vsub.f32 v27, v38;
	v38 =	vld.idx.msk [tilespmem:v30+s29+$0x0], $0xffff;
	v27 =	vpop (erf);
	(erf) = vrcp.f32 v44  }
0x1e3: {  	v26 =	vmul.f32 v26, v21;
	v37 =	vmul.f32 v37, v50;
	v25 =	vadd.f32 v25, v36;
	v39 =	vld [tilespmem:s11+$0x8A00];
	[tilespmem:s7+$0x10A30] =	vst v33  }
0x1e4: {  	v36 =	vcvt.f32.s32 v42;
	v33 =	vld [tilespmem:s11+$0x8A40];
	(erf) = vpow2.f32 v46;
	v41 =	vpop (erf)  }
0x1e5: {  	v42 =	vsub.f32 v47, v35;
	v40 =	vmax.f32 v40, $-8.000000000e+00;
	v37 =	vadd.f32 v37, v48;
	[tilespmem:s7+$0x10A50] =	vst v41;
	v41 =	vpop (erf)  }
0x1e6: {  	v40 =	vmin.f32 v40, $8.000000000e+00;
	v46 =	vmul.f32 v22, v21;
	v22 =	vcvt.s32.f32 v36;
	v44 =	vld [tilespmem:s11+$0x8A10];
	[tilespmem:s7+$0x10A00] =	vst v27  }
0x1e7: {  	v27 =	vmax.f32 v43, $-8.000000000e+00;
	v43 =	vadd.f32 $8.000000000e+00, v40;
	(erf) = vpow2.f32 v24;
	[tilespmem:s7+$0x10A70] =	vst v41;
	v24 =	vpop (erf)  }
0x1e8: {  	v29 =	vadd.f32 v25, v29;
	v32 =	vmax.f32 v32, $-8.000000000e+00;
	v39 =	vmax.f32 v39, $-8.000000000e+00;
	[tilespmem:s7+$0x10A40] =	vst v24  }
0x1e9: {  	v26 =	vadd.f32 v37, v26;
	v43 =	vmul.f32 $6.243750000e+01, v43;
	v24 =	vmin.f32 v39, $8.000000000e+00;
	v41 =	vld [tilespmem:s11+$0x8A30];
	v25 =	vpop (erf)  }
0x1ea: {  	v31 =	vsub.f32 v31, v22;
	v33 =	vmax.f32 v33, $-8.000000000e+00;
	v39 =	vmin.f32 v32, $8.000000000e+00;
	v32 =	vld.idx.msk [tilespmem:v36+s0+$0x0], $0xffff;
	[tilespmem:s7+$0x10A60] =	vst v25  }
0x1eb: {  	v42 =	vmul.f32 v28, v42;
	v37 =	vtrunc.f32 v43;
	v22 =	vmax.f32 v44, $-8.000000000e+00;
	v36 =	vld.idx.msk [tilespmem:v36+s29+$0x0], $0xffff;
	v28 =	vpop (erf)  }
0x1ec: {  	v25 =	vmin.f32 v27, $8.000000000e+00;
	v44 =	vmin.f32 v22, $8.000000000e+00;
	v22 =	vmin.f32 v33, $8.000000000e+00;
	v27 =	vld.idx.msk [tilespmem:v30+s0+$0x0], $0xffff;
	[tilespmem:s7+$0x10A20] =	vst v28;
	s7 =	smov.u32 s8;
	s8 =	smov.u32 s11  }
0x1ed: {  	v26 =	vmul.f32 $1.442695020e+00, v26;
	v30 =	vadd.f32 $8.000000000e+00, v44;
	v28 =	vadd.f32 $8.000000000e+00, v22;
	v33 =	vld [tilespmem:s8+$0x8A50];
	v47 =	vpop (erf)  }
0x1ee: {  	v50 =	vmul.f32 $1.442695020e+00, v29;
	v48 =	vadd.f32 $8.000000000e+00, v24;
	v47 =	vadd.f32 $1.000000000e+00, v47  }
0x1ef: {  	v41 =	vmax.f32 v41, $-8.000000000e+00;
	v28 =	vmul.f32 $6.243750000e+01, v28;
	(erf) = vpow2.f32 v26  }
0x1f0: {  	v37 =	vcvt.f32.s32 v37;
	v26 =	vmin.f32 v41, $8.000000000e+00;
	v29 =	vpop (erf);
	(erf) = vrcp.f32 v47  }
0x1f1: {  	v30 =	vmul.f32 $6.243750000e+01, v30;
	v41 =	vadd.f32 $8.000000000e+00, v25;
	v47 =	vsub.f32 v32, v36  }
0x1f2: {  	v51 =	vadd.f32 $8.000000000e+00, v26;
	v52 =	vsub.f32 v27, v38;
	v33 =	vmax.f32 v33, $-8.000000000e+00  }
0x1f3: {  	v53 =	vtrunc.f32 v30;
	v27 =	vmul.f32 $6.243750000e+01, v41;
	v32 =	vadd.f32 $1.000000000e+00, v29  }
0x1f4: {  	v41 =	vcvt.f32.s32 v53;
	v53 =	vcvt.s32.f32 v37;
	v29 =	vmin.f32 v33, $8.000000000e+00  }
0x1f5: {  	v48 =	vmul.f32 $6.243750000e+01, v48;
	v45 =	vmul.f32 v45, v52;
	v33 =	vadd.f32 $8.000000000e+00, v29  }
0x1f6: {  	v42 =	vadd.f32 v42, v35;
	v54 =	vtrunc.f32 v28;
	v52 =	vcvt.s32.f32 v41;
	v55 =	vld.idx.msk [tilespmem:v37+s29+$0x0], $0xffff  }
0x1f7: {  	v56 =	vadd.f32 $8.000000000e+00, v39;
	v35 =	vtrunc.f32 v48;
	v31 =	vmul.f32 v31, v47  }
0x1f8: {  	v47 =	vcvt.f32.s32 v35;
	v52 =	vsub.f32 v30, v52;
	v37 =	vld.idx.msk [tilespmem:v37+s0+$0x0], $0xffff;
	v57 =	vpop (erf);
	(erf) = vpow2.f32 v49  }
0x1f9: {  	v42 =	vadd.f32 v42, v46;
	v35 =	vmul.f32 v44, v21;
	v30 =	vtrunc.f32 v27;
	v44 =	vpop (erf)  }
0x1fa: {  	v46 =	vcvt.s32.f32 v47;
	v31 =	vadd.f32 v31, v36;
	v33 =	vmul.f32 $6.243750000e+01, v33;
	[tilespmem:s7+$0x10A10] =	vst v44  }
0x1fb: {  	v42 =	vmul.f32 $1.442695020e+00, v42;
	v45 =	vadd.f32 v45, v38;
	v44 =	vmul.f32 $6.243750000e+01, v51;
	v36 =	vld.idx.msk [tilespmem:v41+s0+$0x0], $0xffff  }
0x1fc: {  	v38 =	vsub.f32 v48, v46;
	v46 =	vtrunc.f32 v33;
	v41 =	vld.idx.msk [tilespmem:v41+s29+$0x0], $0xffff;
	(erf) = vpow2.f32 v50  }
0x1fd: {  	v45 =	vadd.f32 v45, v34;
	v48 =	vtrunc.f32 v44;
	(erf) = vpow2.f32 v42  }
0x1fe: {  	v23 =	vadd.f32 v31, v23;
	v49 =	vmul.f32 v40, v21;
	v42 =	vsub.f32 v43, v53;
	v34 =	vld.idx.msk [tilespmem:v47+s29+$0x0], $0xffff  }
0x1ff: {  	v30 =	vcvt.f32.s32 v30;
	v50 =	vcvt.f32.s32 v46;
	v31 =	vsub.f32 v37, v55  }
0x200: {  	v23 =	vmul.f32 $1.442695020e+00, v23;
	v43 =	vcvt.f32.s32 v48;
	v51 =	vld.idx.msk [tilespmem:v47+s0+$0x0], $0xffff  }
0x201: {  	v53 =	vadd.f32 $1.000000000e+00, v57;
	v37 =	vmul.f32 v42, v31;
	v42 =	vmul.f32 $1.442695020e+00, v45;
	v46 =	vpop (erf)  }
.Ltmp3:
0x202: {  	v45 =	vcvt.s32.f32 v43;
	v36 =	vsub.f32 v36, v41;
	(erf) = vpow2.f32 v23;
	(pc) =	sbr.rel @p0 .LBB2_8-.Ltmp3, $4  }
0x203: {  	v40 =	vcvt.f32.s32 v54;
	v31 =	vmul.f32 $6.243750000e+01, v56;
	v48 =	vadd.f32 v37, v55  }
0x204: {  	v37 =	vsub.f32 v44, v45;
	v47 =	vmul.f32 v52, v36;
	(erf) = vpow2.f32 v42  }
0x205: {  	v45 =	vcvt.s32.f32 v50;
	v23 =	vmul.f32 v39, v21;
	v39 =	vadd.f32 v48, v49;
	v36 =	vld.idx.msk [tilespmem:v50+s29+$0x0], $0xffff;
	v49 =	vpop (erf)  }
0x206: {  	v42 =	vtrunc.f32 v31;
	v48 =	vsub.f32 v51, v34;
	v44 =	vld.idx.msk [tilespmem:v50+s0+$0x0], $0xffff;
	(erf) = vrcp.f32 v53;
	v50 =	vpop (erf)  }
0x207: {  	_ =	sdelay $0x3  }
0x208: {  	v57 =	vadd.f32 $1.000000000e+00, v49;
	v58 =	vadd.f32 $1.000000000e+00, v46;
	v46 =	vld.idx.msk [tilespmem:v43+s29+$0x0], $0xffff  }
0x209: {  	v41 =	vadd.f32 v47, v41;
	(erf) = vrcp.f32 v32;
	v61 =	vld.idx.msk [tilespmem:v43+s0+$0x0], $0xffff;
	v42 =	vcvt.f32.s32 v42  }
0x20a: {  	v59 =	vadd.f32 $1.000000000e+00, v50;
	v24 =	vmul.f32 v24, v21;
	(erf) = vrcp.f32 v57;
	v60 =	vpop (erf)  }
0x20b: {  	v35 =	vadd.f32 v41, v35;
	(erf) = vrcp.f32 v58;
	v62 =	vadd.f32 $1.000000000e+00, v60;
	v63 =	vpop (erf)  }
0x20c: {  	v49 =	vld.idx.msk [tilespmem:v40+s29+$0x0], $0xffff;
	v38 =	vmul.f32 v38, v48;
	(erf) = vrcp.f32 v59;
	v41 =	vadd.f32 $1.000000000e+00, v63  }
0x20d: {  	v52 =	vld.idx.msk [tilespmem:v30+s29+$0x0], $0xffff;
	v35 =	vmul.f32 $1.442695020e+00, v35;
	(erf) = vrcp.f32 v62  }
0x20e: {  	v33 =	vsub.f32 v33, v45;
	v48 =	vld.idx.msk [tilespmem:v40+s0+$0x0], $0xffff;
	v51 =	vsub.f32 v61, v46;
	(erf) = vrcp.f32 v41  }
0x20f: {  	v50 =	vcvt.s32.f32 v40;
	v47 =	vadd.f32 v38, v34;
	v55 =	vld.idx.msk [tilespmem:v42+s0+$0x0], $0xffff;
	(erf) = vpow2.f32 v35  }
0x210: {  	v54 =	vcvt.s32.f32 v30;
	v44 =	vsub.f32 v44, v36;
	v57 =	vld.idx.msk [tilespmem:v42+s29+$0x0], $0xffff;
	v32 =	vmul.f32 v37, v51  }
0x211: {  	v30 =	vld.idx.msk [tilespmem:v30+s0+$0x0], $0xffff;
	v26 =	vmul.f32 v26, v21;
	v28 =	vsub.f32 v28, v50;
	v24 =	vadd.f32 v47, v24;
	v53 =	vpop (erf)  }
0x212: {  	v27 =	vsub.f32 v27, v54;
	v33 =	vmul.f32 v33, v44;
	v56 =	vpop (erf);
	v32 =	vadd.f32 v32, v46  }
0x213: {  	v60 =	vcvt.s32.f32 v42;
	v34 =	vsub.f32 v48, v49;
	v24 =	vmul.f32 $1.442695020e+00, v24;
	v58 =	vpop (erf)  }
0x214: {  	v29 =	vmul.f32 v29, v21;
	v33 =	vadd.f32 v33, v36;
	v26 =	vadd.f32 v32, v26;
	v59 =	vpop (erf)  }
0x215: {  	(erf) = vpow2.f32 v24;
	v24 =	vsub.f32 v31, v60;
	v63 =	vsub.f32 v55, v57;
	v61 =	vpop (erf)  }
0x216: {  	v30 =	vsub.f32 v30, v52;
	v28 =	vmul.f32 v28, v34;
	v26 =	vmul.f32 $1.442695020e+00, v26;
	v62 =	vpop (erf)  }
0x217: {  	v22 =	vmul.f32 v22, v21;
	v29 =	vadd.f32 v33, v29;
	v24 =	vmul.f32 v24, v63;
	v31 =	vpop (erf)  }
0x218: {  	(erf) = vpow2.f32 v26;
	v26 =	vmul.f32 v27, v30;
	v27 =	vadd.f32 v28, v49;
	v44 =	vpop (erf)  }
0x219: {  	v25 =	vmul.f32 v25, v21;
	v24 =	vadd.f32 v24, v57;
	v45 =	vadd.f32 $1.000000000e+00, v44  }
0x21a: {  	v39 =	vmul.f32 $1.442695020e+00, v39;
	v28 =	vmul.f32 $1.442695020e+00, v29;
	v22 =	vadd.f32 v27, v22  }
0x21b: {  	v26 =	vadd.f32 v26, v52;
	v23 =	vadd.f32 v24, v23;
	(erf) = vrcp.f32 v45  }
0x21c: {  	v22 =	vmul.f32 $1.442695020e+00, v22;
	(erf) = vpow2.f32 v39  }
0x21d: {  	v24 =	vadd.f32 v26, v25;
	v23 =	vmul.f32 $1.442695020e+00, v23;
	(erf) = vpow2.f32 v28;
	_ =	sdelay $0x1  }
0x21e: {  	(erf) = vpow2.f32 v22;
	v22 =	vmul.f32 $1.442695020e+00, v24  }
0x21f: {  	(erf) = vpow2.f32 v23  }
0x220: {  	v23 =	vpop (erf);
	(erf) = vpow2.f32 v22;
	_ =	sdelay $0x1  }
0x221: {  	v22 =	vpop (erf)  }
0x222: {  	v23 =	vadd.f32 $1.000000000e+00, v23;
	v24 =	vpop (erf)  }
0x223: {  	v22 =	vadd.f32 $1.000000000e+00, v22;
	v25 =	vpop (erf)  }
0x224: {  	v26 =	vpop (erf);
	v25 =	vadd.f32 $1.000000000e+00, v25  }
0x225: {  	(erf) = vrcp.f32 v22;
	v22 =	vadd.f32 $1.000000000e+00, v26  }
0x226: {  	(erf) = vrcp.f32 v23;
	v23 =	vpop (erf)  }
0x227: {  	[tilespmem:s7+$0x10A30] =	vst v53;
	(erf) = vrcp.f32 v22;
	v22 =	vadd.f32 $1.000000000e+00, v23;
	v23 =	vpop (erf)  }
0x228: {  	[tilespmem:s7+$0x10A00] =	vst v56;
	(erf) = vrcp.f32 v25;
	v23 =	vadd.f32 $1.000000000e+00, v23;
	v25 =	vpop (erf)  }
0x229: {  	[tilespmem:s7+$0x10A50] =	vst v58;
	(erf) = vrcp.f32 v22;
	v22 =	vadd.f32 $1.000000000e+00, v25  }
0x22a: {  	[tilespmem:s7+$0x10A70] =	vst v59;
	(erf) = vrcp.f32 v23  }
0x22b: {  	[tilespmem:s7+$0x10A40] =	vst v61;
	(erf) = vrcp.f32 v22  }
0x22c: {  	[tilespmem:s7+$0x10A60] =	vst v62  }
0x22d: {  	[tilespmem:s7+$0x10A20] =	vst v31  }
0x22e: {  	[tilespmem:s8+$0x10A10] =	vst v24;
	v22 =	vpop (erf)  }
0x22f: {  	v23 =	vpop (erf);
	[tilespmem:s8+$0x10A30] =	vst v22  }
0x230: {  	[tilespmem:s8+$0x10A00] =	vst v23;
	v22 =	vpop (erf)  }
0x231: {  	[tilespmem:s8+$0x10A50] =	vst v22;
	v22 =	vpop (erf)  }
0x232: {  	[tilespmem:s8+$0x10A70] =	vst v22;
	v22 =	vpop (erf)  }
0x233: {  	[tilespmem:s8+$0x10A40] =	vst v22;
	v22 =	vpop (erf)  }
0x234: {  	[tilespmem:s8+$0x10A60] =	vst v22;
	v22 =	vpop (erf)  }
0x235: {  	[tilespmem:s8+$0x10A20] =	vst v22  }
0x236: {  	s13 =	simm.s32 $0x0;
	s8 =	rddreg [dreg:$0xb]  }
0x237: {  	[hbm4b:s8+s13] =	stream.linear.scatter [tilespmem:s26], [sflag:$0x4], $0x4000, $0x38;
	[tilespmem:$0x14A00] =	vst v63  }
0x238: {  	_ =	swait.ge [sflag:s30], $0x4000  }
0x239: {  	s11 =	simm.s32 $0x0;
	[sflag:s30] =	ssyncset.done $0x0  }
0x23a: {  	s9 =	simm.s32 $0x0;
	s10 =	rddreg [dreg:$0xc];
	[sflag:s30] =	ssyncadd.s32 $0xFFFFC000  }
0x23b: {  	[tilespmem:s31], [sflag:$0x2] =	stream.linear.gather [hbm4b:s10+s13], $0x4000, $0x38;
	[tilespmem:$0x14A00] =	vst v63  }
0x23c: {  	s7 =	sand.u32 $0x1C00, s13;
	s8 =	sand.u32 $0x2000, s11;
	_ =	swait.ge [sflag:s4], $0x4000  }
0x23d: {  	s12 =	sand.u32 $0x380, s9;
	s7 =	sor.u32 s7, s8;
	[sflag:s4] =	ssyncset.done $0x0  }
0x23e: {  	s7 =	sor.u32 s12, s7;
	[sflag:s4] =	ssyncadd.s32 $0xFFFFC000  }
0x23f: {  	v22 =	vld [tilespmem:s7+$0x4A70];
	_ =	sdelay $0x1  }
0x240: {  	v23 =	vld [tilespmem:s7+$0x4A10];
	_ =	sdelay $0x1  }
0x241: {  	v24 =	vld [tilespmem:s7+$0x4A00]  }
0x242: {  	v27 =	vld [tilespmem:s7+$0x4A40];
	v22 =	vmax.f32 v22, $-8.000000000e+00  }
0x243: {  	v22 =	vmin.f32 v22, $8.000000000e+00  }
0x244: {  	v23 =	vmax.f32 v23, $-8.000000000e+00;
	v25 =	vadd.f32 $8.000000000e+00, v22  }
0x245: {  	v23 =	vmin.f32 v23, $8.000000000e+00  }
0x246: {  	v46 =	vld [tilespmem:s7+$0x4A30];
	v24 =	vmax.f32 v24, $-8.000000000e+00;
	v28 =	vadd.f32 $8.000000000e+00, v23;
	v25 =	vmul.f32 $6.243750000e+01, v25  }
0x247: {  	v27 =	vmax.f32 v27, $-8.000000000e+00;
	v24 =	vmin.f32 v24, $8.000000000e+00  }
0x248: {  	v26 =	vld [tilespmem:s7+$0x4A20];
	v31 =	vadd.f32 $8.000000000e+00, v24;
	v28 =	vmul.f32 $6.243750000e+01, v28;
	v30 =	vtrunc.f32 v25  }
0x249: {  	v29 =	vld [tilespmem:s7+$0x4A50];
	v27 =	vmin.f32 v27, $8.000000000e+00;
	v30 =	vcvt.f32.s32 v30  }
0x24a: {  	v50 =	vadd.f32 $8.000000000e+00, v27;
	v31 =	vmul.f32 $6.243750000e+01, v31;
	v47 =	vtrunc.f32 v28  }
0x24b: {  	v32 =	vmax.f32 v46, $-8.000000000e+00;
	v33 =	vcvt.f32.s32 v47  }
0x24c: {  	v32 =	vmin.f32 v32, $8.000000000e+00;
	v36 =	vmul.f32 $6.243750000e+01, v50;
	v48 =	vtrunc.f32 v31  }
0x24d: {  	v49 =	vld [tilespmem:s7+$0x4A60];
	v53 =	vadd.f32 $8.000000000e+00, v32;
	v34 =	vcvt.f32.s32 v48  }
0x24e: {  	v26 =	vmax.f32 v26, $-8.000000000e+00;
	v29 =	vmax.f32 v29, $-8.000000000e+00;
	v60 =	vtrunc.f32 v36  }
0x24f: {  	v26 =	vmin.f32 v26, $8.000000000e+00;
	v40 =	vmul.f32 $6.243750000e+01, v53;
	v63 =	vcvt.f32.s32 v60;
	v39 =	vld.idx.msk [tilespmem:v30+s29+$0x0], $0xffff  }
0x250: {  	v29 =	vmin.f32 v29, $8.000000000e+00;
	v23 =	vmul.f32 v23, v21;
	v22 =	vmul.f32 v22, v21;
	v54 =	vld.idx.msk [tilespmem:v30+s0+$0x0], $0xffff  }
0x251: {  	v51 =	vadd.f32 $8.000000000e+00, v29;
	v24 =	vmul.f32 v24, v21;
	v59 =	vtrunc.f32 v40;
	v55 =	vld.idx.msk [tilespmem:v33+s0+$0x0], $0xffff  }
0x252: {  	v35 =	vmax.f32 v49, $-8.000000000e+00;
	v46 =	vmul.f32 v26, v21;
	v47 =	vcvt.f32.s32 v59;
	v56 =	vld.idx.msk [tilespmem:v33+s29+$0x0], $0xffff  }
0x253: {  	s9 =	simm.s32 $0x400;
	s13 =	simm.s32 $0x80;
	v52 =	vadd.f32 $8.000000000e+00, v26;
	v37 =	vmul.f32 $6.243750000e+01, v51;
	v58 =	vcvt.s32.f32 v34;
	v45 =	vld.idx.msk [tilespmem:v34+s29+$0x0], $0xffff  }
0x254: {  	s11 =	sand.u32 $0x1C00, s9;
	s10 =	simm.s32 $0x10;
	s8 =	sand.u32 $0x2000, s13;
	v35 =	vmin.f32 v35, $8.000000000e+00;
	v29 =	vmul.f32 v29, v21;
	v32 =	vmul.f32 v32, v21;
	v34 =	vld.idx.msk [tilespmem:v34+s0+$0x0], $0xffff  }
0x255: {  	s10 =	sand.u32 $0x380, s10;
	s8 =	sor.u32 s11, s8;
	v38 =	vmul.f32 $6.243750000e+01, v52;
	v57 =	vtrunc.f32 v37;
	v31 =	vsub.f32 v31, v58;
	v58 =	vld.idx.msk [tilespmem:v63+s0+$0x0], $0xffff  }
0x256: {  	s8 =	sor.u32 s10, s8;
	v61 =	vadd.f32 $8.000000000e+00, v35;
	v44 =	vcvt.f32.s32 v57;
	v59 =	vcvt.s32.f32 v63;
	v42 =	vld.idx.msk [tilespmem:v63+s29+$0x0], $0xffff  }
0x257: {  	v49 =	vld [tilespmem:s8+$0x4A60];
	v30 =	vcvt.s32.f32 v30;
	v33 =	vcvt.s32.f32 v33  }
0x258: {  	v62 =	vtrunc.f32 v38;
	v48 =	vmul.f32 $6.243750000e+01, v61;
	v36 =	vsub.f32 v36, v59;
	v57 =	vld.idx.msk [tilespmem:v47+s0+$0x0], $0xffff  }
0x259: {  	v63 =	vld [tilespmem:s8+$0x4A20];
	v28 =	vsub.f32 v28, v33;
	v25 =	vsub.f32 v25, v30;
	v33 =	vcvt.f32.s32 v62  }
0x25a: {  	v52 =	vcvt.s32.f32 v47;
	v30 =	vsub.f32 v55, v56;
	v41 =	vsub.f32 v54, v39;
	v54 =	vld.idx.msk [tilespmem:v47+s29+$0x0], $0xffff  }
0x25b: {  	v61 =	vcvt.s32.f32 v33;
	v34 =	vsub.f32 v34, v45;
	v50 =	vsub.f32 v58, v42  }
0x25c: {  	v53 =	vld.idx.msk [tilespmem:v44+s0+$0x0], $0xffff;
	v55 =	vsub.f32 v40, v52;
	v28 =	vmul.f32 v28, v30;
	v25 =	vmul.f32 v25, v41  }
0x25d: {  	v38 =	vsub.f32 v38, v61;
	v30 =	vld.idx.msk [tilespmem:v44+s29+$0x0], $0xffff;
	v31 =	vmul.f32 v31, v34;
	v34 =	vmul.f32 v36, v50  }
0x25e: {  	v52 =	vmax.f32 v63, $-8.000000000e+00;
	v28 =	vadd.f32 v28, v56;
	v25 =	vadd.f32 v25, v39  }
0x25f: {  	v51 =	vld [tilespmem:s8+$0x4A10];
	v41 =	vmax.f32 v49, $-8.000000000e+00;
	v34 =	vadd.f32 v34, v42;
	v26 =	vsub.f32 v57, v54  }
0x260: {  	v56 =	vcvt.s32.f32 v44;
	v44 =	vld.idx.msk [tilespmem:v33+s29+$0x0], $0xffff;
	v23 =	vadd.f32 v28, v23;
	v28 =	vadd.f32 v31, v45  }
0x261: {  	v33 =	vld.idx.msk [tilespmem:v33+s0+$0x0], $0xffff;
	v31 =	vmul.f32 v35, v21;
	v22 =	vadd.f32 v25, v22;
	v25 =	vtrunc.f32 v48  }
0x262: {  	v57 =	vld [tilespmem:s8+$0x4A50];
	v62 =	vsub.f32 v53, v30;
	v26 =	vmul.f32 v55, v26;
	v25 =	vcvt.f32.s32 v25  }
0x263: {  	v23 =	vmul.f32 $1.442695020e+00, v23;
	v24 =	vadd.f32 v28, v24;
	v28 =	vsub.f32 v37, v56  }
0x264: {  	v60 =	vld [tilespmem:s8+$0x4A70];
	v40 =	vmul.f32 $1.442695020e+00, v22;
	v37 =	vmul.f32 v27, v21;
	v26 =	vadd.f32 v26, v54  }
0x265: {  	v27 =	vcvt.s32.f32 v25;
	v54 =	vmax.f32 v51, $-8.000000000e+00;
	v24 =	vmul.f32 $1.442695020e+00, v24  }
0x266: {  	v22 =	vld [tilespmem:s8+$0x4A00];
	v33 =	vsub.f32 v33, v44;
	v28 =	vmul.f32 v28, v62;
	(erf) = vpow2.f32 v23  }
0x267: {  	v23 =	vld [tilespmem:s8+$0x4A40];
	v45 =	vmin.f32 v54, $8.000000000e+00;
	v47 =	vmax.f32 v57, $-8.000000000e+00;
	v34 =	vadd.f32 v34, v37  }
0x268: {  	v26 =	vadd.f32 v26, v32;
	v32 =	vadd.f32 $8.000000000e+00, v45;
	v38 =	vmul.f32 v38, v33  }
0x269: {  	v35 =	vmul.f32 v45, v21;
	v28 =	vadd.f32 v28, v30;
	v30 =	vmax.f32 v60, $-8.000000000e+00  }
0x26a: {  	(erf) = vpow2.f32 v24;
	v34 =	vmul.f32 $1.442695020e+00, v34;
	v30 =	vmin.f32 v30, $8.000000000e+00  }
0x26b: {  	v22 =	vmax.f32 v22, $-8.000000000e+00;
	v53 =	vadd.f32 $8.000000000e+00, v30;
	v28 =	vadd.f32 v28, v29;
	v29 =	vld [tilespmem:s8+$0x4A30]  }
0x26c: {  	v26 =	vmul.f32 $1.442695020e+00, v26;
	v24 =	vmin.f32 v22, $8.000000000e+00;
	v22 =	vmax.f32 v23, $-8.000000000e+00  }
0x26d: {  	v23 =	vmin.f32 v41, $8.000000000e+00;
	v43 =	vmul.f32 $6.243750000e+01, v53;
	v22 =	vmin.f32 v22, $8.000000000e+00  }
0x26e: {  	v36 =	vld.idx.msk [tilespmem:v25+s29+$0x0], $0xffff;
	v41 =	vsub.f32 v48, v27;
	(erf) = vpow2.f32 v26;
	v56 =	vadd.f32 $8.000000000e+00, v22  }
0x26f: {  	v27 =	vld.idx.msk [tilespmem:v25+s0+$0x0], $0xffff;
	v25 =	vmin.f32 v52, $8.000000000e+00;
	v50 =	vmul.f32 $1.442695020e+00, v28;
	v55 =	vtrunc.f32 v43  }
0x270: {  	v58 =	vpop (erf);
	v29 =	vmax.f32 v29, $-8.000000000e+00;
	v28 =	vmul.f32 $6.243750000e+01, v56;
	v39 =	vcvt.f32.s32 v55  }
0x271: {  	v55 =	vadd.f32 $8.000000000e+00, v23;
	v23 =	vmul.f32 v23, v21;
	v48 =	vadd.f32 $1.000000000e+00, v58  }
0x272: {  	v26 =	vmin.f32 v29, $8.000000000e+00;
	v29 =	vadd.f32 $8.000000000e+00, v25;
	v53 =	vcvt.s32.f32 v39  }
0x273: {  	v59 =	vadd.f32 $8.000000000e+00, v24;
	(erf) = vrcp.f32 v48;
	v48 =	vmul.f32 $6.243750000e+01, v32  }
0x274: {  	v60 =	vsub.f32 v27, v36;
	v54 =	vtrunc.f32 v28;
	v27 =	vmul.f32 $6.243750000e+01, v29  }
0x275: {  	v29 =	vmin.f32 v47, $8.000000000e+00;
	v47 =	vmul.f32 $6.243750000e+01, v59;
	v52 =	vtrunc.f32 v48  }
0x276: {  	v38 =	vadd.f32 v38, v44;
	v41 =	vmul.f32 v41, v60;
	v52 =	vcvt.f32.s32 v52  }
0x277: {  	v62 =	vadd.f32 $8.000000000e+00, v29;
	(erf) = vpow2.f32 v40;
	v40 =	vcvt.f32.s32 v54  }
0x278: {  	v57 =	vtrunc.f32 v47;
	v58 =	vtrunc.f32 v27;
	v36 =	vadd.f32 v41, v36;
	v56 =	vld.idx.msk [tilespmem:v39+s29+$0x0], $0xffff  }
0x279: {  	v51 =	vadd.f32 $8.000000000e+00, v26;
	(erf) = vpow2.f32 v50;
	v42 =	vcvt.f32.s32 v57;
	v39 =	vld.idx.msk [tilespmem:v39+s0+$0x0], $0xffff  }
0x27a: {  	v61 =	vpop (erf);
	v33 =	vmul.f32 $6.243750000e+01, v62;
	v31 =	vadd.f32 v36, v31;
	v63 =	vcvt.s32.f32 v52  }
0x27b: {  	v32 =	vadd.f32 $1.000000000e+00, v61;
	(erf) = vpow2.f32 v34;
	v59 =	vcvt.s32.f32 v42  }
0x27c: {  	v61 =	vtrunc.f32 v33;
	v31 =	vmul.f32 $1.442695020e+00, v31;
	v37 =	vsub.f32 v48, v63;
	v60 =	vld.idx.msk [tilespmem:v52+s0+$0x0], $0xffff  }
0x27d: {  	v48 =	vmul.f32 $6.243750000e+01, v51;
	v63 =	vsub.f32 v43, v53;
	v53 =	vcvt.f32.s32 v61;
	v41 =	vld.idx.msk [tilespmem:v52+s29+$0x0], $0xffff  }
0x27e: {  	v57 =	vpop (erf);
	v49 =	vsub.f32 v39, v56;
	(erf) = vpow2.f32 v31;
	v31 =	vmul.f32 $6.243750000e+01, v55  }
0x27f: {  	v46 =	vadd.f32 v38, v46;
	v62 =	vtrunc.f32 v48;
	v52 =	vmul.f32 v30, v21;
	v34 =	vld.idx.msk [tilespmem:v42+s29+$0x0], $0xffff  }
0x280: {  	v38 =	vsub.f32 v47, v59;
	v30 =	vcvt.f32.s32 v58;
	v42 =	vld.idx.msk [tilespmem:v42+s0+$0x0], $0xffff;
	v36 =	vmul.f32 v63, v49  }
0x281: {  	v59 =	vadd.f32 $1.000000000e+00, v57;
	v58 =	vmul.f32 $1.442695020e+00, v46;
	v43 =	vcvt.f32.s32 v62  }
0x282: {  	v45 =	vcvt.s32.f32 v53;
	v62 =	vpop (erf);
	v63 =	vadd.f32 v36, v56;
	v60 =	vsub.f32 v60, v41  }
0x283: {  	v61 =	vcvt.s32.f32 v43;
	v46 =	vpop (erf);
	(erf) = vpow2.f32 v58  }
0x284: {  	v36 =	vld.idx.msk [tilespmem:v53+s29+$0x0], $0xffff;
	v39 =	vadd.f32 v63, v52;
	v49 =	vpop (erf);
	(erf) = vrcp.f32 v59;
	v47 =	vmul.f32 v37, v60  }
0x285: {  	s10 =	simm.s32 $0x8;
	[tilespmem:s7+$0xCA10] =	vst v62;
	v44 =	vld.idx.msk [tilespmem:v53+s0+$0x0], $0xffff;
	v50 =	vpop (erf);
	v37 =	vsub.f32 v48, v61;
	v48 =	vsub.f32 v42, v34;
	v42 =	vtrunc.f32 v31  }
.LBB2_10:
0x286: {  	s10 =	sadd.s32 $0x8, s10;
	v41 =	vadd.f32 v47, v41;
	v47 =	vadd.f32 $1.000000000e+00, v49;
	(erf) = vrcp.f32 v32  }
0x287: {  	s9 =	sadd.s32 $0x400, s9;
	v46 =	vadd.f32 $1.000000000e+00, v46;
	s11 =	sshll.u32 s10, $0x4;
	s12 =	sshll.u32 s10, $0x1;
	v32 =	vmul.f32 v38, v48;
	v48 =	vld.idx.msk [tilespmem:v43+s29+$0x0], $0xffff;
	v38 =	vadd.f32 $1.000000000e+00, v50  }
0x288: {  	s13 =	sand.u32 $0x1C00, s9;
	p0 =	slt.u32 s10, $0x3F8;
	s11 =	sand.u32 $0x2000, s11;
	v35 =	vadd.f32 v41, v35;
	v41 =	vld.idx.msk [tilespmem:v43+s0+$0x0], $0xffff;
	v43 =	vcvt.s32.f32 v40;
	(erf) = vrcp.f32 v47  }
0x289: {  	v24 =	vmul.f32 v24, v21;
	s12 =	sand.u32 $0x380, s12;
	s11 =	sor.u32 s13, s11;
	v32 =	vadd.f32 v32, v34;
	v47 =	vld.idx.msk [tilespmem:v40+s0+$0x0], $0xffff;
	(erf) = vrcp.f32 v46  }
0x28a: {  	v33 =	vsub.f32 v33, v45;
	s11 =	sor.u32 s12, s11;
	v46 =	vmul.f32 $1.442695020e+00, v35;
	v28 =	vsub.f32 v28, v43;
	v35 =	vld.idx.msk [tilespmem:v40+s29+$0x0], $0xffff;
	v34 =	vpop (erf)  }
0x28b: {  	v40 =	vld [tilespmem:s11+$0x4A70];
	v24 =	vadd.f32 v32, v24;
	v32 =	vadd.f32 $1.000000000e+00, v34;
	(erf) = vrcp.f32 v38  }
0x28c: {  	v38 =	vcvt.s32.f32 v30;
	v34 =	vmul.f32 v25, v21;
	v25 =	vsub.f32 v44, v36;
	v43 =	vld [tilespmem:s11+$0x4A20];
	v44 =	vpop (erf)  }
0x28d: {  	v24 =	vmul.f32 $1.442695020e+00, v24;
	v44 =	vadd.f32 $1.000000000e+00, v44;
	(erf) = vrcp.f32 v32  }
0x28e: {  	v29 =	vmul.f32 v29, v21;
	v50 =	vsub.f32 v41, v48;
	v25 =	vmul.f32 v33, v25;
	v32 =	vld [tilespmem:s11+$0x4A60];
	v33 =	vpop (erf)  }
0x28f: {  	v49 =	vmul.f32 $1.442695020e+00, v39;
	v45 =	vsub.f32 v27, v38;
	v38 =	vld.idx.msk [tilespmem:v30+s29+$0x0], $0xffff;
	v27 =	vpop (erf);
	(erf) = vrcp.f32 v44  }
0x290: {  	v26 =	vmul.f32 v26, v21;
	v37 =	vmul.f32 v37, v50;
	v25 =	vadd.f32 v25, v36;
	v39 =	vld [tilespmem:s11+$0x4A00];
	[tilespmem:s7+$0xCA30] =	vst v33  }
0x291: {  	v36 =	vcvt.f32.s32 v42;
	v33 =	vld [tilespmem:s11+$0x4A40];
	(erf) = vpow2.f32 v46;
	v41 =	vpop (erf)  }
0x292: {  	v42 =	vsub.f32 v47, v35;
	v40 =	vmax.f32 v40, $-8.000000000e+00;
	v37 =	vadd.f32 v37, v48;
	[tilespmem:s7+$0xCA50] =	vst v41;
	v41 =	vpop (erf)  }
0x293: {  	v40 =	vmin.f32 v40, $8.000000000e+00;
	v46 =	vmul.f32 v22, v21;
	v22 =	vcvt.s32.f32 v36;
	v44 =	vld [tilespmem:s11+$0x4A10];
	[tilespmem:s7+$0xCA00] =	vst v27  }
0x294: {  	v27 =	vmax.f32 v43, $-8.000000000e+00;
	v43 =	vadd.f32 $8.000000000e+00, v40;
	(erf) = vpow2.f32 v24;
	[tilespmem:s7+$0xCA70] =	vst v41;
	v24 =	vpop (erf)  }
0x295: {  	v29 =	vadd.f32 v25, v29;
	v32 =	vmax.f32 v32, $-8.000000000e+00;
	v39 =	vmax.f32 v39, $-8.000000000e+00;
	[tilespmem:s7+$0xCA40] =	vst v24  }
0x296: {  	v26 =	vadd.f32 v37, v26;
	v43 =	vmul.f32 $6.243750000e+01, v43;
	v24 =	vmin.f32 v39, $8.000000000e+00;
	v41 =	vld [tilespmem:s11+$0x4A30];
	v25 =	vpop (erf)  }
0x297: {  	v31 =	vsub.f32 v31, v22;
	v33 =	vmax.f32 v33, $-8.000000000e+00;
	v39 =	vmin.f32 v32, $8.000000000e+00;
	v32 =	vld.idx.msk [tilespmem:v36+s0+$0x0], $0xffff;
	[tilespmem:s7+$0xCA60] =	vst v25  }
0x298: {  	v42 =	vmul.f32 v28, v42;
	v37 =	vtrunc.f32 v43;
	v22 =	vmax.f32 v44, $-8.000000000e+00;
	v36 =	vld.idx.msk [tilespmem:v36+s29+$0x0], $0xffff;
	v28 =	vpop (erf)  }
0x299: {  	v25 =	vmin.f32 v27, $8.000000000e+00;
	v44 =	vmin.f32 v22, $8.000000000e+00;
	v22 =	vmin.f32 v33, $8.000000000e+00;
	v27 =	vld.idx.msk [tilespmem:v30+s0+$0x0], $0xffff;
	[tilespmem:s7+$0xCA20] =	vst v28;
	s7 =	smov.u32 s8;
	s8 =	smov.u32 s11  }
0x29a: {  	v26 =	vmul.f32 $1.442695020e+00, v26;
	v30 =	vadd.f32 $8.000000000e+00, v44;
	v28 =	vadd.f32 $8.000000000e+00, v22;
	v33 =	vld [tilespmem:s8+$0x4A50];
	v47 =	vpop (erf)  }
0x29b: {  	v50 =	vmul.f32 $1.442695020e+00, v29;
	v48 =	vadd.f32 $8.000000000e+00, v24;
	v47 =	vadd.f32 $1.000000000e+00, v47  }
0x29c: {  	v41 =	vmax.f32 v41, $-8.000000000e+00;
	v28 =	vmul.f32 $6.243750000e+01, v28;
	(erf) = vpow2.f32 v26  }
0x29d: {  	v37 =	vcvt.f32.s32 v37;
	v26 =	vmin.f32 v41, $8.000000000e+00;
	v29 =	vpop (erf);
	(erf) = vrcp.f32 v47  }
0x29e: {  	v30 =	vmul.f32 $6.243750000e+01, v30;
	v41 =	vadd.f32 $8.000000000e+00, v25;
	v47 =	vsub.f32 v32, v36  }
0x29f: {  	v51 =	vadd.f32 $8.000000000e+00, v26;
	v52 =	vsub.f32 v27, v38;
	v33 =	vmax.f32 v33, $-8.000000000e+00  }
0x2a0: {  	v53 =	vtrunc.f32 v30;
	v27 =	vmul.f32 $6.243750000e+01, v41;
	v32 =	vadd.f32 $1.000000000e+00, v29  }
0x2a1: {  	v41 =	vcvt.f32.s32 v53;
	v53 =	vcvt.s32.f32 v37;
	v29 =	vmin.f32 v33, $8.000000000e+00  }
0x2a2: {  	v48 =	vmul.f32 $6.243750000e+01, v48;
	v45 =	vmul.f32 v45, v52;
	v33 =	vadd.f32 $8.000000000e+00, v29  }
0x2a3: {  	v42 =	vadd.f32 v42, v35;
	v54 =	vtrunc.f32 v28;
	v52 =	vcvt.s32.f32 v41;
	v55 =	vld.idx.msk [tilespmem:v37+s29+$0x0], $0xffff  }
0x2a4: {  	v56 =	vadd.f32 $8.000000000e+00, v39;
	v35 =	vtrunc.f32 v48;
	v31 =	vmul.f32 v31, v47  }
0x2a5: {  	v47 =	vcvt.f32.s32 v35;
	v52 =	vsub.f32 v30, v52;
	v37 =	vld.idx.msk [tilespmem:v37+s0+$0x0], $0xffff;
	v57 =	vpop (erf);
	(erf) = vpow2.f32 v49  }
0x2a6: {  	v42 =	vadd.f32 v42, v46;
	v35 =	vmul.f32 v44, v21;
	v30 =	vtrunc.f32 v27;
	v44 =	vpop (erf)  }
0x2a7: {  	v46 =	vcvt.s32.f32 v47;
	v31 =	vadd.f32 v31, v36;
	v33 =	vmul.f32 $6.243750000e+01, v33;
	[tilespmem:s7+$0xCA10] =	vst v44  }
0x2a8: {  	v42 =	vmul.f32 $1.442695020e+00, v42;
	v45 =	vadd.f32 v45, v38;
	v44 =	vmul.f32 $6.243750000e+01, v51;
	v36 =	vld.idx.msk [tilespmem:v41+s0+$0x0], $0xffff  }
0x2a9: {  	v38 =	vsub.f32 v48, v46;
	v46 =	vtrunc.f32 v33;
	v41 =	vld.idx.msk [tilespmem:v41+s29+$0x0], $0xffff;
	(erf) = vpow2.f32 v50  }
0x2aa: {  	v45 =	vadd.f32 v45, v34;
	v48 =	vtrunc.f32 v44;
	(erf) = vpow2.f32 v42  }
0x2ab: {  	v23 =	vadd.f32 v31, v23;
	v49 =	vmul.f32 v40, v21;
	v42 =	vsub.f32 v43, v53;
	v34 =	vld.idx.msk [tilespmem:v47+s29+$0x0], $0xffff  }
0x2ac: {  	v30 =	vcvt.f32.s32 v30;
	v50 =	vcvt.f32.s32 v46;
	v31 =	vsub.f32 v37, v55  }
0x2ad: {  	v23 =	vmul.f32 $1.442695020e+00, v23;
	v43 =	vcvt.f32.s32 v48;
	v51 =	vld.idx.msk [tilespmem:v47+s0+$0x0], $0xffff  }
0x2ae: {  	v53 =	vadd.f32 $1.000000000e+00, v57;
	v37 =	vmul.f32 v42, v31;
	v42 =	vmul.f32 $1.442695020e+00, v45;
	v46 =	vpop (erf)  }
.Ltmp4:
0x2af: {  	v45 =	vcvt.s32.f32 v43;
	v36 =	vsub.f32 v36, v41;
	(erf) = vpow2.f32 v23;
	(pc) =	sbr.rel @p0 .LBB2_10-.Ltmp4, $4  }
0x2b0: {  	v40 =	vcvt.f32.s32 v54;
	v31 =	vmul.f32 $6.243750000e+01, v56;
	v48 =	vadd.f32 v37, v55  }
0x2b1: {  	v37 =	vsub.f32 v44, v45;
	v47 =	vmul.f32 v52, v36;
	(erf) = vpow2.f32 v42  }
0x2b2: {  	v45 =	vcvt.s32.f32 v50;
	v23 =	vmul.f32 v39, v21;
	v39 =	vadd.f32 v48, v49;
	v36 =	vld.idx.msk [tilespmem:v50+s29+$0x0], $0xffff;
	v49 =	vpop (erf)  }
0x2b3: {  	v42 =	vtrunc.f32 v31;
	v48 =	vsub.f32 v51, v34;
	v44 =	vld.idx.msk [tilespmem:v50+s0+$0x0], $0xffff;
	(erf) = vrcp.f32 v53;
	v50 =	vpop (erf)  }
0x2b4: {  	_ =	sdelay $0x3  }
0x2b5: {  	v57 =	vadd.f32 $1.000000000e+00, v49;
	v58 =	vadd.f32 $1.000000000e+00, v46;
	v46 =	vld.idx.msk [tilespmem:v43+s29+$0x0], $0xffff  }
0x2b6: {  	v41 =	vadd.f32 v47, v41;
	(erf) = vrcp.f32 v32;
	v61 =	vld.idx.msk [tilespmem:v43+s0+$0x0], $0xffff;
	v42 =	vcvt.f32.s32 v42  }
0x2b7: {  	v59 =	vadd.f32 $1.000000000e+00, v50;
	v24 =	vmul.f32 v24, v21;
	(erf) = vrcp.f32 v57;
	v60 =	vpop (erf)  }
0x2b8: {  	v35 =	vadd.f32 v41, v35;
	(erf) = vrcp.f32 v58;
	v62 =	vadd.f32 $1.000000000e+00, v60;
	v63 =	vpop (erf)  }
0x2b9: {  	v49 =	vld.idx.msk [tilespmem:v40+s29+$0x0], $0xffff;
	v38 =	vmul.f32 v38, v48;
	(erf) = vrcp.f32 v59;
	v41 =	vadd.f32 $1.000000000e+00, v63  }
0x2ba: {  	v52 =	vld.idx.msk [tilespmem:v30+s29+$0x0], $0xffff;
	v35 =	vmul.f32 $1.442695020e+00, v35;
	(erf) = vrcp.f32 v62  }
0x2bb: {  	v33 =	vsub.f32 v33, v45;
	v48 =	vld.idx.msk [tilespmem:v40+s0+$0x0], $0xffff;
	v51 =	vsub.f32 v61, v46;
	(erf) = vrcp.f32 v41  }
0x2bc: {  	v50 =	vcvt.s32.f32 v40;
	v47 =	vadd.f32 v38, v34;
	v55 =	vld.idx.msk [tilespmem:v42+s0+$0x0], $0xffff;
	(erf) = vpow2.f32 v35  }
0x2bd: {  	v54 =	vcvt.s32.f32 v30;
	v44 =	vsub.f32 v44, v36;
	v57 =	vld.idx.msk [tilespmem:v42+s29+$0x0], $0xffff;
	v32 =	vmul.f32 v37, v51  }
0x2be: {  	v30 =	vld.idx.msk [tilespmem:v30+s0+$0x0], $0xffff;
	v26 =	vmul.f32 v26, v21;
	v28 =	vsub.f32 v28, v50;
	v24 =	vadd.f32 v47, v24;
	v53 =	vpop (erf)  }
0x2bf: {  	v27 =	vsub.f32 v27, v54;
	v33 =	vmul.f32 v33, v44;
	v56 =	vpop (erf);
	v32 =	vadd.f32 v32, v46  }
0x2c0: {  	v60 =	vcvt.s32.f32 v42;
	v34 =	vsub.f32 v48, v49;
	v24 =	vmul.f32 $1.442695020e+00, v24;
	v58 =	vpop (erf)  }
0x2c1: {  	v29 =	vmul.f32 v29, v21;
	v33 =	vadd.f32 v33, v36;
	v26 =	vadd.f32 v32, v26;
	v59 =	vpop (erf)  }
0x2c2: {  	(erf) = vpow2.f32 v24;
	v24 =	vsub.f32 v31, v60;
	v63 =	vsub.f32 v55, v57;
	v61 =	vpop (erf)  }
0x2c3: {  	v30 =	vsub.f32 v30, v52;
	v28 =	vmul.f32 v28, v34;
	v26 =	vmul.f32 $1.442695020e+00, v26;
	v62 =	vpop (erf)  }
0x2c4: {  	v22 =	vmul.f32 v22, v21;
	v29 =	vadd.f32 v33, v29;
	v24 =	vmul.f32 v24, v63;
	v31 =	vpop (erf)  }
0x2c5: {  	(erf) = vpow2.f32 v26;
	v26 =	vmul.f32 v27, v30;
	v27 =	vadd.f32 v28, v49;
	v44 =	vpop (erf)  }
0x2c6: {  	v25 =	vmul.f32 v25, v21;
	v24 =	vadd.f32 v24, v57;
	v45 =	vadd.f32 $1.000000000e+00, v44  }
0x2c7: {  	v39 =	vmul.f32 $1.442695020e+00, v39;
	v28 =	vmul.f32 $1.442695020e+00, v29;
	v22 =	vadd.f32 v27, v22  }
0x2c8: {  	v26 =	vadd.f32 v26, v52;
	v23 =	vadd.f32 v24, v23;
	(erf) = vrcp.f32 v45  }
0x2c9: {  	v22 =	vmul.f32 $1.442695020e+00, v22;
	(erf) = vpow2.f32 v39  }
0x2ca: {  	v24 =	vadd.f32 v26, v25;
	v23 =	vmul.f32 $1.442695020e+00, v23;
	(erf) = vpow2.f32 v28;
	_ =	sdelay $0x1  }
0x2cb: {  	(erf) = vpow2.f32 v22;
	v22 =	vmul.f32 $1.442695020e+00, v24  }
0x2cc: {  	(erf) = vpow2.f32 v23  }
0x2cd: {  	v23 =	vpop (erf);
	(erf) = vpow2.f32 v22;
	_ =	sdelay $0x1  }
0x2ce: {  	v22 =	vpop (erf)  }
0x2cf: {  	v23 =	vadd.f32 $1.000000000e+00, v23;
	v24 =	vpop (erf)  }
0x2d0: {  	v22 =	vadd.f32 $1.000000000e+00, v22;
	v25 =	vpop (erf)  }
0x2d1: {  	v26 =	vpop (erf);
	v25 =	vadd.f32 $1.000000000e+00, v25  }
0x2d2: {  	(erf) = vrcp.f32 v22;
	v22 =	vadd.f32 $1.000000000e+00, v26  }
0x2d3: {  	(erf) = vrcp.f32 v23;
	v23 =	vpop (erf)  }
0x2d4: {  	[tilespmem:s7+$0xCA30] =	vst v53;
	(erf) = vrcp.f32 v22;
	v22 =	vadd.f32 $1.000000000e+00, v23;
	v23 =	vpop (erf)  }
0x2d5: {  	[tilespmem:s7+$0xCA00] =	vst v56;
	(erf) = vrcp.f32 v25;
	v23 =	vadd.f32 $1.000000000e+00, v23;
	v25 =	vpop (erf)  }
0x2d6: {  	[tilespmem:s7+$0xCA50] =	vst v58;
	(erf) = vrcp.f32 v22;
	v22 =	vadd.f32 $1.000000000e+00, v25  }
0x2d7: {  	[tilespmem:s7+$0xCA70] =	vst v59;
	(erf) = vrcp.f32 v23  }
0x2d8: {  	[tilespmem:s7+$0xCA40] =	vst v61;
	(erf) = vrcp.f32 v22  }
0x2d9: {  	[tilespmem:s7+$0xCA60] =	vst v62  }
0x2da: {  	[tilespmem:s7+$0xCA20] =	vst v31  }
0x2db: {  	[tilespmem:s8+$0xCA10] =	vst v24;
	v22 =	vpop (erf)  }
0x2dc: {  	v23 =	vpop (erf);
	[tilespmem:s8+$0xCA30] =	vst v22  }
0x2dd: {  	[tilespmem:s8+$0xCA00] =	vst v23;
	v22 =	vpop (erf)  }
0x2de: {  	[tilespmem:s8+$0xCA50] =	vst v22;
	v22 =	vpop (erf)  }
0x2df: {  	[tilespmem:s8+$0xCA70] =	vst v22;
	v22 =	vpop (erf)  }
0x2e0: {  	[tilespmem:s8+$0xCA40] =	vst v22;
	v22 =	vpop (erf)  }
0x2e1: {  	[tilespmem:s8+$0xCA60] =	vst v22;
	v22 =	vpop (erf)  }
0x2e2: {  	[tilespmem:s8+$0xCA20] =	vst v22  }
0x2e3: {  	s13 =	simm.s32 $0x0;
	s8 =	rddreg [dreg:$0xd]  }
0x2e4: {  	[hbm4b:s8+s13] =	stream.linear.scatter [tilespmem:s2], [sflag:$0x3], $0x4000, $0x38;
	[tilespmem:$0x14A00] =	vst v63  }
0x2e5: {  	_ =	swait.ge [sflag:s1], $0x4000  }
0x2e6: {  	s11 =	simm.s32 $0x0;
	[sflag:s1] =	ssyncset.done $0x0  }
0x2e7: {  	s9 =	simm.s32 $0x0;
	s10 =	rddreg [dreg:$0xe];
	[sflag:s1] =	ssyncadd.s32 $0xFFFFC000  }
0x2e8: {  	[tilespmem:s23], [sflag:$0x1] =	stream.linear.gather [hbm4b:s10+s13], $0x4000, $0x38;
	[tilespmem:$0x14A00] =	vst v63  }
0x2e9: {  	s7 =	sand.u32 $0x1C00, s13;
	s8 =	sand.u32 $0x2000, s11;
	_ =	swait.ge [sflag:s5], $0x4000  }
0x2ea: {  	s12 =	sand.u32 $0x380, s9;
	s7 =	sor.u32 s7, s8;
	[sflag:s5] =	ssyncset.done $0x0  }
0x2eb: {  	s7 =	sor.u32 s12, s7;
	[sflag:s5] =	ssyncadd.s32 $0xFFFFC000  }
0x2ec: {  	v22 =	vld [tilespmem:s7+$0x8A70];
	_ =	sdelay $0x1  }
0x2ed: {  	v23 =	vld [tilespmem:s7+$0x8A10];
	_ =	sdelay $0x1  }
0x2ee: {  	v24 =	vld [tilespmem:s7+$0x8A00]  }
0x2ef: {  	v27 =	vld [tilespmem:s7+$0x8A40];
	v22 =	vmax.f32 v22, $-8.000000000e+00  }
0x2f0: {  	v22 =	vmin.f32 v22, $8.000000000e+00  }
0x2f1: {  	v23 =	vmax.f32 v23, $-8.000000000e+00;
	v25 =	vadd.f32 $8.000000000e+00, v22  }
0x2f2: {  	v23 =	vmin.f32 v23, $8.000000000e+00  }
0x2f3: {  	v46 =	vld [tilespmem:s7+$0x8A30];
	v24 =	vmax.f32 v24, $-8.000000000e+00;
	v28 =	vadd.f32 $8.000000000e+00, v23;
	v25 =	vmul.f32 $6.243750000e+01, v25  }
0x2f4: {  	v27 =	vmax.f32 v27, $-8.000000000e+00;
	v24 =	vmin.f32 v24, $8.000000000e+00  }
0x2f5: {  	v26 =	vld [tilespmem:s7+$0x8A20];
	v31 =	vadd.f32 $8.000000000e+00, v24;
	v28 =	vmul.f32 $6.243750000e+01, v28;
	v30 =	vtrunc.f32 v25  }
0x2f6: {  	v29 =	vld [tilespmem:s7+$0x8A50];
	v27 =	vmin.f32 v27, $8.000000000e+00;
	v30 =	vcvt.f32.s32 v30  }
0x2f7: {  	v50 =	vadd.f32 $8.000000000e+00, v27;
	v31 =	vmul.f32 $6.243750000e+01, v31;
	v47 =	vtrunc.f32 v28  }
0x2f8: {  	v32 =	vmax.f32 v46, $-8.000000000e+00;
	v33 =	vcvt.f32.s32 v47  }
0x2f9: {  	v32 =	vmin.f32 v32, $8.000000000e+00;
	v36 =	vmul.f32 $6.243750000e+01, v50;
	v48 =	vtrunc.f32 v31  }
0x2fa: {  	v49 =	vld [tilespmem:s7+$0x8A60];
	v53 =	vadd.f32 $8.000000000e+00, v32;
	v34 =	vcvt.f32.s32 v48  }
0x2fb: {  	v26 =	vmax.f32 v26, $-8.000000000e+00;
	v29 =	vmax.f32 v29, $-8.000000000e+00;
	v60 =	vtrunc.f32 v36  }
0x2fc: {  	v26 =	vmin.f32 v26, $8.000000000e+00;
	v40 =	vmul.f32 $6.243750000e+01, v53;
	v63 =	vcvt.f32.s32 v60;
	v39 =	vld.idx.msk [tilespmem:v30+s29+$0x0], $0xffff  }
0x2fd: {  	v29 =	vmin.f32 v29, $8.000000000e+00;
	v23 =	vmul.f32 v23, v21;
	v22 =	vmul.f32 v22, v21;
	v54 =	vld.idx.msk [tilespmem:v30+s0+$0x0], $0xffff  }
0x2fe: {  	v51 =	vadd.f32 $8.000000000e+00, v29;
	v24 =	vmul.f32 v24, v21;
	v59 =	vtrunc.f32 v40;
	v55 =	vld.idx.msk [tilespmem:v33+s0+$0x0], $0xffff  }
0x2ff: {  	v35 =	vmax.f32 v49, $-8.000000000e+00;
	v46 =	vmul.f32 v26, v21;
	v47 =	vcvt.f32.s32 v59;
	v56 =	vld.idx.msk [tilespmem:v33+s29+$0x0], $0xffff  }
0x300: {  	s9 =	simm.s32 $0x400;
	s13 =	simm.s32 $0x80;
	v52 =	vadd.f32 $8.000000000e+00, v26;
	v37 =	vmul.f32 $6.243750000e+01, v51;
	v58 =	vcvt.s32.f32 v34;
	v45 =	vld.idx.msk [tilespmem:v34+s29+$0x0], $0xffff  }
0x301: {  	s11 =	sand.u32 $0x1C00, s9;
	s10 =	simm.s32 $0x10;
	s8 =	sand.u32 $0x2000, s13;
	v35 =	vmin.f32 v35, $8.000000000e+00;
	v29 =	vmul.f32 v29, v21;
	v32 =	vmul.f32 v32, v21;
	v34 =	vld.idx.msk [tilespmem:v34+s0+$0x0], $0xffff  }
0x302: {  	s10 =	sand.u32 $0x380, s10;
	s8 =	sor.u32 s11, s8;
	v38 =	vmul.f32 $6.243750000e+01, v52;
	v57 =	vtrunc.f32 v37;
	v31 =	vsub.f32 v31, v58;
	v58 =	vld.idx.msk [tilespmem:v63+s0+$0x0], $0xffff  }
0x303: {  	s8 =	sor.u32 s10, s8;
	v61 =	vadd.f32 $8.000000000e+00, v35;
	v44 =	vcvt.f32.s32 v57;
	v59 =	vcvt.s32.f32 v63;
	v42 =	vld.idx.msk [tilespmem:v63+s29+$0x0], $0xffff  }
0x304: {  	v49 =	vld [tilespmem:s8+$0x8A60];
	v30 =	vcvt.s32.f32 v30;
	v33 =	vcvt.s32.f32 v33  }
0x305: {  	v62 =	vtrunc.f32 v38;
	v48 =	vmul.f32 $6.243750000e+01, v61;
	v36 =	vsub.f32 v36, v59;
	v57 =	vld.idx.msk [tilespmem:v47+s0+$0x0], $0xffff  }
0x306: {  	v63 =	vld [tilespmem:s8+$0x8A20];
	v28 =	vsub.f32 v28, v33;
	v25 =	vsub.f32 v25, v30;
	v33 =	vcvt.f32.s32 v62  }
0x307: {  	v52 =	vcvt.s32.f32 v47;
	v30 =	vsub.f32 v55, v56;
	v41 =	vsub.f32 v54, v39;
	v54 =	vld.idx.msk [tilespmem:v47+s29+$0x0], $0xffff  }
0x308: {  	v61 =	vcvt.s32.f32 v33;
	v34 =	vsub.f32 v34, v45;
	v50 =	vsub.f32 v58, v42  }
0x309: {  	v53 =	vld.idx.msk [tilespmem:v44+s0+$0x0], $0xffff;
	v55 =	vsub.f32 v40, v52;
	v28 =	vmul.f32 v28, v30;
	v25 =	vmul.f32 v25, v41  }
0x30a: {  	v38 =	vsub.f32 v38, v61;
	v30 =	vld.idx.msk [tilespmem:v44+s29+$0x0], $0xffff;
	v31 =	vmul.f32 v31, v34;
	v34 =	vmul.f32 v36, v50  }
0x30b: {  	v52 =	vmax.f32 v63, $-8.000000000e+00;
	v28 =	vadd.f32 v28, v56;
	v25 =	vadd.f32 v25, v39  }
0x30c: {  	v51 =	vld [tilespmem:s8+$0x8A10];
	v41 =	vmax.f32 v49, $-8.000000000e+00;
	v34 =	vadd.f32 v34, v42;
	v26 =	vsub.f32 v57, v54  }
0x30d: {  	v56 =	vcvt.s32.f32 v44;
	v44 =	vld.idx.msk [tilespmem:v33+s29+$0x0], $0xffff;
	v23 =	vadd.f32 v28, v23;
	v28 =	vadd.f32 v31, v45  }
0x30e: {  	v33 =	vld.idx.msk [tilespmem:v33+s0+$0x0], $0xffff;
	v31 =	vmul.f32 v35, v21;
	v22 =	vadd.f32 v25, v22;
	v25 =	vtrunc.f32 v48  }
0x30f: {  	v57 =	vld [tilespmem:s8+$0x8A50];
	v62 =	vsub.f32 v53, v30;
	v26 =	vmul.f32 v55, v26;
	v25 =	vcvt.f32.s32 v25  }
0x310: {  	v23 =	vmul.f32 $1.442695020e+00, v23;
	v24 =	vadd.f32 v28, v24;
	v28 =	vsub.f32 v37, v56  }
0x311: {  	v60 =	vld [tilespmem:s8+$0x8A70];
	v40 =	vmul.f32 $1.442695020e+00, v22;
	v37 =	vmul.f32 v27, v21;
	v26 =	vadd.f32 v26, v54  }
0x312: {  	v27 =	vcvt.s32.f32 v25;
	v54 =	vmax.f32 v51, $-8.000000000e+00;
	v24 =	vmul.f32 $1.442695020e+00, v24  }
0x313: {  	v22 =	vld [tilespmem:s8+$0x8A00];
	v33 =	vsub.f32 v33, v44;
	v28 =	vmul.f32 v28, v62;
	(erf) = vpow2.f32 v23  }
0x314: {  	v23 =	vld [tilespmem:s8+$0x8A40];
	v45 =	vmin.f32 v54, $8.000000000e+00;
	v47 =	vmax.f32 v57, $-8.000000000e+00;
	v34 =	vadd.f32 v34, v37  }
0x315: {  	v26 =	vadd.f32 v26, v32;
	v32 =	vadd.f32 $8.000000000e+00, v45;
	v38 =	vmul.f32 v38, v33  }
0x316: {  	v35 =	vmul.f32 v45, v21;
	v28 =	vadd.f32 v28, v30;
	v30 =	vmax.f32 v60, $-8.000000000e+00  }
0x317: {  	(erf) = vpow2.f32 v24;
	v34 =	vmul.f32 $1.442695020e+00, v34;
	v30 =	vmin.f32 v30, $8.000000000e+00  }
0x318: {  	v22 =	vmax.f32 v22, $-8.000000000e+00;
	v53 =	vadd.f32 $8.000000000e+00, v30;
	v28 =	vadd.f32 v28, v29;
	v29 =	vld [tilespmem:s8+$0x8A30]  }
0x319: {  	v26 =	vmul.f32 $1.442695020e+00, v26;
	v24 =	vmin.f32 v22, $8.000000000e+00;
	v22 =	vmax.f32 v23, $-8.000000000e+00  }
0x31a: {  	v23 =	vmin.f32 v41, $8.000000000e+00;
	v43 =	vmul.f32 $6.243750000e+01, v53;
	v22 =	vmin.f32 v22, $8.000000000e+00  }
0x31b: {  	v36 =	vld.idx.msk [tilespmem:v25+s29+$0x0], $0xffff;
	v41 =	vsub.f32 v48, v27;
	(erf) = vpow2.f32 v26;
	v56 =	vadd.f32 $8.000000000e+00, v22  }
0x31c: {  	v27 =	vld.idx.msk [tilespmem:v25+s0+$0x0], $0xffff;
	v25 =	vmin.f32 v52, $8.000000000e+00;
	v50 =	vmul.f32 $1.442695020e+00, v28;
	v55 =	vtrunc.f32 v43  }
0x31d: {  	v58 =	vpop (erf);
	v29 =	vmax.f32 v29, $-8.000000000e+00;
	v28 =	vmul.f32 $6.243750000e+01, v56;
	v39 =	vcvt.f32.s32 v55  }
0x31e: {  	v55 =	vadd.f32 $8.000000000e+00, v23;
	v23 =	vmul.f32 v23, v21;
	v48 =	vadd.f32 $1.000000000e+00, v58  }
0x31f: {  	v26 =	vmin.f32 v29, $8.000000000e+00;
	v29 =	vadd.f32 $8.000000000e+00, v25;
	v53 =	vcvt.s32.f32 v39  }
0x320: {  	v59 =	vadd.f32 $8.000000000e+00, v24;
	(erf) = vrcp.f32 v48;
	v48 =	vmul.f32 $6.243750000e+01, v32  }
0x321: {  	v60 =	vsub.f32 v27, v36;
	v54 =	vtrunc.f32 v28;
	v27 =	vmul.f32 $6.243750000e+01, v29  }
0x322: {  	v29 =	vmin.f32 v47, $8.000000000e+00;
	v47 =	vmul.f32 $6.243750000e+01, v59;
	v52 =	vtrunc.f32 v48  }
0x323: {  	v38 =	vadd.f32 v38, v44;
	v41 =	vmul.f32 v41, v60;
	v52 =	vcvt.f32.s32 v52  }
0x324: {  	v62 =	vadd.f32 $8.000000000e+00, v29;
	(erf) = vpow2.f32 v40;
	v40 =	vcvt.f32.s32 v54  }
0x325: {  	v57 =	vtrunc.f32 v47;
	v58 =	vtrunc.f32 v27;
	v36 =	vadd.f32 v41, v36;
	v56 =	vld.idx.msk [tilespmem:v39+s29+$0x0], $0xffff  }
0x326: {  	v51 =	vadd.f32 $8.000000000e+00, v26;
	(erf) = vpow2.f32 v50;
	v42 =	vcvt.f32.s32 v57;
	v39 =	vld.idx.msk [tilespmem:v39+s0+$0x0], $0xffff  }
0x327: {  	v61 =	vpop (erf);
	v33 =	vmul.f32 $6.243750000e+01, v62;
	v31 =	vadd.f32 v36, v31;
	v63 =	vcvt.s32.f32 v52  }
0x328: {  	v32 =	vadd.f32 $1.000000000e+00, v61;
	(erf) = vpow2.f32 v34;
	v59 =	vcvt.s32.f32 v42  }
0x329: {  	v61 =	vtrunc.f32 v33;
	v31 =	vmul.f32 $1.442695020e+00, v31;
	v37 =	vsub.f32 v48, v63;
	v60 =	vld.idx.msk [tilespmem:v52+s0+$0x0], $0xffff  }
0x32a: {  	v48 =	vmul.f32 $6.243750000e+01, v51;
	v63 =	vsub.f32 v43, v53;
	v53 =	vcvt.f32.s32 v61;
	v41 =	vld.idx.msk [tilespmem:v52+s29+$0x0], $0xffff  }
0x32b: {  	v57 =	vpop (erf);
	v49 =	vsub.f32 v39, v56;
	(erf) = vpow2.f32 v31;
	v31 =	vmul.f32 $6.243750000e+01, v55  }
0x32c: {  	v46 =	vadd.f32 v38, v46;
	v62 =	vtrunc.f32 v48;
	v52 =	vmul.f32 v30, v21;
	v34 =	vld.idx.msk [tilespmem:v42+s29+$0x0], $0xffff  }
0x32d: {  	v38 =	vsub.f32 v47, v59;
	v30 =	vcvt.f32.s32 v58;
	v42 =	vld.idx.msk [tilespmem:v42+s0+$0x0], $0xffff;
	v36 =	vmul.f32 v63, v49  }
0x32e: {  	v59 =	vadd.f32 $1.000000000e+00, v57;
	v58 =	vmul.f32 $1.442695020e+00, v46;
	v43 =	vcvt.f32.s32 v62  }
0x32f: {  	v45 =	vcvt.s32.f32 v53;
	v62 =	vpop (erf);
	v63 =	vadd.f32 v36, v56;
	v60 =	vsub.f32 v60, v41  }
0x330: {  	v61 =	vcvt.s32.f32 v43;
	v46 =	vpop (erf);
	(erf) = vpow2.f32 v58  }
0x331: {  	v36 =	vld.idx.msk [tilespmem:v53+s29+$0x0], $0xffff;
	v39 =	vadd.f32 v63, v52;
	v49 =	vpop (erf);
	(erf) = vrcp.f32 v59;
	v47 =	vmul.f32 v37, v60  }
0x332: {  	s10 =	simm.s32 $0x8;
	[tilespmem:s7+$0x10A10] =	vst v62;
	v44 =	vld.idx.msk [tilespmem:v53+s0+$0x0], $0xffff;
	v50 =	vpop (erf);
	v37 =	vsub.f32 v48, v61;
	v48 =	vsub.f32 v42, v34;
	v42 =	vtrunc.f32 v31  }
.LBB2_12:
0x333: {  	s10 =	sadd.s32 $0x8, s10;
	v41 =	vadd.f32 v47, v41;
	v47 =	vadd.f32 $1.000000000e+00, v49;
	(erf) = vrcp.f32 v32  }
0x334: {  	s9 =	sadd.s32 $0x400, s9;
	v46 =	vadd.f32 $1.000000000e+00, v46;
	s11 =	sshll.u32 s10, $0x4;
	s12 =	sshll.u32 s10, $0x1;
	v32 =	vmul.f32 v38, v48;
	v48 =	vld.idx.msk [tilespmem:v43+s29+$0x0], $0xffff;
	v38 =	vadd.f32 $1.000000000e+00, v50  }
0x335: {  	s13 =	sand.u32 $0x1C00, s9;
	p0 =	slt.u32 s10, $0x3F8;
	s11 =	sand.u32 $0x2000, s11;
	v35 =	vadd.f32 v41, v35;
	v41 =	vld.idx.msk [tilespmem:v43+s0+$0x0], $0xffff;
	v43 =	vcvt.s32.f32 v40;
	(erf) = vrcp.f32 v47  }
0x336: {  	v24 =	vmul.f32 v24, v21;
	s12 =	sand.u32 $0x380, s12;
	s11 =	sor.u32 s13, s11;
	v32 =	vadd.f32 v32, v34;
	v47 =	vld.idx.msk [tilespmem:v40+s0+$0x0], $0xffff;
	(erf) = vrcp.f32 v46  }
0x337: {  	v33 =	vsub.f32 v33, v45;
	s11 =	sor.u32 s12, s11;
	v46 =	vmul.f32 $1.442695020e+00, v35;
	v28 =	vsub.f32 v28, v43;
	v35 =	vld.idx.msk [tilespmem:v40+s29+$0x0], $0xffff;
	v34 =	vpop (erf)  }
0x338: {  	v40 =	vld [tilespmem:s11+$0x8A70];
	v24 =	vadd.f32 v32, v24;
	v32 =	vadd.f32 $1.000000000e+00, v34;
	(erf) = vrcp.f32 v38  }
0x339: {  	v38 =	vcvt.s32.f32 v30;
	v34 =	vmul.f32 v25, v21;
	v25 =	vsub.f32 v44, v36;
	v43 =	vld [tilespmem:s11+$0x8A20];
	v44 =	vpop (erf)  }
0x33a: {  	v24 =	vmul.f32 $1.442695020e+00, v24;
	v44 =	vadd.f32 $1.000000000e+00, v44;
	(erf) = vrcp.f32 v32  }
0x33b: {  	v29 =	vmul.f32 v29, v21;
	v50 =	vsub.f32 v41, v48;
	v25 =	vmul.f32 v33, v25;
	v32 =	vld [tilespmem:s11+$0x8A60];
	v33 =	vpop (erf)  }
0x33c: {  	v49 =	vmul.f32 $1.442695020e+00, v39;
	v45 =	vsub.f32 v27, v38;
	v38 =	vld.idx.msk [tilespmem:v30+s29+$0x0], $0xffff;
	v27 =	vpop (erf);
	(erf) = vrcp.f32 v44  }
0x33d: {  	v26 =	vmul.f32 v26, v21;
	v37 =	vmul.f32 v37, v50;
	v25 =	vadd.f32 v25, v36;
	v39 =	vld [tilespmem:s11+$0x8A00];
	[tilespmem:s7+$0x10A30] =	vst v33  }
0x33e: {  	v36 =	vcvt.f32.s32 v42;
	v33 =	vld [tilespmem:s11+$0x8A40];
	(erf) = vpow2.f32 v46;
	v41 =	vpop (erf)  }
0x33f: {  	v42 =	vsub.f32 v47, v35;
	v40 =	vmax.f32 v40, $-8.000000000e+00;
	v37 =	vadd.f32 v37, v48;
	[tilespmem:s7+$0x10A50] =	vst v41;
	v41 =	vpop (erf)  }
0x340: {  	v40 =	vmin.f32 v40, $8.000000000e+00;
	v46 =	vmul.f32 v22, v21;
	v22 =	vcvt.s32.f32 v36;
	v44 =	vld [tilespmem:s11+$0x8A10];
	[tilespmem:s7+$0x10A00] =	vst v27  }
0x341: {  	v27 =	vmax.f32 v43, $-8.000000000e+00;
	v43 =	vadd.f32 $8.000000000e+00, v40;
	(erf) = vpow2.f32 v24;
	[tilespmem:s7+$0x10A70] =	vst v41;
	v24 =	vpop (erf)  }
0x342: {  	v29 =	vadd.f32 v25, v29;
	v32 =	vmax.f32 v32, $-8.000000000e+00;
	v39 =	vmax.f32 v39, $-8.000000000e+00;
	[tilespmem:s7+$0x10A40] =	vst v24  }
0x343: {  	v26 =	vadd.f32 v37, v26;
	v43 =	vmul.f32 $6.243750000e+01, v43;
	v24 =	vmin.f32 v39, $8.000000000e+00;
	v41 =	vld [tilespmem:s11+$0x8A30];
	v25 =	vpop (erf)  }
0x344: {  	v31 =	vsub.f32 v31, v22;
	v33 =	vmax.f32 v33, $-8.000000000e+00;
	v39 =	vmin.f32 v32, $8.000000000e+00;
	v32 =	vld.idx.msk [tilespmem:v36+s0+$0x0], $0xffff;
	[tilespmem:s7+$0x10A60] =	vst v25  }
0x345: {  	v42 =	vmul.f32 v28, v42;
	v37 =	vtrunc.f32 v43;
	v22 =	vmax.f32 v44, $-8.000000000e+00;
	v36 =	vld.idx.msk [tilespmem:v36+s29+$0x0], $0xffff;
	v28 =	vpop (erf)  }
0x346: {  	v25 =	vmin.f32 v27, $8.000000000e+00;
	v44 =	vmin.f32 v22, $8.000000000e+00;
	v22 =	vmin.f32 v33, $8.000000000e+00;
	v27 =	vld.idx.msk [tilespmem:v30+s0+$0x0], $0xffff;
	[tilespmem:s7+$0x10A20] =	vst v28;
	s7 =	smov.u32 s8;
	s8 =	smov.u32 s11  }
0x347: {  	v26 =	vmul.f32 $1.442695020e+00, v26;
	v30 =	vadd.f32 $8.000000000e+00, v44;
	v28 =	vadd.f32 $8.000000000e+00, v22;
	v33 =	vld [tilespmem:s8+$0x8A50];
	v47 =	vpop (erf)  }
0x348: {  	v50 =	vmul.f32 $1.442695020e+00, v29;
	v48 =	vadd.f32 $8.000000000e+00, v24;
	v47 =	vadd.f32 $1.000000000e+00, v47  }
0x349: {  	v41 =	vmax.f32 v41, $-8.000000000e+00;
	v28 =	vmul.f32 $6.243750000e+01, v28;
	(erf) = vpow2.f32 v26  }
0x34a: {  	v37 =	vcvt.f32.s32 v37;
	v26 =	vmin.f32 v41, $8.000000000e+00;
	v29 =	vpop (erf);
	(erf) = vrcp.f32 v47  }
0x34b: {  	v30 =	vmul.f32 $6.243750000e+01, v30;
	v41 =	vadd.f32 $8.000000000e+00, v25;
	v47 =	vsub.f32 v32, v36  }
0x34c: {  	v51 =	vadd.f32 $8.000000000e+00, v26;
	v52 =	vsub.f32 v27, v38;
	v33 =	vmax.f32 v33, $-8.000000000e+00  }
0x34d: {  	v53 =	vtrunc.f32 v30;
	v27 =	vmul.f32 $6.243750000e+01, v41;
	v32 =	vadd.f32 $1.000000000e+00, v29  }
0x34e: {  	v41 =	vcvt.f32.s32 v53;
	v53 =	vcvt.s32.f32 v37;
	v29 =	vmin.f32 v33, $8.000000000e+00  }
0x34f: {  	v48 =	vmul.f32 $6.243750000e+01, v48;
	v45 =	vmul.f32 v45, v52;
	v33 =	vadd.f32 $8.000000000e+00, v29  }
0x350: {  	v42 =	vadd.f32 v42, v35;
	v54 =	vtrunc.f32 v28;
	v52 =	vcvt.s32.f32 v41;
	v55 =	vld.idx.msk [tilespmem:v37+s29+$0x0], $0xffff  }
0x351: {  	v56 =	vadd.f32 $8.000000000e+00, v39;
	v35 =	vtrunc.f32 v48;
	v31 =	vmul.f32 v31, v47  }
0x352: {  	v47 =	vcvt.f32.s32 v35;
	v52 =	vsub.f32 v30, v52;
	v37 =	vld.idx.msk [tilespmem:v37+s0+$0x0], $0xffff;
	v57 =	vpop (erf);
	(erf) = vpow2.f32 v49  }
0x353: {  	v42 =	vadd.f32 v42, v46;
	v35 =	vmul.f32 v44, v21;
	v30 =	vtrunc.f32 v27;
	v44 =	vpop (erf)  }
0x354: {  	v46 =	vcvt.s32.f32 v47;
	v31 =	vadd.f32 v31, v36;
	v33 =	vmul.f32 $6.243750000e+01, v33;
	[tilespmem:s7+$0x10A10] =	vst v44  }
0x355: {  	v42 =	vmul.f32 $1.442695020e+00, v42;
	v45 =	vadd.f32 v45, v38;
	v44 =	vmul.f32 $6.243750000e+01, v51;
	v36 =	vld.idx.msk [tilespmem:v41+s0+$0x0], $0xffff  }
0x356: {  	v38 =	vsub.f32 v48, v46;
	v46 =	vtrunc.f32 v33;
	v41 =	vld.idx.msk [tilespmem:v41+s29+$0x0], $0xffff;
	(erf) = vpow2.f32 v50  }
0x357: {  	v45 =	vadd.f32 v45, v34;
	v48 =	vtrunc.f32 v44;
	(erf) = vpow2.f32 v42  }
0x358: {  	v23 =	vadd.f32 v31, v23;
	v49 =	vmul.f32 v40, v21;
	v42 =	vsub.f32 v43, v53;
	v34 =	vld.idx.msk [tilespmem:v47+s29+$0x0], $0xffff  }
0x359: {  	v30 =	vcvt.f32.s32 v30;
	v50 =	vcvt.f32.s32 v46;
	v31 =	vsub.f32 v37, v55  }
0x35a: {  	v23 =	vmul.f32 $1.442695020e+00, v23;
	v43 =	vcvt.f32.s32 v48;
	v51 =	vld.idx.msk [tilespmem:v47+s0+$0x0], $0xffff  }
0x35b: {  	v53 =	vadd.f32 $1.000000000e+00, v57;
	v37 =	vmul.f32 v42, v31;
	v42 =	vmul.f32 $1.442695020e+00, v45;
	v46 =	vpop (erf)  }
.Ltmp5:
0x35c: {  	v45 =	vcvt.s32.f32 v43;
	v36 =	vsub.f32 v36, v41;
	(erf) = vpow2.f32 v23;
	(pc) =	sbr.rel @p0 .LBB2_12-.Ltmp5, $4  }
0x35d: {  	v40 =	vcvt.f32.s32 v54;
	v31 =	vmul.f32 $6.243750000e+01, v56;
	v48 =	vadd.f32 v37, v55  }
0x35e: {  	v37 =	vsub.f32 v44, v45;
	v47 =	vmul.f32 v52, v36;
	(erf) = vpow2.f32 v42  }
0x35f: {  	v45 =	vcvt.s32.f32 v50;
	v23 =	vmul.f32 v39, v21;
	v39 =	vadd.f32 v48, v49;
	v36 =	vld.idx.msk [tilespmem:v50+s29+$0x0], $0xffff;
	v49 =	vpop (erf)  }
0x360: {  	v42 =	vtrunc.f32 v31;
	v48 =	vsub.f32 v51, v34;
	v44 =	vld.idx.msk [tilespmem:v50+s0+$0x0], $0xffff;
	(erf) = vrcp.f32 v53;
	v50 =	vpop (erf)  }
0x361: {  	_ =	sdelay $0x3  }
0x362: {  	v57 =	vadd.f32 $1.000000000e+00, v49;
	v58 =	vadd.f32 $1.000000000e+00, v46;
	v46 =	vld.idx.msk [tilespmem:v43+s29+$0x0], $0xffff  }
0x363: {  	v41 =	vadd.f32 v47, v41;
	(erf) = vrcp.f32 v32;
	v61 =	vld.idx.msk [tilespmem:v43+s0+$0x0], $0xffff;
	v42 =	vcvt.f32.s32 v42  }
0x364: {  	v59 =	vadd.f32 $1.000000000e+00, v50;
	v24 =	vmul.f32 v24, v21;
	(erf) = vrcp.f32 v57;
	v60 =	vpop (erf)  }
0x365: {  	v35 =	vadd.f32 v41, v35;
	(erf) = vrcp.f32 v58;
	v62 =	vadd.f32 $1.000000000e+00, v60;
	v63 =	vpop (erf)  }
0x366: {  	v49 =	vld.idx.msk [tilespmem:v40+s29+$0x0], $0xffff;
	v38 =	vmul.f32 v38, v48;
	(erf) = vrcp.f32 v59;
	v41 =	vadd.f32 $1.000000000e+00, v63  }
0x367: {  	v52 =	vld.idx.msk [tilespmem:v30+s29+$0x0], $0xffff;
	v35 =	vmul.f32 $1.442695020e+00, v35;
	(erf) = vrcp.f32 v62  }
0x368: {  	v33 =	vsub.f32 v33, v45;
	v48 =	vld.idx.msk [tilespmem:v40+s0+$0x0], $0xffff;
	v51 =	vsub.f32 v61, v46;
	(erf) = vrcp.f32 v41  }
0x369: {  	v50 =	vcvt.s32.f32 v40;
	v47 =	vadd.f32 v38, v34;
	v55 =	vld.idx.msk [tilespmem:v42+s0+$0x0], $0xffff;
	(erf) = vpow2.f32 v35  }
0x36a: {  	v54 =	vcvt.s32.f32 v30;
	v44 =	vsub.f32 v44, v36;
	v57 =	vld.idx.msk [tilespmem:v42+s29+$0x0], $0xffff;
	v32 =	vmul.f32 v37, v51  }
0x36b: {  	v30 =	vld.idx.msk [tilespmem:v30+s0+$0x0], $0xffff;
	v26 =	vmul.f32 v26, v21;
	v28 =	vsub.f32 v28, v50;
	v24 =	vadd.f32 v47, v24;
	v53 =	vpop (erf)  }
0x36c: {  	v27 =	vsub.f32 v27, v54;
	v33 =	vmul.f32 v33, v44;
	v56 =	vpop (erf);
	v32 =	vadd.f32 v32, v46  }
0x36d: {  	v60 =	vcvt.s32.f32 v42;
	v34 =	vsub.f32 v48, v49;
	v24 =	vmul.f32 $1.442695020e+00, v24;
	v58 =	vpop (erf)  }
0x36e: {  	v29 =	vmul.f32 v29, v21;
	v33 =	vadd.f32 v33, v36;
	v26 =	vadd.f32 v32, v26;
	v59 =	vpop (erf)  }
0x36f: {  	(erf) = vpow2.f32 v24;
	v24 =	vsub.f32 v31, v60;
	v63 =	vsub.f32 v55, v57;
	v61 =	vpop (erf)  }
0x370: {  	v30 =	vsub.f32 v30, v52;
	v28 =	vmul.f32 v28, v34;
	v26 =	vmul.f32 $1.442695020e+00, v26;
	v62 =	vpop (erf)  }
0x371: {  	v22 =	vmul.f32 v22, v21;
	v29 =	vadd.f32 v33, v29;
	v24 =	vmul.f32 v24, v63;
	v31 =	vpop (erf)  }
0x372: {  	(erf) = vpow2.f32 v26;
	v26 =	vmul.f32 v27, v30;
	v27 =	vadd.f32 v28, v49;
	v44 =	vpop (erf)  }
0x373: {  	v25 =	vmul.f32 v25, v21;
	v24 =	vadd.f32 v24, v57;
	v45 =	vadd.f32 $1.000000000e+00, v44  }
0x374: {  	v39 =	vmul.f32 $1.442695020e+00, v39;
	v28 =	vmul.f32 $1.442695020e+00, v29;
	v22 =	vadd.f32 v27, v22  }
0x375: {  	v26 =	vadd.f32 v26, v52;
	v23 =	vadd.f32 v24, v23;
	(erf) = vrcp.f32 v45  }
0x376: {  	v22 =	vmul.f32 $1.442695020e+00, v22;
	(erf) = vpow2.f32 v39  }
0x377: {  	v24 =	vadd.f32 v26, v25;
	v23 =	vmul.f32 $1.442695020e+00, v23;
	(erf) = vpow2.f32 v28;
	_ =	sdelay $0x1  }
0x378: {  	(erf) = vpow2.f32 v22;
	v22 =	vmul.f32 $1.442695020e+00, v24  }
0x379: {  	(erf) = vpow2.f32 v23  }
0x37a: {  	v23 =	vpop (erf);
	(erf) = vpow2.f32 v22;
	_ =	sdelay $0x1  }
0x37b: {  	v22 =	vpop (erf)  }
0x37c: {  	v23 =	vadd.f32 $1.000000000e+00, v23;
	v24 =	vpop (erf)  }
0x37d: {  	v22 =	vadd.f32 $1.000000000e+00, v22;
	v25 =	vpop (erf)  }
0x37e: {  	v26 =	vpop (erf);
	v25 =	vadd.f32 $1.000000000e+00, v25  }
0x37f: {  	(erf) = vrcp.f32 v22;
	v22 =	vadd.f32 $1.000000000e+00, v26  }
0x380: {  	(erf) = vrcp.f32 v23;
	v23 =	vpop (erf)  }
0x381: {  	[tilespmem:s7+$0x10A30] =	vst v53;
	(erf) = vrcp.f32 v22;
	v22 =	vadd.f32 $1.000000000e+00, v23;
	v23 =	vpop (erf)  }
0x382: {  	[tilespmem:s7+$0x10A00] =	vst v56;
	(erf) = vrcp.f32 v25;
	v23 =	vadd.f32 $1.000000000e+00, v23;
	v25 =	vpop (erf)  }
0x383: {  	[tilespmem:s7+$0x10A50] =	vst v58;
	(erf) = vrcp.f32 v22;
	v22 =	vadd.f32 $1.000000000e+00, v25  }
0x384: {  	[tilespmem:s7+$0x10A70] =	vst v59;
	(erf) = vrcp.f32 v23  }
0x385: {  	[tilespmem:s7+$0x10A40] =	vst v61;
	(erf) = vrcp.f32 v22  }
0x386: {  	[tilespmem:s7+$0x10A60] =	vst v62  }
0x387: {  	[tilespmem:s7+$0x10A20] =	vst v31  }
0x388: {  	[tilespmem:s8+$0x10A10] =	vst v24;
	v22 =	vpop (erf)  }
0x389: {  	v23 =	vpop (erf);
	[tilespmem:s8+$0x10A30] =	vst v22  }
0x38a: {  	[tilespmem:s8+$0x10A00] =	vst v23;
	v22 =	vpop (erf)  }
0x38b: {  	[tilespmem:s8+$0x10A50] =	vst v22;
	v22 =	vpop (erf)  }
0x38c: {  	[tilespmem:s8+$0x10A70] =	vst v22;
	v22 =	vpop (erf)  }
0x38d: {  	[tilespmem:s8+$0x10A40] =	vst v22;
	v22 =	vpop (erf)  }
0x38e: {  	[tilespmem:s8+$0x10A60] =	vst v22;
	v22 =	vpop (erf)  }
0x38f: {  	s10 =	simm.s32 $0x0;
	[tilespmem:s8+$0x10A20] =	vst v22  }
0x390: {  	[hbm4b:s14+s10] =	stream.linear.scatter [tilespmem:s26], [sflag:$0x4], $0x4000, $0x38;
	[tilespmem:$0x14A00] =	vst v63  }
0x391: {  	_ =	swait.ge [sflag:s30], $0x4000  }
0x392: {  	[sflag:s30] =	ssyncset.done $0x0  }
0x393: {  	s11 =	simm.s32 $0x0;
	s9 =	simm.s32 $0x0;
	[sflag:s30] =	ssyncadd.s32 $0xFFFFC000  }
0x394: {  	[tilespmem:s31], [sflag:$0x2] =	stream.linear.gather [hbm4b:s15+s10], $0x4000, $0x38;
	[tilespmem:$0x14A00] =	vst v63  }
0x395: {  	s7 =	sand.u32 $0x1C00, s10;
	s8 =	sand.u32 $0x2000, s11;
	_ =	swait.ge [sflag:s4], $0x4000  }
0x396: {  	s12 =	sand.u32 $0x380, s9;
	s7 =	sor.u32 s7, s8;
	[sflag:s4] =	ssyncset.done $0x0  }
0x397: {  	s7 =	sor.u32 s12, s7;
	[sflag:s4] =	ssyncadd.s32 $0xFFFFC000  }
0x398: {  	v22 =	vld [tilespmem:s7+$0x4A70];
	_ =	sdelay $0x1  }
0x399: {  	v23 =	vld [tilespmem:s7+$0x4A10];
	_ =	sdelay $0x1  }
0x39a: {  	v24 =	vld [tilespmem:s7+$0x4A00]  }
0x39b: {  	v27 =	vld [tilespmem:s7+$0x4A40];
	v22 =	vmax.f32 v22, $-8.000000000e+00  }
0x39c: {  	v22 =	vmin.f32 v22, $8.000000000e+00  }
0x39d: {  	v23 =	vmax.f32 v23, $-8.000000000e+00;
	v25 =	vadd.f32 $8.000000000e+00, v22  }
0x39e: {  	v23 =	vmin.f32 v23, $8.000000000e+00  }
0x39f: {  	v46 =	vld [tilespmem:s7+$0x4A30];
	v24 =	vmax.f32 v24, $-8.000000000e+00;
	v28 =	vadd.f32 $8.000000000e+00, v23;
	v25 =	vmul.f32 $6.243750000e+01, v25  }
0x3a0: {  	v27 =	vmax.f32 v27, $-8.000000000e+00;
	v24 =	vmin.f32 v24, $8.000000000e+00  }
0x3a1: {  	v26 =	vld [tilespmem:s7+$0x4A20];
	v31 =	vadd.f32 $8.000000000e+00, v24;
	v28 =	vmul.f32 $6.243750000e+01, v28;
	v30 =	vtrunc.f32 v25  }
0x3a2: {  	v29 =	vld [tilespmem:s7+$0x4A50];
	v27 =	vmin.f32 v27, $8.000000000e+00;
	v30 =	vcvt.f32.s32 v30  }
0x3a3: {  	v50 =	vadd.f32 $8.000000000e+00, v27;
	v31 =	vmul.f32 $6.243750000e+01, v31;
	v47 =	vtrunc.f32 v28  }
0x3a4: {  	v32 =	vmax.f32 v46, $-8.000000000e+00;
	v33 =	vcvt.f32.s32 v47  }
0x3a5: {  	v32 =	vmin.f32 v32, $8.000000000e+00;
	v36 =	vmul.f32 $6.243750000e+01, v50;
	v48 =	vtrunc.f32 v31  }
0x3a6: {  	v49 =	vld [tilespmem:s7+$0x4A60];
	v53 =	vadd.f32 $8.000000000e+00, v32;
	v34 =	vcvt.f32.s32 v48  }
0x3a7: {  	v26 =	vmax.f32 v26, $-8.000000000e+00;
	v29 =	vmax.f32 v29, $-8.000000000e+00;
	v60 =	vtrunc.f32 v36  }
0x3a8: {  	v26 =	vmin.f32 v26, $8.000000000e+00;
	v40 =	vmul.f32 $6.243750000e+01, v53;
	v63 =	vcvt.f32.s32 v60;
	v39 =	vld.idx.msk [tilespmem:v30+s29+$0x0], $0xffff  }
0x3a9: {  	v29 =	vmin.f32 v29, $8.000000000e+00;
	v23 =	vmul.f32 v23, v21;
	v22 =	vmul.f32 v22, v21;
	v54 =	vld.idx.msk [tilespmem:v30+s0+$0x0], $0xffff  }
0x3aa: {  	v51 =	vadd.f32 $8.000000000e+00, v29;
	v24 =	vmul.f32 v24, v21;
	v59 =	vtrunc.f32 v40;
	v55 =	vld.idx.msk [tilespmem:v33+s0+$0x0], $0xffff  }
0x3ab: {  	v35 =	vmax.f32 v49, $-8.000000000e+00;
	v46 =	vmul.f32 v26, v21;
	v47 =	vcvt.f32.s32 v59;
	v56 =	vld.idx.msk [tilespmem:v33+s29+$0x0], $0xffff  }
0x3ac: {  	s13 =	simm.s32 $0x80;
	s9 =	simm.s32 $0x400;
	v52 =	vadd.f32 $8.000000000e+00, v26;
	v37 =	vmul.f32 $6.243750000e+01, v51;
	v58 =	vcvt.s32.f32 v34;
	v45 =	vld.idx.msk [tilespmem:v34+s29+$0x0], $0xffff  }
0x3ad: {  	s11 =	sand.u32 $0x1C00, s9;
	s8 =	sand.u32 $0x2000, s13;
	s10 =	simm.s32 $0x10;
	v35 =	vmin.f32 v35, $8.000000000e+00;
	v29 =	vmul.f32 v29, v21;
	v32 =	vmul.f32 v32, v21;
	v34 =	vld.idx.msk [tilespmem:v34+s0+$0x0], $0xffff  }
0x3ae: {  	s8 =	sor.u32 s11, s8;
	s10 =	sand.u32 $0x380, s10;
	v38 =	vmul.f32 $6.243750000e+01, v52;
	v57 =	vtrunc.f32 v37;
	v31 =	vsub.f32 v31, v58;
	v58 =	vld.idx.msk [tilespmem:v63+s0+$0x0], $0xffff  }
0x3af: {  	s8 =	sor.u32 s10, s8;
	v61 =	vadd.f32 $8.000000000e+00, v35;
	v44 =	vcvt.f32.s32 v57;
	v59 =	vcvt.s32.f32 v63;
	v42 =	vld.idx.msk [tilespmem:v63+s29+$0x0], $0xffff  }
0x3b0: {  	v49 =	vld [tilespmem:s8+$0x4A60];
	v30 =	vcvt.s32.f32 v30;
	v33 =	vcvt.s32.f32 v33  }
0x3b1: {  	v62 =	vtrunc.f32 v38;
	v48 =	vmul.f32 $6.243750000e+01, v61;
	v36 =	vsub.f32 v36, v59;
	v57 =	vld.idx.msk [tilespmem:v47+s0+$0x0], $0xffff  }
0x3b2: {  	v63 =	vld [tilespmem:s8+$0x4A20];
	v28 =	vsub.f32 v28, v33;
	v25 =	vsub.f32 v25, v30;
	v33 =	vcvt.f32.s32 v62  }
0x3b3: {  	v52 =	vcvt.s32.f32 v47;
	v30 =	vsub.f32 v55, v56;
	v41 =	vsub.f32 v54, v39;
	v54 =	vld.idx.msk [tilespmem:v47+s29+$0x0], $0xffff  }
0x3b4: {  	v61 =	vcvt.s32.f32 v33;
	v34 =	vsub.f32 v34, v45;
	v50 =	vsub.f32 v58, v42  }
0x3b5: {  	v53 =	vld.idx.msk [tilespmem:v44+s0+$0x0], $0xffff;
	v55 =	vsub.f32 v40, v52;
	v28 =	vmul.f32 v28, v30;
	v25 =	vmul.f32 v25, v41  }
0x3b6: {  	v38 =	vsub.f32 v38, v61;
	v30 =	vld.idx.msk [tilespmem:v44+s29+$0x0], $0xffff;
	v31 =	vmul.f32 v31, v34;
	v34 =	vmul.f32 v36, v50  }
0x3b7: {  	v52 =	vmax.f32 v63, $-8.000000000e+00;
	v28 =	vadd.f32 v28, v56;
	v25 =	vadd.f32 v25, v39  }
0x3b8: {  	v51 =	vld [tilespmem:s8+$0x4A10];
	v41 =	vmax.f32 v49, $-8.000000000e+00;
	v34 =	vadd.f32 v34, v42;
	v26 =	vsub.f32 v57, v54  }
0x3b9: {  	v56 =	vcvt.s32.f32 v44;
	v44 =	vld.idx.msk [tilespmem:v33+s29+$0x0], $0xffff;
	v23 =	vadd.f32 v28, v23;
	v28 =	vadd.f32 v31, v45  }
0x3ba: {  	v33 =	vld.idx.msk [tilespmem:v33+s0+$0x0], $0xffff;
	v31 =	vmul.f32 v35, v21;
	v22 =	vadd.f32 v25, v22;
	v25 =	vtrunc.f32 v48  }
0x3bb: {  	v57 =	vld [tilespmem:s8+$0x4A50];
	v62 =	vsub.f32 v53, v30;
	v26 =	vmul.f32 v55, v26;
	v25 =	vcvt.f32.s32 v25  }
0x3bc: {  	v23 =	vmul.f32 $1.442695020e+00, v23;
	v24 =	vadd.f32 v28, v24;
	v28 =	vsub.f32 v37, v56  }
0x3bd: {  	v60 =	vld [tilespmem:s8+$0x4A70];
	v40 =	vmul.f32 $1.442695020e+00, v22;
	v37 =	vmul.f32 v27, v21;
	v26 =	vadd.f32 v26, v54  }
0x3be: {  	v27 =	vcvt.s32.f32 v25;
	v54 =	vmax.f32 v51, $-8.000000000e+00;
	v24 =	vmul.f32 $1.442695020e+00, v24  }
0x3bf: {  	v22 =	vld [tilespmem:s8+$0x4A00];
	v33 =	vsub.f32 v33, v44;
	v28 =	vmul.f32 v28, v62;
	(erf) = vpow2.f32 v23  }
0x3c0: {  	v23 =	vld [tilespmem:s8+$0x4A40];
	v45 =	vmin.f32 v54, $8.000000000e+00;
	v47 =	vmax.f32 v57, $-8.000000000e+00;
	v34 =	vadd.f32 v34, v37  }
0x3c1: {  	v26 =	vadd.f32 v26, v32;
	v32 =	vadd.f32 $8.000000000e+00, v45;
	v38 =	vmul.f32 v38, v33  }
0x3c2: {  	v35 =	vmul.f32 v45, v21;
	v28 =	vadd.f32 v28, v30;
	v30 =	vmax.f32 v60, $-8.000000000e+00  }
0x3c3: {  	(erf) = vpow2.f32 v24;
	v34 =	vmul.f32 $1.442695020e+00, v34;
	v30 =	vmin.f32 v30, $8.000000000e+00  }
0x3c4: {  	v22 =	vmax.f32 v22, $-8.000000000e+00;
	v53 =	vadd.f32 $8.000000000e+00, v30;
	v28 =	vadd.f32 v28, v29;
	v29 =	vld [tilespmem:s8+$0x4A30]  }
0x3c5: {  	v26 =	vmul.f32 $1.442695020e+00, v26;
	v24 =	vmin.f32 v22, $8.000000000e+00;
	v22 =	vmax.f32 v23, $-8.000000000e+00  }
0x3c6: {  	v23 =	vmin.f32 v41, $8.000000000e+00;
	v43 =	vmul.f32 $6.243750000e+01, v53;
	v22 =	vmin.f32 v22, $8.000000000e+00  }
0x3c7: {  	v36 =	vld.idx.msk [tilespmem:v25+s29+$0x0], $0xffff;
	v41 =	vsub.f32 v48, v27;
	(erf) = vpow2.f32 v26;
	v56 =	vadd.f32 $8.000000000e+00, v22  }
0x3c8: {  	v27 =	vld.idx.msk [tilespmem:v25+s0+$0x0], $0xffff;
	v25 =	vmin.f32 v52, $8.000000000e+00;
	v50 =	vmul.f32 $1.442695020e+00, v28;
	v55 =	vtrunc.f32 v43  }
0x3c9: {  	v58 =	vpop (erf);
	v29 =	vmax.f32 v29, $-8.000000000e+00;
	v28 =	vmul.f32 $6.243750000e+01, v56;
	v39 =	vcvt.f32.s32 v55  }
0x3ca: {  	v55 =	vadd.f32 $8.000000000e+00, v23;
	v23 =	vmul.f32 v23, v21;
	v48 =	vadd.f32 $1.000000000e+00, v58  }
0x3cb: {  	v26 =	vmin.f32 v29, $8.000000000e+00;
	v29 =	vadd.f32 $8.000000000e+00, v25;
	v53 =	vcvt.s32.f32 v39  }
0x3cc: {  	v59 =	vadd.f32 $8.000000000e+00, v24;
	(erf) = vrcp.f32 v48;
	v48 =	vmul.f32 $6.243750000e+01, v32  }
0x3cd: {  	v60 =	vsub.f32 v27, v36;
	v54 =	vtrunc.f32 v28;
	v27 =	vmul.f32 $6.243750000e+01, v29  }
0x3ce: {  	v29 =	vmin.f32 v47, $8.000000000e+00;
	v47 =	vmul.f32 $6.243750000e+01, v59;
	v52 =	vtrunc.f32 v48  }
0x3cf: {  	v38 =	vadd.f32 v38, v44;
	v41 =	vmul.f32 v41, v60;
	v52 =	vcvt.f32.s32 v52  }
0x3d0: {  	v62 =	vadd.f32 $8.000000000e+00, v29;
	(erf) = vpow2.f32 v40;
	v40 =	vcvt.f32.s32 v54  }
0x3d1: {  	v57 =	vtrunc.f32 v47;
	v58 =	vtrunc.f32 v27;
	v36 =	vadd.f32 v41, v36;
	v56 =	vld.idx.msk [tilespmem:v39+s29+$0x0], $0xffff  }
0x3d2: {  	v51 =	vadd.f32 $8.000000000e+00, v26;
	(erf) = vpow2.f32 v50;
	v42 =	vcvt.f32.s32 v57;
	v39 =	vld.idx.msk [tilespmem:v39+s0+$0x0], $0xffff  }
0x3d3: {  	v61 =	vpop (erf);
	v33 =	vmul.f32 $6.243750000e+01, v62;
	v31 =	vadd.f32 v36, v31;
	v63 =	vcvt.s32.f32 v52  }
0x3d4: {  	v32 =	vadd.f32 $1.000000000e+00, v61;
	(erf) = vpow2.f32 v34;
	v59 =	vcvt.s32.f32 v42  }
0x3d5: {  	v61 =	vtrunc.f32 v33;
	v31 =	vmul.f32 $1.442695020e+00, v31;
	v37 =	vsub.f32 v48, v63;
	v60 =	vld.idx.msk [tilespmem:v52+s0+$0x0], $0xffff  }
0x3d6: {  	v48 =	vmul.f32 $6.243750000e+01, v51;
	v63 =	vsub.f32 v43, v53;
	v53 =	vcvt.f32.s32 v61;
	v41 =	vld.idx.msk [tilespmem:v52+s29+$0x0], $0xffff  }
0x3d7: {  	v57 =	vpop (erf);
	v49 =	vsub.f32 v39, v56;
	(erf) = vpow2.f32 v31;
	v31 =	vmul.f32 $6.243750000e+01, v55  }
0x3d8: {  	v46 =	vadd.f32 v38, v46;
	v62 =	vtrunc.f32 v48;
	v52 =	vmul.f32 v30, v21;
	v34 =	vld.idx.msk [tilespmem:v42+s29+$0x0], $0xffff  }
0x3d9: {  	v38 =	vsub.f32 v47, v59;
	v30 =	vcvt.f32.s32 v58;
	v42 =	vld.idx.msk [tilespmem:v42+s0+$0x0], $0xffff;
	v36 =	vmul.f32 v63, v49  }
0x3da: {  	v59 =	vadd.f32 $1.000000000e+00, v57;
	v58 =	vmul.f32 $1.442695020e+00, v46;
	v43 =	vcvt.f32.s32 v62  }
0x3db: {  	v45 =	vcvt.s32.f32 v53;
	v62 =	vpop (erf);
	v63 =	vadd.f32 v36, v56;
	v60 =	vsub.f32 v60, v41  }
0x3dc: {  	v61 =	vcvt.s32.f32 v43;
	v46 =	vpop (erf);
	(erf) = vpow2.f32 v58  }
0x3dd: {  	v36 =	vld.idx.msk [tilespmem:v53+s29+$0x0], $0xffff;
	v39 =	vadd.f32 v63, v52;
	v49 =	vpop (erf);
	(erf) = vrcp.f32 v59;
	v47 =	vmul.f32 v37, v60  }
0x3de: {  	s10 =	simm.s32 $0x8;
	[tilespmem:s7+$0xCA10] =	vst v62;
	v44 =	vld.idx.msk [tilespmem:v53+s0+$0x0], $0xffff;
	v50 =	vpop (erf);
	v37 =	vsub.f32 v48, v61;
	v48 =	vsub.f32 v42, v34;
	v42 =	vtrunc.f32 v31  }
.LBB2_14:
0x3df: {  	s10 =	sadd.s32 $0x8, s10;
	v41 =	vadd.f32 v47, v41;
	v47 =	vadd.f32 $1.000000000e+00, v49;
	(erf) = vrcp.f32 v32  }
0x3e0: {  	s9 =	sadd.s32 $0x400, s9;
	v46 =	vadd.f32 $1.000000000e+00, v46;
	s11 =	sshll.u32 s10, $0x4;
	s12 =	sshll.u32 s10, $0x1;
	v32 =	vmul.f32 v38, v48;
	v48 =	vld.idx.msk [tilespmem:v43+s29+$0x0], $0xffff;
	v38 =	vadd.f32 $1.000000000e+00, v50  }
0x3e1: {  	s13 =	sand.u32 $0x1C00, s9;
	p0 =	slt.u32 s10, $0x3F8;
	s11 =	sand.u32 $0x2000, s11;
	v35 =	vadd.f32 v41, v35;
	v41 =	vld.idx.msk [tilespmem:v43+s0+$0x0], $0xffff;
	v43 =	vcvt.s32.f32 v40;
	(erf) = vrcp.f32 v47  }
0x3e2: {  	v24 =	vmul.f32 v24, v21;
	s12 =	sand.u32 $0x380, s12;
	s11 =	sor.u32 s13, s11;
	v32 =	vadd.f32 v32, v34;
	v47 =	vld.idx.msk [tilespmem:v40+s0+$0x0], $0xffff;
	(erf) = vrcp.f32 v46  }
0x3e3: {  	v33 =	vsub.f32 v33, v45;
	s11 =	sor.u32 s12, s11;
	v46 =	vmul.f32 $1.442695020e+00, v35;
	v28 =	vsub.f32 v28, v43;
	v35 =	vld.idx.msk [tilespmem:v40+s29+$0x0], $0xffff;
	v34 =	vpop (erf)  }
0x3e4: {  	v40 =	vld [tilespmem:s11+$0x4A70];
	v24 =	vadd.f32 v32, v24;
	v32 =	vadd.f32 $1.000000000e+00, v34;
	(erf) = vrcp.f32 v38  }
0x3e5: {  	v38 =	vcvt.s32.f32 v30;
	v34 =	vmul.f32 v25, v21;
	v25 =	vsub.f32 v44, v36;
	v43 =	vld [tilespmem:s11+$0x4A20];
	v44 =	vpop (erf)  }
0x3e6: {  	v24 =	vmul.f32 $1.442695020e+00, v24;
	v44 =	vadd.f32 $1.000000000e+00, v44;
	(erf) = vrcp.f32 v32  }
0x3e7: {  	v29 =	vmul.f32 v29, v21;
	v50 =	vsub.f32 v41, v48;
	v25 =	vmul.f32 v33, v25;
	v32 =	vld [tilespmem:s11+$0x4A60];
	v33 =	vpop (erf)  }
0x3e8: {  	v49 =	vmul.f32 $1.442695020e+00, v39;
	v45 =	vsub.f32 v27, v38;
	v38 =	vld.idx.msk [tilespmem:v30+s29+$0x0], $0xffff;
	v27 =	vpop (erf);
	(erf) = vrcp.f32 v44  }
0x3e9: {  	v26 =	vmul.f32 v26, v21;
	v37 =	vmul.f32 v37, v50;
	v25 =	vadd.f32 v25, v36;
	v39 =	vld [tilespmem:s11+$0x4A00];
	[tilespmem:s7+$0xCA30] =	vst v33  }
0x3ea: {  	v36 =	vcvt.f32.s32 v42;
	v33 =	vld [tilespmem:s11+$0x4A40];
	(erf) = vpow2.f32 v46;
	v41 =	vpop (erf)  }
0x3eb: {  	v42 =	vsub.f32 v47, v35;
	v40 =	vmax.f32 v40, $-8.000000000e+00;
	v37 =	vadd.f32 v37, v48;
	[tilespmem:s7+$0xCA50] =	vst v41;
	v41 =	vpop (erf)  }
0x3ec: {  	v40 =	vmin.f32 v40, $8.000000000e+00;
	v46 =	vmul.f32 v22, v21;
	v22 =	vcvt.s32.f32 v36;
	v44 =	vld [tilespmem:s11+$0x4A10];
	[tilespmem:s7+$0xCA00] =	vst v27  }
0x3ed: {  	v27 =	vmax.f32 v43, $-8.000000000e+00;
	v43 =	vadd.f32 $8.000000000e+00, v40;
	(erf) = vpow2.f32 v24;
	[tilespmem:s7+$0xCA70] =	vst v41;
	v24 =	vpop (erf)  }
0x3ee: {  	v29 =	vadd.f32 v25, v29;
	v32 =	vmax.f32 v32, $-8.000000000e+00;
	v39 =	vmax.f32 v39, $-8.000000000e+00;
	[tilespmem:s7+$0xCA40] =	vst v24  }
0x3ef: {  	v26 =	vadd.f32 v37, v26;
	v43 =	vmul.f32 $6.243750000e+01, v43;
	v24 =	vmin.f32 v39, $8.000000000e+00;
	v41 =	vld [tilespmem:s11+$0x4A30];
	v25 =	vpop (erf)  }
0x3f0: {  	v31 =	vsub.f32 v31, v22;
	v33 =	vmax.f32 v33, $-8.000000000e+00;
	v39 =	vmin.f32 v32, $8.000000000e+00;
	v32 =	vld.idx.msk [tilespmem:v36+s0+$0x0], $0xffff;
	[tilespmem:s7+$0xCA60] =	vst v25  }
0x3f1: {  	v42 =	vmul.f32 v28, v42;
	v37 =	vtrunc.f32 v43;
	v22 =	vmax.f32 v44, $-8.000000000e+00;
	v36 =	vld.idx.msk [tilespmem:v36+s29+$0x0], $0xffff;
	v28 =	vpop (erf)  }
0x3f2: {  	v25 =	vmin.f32 v27, $8.000000000e+00;
	v44 =	vmin.f32 v22, $8.000000000e+00;
	v22 =	vmin.f32 v33, $8.000000000e+00;
	v27 =	vld.idx.msk [tilespmem:v30+s0+$0x0], $0xffff;
	[tilespmem:s7+$0xCA20] =	vst v28;
	s7 =	smov.u32 s8;
	s8 =	smov.u32 s11  }
0x3f3: {  	v26 =	vmul.f32 $1.442695020e+00, v26;
	v30 =	vadd.f32 $8.000000000e+00, v44;
	v28 =	vadd.f32 $8.000000000e+00, v22;
	v33 =	vld [tilespmem:s8+$0x4A50];
	v47 =	vpop (erf)  }
0x3f4: {  	v50 =	vmul.f32 $1.442695020e+00, v29;
	v48 =	vadd.f32 $8.000000000e+00, v24;
	v47 =	vadd.f32 $1.000000000e+00, v47  }
0x3f5: {  	v41 =	vmax.f32 v41, $-8.000000000e+00;
	v28 =	vmul.f32 $6.243750000e+01, v28;
	(erf) = vpow2.f32 v26  }
0x3f6: {  	v37 =	vcvt.f32.s32 v37;
	v26 =	vmin.f32 v41, $8.000000000e+00;
	v29 =	vpop (erf);
	(erf) = vrcp.f32 v47  }
0x3f7: {  	v30 =	vmul.f32 $6.243750000e+01, v30;
	v41 =	vadd.f32 $8.000000000e+00, v25;
	v47 =	vsub.f32 v32, v36  }
0x3f8: {  	v51 =	vadd.f32 $8.000000000e+00, v26;
	v52 =	vsub.f32 v27, v38;
	v33 =	vmax.f32 v33, $-8.000000000e+00  }
0x3f9: {  	v53 =	vtrunc.f32 v30;
	v27 =	vmul.f32 $6.243750000e+01, v41;
	v32 =	vadd.f32 $1.000000000e+00, v29  }
0x3fa: {  	v41 =	vcvt.f32.s32 v53;
	v53 =	vcvt.s32.f32 v37;
	v29 =	vmin.f32 v33, $8.000000000e+00  }
0x3fb: {  	v48 =	vmul.f32 $6.243750000e+01, v48;
	v45 =	vmul.f32 v45, v52;
	v33 =	vadd.f32 $8.000000000e+00, v29  }
0x3fc: {  	v42 =	vadd.f32 v42, v35;
	v54 =	vtrunc.f32 v28;
	v52 =	vcvt.s32.f32 v41;
	v55 =	vld.idx.msk [tilespmem:v37+s29+$0x0], $0xffff  }
0x3fd: {  	v56 =	vadd.f32 $8.000000000e+00, v39;
	v35 =	vtrunc.f32 v48;
	v31 =	vmul.f32 v31, v47  }
0x3fe: {  	v47 =	vcvt.f32.s32 v35;
	v52 =	vsub.f32 v30, v52;
	v37 =	vld.idx.msk [tilespmem:v37+s0+$0x0], $0xffff;
	v57 =	vpop (erf);
	(erf) = vpow2.f32 v49  }
0x3ff: {  	v42 =	vadd.f32 v42, v46;
	v35 =	vmul.f32 v44, v21;
	v30 =	vtrunc.f32 v27;
	v44 =	vpop (erf)  }
0x400: {  	v46 =	vcvt.s32.f32 v47;
	v31 =	vadd.f32 v31, v36;
	v33 =	vmul.f32 $6.243750000e+01, v33;
	[tilespmem:s7+$0xCA10] =	vst v44  }
0x401: {  	v42 =	vmul.f32 $1.442695020e+00, v42;
	v45 =	vadd.f32 v45, v38;
	v44 =	vmul.f32 $6.243750000e+01, v51;
	v36 =	vld.idx.msk [tilespmem:v41+s0+$0x0], $0xffff  }
0x402: {  	v38 =	vsub.f32 v48, v46;
	v46 =	vtrunc.f32 v33;
	v41 =	vld.idx.msk [tilespmem:v41+s29+$0x0], $0xffff;
	(erf) = vpow2.f32 v50  }
0x403: {  	v45 =	vadd.f32 v45, v34;
	v48 =	vtrunc.f32 v44;
	(erf) = vpow2.f32 v42  }
0x404: {  	v23 =	vadd.f32 v31, v23;
	v49 =	vmul.f32 v40, v21;
	v42 =	vsub.f32 v43, v53;
	v34 =	vld.idx.msk [tilespmem:v47+s29+$0x0], $0xffff  }
0x405: {  	v30 =	vcvt.f32.s32 v30;
	v50 =	vcvt.f32.s32 v46;
	v31 =	vsub.f32 v37, v55  }
0x406: {  	v23 =	vmul.f32 $1.442695020e+00, v23;
	v43 =	vcvt.f32.s32 v48;
	v51 =	vld.idx.msk [tilespmem:v47+s0+$0x0], $0xffff  }
0x407: {  	v53 =	vadd.f32 $1.000000000e+00, v57;
	v37 =	vmul.f32 v42, v31;
	v42 =	vmul.f32 $1.442695020e+00, v45;
	v46 =	vpop (erf)  }
.Ltmp6:
0x408: {  	v45 =	vcvt.s32.f32 v43;
	v36 =	vsub.f32 v36, v41;
	(erf) = vpow2.f32 v23;
	(pc) =	sbr.rel @p0 .LBB2_14-.Ltmp6, $4  }
0x409: {  	v40 =	vcvt.f32.s32 v54;
	v31 =	vmul.f32 $6.243750000e+01, v56;
	v48 =	vadd.f32 v37, v55  }
0x40a: {  	v37 =	vsub.f32 v44, v45;
	v47 =	vmul.f32 v52, v36;
	(erf) = vpow2.f32 v42  }
0x40b: {  	v45 =	vcvt.s32.f32 v50;
	v23 =	vmul.f32 v39, v21;
	v39 =	vadd.f32 v48, v49;
	v36 =	vld.idx.msk [tilespmem:v50+s29+$0x0], $0xffff;
	v49 =	vpop (erf)  }
0x40c: {  	v42 =	vtrunc.f32 v31;
	v48 =	vsub.f32 v51, v34;
	v44 =	vld.idx.msk [tilespmem:v50+s0+$0x0], $0xffff;
	(erf) = vrcp.f32 v53;
	v50 =	vpop (erf)  }
0x40d: {  	_ =	sdelay $0x3  }
0x40e: {  	v57 =	vadd.f32 $1.000000000e+00, v49;
	v58 =	vadd.f32 $1.000000000e+00, v46;
	v46 =	vld.idx.msk [tilespmem:v43+s29+$0x0], $0xffff  }
0x40f: {  	v41 =	vadd.f32 v47, v41;
	(erf) = vrcp.f32 v32;
	v61 =	vld.idx.msk [tilespmem:v43+s0+$0x0], $0xffff;
	v42 =	vcvt.f32.s32 v42  }
0x410: {  	v59 =	vadd.f32 $1.000000000e+00, v50;
	v24 =	vmul.f32 v24, v21;
	(erf) = vrcp.f32 v57;
	v60 =	vpop (erf)  }
0x411: {  	v35 =	vadd.f32 v41, v35;
	(erf) = vrcp.f32 v58;
	v62 =	vadd.f32 $1.000000000e+00, v60;
	v63 =	vpop (erf)  }
0x412: {  	v49 =	vld.idx.msk [tilespmem:v40+s29+$0x0], $0xffff;
	v38 =	vmul.f32 v38, v48;
	(erf) = vrcp.f32 v59;
	v41 =	vadd.f32 $1.000000000e+00, v63  }
0x413: {  	v52 =	vld.idx.msk [tilespmem:v30+s29+$0x0], $0xffff;
	v35 =	vmul.f32 $1.442695020e+00, v35;
	(erf) = vrcp.f32 v62  }
0x414: {  	v33 =	vsub.f32 v33, v45;
	v48 =	vld.idx.msk [tilespmem:v40+s0+$0x0], $0xffff;
	v51 =	vsub.f32 v61, v46;
	(erf) = vrcp.f32 v41  }
0x415: {  	v50 =	vcvt.s32.f32 v40;
	v47 =	vadd.f32 v38, v34;
	v55 =	vld.idx.msk [tilespmem:v42+s0+$0x0], $0xffff;
	(erf) = vpow2.f32 v35  }
0x416: {  	v54 =	vcvt.s32.f32 v30;
	v44 =	vsub.f32 v44, v36;
	v57 =	vld.idx.msk [tilespmem:v42+s29+$0x0], $0xffff;
	v32 =	vmul.f32 v37, v51  }
0x417: {  	v30 =	vld.idx.msk [tilespmem:v30+s0+$0x0], $0xffff;
	v26 =	vmul.f32 v26, v21;
	v28 =	vsub.f32 v28, v50;
	v24 =	vadd.f32 v47, v24;
	v53 =	vpop (erf)  }
0x418: {  	v27 =	vsub.f32 v27, v54;
	v33 =	vmul.f32 v33, v44;
	v56 =	vpop (erf);
	v32 =	vadd.f32 v32, v46  }
0x419: {  	v60 =	vcvt.s32.f32 v42;
	v34 =	vsub.f32 v48, v49;
	v24 =	vmul.f32 $1.442695020e+00, v24;
	v58 =	vpop (erf)  }
0x41a: {  	v29 =	vmul.f32 v29, v21;
	v33 =	vadd.f32 v33, v36;
	v26 =	vadd.f32 v32, v26;
	v59 =	vpop (erf)  }
0x41b: {  	(erf) = vpow2.f32 v24;
	v24 =	vsub.f32 v31, v60;
	v63 =	vsub.f32 v55, v57;
	v61 =	vpop (erf)  }
0x41c: {  	v30 =	vsub.f32 v30, v52;
	v28 =	vmul.f32 v28, v34;
	v26 =	vmul.f32 $1.442695020e+00, v26;
	v62 =	vpop (erf)  }
0x41d: {  	v22 =	vmul.f32 v22, v21;
	v29 =	vadd.f32 v33, v29;
	v24 =	vmul.f32 v24, v63;
	v31 =	vpop (erf)  }
0x41e: {  	(erf) = vpow2.f32 v26;
	v26 =	vmul.f32 v27, v30;
	v27 =	vadd.f32 v28, v49;
	v44 =	vpop (erf)  }
0x41f: {  	v25 =	vmul.f32 v25, v21;
	v24 =	vadd.f32 v24, v57;
	v45 =	vadd.f32 $1.000000000e+00, v44  }
0x420: {  	v39 =	vmul.f32 $1.442695020e+00, v39;
	v28 =	vmul.f32 $1.442695020e+00, v29;
	v22 =	vadd.f32 v27, v22  }
0x421: {  	v26 =	vadd.f32 v26, v52;
	v23 =	vadd.f32 v24, v23;
	(erf) = vrcp.f32 v45  }
0x422: {  	v22 =	vmul.f32 $1.442695020e+00, v22;
	(erf) = vpow2.f32 v39  }
0x423: {  	v24 =	vadd.f32 v26, v25;
	v23 =	vmul.f32 $1.442695020e+00, v23;
	(erf) = vpow2.f32 v28;
	_ =	sdelay $0x1  }
0x424: {  	(erf) = vpow2.f32 v22;
	v22 =	vmul.f32 $1.442695020e+00, v24  }
0x425: {  	(erf) = vpow2.f32 v23  }
0x426: {  	v23 =	vpop (erf);
	(erf) = vpow2.f32 v22;
	_ =	sdelay $0x1  }
0x427: {  	v22 =	vpop (erf)  }
0x428: {  	v23 =	vadd.f32 $1.000000000e+00, v23;
	v24 =	vpop (erf)  }
0x429: {  	v22 =	vadd.f32 $1.000000000e+00, v22;
	v25 =	vpop (erf)  }
0x42a: {  	v26 =	vpop (erf);
	v25 =	vadd.f32 $1.000000000e+00, v25  }
0x42b: {  	(erf) = vrcp.f32 v22;
	v22 =	vadd.f32 $1.000000000e+00, v26  }
0x42c: {  	(erf) = vrcp.f32 v23;
	v23 =	vpop (erf)  }
0x42d: {  	[tilespmem:s7+$0xCA30] =	vst v53;
	(erf) = vrcp.f32 v22;
	v22 =	vadd.f32 $1.000000000e+00, v23;
	v23 =	vpop (erf)  }
0x42e: {  	[tilespmem:s7+$0xCA00] =	vst v56;
	(erf) = vrcp.f32 v25;
	v23 =	vadd.f32 $1.000000000e+00, v23;
	v25 =	vpop (erf)  }
0x42f: {  	[tilespmem:s7+$0xCA50] =	vst v58;
	(erf) = vrcp.f32 v22;
	v22 =	vadd.f32 $1.000000000e+00, v25  }
0x430: {  	[tilespmem:s7+$0xCA70] =	vst v59;
	(erf) = vrcp.f32 v23  }
0x431: {  	[tilespmem:s7+$0xCA40] =	vst v61;
	(erf) = vrcp.f32 v22  }
0x432: {  	[tilespmem:s7+$0xCA60] =	vst v62  }
0x433: {  	[tilespmem:s7+$0xCA20] =	vst v31  }
0x434: {  	[tilespmem:s8+$0xCA10] =	vst v24;
	v22 =	vpop (erf)  }
0x435: {  	v23 =	vpop (erf);
	[tilespmem:s8+$0xCA30] =	vst v22  }
0x436: {  	[tilespmem:s8+$0xCA00] =	vst v23;
	v22 =	vpop (erf)  }
0x437: {  	[tilespmem:s8+$0xCA50] =	vst v22;
	v22 =	vpop (erf)  }
0x438: {  	[tilespmem:s8+$0xCA70] =	vst v22;
	v22 =	vpop (erf)  }
0x439: {  	[tilespmem:s8+$0xCA40] =	vst v22;
	v22 =	vpop (erf)  }
0x43a: {  	[tilespmem:s8+$0xCA60] =	vst v22;
	v22 =	vpop (erf)  }
0x43b: {  	s10 =	simm.s32 $0x0;
	[tilespmem:s8+$0xCA20] =	vst v22  }
0x43c: {  	[hbm4b:s16+s10] =	stream.linear.scatter [tilespmem:s2], [sflag:$0x3], $0x4000, $0x38;
	[tilespmem:$0x14A00] =	vst v63  }
0x43d: {  	_ =	swait.ge [sflag:s1], $0x4000  }
0x43e: {  	[sflag:s1] =	ssyncset.done $0x0  }
0x43f: {  	s11 =	simm.s32 $0x0;
	s9 =	simm.s32 $0x0;
	[sflag:s1] =	ssyncadd.s32 $0xFFFFC000  }
0x440: {  	[tilespmem:s23], [sflag:$0x1] =	stream.linear.gather [hbm4b:s17+s10], $0x4000, $0x38;
	[tilespmem:$0x14A00] =	vst v63  }
0x441: {  	s7 =	sand.u32 $0x1C00, s10;
	s8 =	sand.u32 $0x2000, s11;
	_ =	swait.ge [sflag:s5], $0x4000  }
0x442: {  	s12 =	sand.u32 $0x380, s9;
	s7 =	sor.u32 s7, s8;
	[sflag:s5] =	ssyncset.done $0x0  }
0x443: {  	s7 =	sor.u32 s12, s7;
	[sflag:s5] =	ssyncadd.s32 $0xFFFFC000  }
0x444: {  	v22 =	vld [tilespmem:s7+$0x8A70];
	_ =	sdelay $0x1  }
0x445: {  	v23 =	vld [tilespmem:s7+$0x8A10];
	_ =	sdelay $0x1  }
0x446: {  	v24 =	vld [tilespmem:s7+$0x8A00]  }
0x447: {  	v27 =	vld [tilespmem:s7+$0x8A40];
	v22 =	vmax.f32 v22, $-8.000000000e+00  }
0x448: {  	v22 =	vmin.f32 v22, $8.000000000e+00  }
0x449: {  	v23 =	vmax.f32 v23, $-8.000000000e+00;
	v25 =	vadd.f32 $8.000000000e+00, v22  }
0x44a: {  	v23 =	vmin.f32 v23, $8.000000000e+00  }
0x44b: {  	v46 =	vld [tilespmem:s7+$0x8A30];
	v24 =	vmax.f32 v24, $-8.000000000e+00;
	v28 =	vadd.f32 $8.000000000e+00, v23;
	v25 =	vmul.f32 $6.243750000e+01, v25  }
0x44c: {  	v27 =	vmax.f32 v27, $-8.000000000e+00;
	v24 =	vmin.f32 v24, $8.000000000e+00  }
0x44d: {  	v26 =	vld [tilespmem:s7+$0x8A20];
	v31 =	vadd.f32 $8.000000000e+00, v24;
	v28 =	vmul.f32 $6.243750000e+01, v28;
	v30 =	vtrunc.f32 v25  }
0x44e: {  	v29 =	vld [tilespmem:s7+$0x8A50];
	v27 =	vmin.f32 v27, $8.000000000e+00;
	v30 =	vcvt.f32.s32 v30  }
0x44f: {  	v50 =	vadd.f32 $8.000000000e+00, v27;
	v31 =	vmul.f32 $6.243750000e+01, v31;
	v47 =	vtrunc.f32 v28  }
0x450: {  	v32 =	vmax.f32 v46, $-8.000000000e+00;
	v33 =	vcvt.f32.s32 v47  }
0x451: {  	v32 =	vmin.f32 v32, $8.000000000e+00;
	v36 =	vmul.f32 $6.243750000e+01, v50;
	v48 =	vtrunc.f32 v31  }
0x452: {  	v49 =	vld [tilespmem:s7+$0x8A60];
	v53 =	vadd.f32 $8.000000000e+00, v32;
	v34 =	vcvt.f32.s32 v48  }
0x453: {  	v26 =	vmax.f32 v26, $-8.000000000e+00;
	v29 =	vmax.f32 v29, $-8.000000000e+00;
	v60 =	vtrunc.f32 v36  }
0x454: {  	v26 =	vmin.f32 v26, $8.000000000e+00;
	v40 =	vmul.f32 $6.243750000e+01, v53;
	v63 =	vcvt.f32.s32 v60;
	v39 =	vld.idx.msk [tilespmem:v30+s29+$0x0], $0xffff  }
0x455: {  	v29 =	vmin.f32 v29, $8.000000000e+00;
	v23 =	vmul.f32 v23, v21;
	v22 =	vmul.f32 v22, v21;
	v54 =	vld.idx.msk [tilespmem:v30+s0+$0x0], $0xffff  }
0x456: {  	v51 =	vadd.f32 $8.000000000e+00, v29;
	v24 =	vmul.f32 v24, v21;
	v59 =	vtrunc.f32 v40;
	v55 =	vld.idx.msk [tilespmem:v33+s0+$0x0], $0xffff  }
0x457: {  	v35 =	vmax.f32 v49, $-8.000000000e+00;
	v46 =	vmul.f32 v26, v21;
	v47 =	vcvt.f32.s32 v59;
	v56 =	vld.idx.msk [tilespmem:v33+s29+$0x0], $0xffff  }
0x458: {  	s13 =	simm.s32 $0x80;
	s9 =	simm.s32 $0x400;
	v52 =	vadd.f32 $8.000000000e+00, v26;
	v37 =	vmul.f32 $6.243750000e+01, v51;
	v58 =	vcvt.s32.f32 v34;
	v45 =	vld.idx.msk [tilespmem:v34+s29+$0x0], $0xffff  }
0x459: {  	s11 =	sand.u32 $0x1C00, s9;
	s8 =	sand.u32 $0x2000, s13;
	s10 =	simm.s32 $0x10;
	v35 =	vmin.f32 v35, $8.000000000e+00;
	v29 =	vmul.f32 v29, v21;
	v32 =	vmul.f32 v32, v21;
	v34 =	vld.idx.msk [tilespmem:v34+s0+$0x0], $0xffff  }
0x45a: {  	s8 =	sor.u32 s11, s8;
	s10 =	sand.u32 $0x380, s10;
	v38 =	vmul.f32 $6.243750000e+01, v52;
	v57 =	vtrunc.f32 v37;
	v31 =	vsub.f32 v31, v58;
	v58 =	vld.idx.msk [tilespmem:v63+s0+$0x0], $0xffff  }
0x45b: {  	s8 =	sor.u32 s10, s8;
	v61 =	vadd.f32 $8.000000000e+00, v35;
	v44 =	vcvt.f32.s32 v57;
	v59 =	vcvt.s32.f32 v63;
	v42 =	vld.idx.msk [tilespmem:v63+s29+$0x0], $0xffff  }
0x45c: {  	v49 =	vld [tilespmem:s8+$0x8A60];
	v30 =	vcvt.s32.f32 v30;
	v33 =	vcvt.s32.f32 v33  }
0x45d: {  	v62 =	vtrunc.f32 v38;
	v48 =	vmul.f32 $6.243750000e+01, v61;
	v36 =	vsub.f32 v36, v59;
	v57 =	vld.idx.msk [tilespmem:v47+s0+$0x0], $0xffff  }
0x45e: {  	v63 =	vld [tilespmem:s8+$0x8A20];
	v28 =	vsub.f32 v28, v33;
	v25 =	vsub.f32 v25, v30;
	v33 =	vcvt.f32.s32 v62  }
0x45f: {  	v52 =	vcvt.s32.f32 v47;
	v30 =	vsub.f32 v55, v56;
	v41 =	vsub.f32 v54, v39;
	v54 =	vld.idx.msk [tilespmem:v47+s29+$0x0], $0xffff  }
0x460: {  	v61 =	vcvt.s32.f32 v33;
	v34 =	vsub.f32 v34, v45;
	v50 =	vsub.f32 v58, v42  }
0x461: {  	v53 =	vld.idx.msk [tilespmem:v44+s0+$0x0], $0xffff;
	v55 =	vsub.f32 v40, v52;
	v28 =	vmul.f32 v28, v30;
	v25 =	vmul.f32 v25, v41  }
0x462: {  	v38 =	vsub.f32 v38, v61;
	v30 =	vld.idx.msk [tilespmem:v44+s29+$0x0], $0xffff;
	v31 =	vmul.f32 v31, v34;
	v34 =	vmul.f32 v36, v50  }
0x463: {  	v52 =	vmax.f32 v63, $-8.000000000e+00;
	v28 =	vadd.f32 v28, v56;
	v25 =	vadd.f32 v25, v39  }
0x464: {  	v51 =	vld [tilespmem:s8+$0x8A10];
	v41 =	vmax.f32 v49, $-8.000000000e+00;
	v34 =	vadd.f32 v34, v42;
	v26 =	vsub.f32 v57, v54  }
0x465: {  	v56 =	vcvt.s32.f32 v44;
	v44 =	vld.idx.msk [tilespmem:v33+s29+$0x0], $0xffff;
	v23 =	vadd.f32 v28, v23;
	v28 =	vadd.f32 v31, v45  }
0x466: {  	v33 =	vld.idx.msk [tilespmem:v33+s0+$0x0], $0xffff;
	v31 =	vmul.f32 v35, v21;
	v22 =	vadd.f32 v25, v22;
	v25 =	vtrunc.f32 v48  }
0x467: {  	v57 =	vld [tilespmem:s8+$0x8A50];
	v62 =	vsub.f32 v53, v30;
	v26 =	vmul.f32 v55, v26;
	v25 =	vcvt.f32.s32 v25  }
0x468: {  	v23 =	vmul.f32 $1.442695020e+00, v23;
	v24 =	vadd.f32 v28, v24;
	v28 =	vsub.f32 v37, v56  }
0x469: {  	v60 =	vld [tilespmem:s8+$0x8A70];
	v40 =	vmul.f32 $1.442695020e+00, v22;
	v37 =	vmul.f32 v27, v21;
	v26 =	vadd.f32 v26, v54  }
0x46a: {  	v27 =	vcvt.s32.f32 v25;
	v54 =	vmax.f32 v51, $-8.000000000e+00;
	v24 =	vmul.f32 $1.442695020e+00, v24  }
0x46b: {  	v22 =	vld [tilespmem:s8+$0x8A00];
	v33 =	vsub.f32 v33, v44;
	v28 =	vmul.f32 v28, v62;
	(erf) = vpow2.f32 v23  }
0x46c: {  	v23 =	vld [tilespmem:s8+$0x8A40];
	v45 =	vmin.f32 v54, $8.000000000e+00;
	v47 =	vmax.f32 v57, $-8.000000000e+00;
	v34 =	vadd.f32 v34, v37  }
0x46d: {  	v26 =	vadd.f32 v26, v32;
	v32 =	vadd.f32 $8.000000000e+00, v45;
	v38 =	vmul.f32 v38, v33  }
0x46e: {  	v35 =	vmul.f32 v45, v21;
	v28 =	vadd.f32 v28, v30;
	v30 =	vmax.f32 v60, $-8.000000000e+00  }
0x46f: {  	(erf) = vpow2.f32 v24;
	v34 =	vmul.f32 $1.442695020e+00, v34;
	v30 =	vmin.f32 v30, $8.000000000e+00  }
0x470: {  	v22 =	vmax.f32 v22, $-8.000000000e+00;
	v53 =	vadd.f32 $8.000000000e+00, v30;
	v28 =	vadd.f32 v28, v29;
	v29 =	vld [tilespmem:s8+$0x8A30]  }
0x471: {  	v26 =	vmul.f32 $1.442695020e+00, v26;
	v24 =	vmin.f32 v22, $8.000000000e+00;
	v22 =	vmax.f32 v23, $-8.000000000e+00  }
0x472: {  	v23 =	vmin.f32 v41, $8.000000000e+00;
	v43 =	vmul.f32 $6.243750000e+01, v53;
	v22 =	vmin.f32 v22, $8.000000000e+00  }
0x473: {  	v36 =	vld.idx.msk [tilespmem:v25+s29+$0x0], $0xffff;
	v41 =	vsub.f32 v48, v27;
	(erf) = vpow2.f32 v26;
	v56 =	vadd.f32 $8.000000000e+00, v22  }
0x474: {  	v27 =	vld.idx.msk [tilespmem:v25+s0+$0x0], $0xffff;
	v25 =	vmin.f32 v52, $8.000000000e+00;
	v50 =	vmul.f32 $1.442695020e+00, v28;
	v55 =	vtrunc.f32 v43  }
0x475: {  	v58 =	vpop (erf);
	v29 =	vmax.f32 v29, $-8.000000000e+00;
	v28 =	vmul.f32 $6.243750000e+01, v56;
	v39 =	vcvt.f32.s32 v55  }
0x476: {  	v55 =	vadd.f32 $8.000000000e+00, v23;
	v23 =	vmul.f32 v23, v21;
	v48 =	vadd.f32 $1.000000000e+00, v58  }
0x477: {  	v26 =	vmin.f32 v29, $8.000000000e+00;
	v29 =	vadd.f32 $8.000000000e+00, v25;
	v53 =	vcvt.s32.f32 v39  }
0x478: {  	v59 =	vadd.f32 $8.000000000e+00, v24;
	(erf) = vrcp.f32 v48;
	v48 =	vmul.f32 $6.243750000e+01, v32  }
0x479: {  	v60 =	vsub.f32 v27, v36;
	v54 =	vtrunc.f32 v28;
	v27 =	vmul.f32 $6.243750000e+01, v29  }
0x47a: {  	v29 =	vmin.f32 v47, $8.000000000e+00;
	v47 =	vmul.f32 $6.243750000e+01, v59;
	v52 =	vtrunc.f32 v48  }
0x47b: {  	v38 =	vadd.f32 v38, v44;
	v41 =	vmul.f32 v41, v60;
	v52 =	vcvt.f32.s32 v52  }
0x47c: {  	v62 =	vadd.f32 $8.000000000e+00, v29;
	(erf) = vpow2.f32 v40;
	v40 =	vcvt.f32.s32 v54  }
0x47d: {  	v57 =	vtrunc.f32 v47;
	v58 =	vtrunc.f32 v27;
	v36 =	vadd.f32 v41, v36;
	v56 =	vld.idx.msk [tilespmem:v39+s29+$0x0], $0xffff  }
0x47e: {  	v51 =	vadd.f32 $8.000000000e+00, v26;
	(erf) = vpow2.f32 v50;
	v42 =	vcvt.f32.s32 v57;
	v39 =	vld.idx.msk [tilespmem:v39+s0+$0x0], $0xffff  }
0x47f: {  	v61 =	vpop (erf);
	v33 =	vmul.f32 $6.243750000e+01, v62;
	v31 =	vadd.f32 v36, v31;
	v63 =	vcvt.s32.f32 v52  }
0x480: {  	v32 =	vadd.f32 $1.000000000e+00, v61;
	(erf) = vpow2.f32 v34;
	v59 =	vcvt.s32.f32 v42  }
0x481: {  	v61 =	vtrunc.f32 v33;
	v31 =	vmul.f32 $1.442695020e+00, v31;
	v37 =	vsub.f32 v48, v63;
	v60 =	vld.idx.msk [tilespmem:v52+s0+$0x0], $0xffff  }
0x482: {  	v48 =	vmul.f32 $6.243750000e+01, v51;
	v63 =	vsub.f32 v43, v53;
	v53 =	vcvt.f32.s32 v61;
	v41 =	vld.idx.msk [tilespmem:v52+s29+$0x0], $0xffff  }
0x483: {  	v57 =	vpop (erf);
	v49 =	vsub.f32 v39, v56;
	(erf) = vpow2.f32 v31;
	v31 =	vmul.f32 $6.243750000e+01, v55  }
0x484: {  	v46 =	vadd.f32 v38, v46;
	v62 =	vtrunc.f32 v48;
	v52 =	vmul.f32 v30, v21;
	v34 =	vld.idx.msk [tilespmem:v42+s29+$0x0], $0xffff  }
0x485: {  	v38 =	vsub.f32 v47, v59;
	v30 =	vcvt.f32.s32 v58;
	v42 =	vld.idx.msk [tilespmem:v42+s0+$0x0], $0xffff;
	v36 =	vmul.f32 v63, v49  }
0x486: {  	v59 =	vadd.f32 $1.000000000e+00, v57;
	v58 =	vmul.f32 $1.442695020e+00, v46;
	v43 =	vcvt.f32.s32 v62  }
0x487: {  	v45 =	vcvt.s32.f32 v53;
	v62 =	vpop (erf);
	v63 =	vadd.f32 v36, v56;
	v60 =	vsub.f32 v60, v41  }
0x488: {  	v61 =	vcvt.s32.f32 v43;
	v46 =	vpop (erf);
	(erf) = vpow2.f32 v58  }
0x489: {  	v36 =	vld.idx.msk [tilespmem:v53+s29+$0x0], $0xffff;
	v39 =	vadd.f32 v63, v52;
	v49 =	vpop (erf);
	(erf) = vrcp.f32 v59;
	v47 =	vmul.f32 v37, v60  }
0x48a: {  	s10 =	simm.s32 $0x8;
	[tilespmem:s7+$0x10A10] =	vst v62;
	v44 =	vld.idx.msk [tilespmem:v53+s0+$0x0], $0xffff;
	v50 =	vpop (erf);
	v37 =	vsub.f32 v48, v61;
	v48 =	vsub.f32 v42, v34;
	v42 =	vtrunc.f32 v31  }
.LBB2_16:
0x48b: {  	s10 =	sadd.s32 $0x8, s10;
	v41 =	vadd.f32 v47, v41;
	v47 =	vadd.f32 $1.000000000e+00, v49;
	(erf) = vrcp.f32 v32  }
0x48c: {  	s9 =	sadd.s32 $0x400, s9;
	v46 =	vadd.f32 $1.000000000e+00, v46;
	s11 =	sshll.u32 s10, $0x4;
	s12 =	sshll.u32 s10, $0x1;
	v32 =	vmul.f32 v38, v48;
	v48 =	vld.idx.msk [tilespmem:v43+s29+$0x0], $0xffff;
	v38 =	vadd.f32 $1.000000000e+00, v50  }
0x48d: {  	s13 =	sand.u32 $0x1C00, s9;
	p0 =	slt.u32 s10, $0x3F8;
	s11 =	sand.u32 $0x2000, s11;
	v35 =	vadd.f32 v41, v35;
	v41 =	vld.idx.msk [tilespmem:v43+s0+$0x0], $0xffff;
	v43 =	vcvt.s32.f32 v40;
	(erf) = vrcp.f32 v47  }
0x48e: {  	v24 =	vmul.f32 v24, v21;
	s12 =	sand.u32 $0x380, s12;
	s11 =	sor.u32 s13, s11;
	v32 =	vadd.f32 v32, v34;
	v47 =	vld.idx.msk [tilespmem:v40+s0+$0x0], $0xffff;
	(erf) = vrcp.f32 v46  }
0x48f: {  	v33 =	vsub.f32 v33, v45;
	s11 =	sor.u32 s12, s11;
	v46 =	vmul.f32 $1.442695020e+00, v35;
	v28 =	vsub.f32 v28, v43;
	v35 =	vld.idx.msk [tilespmem:v40+s29+$0x0], $0xffff;
	v34 =	vpop (erf)  }
0x490: {  	v40 =	vld [tilespmem:s11+$0x8A70];
	v24 =	vadd.f32 v32, v24;
	v32 =	vadd.f32 $1.000000000e+00, v34;
	(erf) = vrcp.f32 v38  }
0x491: {  	v38 =	vcvt.s32.f32 v30;
	v34 =	vmul.f32 v25, v21;
	v25 =	vsub.f32 v44, v36;
	v43 =	vld [tilespmem:s11+$0x8A20];
	v44 =	vpop (erf)  }
0x492: {  	v24 =	vmul.f32 $1.442695020e+00, v24;
	v44 =	vadd.f32 $1.000000000e+00, v44;
	(erf) = vrcp.f32 v32  }
0x493: {  	v29 =	vmul.f32 v29, v21;
	v50 =	vsub.f32 v41, v48;
	v25 =	vmul.f32 v33, v25;
	v32 =	vld [tilespmem:s11+$0x8A60];
	v33 =	vpop (erf)  }
0x494: {  	v49 =	vmul.f32 $1.442695020e+00, v39;
	v45 =	vsub.f32 v27, v38;
	v38 =	vld.idx.msk [tilespmem:v30+s29+$0x0], $0xffff;
	v27 =	vpop (erf);
	(erf) = vrcp.f32 v44  }
0x495: {  	v26 =	vmul.f32 v26, v21;
	v37 =	vmul.f32 v37, v50;
	v25 =	vadd.f32 v25, v36;
	v39 =	vld [tilespmem:s11+$0x8A00];
	[tilespmem:s7+$0x10A30] =	vst v33  }
0x496: {  	v36 =	vcvt.f32.s32 v42;
	v33 =	vld [tilespmem:s11+$0x8A40];
	(erf) = vpow2.f32 v46;
	v41 =	vpop (erf)  }
0x497: {  	v42 =	vsub.f32 v47, v35;
	v40 =	vmax.f32 v40, $-8.000000000e+00;
	v37 =	vadd.f32 v37, v48;
	[tilespmem:s7+$0x10A50] =	vst v41;
	v41 =	vpop (erf)  }
0x498: {  	v40 =	vmin.f32 v40, $8.000000000e+00;
	v46 =	vmul.f32 v22, v21;
	v22 =	vcvt.s32.f32 v36;
	v44 =	vld [tilespmem:s11+$0x8A10];
	[tilespmem:s7+$0x10A00] =	vst v27  }
0x499: {  	v27 =	vmax.f32 v43, $-8.000000000e+00;
	v43 =	vadd.f32 $8.000000000e+00, v40;
	(erf) = vpow2.f32 v24;
	[tilespmem:s7+$0x10A70] =	vst v41;
	v24 =	vpop (erf)  }
0x49a: {  	v29 =	vadd.f32 v25, v29;
	v32 =	vmax.f32 v32, $-8.000000000e+00;
	v39 =	vmax.f32 v39, $-8.000000000e+00;
	[tilespmem:s7+$0x10A40] =	vst v24  }
0x49b: {  	v26 =	vadd.f32 v37, v26;
	v43 =	vmul.f32 $6.243750000e+01, v43;
	v24 =	vmin.f32 v39, $8.000000000e+00;
	v41 =	vld [tilespmem:s11+$0x8A30];
	v25 =	vpop (erf)  }
0x49c: {  	v31 =	vsub.f32 v31, v22;
	v33 =	vmax.f32 v33, $-8.000000000e+00;
	v39 =	vmin.f32 v32, $8.000000000e+00;
	v32 =	vld.idx.msk [tilespmem:v36+s0+$0x0], $0xffff;
	[tilespmem:s7+$0x10A60] =	vst v25  }
0x49d: {  	v42 =	vmul.f32 v28, v42;
	v37 =	vtrunc.f32 v43;
	v22 =	vmax.f32 v44, $-8.000000000e+00;
	v36 =	vld.idx.msk [tilespmem:v36+s29+$0x0], $0xffff;
	v28 =	vpop (erf)  }
0x49e: {  	v25 =	vmin.f32 v27, $8.000000000e+00;
	v44 =	vmin.f32 v22, $8.000000000e+00;
	v22 =	vmin.f32 v33, $8.000000000e+00;
	v27 =	vld.idx.msk [tilespmem:v30+s0+$0x0], $0xffff;
	[tilespmem:s7+$0x10A20] =	vst v28;
	s7 =	smov.u32 s8;
	s8 =	smov.u32 s11  }
0x49f: {  	v26 =	vmul.f32 $1.442695020e+00, v26;
	v30 =	vadd.f32 $8.000000000e+00, v44;
	v28 =	vadd.f32 $8.000000000e+00, v22;
	v33 =	vld [tilespmem:s8+$0x8A50];
	v47 =	vpop (erf)  }
0x4a0: {  	v50 =	vmul.f32 $1.442695020e+00, v29;
	v48 =	vadd.f32 $8.000000000e+00, v24;
	v47 =	vadd.f32 $1.000000000e+00, v47  }
0x4a1: {  	v41 =	vmax.f32 v41, $-8.000000000e+00;
	v28 =	vmul.f32 $6.243750000e+01, v28;
	(erf) = vpow2.f32 v26  }
0x4a2: {  	v37 =	vcvt.f32.s32 v37;
	v26 =	vmin.f32 v41, $8.000000000e+00;
	v29 =	vpop (erf);
	(erf) = vrcp.f32 v47  }
0x4a3: {  	v30 =	vmul.f32 $6.243750000e+01, v30;
	v41 =	vadd.f32 $8.000000000e+00, v25;
	v47 =	vsub.f32 v32, v36  }
0x4a4: {  	v51 =	vadd.f32 $8.000000000e+00, v26;
	v52 =	vsub.f32 v27, v38;
	v33 =	vmax.f32 v33, $-8.000000000e+00  }
0x4a5: {  	v53 =	vtrunc.f32 v30;
	v27 =	vmul.f32 $6.243750000e+01, v41;
	v32 =	vadd.f32 $1.000000000e+00, v29  }
0x4a6: {  	v41 =	vcvt.f32.s32 v53;
	v53 =	vcvt.s32.f32 v37;
	v29 =	vmin.f32 v33, $8.000000000e+00  }
0x4a7: {  	v48 =	vmul.f32 $6.243750000e+01, v48;
	v45 =	vmul.f32 v45, v52;
	v33 =	vadd.f32 $8.000000000e+00, v29  }
0x4a8: {  	v42 =	vadd.f32 v42, v35;
	v54 =	vtrunc.f32 v28;
	v52 =	vcvt.s32.f32 v41;
	v55 =	vld.idx.msk [tilespmem:v37+s29+$0x0], $0xffff  }
0x4a9: {  	v56 =	vadd.f32 $8.000000000e+00, v39;
	v35 =	vtrunc.f32 v48;
	v31 =	vmul.f32 v31, v47  }
0x4aa: {  	v47 =	vcvt.f32.s32 v35;
	v52 =	vsub.f32 v30, v52;
	v37 =	vld.idx.msk [tilespmem:v37+s0+$0x0], $0xffff;
	v57 =	vpop (erf);
	(erf) = vpow2.f32 v49  }
0x4ab: {  	v42 =	vadd.f32 v42, v46;
	v35 =	vmul.f32 v44, v21;
	v30 =	vtrunc.f32 v27;
	v44 =	vpop (erf)  }
0x4ac: {  	v46 =	vcvt.s32.f32 v47;
	v31 =	vadd.f32 v31, v36;
	v33 =	vmul.f32 $6.243750000e+01, v33;
	[tilespmem:s7+$0x10A10] =	vst v44  }
0x4ad: {  	v42 =	vmul.f32 $1.442695020e+00, v42;
	v45 =	vadd.f32 v45, v38;
	v44 =	vmul.f32 $6.243750000e+01, v51;
	v36 =	vld.idx.msk [tilespmem:v41+s0+$0x0], $0xffff  }
0x4ae: {  	v38 =	vsub.f32 v48, v46;
	v46 =	vtrunc.f32 v33;
	v41 =	vld.idx.msk [tilespmem:v41+s29+$0x0], $0xffff;
	(erf) = vpow2.f32 v50  }
0x4af: {  	v45 =	vadd.f32 v45, v34;
	v48 =	vtrunc.f32 v44;
	(erf) = vpow2.f32 v42  }
0x4b0: {  	v23 =	vadd.f32 v31, v23;
	v49 =	vmul.f32 v40, v21;
	v42 =	vsub.f32 v43, v53;
	v34 =	vld.idx.msk [tilespmem:v47+s29+$0x0], $0xffff  }
0x4b1: {  	v30 =	vcvt.f32.s32 v30;
	v50 =	vcvt.f32.s32 v46;
	v31 =	vsub.f32 v37, v55  }
0x4b2: {  	v23 =	vmul.f32 $1.442695020e+00, v23;
	v43 =	vcvt.f32.s32 v48;
	v51 =	vld.idx.msk [tilespmem:v47+s0+$0x0], $0xffff  }
0x4b3: {  	v53 =	vadd.f32 $1.000000000e+00, v57;
	v37 =	vmul.f32 v42, v31;
	v42 =	vmul.f32 $1.442695020e+00, v45;
	v46 =	vpop (erf)  }
.Ltmp7:
0x4b4: {  	v45 =	vcvt.s32.f32 v43;
	v36 =	vsub.f32 v36, v41;
	(erf) = vpow2.f32 v23;
	(pc) =	sbr.rel @p0 .LBB2_16-.Ltmp7, $4  }
0x4b5: {  	v40 =	vcvt.f32.s32 v54;
	v31 =	vmul.f32 $6.243750000e+01, v56;
	v48 =	vadd.f32 v37, v55  }
0x4b6: {  	v37 =	vsub.f32 v44, v45;
	v47 =	vmul.f32 v52, v36;
	(erf) = vpow2.f32 v42  }
0x4b7: {  	v45 =	vcvt.s32.f32 v50;
	v23 =	vmul.f32 v39, v21;
	v39 =	vadd.f32 v48, v49;
	v36 =	vld.idx.msk [tilespmem:v50+s29+$0x0], $0xffff;
	v49 =	vpop (erf)  }
0x4b8: {  	v42 =	vtrunc.f32 v31;
	v48 =	vsub.f32 v51, v34;
	v44 =	vld.idx.msk [tilespmem:v50+s0+$0x0], $0xffff;
	(erf) = vrcp.f32 v53;
	v50 =	vpop (erf)  }
0x4b9: {  	_ =	sdelay $0x3  }
0x4ba: {  	v57 =	vadd.f32 $1.000000000e+00, v49;
	v58 =	vadd.f32 $1.000000000e+00, v46;
	v46 =	vld.idx.msk [tilespmem:v43+s29+$0x0], $0xffff  }
0x4bb: {  	v41 =	vadd.f32 v47, v41;
	(erf) = vrcp.f32 v32;
	v61 =	vld.idx.msk [tilespmem:v43+s0+$0x0], $0xffff;
	v42 =	vcvt.f32.s32 v42  }
0x4bc: {  	v59 =	vadd.f32 $1.000000000e+00, v50;
	v24 =	vmul.f32 v24, v21;
	(erf) = vrcp.f32 v57;
	v60 =	vpop (erf)  }
0x4bd: {  	v35 =	vadd.f32 v41, v35;
	(erf) = vrcp.f32 v58;
	v62 =	vadd.f32 $1.000000000e+00, v60;
	v63 =	vpop (erf)  }
0x4be: {  	v49 =	vld.idx.msk [tilespmem:v40+s29+$0x0], $0xffff;
	v38 =	vmul.f32 v38, v48;
	(erf) = vrcp.f32 v59;
	v41 =	vadd.f32 $1.000000000e+00, v63  }
0x4bf: {  	v52 =	vld.idx.msk [tilespmem:v30+s29+$0x0], $0xffff;
	v35 =	vmul.f32 $1.442695020e+00, v35;
	(erf) = vrcp.f32 v62  }
0x4c0: {  	v33 =	vsub.f32 v33, v45;
	v48 =	vld.idx.msk [tilespmem:v40+s0+$0x0], $0xffff;
	v51 =	vsub.f32 v61, v46;
	(erf) = vrcp.f32 v41  }
0x4c1: {  	v50 =	vcvt.s32.f32 v40;
	v47 =	vadd.f32 v38, v34;
	v55 =	vld.idx.msk [tilespmem:v42+s0+$0x0], $0xffff;
	(erf) = vpow2.f32 v35  }
0x4c2: {  	v54 =	vcvt.s32.f32 v30;
	v44 =	vsub.f32 v44, v36;
	v57 =	vld.idx.msk [tilespmem:v42+s29+$0x0], $0xffff;
	v32 =	vmul.f32 v37, v51  }
0x4c3: {  	v30 =	vld.idx.msk [tilespmem:v30+s0+$0x0], $0xffff;
	v26 =	vmul.f32 v26, v21;
	v28 =	vsub.f32 v28, v50;
	v24 =	vadd.f32 v47, v24;
	v53 =	vpop (erf)  }
0x4c4: {  	v27 =	vsub.f32 v27, v54;
	v33 =	vmul.f32 v33, v44;
	v56 =	vpop (erf);
	v32 =	vadd.f32 v32, v46  }
0x4c5: {  	v60 =	vcvt.s32.f32 v42;
	v34 =	vsub.f32 v48, v49;
	v24 =	vmul.f32 $1.442695020e+00, v24;
	v58 =	vpop (erf)  }
0x4c6: {  	v29 =	vmul.f32 v29, v21;
	v33 =	vadd.f32 v33, v36;
	v26 =	vadd.f32 v32, v26;
	v59 =	vpop (erf)  }
0x4c7: {  	(erf) = vpow2.f32 v24;
	v24 =	vsub.f32 v31, v60;
	v63 =	vsub.f32 v55, v57;
	v61 =	vpop (erf)  }
0x4c8: {  	v30 =	vsub.f32 v30, v52;
	v28 =	vmul.f32 v28, v34;
	v26 =	vmul.f32 $1.442695020e+00, v26;
	v62 =	vpop (erf)  }
0x4c9: {  	v22 =	vmul.f32 v22, v21;
	v29 =	vadd.f32 v33, v29;
	v24 =	vmul.f32 v24, v63;
	v31 =	vpop (erf)  }
0x4ca: {  	(erf) = vpow2.f32 v26;
	v26 =	vmul.f32 v27, v30;
	v27 =	vadd.f32 v28, v49;
	v44 =	vpop (erf)  }
0x4cb: {  	v25 =	vmul.f32 v25, v21;
	v24 =	vadd.f32 v24, v57;
	v45 =	vadd.f32 $1.000000000e+00, v44  }
0x4cc: {  	v39 =	vmul.f32 $1.442695020e+00, v39;
	v28 =	vmul.f32 $1.442695020e+00, v29;
	v22 =	vadd.f32 v27, v22  }
0x4cd: {  	v26 =	vadd.f32 v26, v52;
	v23 =	vadd.f32 v24, v23;
	(erf) = vrcp.f32 v45  }
0x4ce: {  	v22 =	vmul.f32 $1.442695020e+00, v22;
	(erf) = vpow2.f32 v39  }
0x4cf: {  	v24 =	vadd.f32 v26, v25;
	v23 =	vmul.f32 $1.442695020e+00, v23;
	(erf) = vpow2.f32 v28;
	_ =	sdelay $0x1  }
0x4d0: {  	(erf) = vpow2.f32 v22;
	v22 =	vmul.f32 $1.442695020e+00, v24  }
0x4d1: {  	(erf) = vpow2.f32 v23  }
0x4d2: {  	v23 =	vpop (erf);
	(erf) = vpow2.f32 v22;
	_ =	sdelay $0x1  }
0x4d3: {  	v22 =	vpop (erf)  }
0x4d4: {  	v23 =	vadd.f32 $1.000000000e+00, v23;
	v24 =	vpop (erf)  }
0x4d5: {  	v22 =	vadd.f32 $1.000000000e+00, v22;
	v25 =	vpop (erf)  }
0x4d6: {  	v26 =	vpop (erf);
	v25 =	vadd.f32 $1.000000000e+00, v25  }
0x4d7: {  	(erf) = vrcp.f32 v22;
	v22 =	vadd.f32 $1.000000000e+00, v26  }
0x4d8: {  	(erf) = vrcp.f32 v23;
	v23 =	vpop (erf)  }
0x4d9: {  	[tilespmem:s7+$0x10A30] =	vst v53;
	(erf) = vrcp.f32 v22;
	v22 =	vadd.f32 $1.000000000e+00, v23;
	v23 =	vpop (erf)  }
0x4da: {  	[tilespmem:s7+$0x10A00] =	vst v56;
	(erf) = vrcp.f32 v25;
	v23 =	vadd.f32 $1.000000000e+00, v23;
	v25 =	vpop (erf)  }
0x4db: {  	[tilespmem:s7+$0x10A50] =	vst v58;
	(erf) = vrcp.f32 v22;
	v22 =	vadd.f32 $1.000000000e+00, v25  }
0x4dc: {  	[tilespmem:s7+$0x10A70] =	vst v59;
	(erf) = vrcp.f32 v23  }
0x4dd: {  	[tilespmem:s7+$0x10A40] =	vst v61;
	(erf) = vrcp.f32 v22  }
0x4de: {  	[tilespmem:s7+$0x10A60] =	vst v62  }
0x4df: {  	[tilespmem:s7+$0x10A20] =	vst v31  }
0x4e0: {  	[tilespmem:s8+$0x10A10] =	vst v24;
	v22 =	vpop (erf)  }
0x4e1: {  	v23 =	vpop (erf);
	[tilespmem:s8+$0x10A30] =	vst v22  }
0x4e2: {  	[tilespmem:s8+$0x10A00] =	vst v23;
	v22 =	vpop (erf)  }
0x4e3: {  	[tilespmem:s8+$0x10A50] =	vst v22;
	v22 =	vpop (erf)  }
0x4e4: {  	[tilespmem:s8+$0x10A70] =	vst v22;
	v22 =	vpop (erf)  }
0x4e5: {  	[tilespmem:s8+$0x10A40] =	vst v22;
	v22 =	vpop (erf)  }
0x4e6: {  	[tilespmem:s8+$0x10A60] =	vst v22;
	v22 =	vpop (erf)  }
0x4e7: {  	s10 =	simm.s32 $0x0;
	[tilespmem:s8+$0x10A20] =	vst v22  }
0x4e8: {  	[hbm4b:s18+s10] =	stream.linear.scatter [tilespmem:s26], [sflag:$0x4], $0x4000, $0x38;
	[tilespmem:$0x14A00] =	vst v63  }
0x4e9: {  	_ =	swait.ge [sflag:s30], $0x4000  }
0x4ea: {  	[sflag:s30] =	ssyncset.done $0x0  }
0x4eb: {  	s11 =	simm.s32 $0x0;
	s9 =	simm.s32 $0x0;
	[sflag:s30] =	ssyncadd.s32 $0xFFFFC000  }
0x4ec: {  	[tilespmem:s31], [sflag:$0x2] =	stream.linear.gather [hbm4b:s19+s10], $0x4000, $0x38;
	[tilespmem:$0x14A00] =	vst v63  }
0x4ed: {  	s7 =	sand.u32 $0x1C00, s10;
	s8 =	sand.u32 $0x2000, s11;
	_ =	swait.ge [sflag:s4], $0x4000  }
0x4ee: {  	s12 =	sand.u32 $0x380, s9;
	s7 =	sor.u32 s7, s8;
	[sflag:s4] =	ssyncset.done $0x0  }
0x4ef: {  	s7 =	sor.u32 s12, s7;
	[sflag:s4] =	ssyncadd.s32 $0xFFFFC000  }
0x4f0: {  	v22 =	vld [tilespmem:s7+$0x4A70];
	_ =	sdelay $0x1  }
0x4f1: {  	v23 =	vld [tilespmem:s7+$0x4A10];
	_ =	sdelay $0x1  }
0x4f2: {  	v24 =	vld [tilespmem:s7+$0x4A00]  }
0x4f3: {  	v27 =	vld [tilespmem:s7+$0x4A40];
	v22 =	vmax.f32 v22, $-8.000000000e+00  }
0x4f4: {  	v22 =	vmin.f32 v22, $8.000000000e+00  }
0x4f5: {  	v23 =	vmax.f32 v23, $-8.000000000e+00;
	v25 =	vadd.f32 $8.000000000e+00, v22  }
0x4f6: {  	v23 =	vmin.f32 v23, $8.000000000e+00  }
0x4f7: {  	v46 =	vld [tilespmem:s7+$0x4A30];
	v24 =	vmax.f32 v24, $-8.000000000e+00;
	v28 =	vadd.f32 $8.000000000e+00, v23;
	v25 =	vmul.f32 $6.243750000e+01, v25  }
0x4f8: {  	v27 =	vmax.f32 v27, $-8.000000000e+00;
	v24 =	vmin.f32 v24, $8.000000000e+00  }
0x4f9: {  	v26 =	vld [tilespmem:s7+$0x4A20];
	v31 =	vadd.f32 $8.000000000e+00, v24;
	v28 =	vmul.f32 $6.243750000e+01, v28;
	v30 =	vtrunc.f32 v25  }
0x4fa: {  	v29 =	vld [tilespmem:s7+$0x4A50];
	v27 =	vmin.f32 v27, $8.000000000e+00;
	v30 =	vcvt.f32.s32 v30  }
0x4fb: {  	v50 =	vadd.f32 $8.000000000e+00, v27;
	v31 =	vmul.f32 $6.243750000e+01, v31;
	v47 =	vtrunc.f32 v28  }
0x4fc: {  	v32 =	vmax.f32 v46, $-8.000000000e+00;
	v33 =	vcvt.f32.s32 v47  }
0x4fd: {  	v32 =	vmin.f32 v32, $8.000000000e+00;
	v36 =	vmul.f32 $6.243750000e+01, v50;
	v48 =	vtrunc.f32 v31  }
0x4fe: {  	v49 =	vld [tilespmem:s7+$0x4A60];
	v53 =	vadd.f32 $8.000000000e+00, v32;
	v34 =	vcvt.f32.s32 v48  }
0x4ff: {  	v26 =	vmax.f32 v26, $-8.000000000e+00;
	v29 =	vmax.f32 v29, $-8.000000000e+00;
	v60 =	vtrunc.f32 v36  }
0x500: {  	v26 =	vmin.f32 v26, $8.000000000e+00;
	v40 =	vmul.f32 $6.243750000e+01, v53;
	v63 =	vcvt.f32.s32 v60;
	v39 =	vld.idx.msk [tilespmem:v30+s29+$0x0], $0xffff  }
0x501: {  	v29 =	vmin.f32 v29, $8.000000000e+00;
	v23 =	vmul.f32 v23, v21;
	v22 =	vmul.f32 v22, v21;
	v54 =	vld.idx.msk [tilespmem:v30+s0+$0x0], $0xffff  }
0x502: {  	v51 =	vadd.f32 $8.000000000e+00, v29;
	v24 =	vmul.f32 v24, v21;
	v59 =	vtrunc.f32 v40;
	v55 =	vld.idx.msk [tilespmem:v33+s0+$0x0], $0xffff  }
0x503: {  	v35 =	vmax.f32 v49, $-8.000000000e+00;
	v46 =	vmul.f32 v26, v21;
	v47 =	vcvt.f32.s32 v59;
	v56 =	vld.idx.msk [tilespmem:v33+s29+$0x0], $0xffff  }
0x504: {  	s13 =	simm.s32 $0x80;
	s9 =	simm.s32 $0x400;
	v52 =	vadd.f32 $8.000000000e+00, v26;
	v37 =	vmul.f32 $6.243750000e+01, v51;
	v58 =	vcvt.s32.f32 v34;
	v45 =	vld.idx.msk [tilespmem:v34+s29+$0x0], $0xffff  }
0x505: {  	s11 =	sand.u32 $0x1C00, s9;
	s8 =	sand.u32 $0x2000, s13;
	s10 =	simm.s32 $0x10;
	v35 =	vmin.f32 v35, $8.000000000e+00;
	v29 =	vmul.f32 v29, v21;
	v32 =	vmul.f32 v32, v21;
	v34 =	vld.idx.msk [tilespmem:v34+s0+$0x0], $0xffff  }
0x506: {  	s8 =	sor.u32 s11, s8;
	s10 =	sand.u32 $0x380, s10;
	v38 =	vmul.f32 $6.243750000e+01, v52;
	v57 =	vtrunc.f32 v37;
	v31 =	vsub.f32 v31, v58;
	v58 =	vld.idx.msk [tilespmem:v63+s0+$0x0], $0xffff  }
0x507: {  	s8 =	sor.u32 s10, s8;
	v61 =	vadd.f32 $8.000000000e+00, v35;
	v44 =	vcvt.f32.s32 v57;
	v59 =	vcvt.s32.f32 v63;
	v42 =	vld.idx.msk [tilespmem:v63+s29+$0x0], $0xffff  }
0x508: {  	v49 =	vld [tilespmem:s8+$0x4A60];
	v30 =	vcvt.s32.f32 v30;
	v33 =	vcvt.s32.f32 v33  }
0x509: {  	v62 =	vtrunc.f32 v38;
	v48 =	vmul.f32 $6.243750000e+01, v61;
	v36 =	vsub.f32 v36, v59;
	v57 =	vld.idx.msk [tilespmem:v47+s0+$0x0], $0xffff  }
0x50a: {  	v63 =	vld [tilespmem:s8+$0x4A20];
	v28 =	vsub.f32 v28, v33;
	v25 =	vsub.f32 v25, v30;
	v33 =	vcvt.f32.s32 v62  }
0x50b: {  	v52 =	vcvt.s32.f32 v47;
	v30 =	vsub.f32 v55, v56;
	v41 =	vsub.f32 v54, v39;
	v54 =	vld.idx.msk [tilespmem:v47+s29+$0x0], $0xffff  }
0x50c: {  	v61 =	vcvt.s32.f32 v33;
	v34 =	vsub.f32 v34, v45;
	v50 =	vsub.f32 v58, v42  }
0x50d: {  	v53 =	vld.idx.msk [tilespmem:v44+s0+$0x0], $0xffff;
	v55 =	vsub.f32 v40, v52;
	v28 =	vmul.f32 v28, v30;
	v25 =	vmul.f32 v25, v41  }
0x50e: {  	v38 =	vsub.f32 v38, v61;
	v30 =	vld.idx.msk [tilespmem:v44+s29+$0x0], $0xffff;
	v31 =	vmul.f32 v31, v34;
	v34 =	vmul.f32 v36, v50  }
0x50f: {  	v52 =	vmax.f32 v63, $-8.000000000e+00;
	v28 =	vadd.f32 v28, v56;
	v25 =	vadd.f32 v25, v39  }
0x510: {  	v51 =	vld [tilespmem:s8+$0x4A10];
	v41 =	vmax.f32 v49, $-8.000000000e+00;
	v34 =	vadd.f32 v34, v42;
	v26 =	vsub.f32 v57, v54  }
0x511: {  	v56 =	vcvt.s32.f32 v44;
	v44 =	vld.idx.msk [tilespmem:v33+s29+$0x0], $0xffff;
	v23 =	vadd.f32 v28, v23;
	v28 =	vadd.f32 v31, v45  }
0x512: {  	v33 =	vld.idx.msk [tilespmem:v33+s0+$0x0], $0xffff;
	v31 =	vmul.f32 v35, v21;
	v22 =	vadd.f32 v25, v22;
	v25 =	vtrunc.f32 v48  }
0x513: {  	v57 =	vld [tilespmem:s8+$0x4A50];
	v62 =	vsub.f32 v53, v30;
	v26 =	vmul.f32 v55, v26;
	v25 =	vcvt.f32.s32 v25  }
0x514: {  	v23 =	vmul.f32 $1.442695020e+00, v23;
	v24 =	vadd.f32 v28, v24;
	v28 =	vsub.f32 v37, v56  }
0x515: {  	v60 =	vld [tilespmem:s8+$0x4A70];
	v40 =	vmul.f32 $1.442695020e+00, v22;
	v37 =	vmul.f32 v27, v21;
	v26 =	vadd.f32 v26, v54  }
0x516: {  	v27 =	vcvt.s32.f32 v25;
	v54 =	vmax.f32 v51, $-8.000000000e+00;
	v24 =	vmul.f32 $1.442695020e+00, v24  }
0x517: {  	v22 =	vld [tilespmem:s8+$0x4A00];
	v33 =	vsub.f32 v33, v44;
	v28 =	vmul.f32 v28, v62;
	(erf) = vpow2.f32 v23  }
0x518: {  	v23 =	vld [tilespmem:s8+$0x4A40];
	v45 =	vmin.f32 v54, $8.000000000e+00;
	v47 =	vmax.f32 v57, $-8.000000000e+00;
	v34 =	vadd.f32 v34, v37  }
0x519: {  	v26 =	vadd.f32 v26, v32;
	v32 =	vadd.f32 $8.000000000e+00, v45;
	v38 =	vmul.f32 v38, v33  }
0x51a: {  	v35 =	vmul.f32 v45, v21;
	v28 =	vadd.f32 v28, v30;
	v30 =	vmax.f32 v60, $-8.000000000e+00  }
0x51b: {  	(erf) = vpow2.f32 v24;
	v34 =	vmul.f32 $1.442695020e+00, v34;
	v30 =	vmin.f32 v30, $8.000000000e+00  }
0x51c: {  	v22 =	vmax.f32 v22, $-8.000000000e+00;
	v53 =	vadd.f32 $8.000000000e+00, v30;
	v28 =	vadd.f32 v28, v29;
	v29 =	vld [tilespmem:s8+$0x4A30]  }
0x51d: {  	v26 =	vmul.f32 $1.442695020e+00, v26;
	v24 =	vmin.f32 v22, $8.000000000e+00;
	v22 =	vmax.f32 v23, $-8.000000000e+00  }
0x51e: {  	v23 =	vmin.f32 v41, $8.000000000e+00;
	v43 =	vmul.f32 $6.243750000e+01, v53;
	v22 =	vmin.f32 v22, $8.000000000e+00  }
0x51f: {  	v36 =	vld.idx.msk [tilespmem:v25+s29+$0x0], $0xffff;
	v41 =	vsub.f32 v48, v27;
	(erf) = vpow2.f32 v26;
	v56 =	vadd.f32 $8.000000000e+00, v22  }
0x520: {  	v27 =	vld.idx.msk [tilespmem:v25+s0+$0x0], $0xffff;
	v25 =	vmin.f32 v52, $8.000000000e+00;
	v50 =	vmul.f32 $1.442695020e+00, v28;
	v55 =	vtrunc.f32 v43  }
0x521: {  	v58 =	vpop (erf);
	v29 =	vmax.f32 v29, $-8.000000000e+00;
	v28 =	vmul.f32 $6.243750000e+01, v56;
	v39 =	vcvt.f32.s32 v55  }
0x522: {  	v55 =	vadd.f32 $8.000000000e+00, v23;
	v23 =	vmul.f32 v23, v21;
	v48 =	vadd.f32 $1.000000000e+00, v58  }
0x523: {  	v26 =	vmin.f32 v29, $8.000000000e+00;
	v29 =	vadd.f32 $8.000000000e+00, v25;
	v53 =	vcvt.s32.f32 v39  }
0x524: {  	v59 =	vadd.f32 $8.000000000e+00, v24;
	(erf) = vrcp.f32 v48;
	v48 =	vmul.f32 $6.243750000e+01, v32  }
0x525: {  	v60 =	vsub.f32 v27, v36;
	v54 =	vtrunc.f32 v28;
	v27 =	vmul.f32 $6.243750000e+01, v29  }
0x526: {  	v29 =	vmin.f32 v47, $8.000000000e+00;
	v47 =	vmul.f32 $6.243750000e+01, v59;
	v52 =	vtrunc.f32 v48  }
0x527: {  	v38 =	vadd.f32 v38, v44;
	v41 =	vmul.f32 v41, v60;
	v52 =	vcvt.f32.s32 v52  }
0x528: {  	v62 =	vadd.f32 $8.000000000e+00, v29;
	(erf) = vpow2.f32 v40;
	v40 =	vcvt.f32.s32 v54  }
0x529: {  	v57 =	vtrunc.f32 v47;
	v58 =	vtrunc.f32 v27;
	v36 =	vadd.f32 v41, v36;
	v56 =	vld.idx.msk [tilespmem:v39+s29+$0x0], $0xffff  }
0x52a: {  	v51 =	vadd.f32 $8.000000000e+00, v26;
	(erf) = vpow2.f32 v50;
	v42 =	vcvt.f32.s32 v57;
	v39 =	vld.idx.msk [tilespmem:v39+s0+$0x0], $0xffff  }
0x52b: {  	v61 =	vpop (erf);
	v33 =	vmul.f32 $6.243750000e+01, v62;
	v31 =	vadd.f32 v36, v31;
	v63 =	vcvt.s32.f32 v52  }
0x52c: {  	v32 =	vadd.f32 $1.000000000e+00, v61;
	(erf) = vpow2.f32 v34;
	v59 =	vcvt.s32.f32 v42  }
0x52d: {  	v61 =	vtrunc.f32 v33;
	v31 =	vmul.f32 $1.442695020e+00, v31;
	v37 =	vsub.f32 v48, v63;
	v60 =	vld.idx.msk [tilespmem:v52+s0+$0x0], $0xffff  }
0x52e: {  	v48 =	vmul.f32 $6.243750000e+01, v51;
	v63 =	vsub.f32 v43, v53;
	v53 =	vcvt.f32.s32 v61;
	v41 =	vld.idx.msk [tilespmem:v52+s29+$0x0], $0xffff  }
0x52f: {  	v57 =	vpop (erf);
	v49 =	vsub.f32 v39, v56;
	(erf) = vpow2.f32 v31;
	v31 =	vmul.f32 $6.243750000e+01, v55  }
0x530: {  	v46 =	vadd.f32 v38, v46;
	v62 =	vtrunc.f32 v48;
	v52 =	vmul.f32 v30, v21;
	v34 =	vld.idx.msk [tilespmem:v42+s29+$0x0], $0xffff  }
0x531: {  	v38 =	vsub.f32 v47, v59;
	v30 =	vcvt.f32.s32 v58;
	v42 =	vld.idx.msk [tilespmem:v42+s0+$0x0], $0xffff;
	v36 =	vmul.f32 v63, v49  }
0x532: {  	v59 =	vadd.f32 $1.000000000e+00, v57;
	v58 =	vmul.f32 $1.442695020e+00, v46;
	v43 =	vcvt.f32.s32 v62  }
0x533: {  	v45 =	vcvt.s32.f32 v53;
	v62 =	vpop (erf);
	v63 =	vadd.f32 v36, v56;
	v60 =	vsub.f32 v60, v41  }
0x534: {  	v61 =	vcvt.s32.f32 v43;
	v46 =	vpop (erf);
	(erf) = vpow2.f32 v58  }
0x535: {  	v36 =	vld.idx.msk [tilespmem:v53+s29+$0x0], $0xffff;
	v39 =	vadd.f32 v63, v52;
	v49 =	vpop (erf);
	(erf) = vrcp.f32 v59;
	v47 =	vmul.f32 v37, v60  }
0x536: {  	s10 =	simm.s32 $0x8;
	[tilespmem:s7+$0xCA10] =	vst v62;
	v44 =	vld.idx.msk [tilespmem:v53+s0+$0x0], $0xffff;
	v50 =	vpop (erf);
	v37 =	vsub.f32 v48, v61;
	v48 =	vsub.f32 v42, v34;
	v42 =	vtrunc.f32 v31  }
.LBB2_18:
0x537: {  	s10 =	sadd.s32 $0x8, s10;
	v41 =	vadd.f32 v47, v41;
	v47 =	vadd.f32 $1.000000000e+00, v49;
	(erf) = vrcp.f32 v32  }
0x538: {  	s9 =	sadd.s32 $0x400, s9;
	v46 =	vadd.f32 $1.000000000e+00, v46;
	s11 =	sshll.u32 s10, $0x4;
	s12 =	sshll.u32 s10, $0x1;
	v32 =	vmul.f32 v38, v48;
	v48 =	vld.idx.msk [tilespmem:v43+s29+$0x0], $0xffff;
	v38 =	vadd.f32 $1.000000000e+00, v50  }
0x539: {  	s13 =	sand.u32 $0x1C00, s9;
	p0 =	slt.u32 s10, $0x3F8;
	s11 =	sand.u32 $0x2000, s11;
	v35 =	vadd.f32 v41, v35;
	v41 =	vld.idx.msk [tilespmem:v43+s0+$0x0], $0xffff;
	v43 =	vcvt.s32.f32 v40;
	(erf) = vrcp.f32 v47  }
0x53a: {  	v24 =	vmul.f32 v24, v21;
	s12 =	sand.u32 $0x380, s12;
	s11 =	sor.u32 s13, s11;
	v32 =	vadd.f32 v32, v34;
	v47 =	vld.idx.msk [tilespmem:v40+s0+$0x0], $0xffff;
	(erf) = vrcp.f32 v46  }
0x53b: {  	v33 =	vsub.f32 v33, v45;
	s11 =	sor.u32 s12, s11;
	v46 =	vmul.f32 $1.442695020e+00, v35;
	v28 =	vsub.f32 v28, v43;
	v35 =	vld.idx.msk [tilespmem:v40+s29+$0x0], $0xffff;
	v34 =	vpop (erf)  }
0x53c: {  	v40 =	vld [tilespmem:s11+$0x4A70];
	v24 =	vadd.f32 v32, v24;
	v32 =	vadd.f32 $1.000000000e+00, v34;
	(erf) = vrcp.f32 v38  }
0x53d: {  	v38 =	vcvt.s32.f32 v30;
	v34 =	vmul.f32 v25, v21;
	v25 =	vsub.f32 v44, v36;
	v43 =	vld [tilespmem:s11+$0x4A20];
	v44 =	vpop (erf)  }
0x53e: {  	v24 =	vmul.f32 $1.442695020e+00, v24;
	v44 =	vadd.f32 $1.000000000e+00, v44;
	(erf) = vrcp.f32 v32  }
0x53f: {  	v29 =	vmul.f32 v29, v21;
	v50 =	vsub.f32 v41, v48;
	v25 =	vmul.f32 v33, v25;
	v32 =	vld [tilespmem:s11+$0x4A60];
	v33 =	vpop (erf)  }
0x540: {  	v49 =	vmul.f32 $1.442695020e+00, v39;
	v45 =	vsub.f32 v27, v38;
	v38 =	vld.idx.msk [tilespmem:v30+s29+$0x0], $0xffff;
	v27 =	vpop (erf);
	(erf) = vrcp.f32 v44  }
0x541: {  	v26 =	vmul.f32 v26, v21;
	v37 =	vmul.f32 v37, v50;
	v25 =	vadd.f32 v25, v36;
	v39 =	vld [tilespmem:s11+$0x4A00];
	[tilespmem:s7+$0xCA30] =	vst v33  }
0x542: {  	v36 =	vcvt.f32.s32 v42;
	v33 =	vld [tilespmem:s11+$0x4A40];
	(erf) = vpow2.f32 v46;
	v41 =	vpop (erf)  }
0x543: {  	v42 =	vsub.f32 v47, v35;
	v40 =	vmax.f32 v40, $-8.000000000e+00;
	v37 =	vadd.f32 v37, v48;
	[tilespmem:s7+$0xCA50] =	vst v41;
	v41 =	vpop (erf)  }
0x544: {  	v40 =	vmin.f32 v40, $8.000000000e+00;
	v46 =	vmul.f32 v22, v21;
	v22 =	vcvt.s32.f32 v36;
	v44 =	vld [tilespmem:s11+$0x4A10];
	[tilespmem:s7+$0xCA00] =	vst v27  }
0x545: {  	v27 =	vmax.f32 v43, $-8.000000000e+00;
	v43 =	vadd.f32 $8.000000000e+00, v40;
	(erf) = vpow2.f32 v24;
	[tilespmem:s7+$0xCA70] =	vst v41;
	v24 =	vpop (erf)  }
0x546: {  	v29 =	vadd.f32 v25, v29;
	v32 =	vmax.f32 v32, $-8.000000000e+00;
	v39 =	vmax.f32 v39, $-8.000000000e+00;
	[tilespmem:s7+$0xCA40] =	vst v24  }
0x547: {  	v26 =	vadd.f32 v37, v26;
	v43 =	vmul.f32 $6.243750000e+01, v43;
	v24 =	vmin.f32 v39, $8.000000000e+00;
	v41 =	vld [tilespmem:s11+$0x4A30];
	v25 =	vpop (erf)  }
0x548: {  	v31 =	vsub.f32 v31, v22;
	v33 =	vmax.f32 v33, $-8.000000000e+00;
	v39 =	vmin.f32 v32, $8.000000000e+00;
	v32 =	vld.idx.msk [tilespmem:v36+s0+$0x0], $0xffff;
	[tilespmem:s7+$0xCA60] =	vst v25  }
0x549: {  	v42 =	vmul.f32 v28, v42;
	v37 =	vtrunc.f32 v43;
	v22 =	vmax.f32 v44, $-8.000000000e+00;
	v36 =	vld.idx.msk [tilespmem:v36+s29+$0x0], $0xffff;
	v28 =	vpop (erf)  }
0x54a: {  	v25 =	vmin.f32 v27, $8.000000000e+00;
	v44 =	vmin.f32 v22, $8.000000000e+00;
	v22 =	vmin.f32 v33, $8.000000000e+00;
	v27 =	vld.idx.msk [tilespmem:v30+s0+$0x0], $0xffff;
	[tilespmem:s7+$0xCA20] =	vst v28;
	s7 =	smov.u32 s8;
	s8 =	smov.u32 s11  }
0x54b: {  	v26 =	vmul.f32 $1.442695020e+00, v26;
	v30 =	vadd.f32 $8.000000000e+00, v44;
	v28 =	vadd.f32 $8.000000000e+00, v22;
	v33 =	vld [tilespmem:s8+$0x4A50];
	v47 =	vpop (erf)  }
0x54c: {  	v50 =	vmul.f32 $1.442695020e+00, v29;
	v48 =	vadd.f32 $8.000000000e+00, v24;
	v47 =	vadd.f32 $1.000000000e+00, v47  }
0x54d: {  	v41 =	vmax.f32 v41, $-8.000000000e+00;
	v28 =	vmul.f32 $6.243750000e+01, v28;
	(erf) = vpow2.f32 v26  }
0x54e: {  	v37 =	vcvt.f32.s32 v37;
	v26 =	vmin.f32 v41, $8.000000000e+00;
	v29 =	vpop (erf);
	(erf) = vrcp.f32 v47  }
0x54f: {  	v30 =	vmul.f32 $6.243750000e+01, v30;
	v41 =	vadd.f32 $8.000000000e+00, v25;
	v47 =	vsub.f32 v32, v36  }
0x550: {  	v51 =	vadd.f32 $8.000000000e+00, v26;
	v52 =	vsub.f32 v27, v38;
	v33 =	vmax.f32 v33, $-8.000000000e+00  }
0x551: {  	v53 =	vtrunc.f32 v30;
	v27 =	vmul.f32 $6.243750000e+01, v41;
	v32 =	vadd.f32 $1.000000000e+00, v29  }
0x552: {  	v41 =	vcvt.f32.s32 v53;
	v53 =	vcvt.s32.f32 v37;
	v29 =	vmin.f32 v33, $8.000000000e+00  }
0x553: {  	v48 =	vmul.f32 $6.243750000e+01, v48;
	v45 =	vmul.f32 v45, v52;
	v33 =	vadd.f32 $8.000000000e+00, v29  }
0x554: {  	v42 =	vadd.f32 v42, v35;
	v54 =	vtrunc.f32 v28;
	v52 =	vcvt.s32.f32 v41;
	v55 =	vld.idx.msk [tilespmem:v37+s29+$0x0], $0xffff  }
0x555: {  	v56 =	vadd.f32 $8.000000000e+00, v39;
	v35 =	vtrunc.f32 v48;
	v31 =	vmul.f32 v31, v47  }
0x556: {  	v47 =	vcvt.f32.s32 v35;
	v52 =	vsub.f32 v30, v52;
	v37 =	vld.idx.msk [tilespmem:v37+s0+$0x0], $0xffff;
	v57 =	vpop (erf);
	(erf) = vpow2.f32 v49  }
0x557: {  	v42 =	vadd.f32 v42, v46;
	v35 =	vmul.f32 v44, v21;
	v30 =	vtrunc.f32 v27;
	v44 =	vpop (erf)  }
0x558: {  	v46 =	vcvt.s32.f32 v47;
	v31 =	vadd.f32 v31, v36;
	v33 =	vmul.f32 $6.243750000e+01, v33;
	[tilespmem:s7+$0xCA10] =	vst v44  }
0x559: {  	v42 =	vmul.f32 $1.442695020e+00, v42;
	v45 =	vadd.f32 v45, v38;
	v44 =	vmul.f32 $6.243750000e+01, v51;
	v36 =	vld.idx.msk [tilespmem:v41+s0+$0x0], $0xffff  }
0x55a: {  	v38 =	vsub.f32 v48, v46;
	v46 =	vtrunc.f32 v33;
	v41 =	vld.idx.msk [tilespmem:v41+s29+$0x0], $0xffff;
	(erf) = vpow2.f32 v50  }
0x55b: {  	v45 =	vadd.f32 v45, v34;
	v48 =	vtrunc.f32 v44;
	(erf) = vpow2.f32 v42  }
0x55c: {  	v23 =	vadd.f32 v31, v23;
	v49 =	vmul.f32 v40, v21;
	v42 =	vsub.f32 v43, v53;
	v34 =	vld.idx.msk [tilespmem:v47+s29+$0x0], $0xffff  }
0x55d: {  	v30 =	vcvt.f32.s32 v30;
	v50 =	vcvt.f32.s32 v46;
	v31 =	vsub.f32 v37, v55  }
0x55e: {  	v23 =	vmul.f32 $1.442695020e+00, v23;
	v43 =	vcvt.f32.s32 v48;
	v51 =	vld.idx.msk [tilespmem:v47+s0+$0x0], $0xffff  }
0x55f: {  	v53 =	vadd.f32 $1.000000000e+00, v57;
	v37 =	vmul.f32 v42, v31;
	v42 =	vmul.f32 $1.442695020e+00, v45;
	v46 =	vpop (erf)  }
.Ltmp8:
0x560: {  	v45 =	vcvt.s32.f32 v43;
	v36 =	vsub.f32 v36, v41;
	(erf) = vpow2.f32 v23;
	(pc) =	sbr.rel @p0 .LBB2_18-.Ltmp8, $4  }
0x561: {  	v40 =	vcvt.f32.s32 v54;
	v31 =	vmul.f32 $6.243750000e+01, v56;
	v48 =	vadd.f32 v37, v55  }
0x562: {  	v37 =	vsub.f32 v44, v45;
	v47 =	vmul.f32 v52, v36;
	(erf) = vpow2.f32 v42  }
0x563: {  	v45 =	vcvt.s32.f32 v50;
	v23 =	vmul.f32 v39, v21;
	v39 =	vadd.f32 v48, v49;
	v36 =	vld.idx.msk [tilespmem:v50+s29+$0x0], $0xffff;
	v49 =	vpop (erf)  }
0x564: {  	v42 =	vtrunc.f32 v31;
	v48 =	vsub.f32 v51, v34;
	v44 =	vld.idx.msk [tilespmem:v50+s0+$0x0], $0xffff;
	(erf) = vrcp.f32 v53;
	v50 =	vpop (erf)  }
0x565: {  	_ =	sdelay $0x3  }
0x566: {  	v57 =	vadd.f32 $1.000000000e+00, v49;
	v58 =	vadd.f32 $1.000000000e+00, v46;
	v46 =	vld.idx.msk [tilespmem:v43+s29+$0x0], $0xffff  }
0x567: {  	v41 =	vadd.f32 v47, v41;
	(erf) = vrcp.f32 v32;
	v61 =	vld.idx.msk [tilespmem:v43+s0+$0x0], $0xffff;
	v42 =	vcvt.f32.s32 v42  }
0x568: {  	v59 =	vadd.f32 $1.000000000e+00, v50;
	v24 =	vmul.f32 v24, v21;
	(erf) = vrcp.f32 v57;
	v60 =	vpop (erf)  }
0x569: {  	v35 =	vadd.f32 v41, v35;
	(erf) = vrcp.f32 v58;
	v62 =	vadd.f32 $1.000000000e+00, v60;
	v63 =	vpop (erf)  }
0x56a: {  	v49 =	vld.idx.msk [tilespmem:v40+s29+$0x0], $0xffff;
	v38 =	vmul.f32 v38, v48;
	(erf) = vrcp.f32 v59;
	v41 =	vadd.f32 $1.000000000e+00, v63  }
0x56b: {  	v52 =	vld.idx.msk [tilespmem:v30+s29+$0x0], $0xffff;
	v35 =	vmul.f32 $1.442695020e+00, v35;
	(erf) = vrcp.f32 v62  }
0x56c: {  	v33 =	vsub.f32 v33, v45;
	v48 =	vld.idx.msk [tilespmem:v40+s0+$0x0], $0xffff;
	v51 =	vsub.f32 v61, v46;
	(erf) = vrcp.f32 v41  }
0x56d: {  	v50 =	vcvt.s32.f32 v40;
	v47 =	vadd.f32 v38, v34;
	v55 =	vld.idx.msk [tilespmem:v42+s0+$0x0], $0xffff;
	(erf) = vpow2.f32 v35  }
0x56e: {  	v54 =	vcvt.s32.f32 v30;
	v44 =	vsub.f32 v44, v36;
	v57 =	vld.idx.msk [tilespmem:v42+s29+$0x0], $0xffff;
	v32 =	vmul.f32 v37, v51  }
0x56f: {  	v30 =	vld.idx.msk [tilespmem:v30+s0+$0x0], $0xffff;
	v26 =	vmul.f32 v26, v21;
	v28 =	vsub.f32 v28, v50;
	v24 =	vadd.f32 v47, v24;
	v53 =	vpop (erf)  }
0x570: {  	v27 =	vsub.f32 v27, v54;
	v33 =	vmul.f32 v33, v44;
	v56 =	vpop (erf);
	v32 =	vadd.f32 v32, v46  }
0x571: {  	v60 =	vcvt.s32.f32 v42;
	v34 =	vsub.f32 v48, v49;
	v24 =	vmul.f32 $1.442695020e+00, v24;
	v58 =	vpop (erf)  }
0x572: {  	v29 =	vmul.f32 v29, v21;
	v33 =	vadd.f32 v33, v36;
	v26 =	vadd.f32 v32, v26;
	v59 =	vpop (erf)  }
0x573: {  	(erf) = vpow2.f32 v24;
	v24 =	vsub.f32 v31, v60;
	v63 =	vsub.f32 v55, v57;
	v61 =	vpop (erf)  }
0x574: {  	v30 =	vsub.f32 v30, v52;
	v28 =	vmul.f32 v28, v34;
	v26 =	vmul.f32 $1.442695020e+00, v26;
	v62 =	vpop (erf)  }
0x575: {  	v22 =	vmul.f32 v22, v21;
	v29 =	vadd.f32 v33, v29;
	v24 =	vmul.f32 v24, v63;
	v31 =	vpop (erf)  }
0x576: {  	(erf) = vpow2.f32 v26;
	v26 =	vmul.f32 v27, v30;
	v27 =	vadd.f32 v28, v49;
	v44 =	vpop (erf)  }
0x577: {  	v25 =	vmul.f32 v25, v21;
	v24 =	vadd.f32 v24, v57;
	v45 =	vadd.f32 $1.000000000e+00, v44  }
0x578: {  	v39 =	vmul.f32 $1.442695020e+00, v39;
	v28 =	vmul.f32 $1.442695020e+00, v29;
	v22 =	vadd.f32 v27, v22  }
0x579: {  	v26 =	vadd.f32 v26, v52;
	v23 =	vadd.f32 v24, v23;
	(erf) = vrcp.f32 v45  }
0x57a: {  	v22 =	vmul.f32 $1.442695020e+00, v22;
	(erf) = vpow2.f32 v39  }
0x57b: {  	v24 =	vadd.f32 v26, v25;
	v23 =	vmul.f32 $1.442695020e+00, v23;
	(erf) = vpow2.f32 v28;
	_ =	sdelay $0x1  }
0x57c: {  	(erf) = vpow2.f32 v22;
	v22 =	vmul.f32 $1.442695020e+00, v24  }
0x57d: {  	(erf) = vpow2.f32 v23  }
0x57e: {  	v23 =	vpop (erf);
	(erf) = vpow2.f32 v22;
	_ =	sdelay $0x1  }
0x57f: {  	v22 =	vpop (erf)  }
0x580: {  	v23 =	vadd.f32 $1.000000000e+00, v23;
	v24 =	vpop (erf)  }
0x581: {  	v22 =	vadd.f32 $1.000000000e+00, v22;
	v25 =	vpop (erf)  }
0x582: {  	v26 =	vpop (erf);
	v25 =	vadd.f32 $1.000000000e+00, v25  }
0x583: {  	(erf) = vrcp.f32 v22;
	v22 =	vadd.f32 $1.000000000e+00, v26  }
0x584: {  	(erf) = vrcp.f32 v23;
	v23 =	vpop (erf)  }
0x585: {  	[tilespmem:s7+$0xCA30] =	vst v53;
	(erf) = vrcp.f32 v22;
	v22 =	vadd.f32 $1.000000000e+00, v23;
	v23 =	vpop (erf)  }
0x586: {  	[tilespmem:s7+$0xCA00] =	vst v56;
	(erf) = vrcp.f32 v25;
	v23 =	vadd.f32 $1.000000000e+00, v23;
	v25 =	vpop (erf)  }
0x587: {  	[tilespmem:s7+$0xCA50] =	vst v58;
	(erf) = vrcp.f32 v22;
	v22 =	vadd.f32 $1.000000000e+00, v25  }
0x588: {  	[tilespmem:s7+$0xCA70] =	vst v59;
	(erf) = vrcp.f32 v23  }
0x589: {  	[tilespmem:s7+$0xCA40] =	vst v61;
	(erf) = vrcp.f32 v22  }
0x58a: {  	[tilespmem:s7+$0xCA60] =	vst v62  }
0x58b: {  	[tilespmem:s7+$0xCA20] =	vst v31  }
0x58c: {  	[tilespmem:s8+$0xCA10] =	vst v24;
	v22 =	vpop (erf)  }
0x58d: {  	v23 =	vpop (erf);
	[tilespmem:s8+$0xCA30] =	vst v22  }
0x58e: {  	[tilespmem:s8+$0xCA00] =	vst v23;
	v22 =	vpop (erf)  }
0x58f: {  	[tilespmem:s8+$0xCA50] =	vst v22;
	v22 =	vpop (erf)  }
0x590: {  	[tilespmem:s8+$0xCA70] =	vst v22;
	v22 =	vpop (erf)  }
0x591: {  	[tilespmem:s8+$0xCA40] =	vst v22;
	v22 =	vpop (erf)  }
0x592: {  	[tilespmem:s8+$0xCA60] =	vst v22;
	v22 =	vpop (erf)  }
0x593: {  	s10 =	simm.s32 $0x0;
	[tilespmem:s8+$0xCA20] =	vst v22  }
0x594: {  	[hbm4b:s20+s10] =	stream.linear.scatter [tilespmem:s2], [sflag:$0x3], $0x4000, $0x38;
	[tilespmem:$0x14A00] =	vst v63  }
0x595: {  	_ =	swait.ge [sflag:s1], $0x4000  }
0x596: {  	[sflag:s1] =	ssyncset.done $0x0  }
0x597: {  	s11 =	simm.s32 $0x0;
	s9 =	simm.s32 $0x0;
	[sflag:s1] =	ssyncadd.s32 $0xFFFFC000  }
0x598: {  	s7 =	sand.u32 $0x1C00, s10;
	s8 =	sand.u32 $0x2000, s11;
	_ =	swait.ge [sflag:s5], $0x4000  }
0x599: {  	s12 =	sand.u32 $0x380, s9;
	s7 =	sor.u32 s7, s8;
	[sflag:s5] =	ssyncset.done $0x0  }
0x59a: {  	s7 =	sor.u32 s12, s7;
	[sflag:s5] =	ssyncadd.s32 $0xFFFFC000  }
0x59b: {  	v22 =	vld [tilespmem:s7+$0x8A70];
	_ =	sdelay $0x1  }
0x59c: {  	v23 =	vld [tilespmem:s7+$0x8A10];
	_ =	sdelay $0x1  }
0x59d: {  	v24 =	vld [tilespmem:s7+$0x8A00]  }
0x59e: {  	v27 =	vld [tilespmem:s7+$0x8A40];
	v22 =	vmax.f32 v22, $-8.000000000e+00  }
0x59f: {  	v22 =	vmin.f32 v22, $8.000000000e+00  }
0x5a0: {  	v23 =	vmax.f32 v23, $-8.000000000e+00;
	v25 =	vadd.f32 $8.000000000e+00, v22  }
0x5a1: {  	v23 =	vmin.f32 v23, $8.000000000e+00  }
0x5a2: {  	v46 =	vld [tilespmem:s7+$0x8A30];
	v24 =	vmax.f32 v24, $-8.000000000e+00;
	v28 =	vadd.f32 $8.000000000e+00, v23;
	v25 =	vmul.f32 $6.243750000e+01, v25  }
0x5a3: {  	v27 =	vmax.f32 v27, $-8.000000000e+00;
	v24 =	vmin.f32 v24, $8.000000000e+00  }
0x5a4: {  	v26 =	vld [tilespmem:s7+$0x8A20];
	v31 =	vadd.f32 $8.000000000e+00, v24;
	v28 =	vmul.f32 $6.243750000e+01, v28;
	v30 =	vtrunc.f32 v25  }
0x5a5: {  	v29 =	vld [tilespmem:s7+$0x8A50];
	v27 =	vmin.f32 v27, $8.000000000e+00;
	v30 =	vcvt.f32.s32 v30  }
0x5a6: {  	v50 =	vadd.f32 $8.000000000e+00, v27;
	v31 =	vmul.f32 $6.243750000e+01, v31;
	v47 =	vtrunc.f32 v28  }
0x5a7: {  	v32 =	vmax.f32 v46, $-8.000000000e+00;
	v33 =	vcvt.f32.s32 v47  }
0x5a8: {  	v32 =	vmin.f32 v32, $8.000000000e+00;
	v36 =	vmul.f32 $6.243750000e+01, v50;
	v48 =	vtrunc.f32 v31  }
0x5a9: {  	v49 =	vld [tilespmem:s7+$0x8A60];
	v53 =	vadd.f32 $8.000000000e+00, v32;
	v34 =	vcvt.f32.s32 v48  }
0x5aa: {  	v26 =	vmax.f32 v26, $-8.000000000e+00;
	v29 =	vmax.f32 v29, $-8.000000000e+00;
	v60 =	vtrunc.f32 v36  }
0x5ab: {  	v26 =	vmin.f32 v26, $8.000000000e+00;
	v40 =	vmul.f32 $6.243750000e+01, v53;
	v63 =	vcvt.f32.s32 v60;
	v39 =	vld.idx.msk [tilespmem:v30+s29+$0x0], $0xffff  }
0x5ac: {  	v29 =	vmin.f32 v29, $8.000000000e+00;
	v23 =	vmul.f32 v23, v21;
	v22 =	vmul.f32 v22, v21;
	v54 =	vld.idx.msk [tilespmem:v30+s0+$0x0], $0xffff  }
0x5ad: {  	v51 =	vadd.f32 $8.000000000e+00, v29;
	v24 =	vmul.f32 v24, v21;
	v59 =	vtrunc.f32 v40;
	v55 =	vld.idx.msk [tilespmem:v33+s0+$0x0], $0xffff  }
0x5ae: {  	v35 =	vmax.f32 v49, $-8.000000000e+00;
	v46 =	vmul.f32 v26, v21;
	v47 =	vcvt.f32.s32 v59;
	v56 =	vld.idx.msk [tilespmem:v33+s29+$0x0], $0xffff  }
0x5af: {  	s13 =	simm.s32 $0x80;
	s9 =	simm.s32 $0x400;
	v52 =	vadd.f32 $8.000000000e+00, v26;
	v37 =	vmul.f32 $6.243750000e+01, v51;
	v58 =	vcvt.s32.f32 v34;
	v45 =	vld.idx.msk [tilespmem:v34+s29+$0x0], $0xffff  }
0x5b0: {  	s11 =	sand.u32 $0x1C00, s9;
	s10 =	simm.s32 $0x10;
	s8 =	sand.u32 $0x2000, s13;
	v35 =	vmin.f32 v35, $8.000000000e+00;
	v29 =	vmul.f32 v29, v21;
	v32 =	vmul.f32 v32, v21;
	v34 =	vld.idx.msk [tilespmem:v34+s0+$0x0], $0xffff  }
0x5b1: {  	s8 =	sor.u32 s11, s8;
	s10 =	sand.u32 $0x380, s10;
	v38 =	vmul.f32 $6.243750000e+01, v52;
	v57 =	vtrunc.f32 v37;
	v31 =	vsub.f32 v31, v58;
	v58 =	vld.idx.msk [tilespmem:v63+s0+$0x0], $0xffff  }
0x5b2: {  	s8 =	sor.u32 s10, s8;
	v61 =	vadd.f32 $8.000000000e+00, v35;
	v44 =	vcvt.f32.s32 v57;
	v59 =	vcvt.s32.f32 v63;
	v42 =	vld.idx.msk [tilespmem:v63+s29+$0x0], $0xffff  }
0x5b3: {  	v49 =	vld [tilespmem:s8+$0x8A60];
	v30 =	vcvt.s32.f32 v30;
	v33 =	vcvt.s32.f32 v33  }
0x5b4: {  	v62 =	vtrunc.f32 v38;
	v48 =	vmul.f32 $6.243750000e+01, v61;
	v36 =	vsub.f32 v36, v59;
	v57 =	vld.idx.msk [tilespmem:v47+s0+$0x0], $0xffff  }
0x5b5: {  	v63 =	vld [tilespmem:s8+$0x8A20];
	v28 =	vsub.f32 v28, v33;
	v25 =	vsub.f32 v25, v30;
	v33 =	vcvt.f32.s32 v62  }
0x5b6: {  	v52 =	vcvt.s32.f32 v47;
	v30 =	vsub.f32 v55, v56;
	v41 =	vsub.f32 v54, v39;
	v54 =	vld.idx.msk [tilespmem:v47+s29+$0x0], $0xffff  }
0x5b7: {  	v61 =	vcvt.s32.f32 v33;
	v34 =	vsub.f32 v34, v45;
	v50 =	vsub.f32 v58, v42  }
0x5b8: {  	v53 =	vld.idx.msk [tilespmem:v44+s0+$0x0], $0xffff;
	v55 =	vsub.f32 v40, v52;
	v28 =	vmul.f32 v28, v30;
	v25 =	vmul.f32 v25, v41  }
0x5b9: {  	v38 =	vsub.f32 v38, v61;
	v30 =	vld.idx.msk [tilespmem:v44+s29+$0x0], $0xffff;
	v31 =	vmul.f32 v31, v34;
	v34 =	vmul.f32 v36, v50  }
0x5ba: {  	v52 =	vmax.f32 v63, $-8.000000000e+00;
	v28 =	vadd.f32 v28, v56;
	v25 =	vadd.f32 v25, v39  }
0x5bb: {  	v51 =	vld [tilespmem:s8+$0x8A10];
	v41 =	vmax.f32 v49, $-8.000000000e+00;
	v34 =	vadd.f32 v34, v42;
	v26 =	vsub.f32 v57, v54  }
0x5bc: {  	v56 =	vcvt.s32.f32 v44;
	v44 =	vld.idx.msk [tilespmem:v33+s29+$0x0], $0xffff;
	v23 =	vadd.f32 v28, v23;
	v28 =	vadd.f32 v31, v45  }
0x5bd: {  	v33 =	vld.idx.msk [tilespmem:v33+s0+$0x0], $0xffff;
	v31 =	vmul.f32 v35, v21;
	v22 =	vadd.f32 v25, v22;
	v25 =	vtrunc.f32 v48  }
0x5be: {  	v57 =	vld [tilespmem:s8+$0x8A50];
	v62 =	vsub.f32 v53, v30;
	v26 =	vmul.f32 v55, v26;
	v25 =	vcvt.f32.s32 v25  }
0x5bf: {  	v23 =	vmul.f32 $1.442695020e+00, v23;
	v24 =	vadd.f32 v28, v24;
	v28 =	vsub.f32 v37, v56  }
0x5c0: {  	v60 =	vld [tilespmem:s8+$0x8A70];
	v40 =	vmul.f32 $1.442695020e+00, v22;
	v37 =	vmul.f32 v27, v21;
	v26 =	vadd.f32 v26, v54  }
0x5c1: {  	v27 =	vcvt.s32.f32 v25;
	v54 =	vmax.f32 v51, $-8.000000000e+00;
	v24 =	vmul.f32 $1.442695020e+00, v24  }
0x5c2: {  	v22 =	vld [tilespmem:s8+$0x8A00];
	v33 =	vsub.f32 v33, v44;
	v28 =	vmul.f32 v28, v62;
	(erf) = vpow2.f32 v23  }
0x5c3: {  	v23 =	vld [tilespmem:s8+$0x8A40];
	v45 =	vmin.f32 v54, $8.000000000e+00;
	v47 =	vmax.f32 v57, $-8.000000000e+00;
	v34 =	vadd.f32 v34, v37  }
0x5c4: {  	v26 =	vadd.f32 v26, v32;
	v32 =	vadd.f32 $8.000000000e+00, v45;
	v38 =	vmul.f32 v38, v33  }
0x5c5: {  	v35 =	vmul.f32 v45, v21;
	v28 =	vadd.f32 v28, v30;
	v30 =	vmax.f32 v60, $-8.000000000e+00  }
0x5c6: {  	(erf) = vpow2.f32 v24;
	v34 =	vmul.f32 $1.442695020e+00, v34;
	v30 =	vmin.f32 v30, $8.000000000e+00  }
0x5c7: {  	v22 =	vmax.f32 v22, $-8.000000000e+00;
	v53 =	vadd.f32 $8.000000000e+00, v30;
	v28 =	vadd.f32 v28, v29;
	v29 =	vld [tilespmem:s8+$0x8A30]  }
0x5c8: {  	v26 =	vmul.f32 $1.442695020e+00, v26;
	v24 =	vmin.f32 v22, $8.000000000e+00;
	v22 =	vmax.f32 v23, $-8.000000000e+00  }
0x5c9: {  	v23 =	vmin.f32 v41, $8.000000000e+00;
	v43 =	vmul.f32 $6.243750000e+01, v53;
	v22 =	vmin.f32 v22, $8.000000000e+00  }
0x5ca: {  	v36 =	vld.idx.msk [tilespmem:v25+s29+$0x0], $0xffff;
	v41 =	vsub.f32 v48, v27;
	(erf) = vpow2.f32 v26;
	v56 =	vadd.f32 $8.000000000e+00, v22  }
0x5cb: {  	v27 =	vld.idx.msk [tilespmem:v25+s0+$0x0], $0xffff;
	v25 =	vmin.f32 v52, $8.000000000e+00;
	v50 =	vmul.f32 $1.442695020e+00, v28;
	v55 =	vtrunc.f32 v43  }
0x5cc: {  	v58 =	vpop (erf);
	v29 =	vmax.f32 v29, $-8.000000000e+00;
	v28 =	vmul.f32 $6.243750000e+01, v56;
	v39 =	vcvt.f32.s32 v55  }
0x5cd: {  	v55 =	vadd.f32 $8.000000000e+00, v23;
	v23 =	vmul.f32 v23, v21;
	v48 =	vadd.f32 $1.000000000e+00, v58  }
0x5ce: {  	v26 =	vmin.f32 v29, $8.000000000e+00;
	v29 =	vadd.f32 $8.000000000e+00, v25;
	v53 =	vcvt.s32.f32 v39  }
0x5cf: {  	v59 =	vadd.f32 $8.000000000e+00, v24;
	(erf) = vrcp.f32 v48;
	v48 =	vmul.f32 $6.243750000e+01, v32  }
0x5d0: {  	v60 =	vsub.f32 v27, v36;
	v54 =	vtrunc.f32 v28;
	v27 =	vmul.f32 $6.243750000e+01, v29  }
0x5d1: {  	v29 =	vmin.f32 v47, $8.000000000e+00;
	v47 =	vmul.f32 $6.243750000e+01, v59;
	v52 =	vtrunc.f32 v48  }
0x5d2: {  	v38 =	vadd.f32 v38, v44;
	v41 =	vmul.f32 v41, v60;
	v52 =	vcvt.f32.s32 v52  }
0x5d3: {  	v62 =	vadd.f32 $8.000000000e+00, v29;
	(erf) = vpow2.f32 v40;
	v40 =	vcvt.f32.s32 v54  }
0x5d4: {  	v57 =	vtrunc.f32 v47;
	v58 =	vtrunc.f32 v27;
	v36 =	vadd.f32 v41, v36;
	v56 =	vld.idx.msk [tilespmem:v39+s29+$0x0], $0xffff  }
0x5d5: {  	v51 =	vadd.f32 $8.000000000e+00, v26;
	(erf) = vpow2.f32 v50;
	v42 =	vcvt.f32.s32 v57;
	v39 =	vld.idx.msk [tilespmem:v39+s0+$0x0], $0xffff  }
0x5d6: {  	v61 =	vpop (erf);
	v33 =	vmul.f32 $6.243750000e+01, v62;
	v31 =	vadd.f32 v36, v31;
	v63 =	vcvt.s32.f32 v52  }
0x5d7: {  	v32 =	vadd.f32 $1.000000000e+00, v61;
	(erf) = vpow2.f32 v34;
	v59 =	vcvt.s32.f32 v42  }
0x5d8: {  	v61 =	vtrunc.f32 v33;
	v31 =	vmul.f32 $1.442695020e+00, v31;
	v37 =	vsub.f32 v48, v63;
	v60 =	vld.idx.msk [tilespmem:v52+s0+$0x0], $0xffff  }
0x5d9: {  	v48 =	vmul.f32 $6.243750000e+01, v51;
	v63 =	vsub.f32 v43, v53;
	v53 =	vcvt.f32.s32 v61;
	v41 =	vld.idx.msk [tilespmem:v52+s29+$0x0], $0xffff  }
0x5da: {  	v57 =	vpop (erf);
	v49 =	vsub.f32 v39, v56;
	(erf) = vpow2.f32 v31;
	v31 =	vmul.f32 $6.243750000e+01, v55  }
0x5db: {  	v46 =	vadd.f32 v38, v46;
	v62 =	vtrunc.f32 v48;
	v52 =	vmul.f32 v30, v21;
	v34 =	vld.idx.msk [tilespmem:v42+s29+$0x0], $0xffff  }
0x5dc: {  	v38 =	vsub.f32 v47, v59;
	v30 =	vcvt.f32.s32 v58;
	v42 =	vld.idx.msk [tilespmem:v42+s0+$0x0], $0xffff;
	v36 =	vmul.f32 v63, v49  }
0x5dd: {  	v59 =	vadd.f32 $1.000000000e+00, v57;
	v58 =	vmul.f32 $1.442695020e+00, v46;
	v43 =	vcvt.f32.s32 v62  }
0x5de: {  	v45 =	vcvt.s32.f32 v53;
	v62 =	vpop (erf);
	v63 =	vadd.f32 v36, v56;
	v60 =	vsub.f32 v60, v41  }
0x5df: {  	v61 =	vcvt.s32.f32 v43;
	v46 =	vpop (erf);
	(erf) = vpow2.f32 v58  }
0x5e0: {  	v36 =	vld.idx.msk [tilespmem:v53+s29+$0x0], $0xffff;
	v39 =	vadd.f32 v63, v52;
	v49 =	vpop (erf);
	(erf) = vrcp.f32 v59;
	v47 =	vmul.f32 v37, v60  }
0x5e1: {  	s10 =	simm.s32 $0x8;
	[tilespmem:s7+$0x10A10] =	vst v62;
	v44 =	vld.idx.msk [tilespmem:v53+s0+$0x0], $0xffff;
	v50 =	vpop (erf);
	v37 =	vsub.f32 v48, v61;
	v48 =	vsub.f32 v42, v34;
	v42 =	vtrunc.f32 v31  }
.LBB2_20:
0x5e2: {  	s10 =	sadd.s32 $0x8, s10;
	v41 =	vadd.f32 v47, v41;
	v47 =	vadd.f32 $1.000000000e+00, v49;
	(erf) = vrcp.f32 v32  }
0x5e3: {  	s9 =	sadd.s32 $0x400, s9;
	v46 =	vadd.f32 $1.000000000e+00, v46;
	s11 =	sshll.u32 s10, $0x4;
	s12 =	sshll.u32 s10, $0x1;
	v32 =	vmul.f32 v38, v48;
	v48 =	vld.idx.msk [tilespmem:v43+s29+$0x0], $0xffff;
	v38 =	vadd.f32 $1.000000000e+00, v50  }
0x5e4: {  	s13 =	sand.u32 $0x1C00, s9;
	p0 =	slt.u32 s10, $0x3F8;
	s11 =	sand.u32 $0x2000, s11;
	v35 =	vadd.f32 v41, v35;
	v41 =	vld.idx.msk [tilespmem:v43+s0+$0x0], $0xffff;
	v43 =	vcvt.s32.f32 v40;
	(erf) = vrcp.f32 v47  }
0x5e5: {  	v24 =	vmul.f32 v24, v21;
	s12 =	sand.u32 $0x380, s12;
	s11 =	sor.u32 s13, s11;
	v32 =	vadd.f32 v32, v34;
	v47 =	vld.idx.msk [tilespmem:v40+s0+$0x0], $0xffff;
	(erf) = vrcp.f32 v46  }
0x5e6: {  	v33 =	vsub.f32 v33, v45;
	s11 =	sor.u32 s12, s11;
	v46 =	vmul.f32 $1.442695020e+00, v35;
	v28 =	vsub.f32 v28, v43;
	v35 =	vld.idx.msk [tilespmem:v40+s29+$0x0], $0xffff;
	v34 =	vpop (erf)  }
0x5e7: {  	v40 =	vld [tilespmem:s11+$0x8A70];
	v24 =	vadd.f32 v32, v24;
	v32 =	vadd.f32 $1.000000000e+00, v34;
	(erf) = vrcp.f32 v38  }
0x5e8: {  	v38 =	vcvt.s32.f32 v30;
	v34 =	vmul.f32 v25, v21;
	v25 =	vsub.f32 v44, v36;
	v43 =	vld [tilespmem:s11+$0x8A20];
	v44 =	vpop (erf)  }
0x5e9: {  	v24 =	vmul.f32 $1.442695020e+00, v24;
	v44 =	vadd.f32 $1.000000000e+00, v44;
	(erf) = vrcp.f32 v32  }
0x5ea: {  	v29 =	vmul.f32 v29, v21;
	v50 =	vsub.f32 v41, v48;
	v25 =	vmul.f32 v33, v25;
	v32 =	vld [tilespmem:s11+$0x8A60];
	v33 =	vpop (erf)  }
0x5eb: {  	v49 =	vmul.f32 $1.442695020e+00, v39;
	v45 =	vsub.f32 v27, v38;
	v38 =	vld.idx.msk [tilespmem:v30+s29+$0x0], $0xffff;
	v27 =	vpop (erf);
	(erf) = vrcp.f32 v44  }
0x5ec: {  	v26 =	vmul.f32 v26, v21;
	v37 =	vmul.f32 v37, v50;
	v25 =	vadd.f32 v25, v36;
	v39 =	vld [tilespmem:s11+$0x8A00];
	[tilespmem:s7+$0x10A30] =	vst v33  }
0x5ed: {  	v36 =	vcvt.f32.s32 v42;
	v33 =	vld [tilespmem:s11+$0x8A40];
	(erf) = vpow2.f32 v46;
	v41 =	vpop (erf)  }
0x5ee: {  	v42 =	vsub.f32 v47, v35;
	v40 =	vmax.f32 v40, $-8.000000000e+00;
	v37 =	vadd.f32 v37, v48;
	[tilespmem:s7+$0x10A50] =	vst v41;
	v41 =	vpop (erf)  }
0x5ef: {  	v40 =	vmin.f32 v40, $8.000000000e+00;
	v46 =	vmul.f32 v22, v21;
	v22 =	vcvt.s32.f32 v36;
	v44 =	vld [tilespmem:s11+$0x8A10];
	[tilespmem:s7+$0x10A00] =	vst v27  }
0x5f0: {  	v27 =	vmax.f32 v43, $-8.000000000e+00;
	v43 =	vadd.f32 $8.000000000e+00, v40;
	(erf) = vpow2.f32 v24;
	[tilespmem:s7+$0x10A70] =	vst v41;
	v24 =	vpop (erf)  }
0x5f1: {  	v29 =	vadd.f32 v25, v29;
	v32 =	vmax.f32 v32, $-8.000000000e+00;
	v39 =	vmax.f32 v39, $-8.000000000e+00;
	[tilespmem:s7+$0x10A40] =	vst v24  }
0x5f2: {  	v26 =	vadd.f32 v37, v26;
	v43 =	vmul.f32 $6.243750000e+01, v43;
	v24 =	vmin.f32 v39, $8.000000000e+00;
	v41 =	vld [tilespmem:s11+$0x8A30];
	v25 =	vpop (erf)  }
0x5f3: {  	v31 =	vsub.f32 v31, v22;
	v33 =	vmax.f32 v33, $-8.000000000e+00;
	v39 =	vmin.f32 v32, $8.000000000e+00;
	v32 =	vld.idx.msk [tilespmem:v36+s0+$0x0], $0xffff;
	[tilespmem:s7+$0x10A60] =	vst v25  }
0x5f4: {  	v42 =	vmul.f32 v28, v42;
	v37 =	vtrunc.f32 v43;
	v22 =	vmax.f32 v44, $-8.000000000e+00;
	v36 =	vld.idx.msk [tilespmem:v36+s29+$0x0], $0xffff;
	v28 =	vpop (erf)  }
0x5f5: {  	v25 =	vmin.f32 v27, $8.000000000e+00;
	v44 =	vmin.f32 v22, $8.000000000e+00;
	v22 =	vmin.f32 v33, $8.000000000e+00;
	v27 =	vld.idx.msk [tilespmem:v30+s0+$0x0], $0xffff;
	[tilespmem:s7+$0x10A20] =	vst v28;
	s7 =	smov.u32 s8;
	s8 =	smov.u32 s11  }
0x5f6: {  	v26 =	vmul.f32 $1.442695020e+00, v26;
	v30 =	vadd.f32 $8.000000000e+00, v44;
	v28 =	vadd.f32 $8.000000000e+00, v22;
	v33 =	vld [tilespmem:s8+$0x8A50];
	v47 =	vpop (erf)  }
0x5f7: {  	v50 =	vmul.f32 $1.442695020e+00, v29;
	v48 =	vadd.f32 $8.000000000e+00, v24;
	v47 =	vadd.f32 $1.000000000e+00, v47  }
0x5f8: {  	v41 =	vmax.f32 v41, $-8.000000000e+00;
	v28 =	vmul.f32 $6.243750000e+01, v28;
	(erf) = vpow2.f32 v26  }
0x5f9: {  	v37 =	vcvt.f32.s32 v37;
	v26 =	vmin.f32 v41, $8.000000000e+00;
	v29 =	vpop (erf);
	(erf) = vrcp.f32 v47  }
0x5fa: {  	v30 =	vmul.f32 $6.243750000e+01, v30;
	v41 =	vadd.f32 $8.000000000e+00, v25;
	v47 =	vsub.f32 v32, v36  }
0x5fb: {  	v51 =	vadd.f32 $8.000000000e+00, v26;
	v52 =	vsub.f32 v27, v38;
	v33 =	vmax.f32 v33, $-8.000000000e+00  }
0x5fc: {  	v53 =	vtrunc.f32 v30;
	v27 =	vmul.f32 $6.243750000e+01, v41;
	v32 =	vadd.f32 $1.000000000e+00, v29  }
0x5fd: {  	v41 =	vcvt.f32.s32 v53;
	v53 =	vcvt.s32.f32 v37;
	v29 =	vmin.f32 v33, $8.000000000e+00  }
0x5fe: {  	v48 =	vmul.f32 $6.243750000e+01, v48;
	v45 =	vmul.f32 v45, v52;
	v33 =	vadd.f32 $8.000000000e+00, v29  }
0x5ff: {  	v42 =	vadd.f32 v42, v35;
	v54 =	vtrunc.f32 v28;
	v52 =	vcvt.s32.f32 v41;
	v55 =	vld.idx.msk [tilespmem:v37+s29+$0x0], $0xffff  }
0x600: {  	v56 =	vadd.f32 $8.000000000e+00, v39;
	v35 =	vtrunc.f32 v48;
	v31 =	vmul.f32 v31, v47  }
0x601: {  	v47 =	vcvt.f32.s32 v35;
	v52 =	vsub.f32 v30, v52;
	v37 =	vld.idx.msk [tilespmem:v37+s0+$0x0], $0xffff;
	v57 =	vpop (erf);
	(erf) = vpow2.f32 v49  }
0x602: {  	v42 =	vadd.f32 v42, v46;
	v35 =	vmul.f32 v44, v21;
	v30 =	vtrunc.f32 v27;
	v44 =	vpop (erf)  }
0x603: {  	v46 =	vcvt.s32.f32 v47;
	v31 =	vadd.f32 v31, v36;
	v33 =	vmul.f32 $6.243750000e+01, v33;
	[tilespmem:s7+$0x10A10] =	vst v44  }
0x604: {  	v42 =	vmul.f32 $1.442695020e+00, v42;
	v45 =	vadd.f32 v45, v38;
	v44 =	vmul.f32 $6.243750000e+01, v51;
	v36 =	vld.idx.msk [tilespmem:v41+s0+$0x0], $0xffff  }
0x605: {  	v38 =	vsub.f32 v48, v46;
	v46 =	vtrunc.f32 v33;
	v41 =	vld.idx.msk [tilespmem:v41+s29+$0x0], $0xffff;
	(erf) = vpow2.f32 v50  }
0x606: {  	v45 =	vadd.f32 v45, v34;
	v48 =	vtrunc.f32 v44;
	(erf) = vpow2.f32 v42  }
0x607: {  	v23 =	vadd.f32 v31, v23;
	v49 =	vmul.f32 v40, v21;
	v42 =	vsub.f32 v43, v53;
	v34 =	vld.idx.msk [tilespmem:v47+s29+$0x0], $0xffff  }
0x608: {  	v30 =	vcvt.f32.s32 v30;
	v50 =	vcvt.f32.s32 v46;
	v31 =	vsub.f32 v37, v55  }
0x609: {  	v23 =	vmul.f32 $1.442695020e+00, v23;
	v43 =	vcvt.f32.s32 v48;
	v51 =	vld.idx.msk [tilespmem:v47+s0+$0x0], $0xffff  }
0x60a: {  	v53 =	vadd.f32 $1.000000000e+00, v57;
	v37 =	vmul.f32 v42, v31;
	v42 =	vmul.f32 $1.442695020e+00, v45;
	v46 =	vpop (erf)  }
.Ltmp9:
0x60b: {  	v45 =	vcvt.s32.f32 v43;
	v36 =	vsub.f32 v36, v41;
	(erf) = vpow2.f32 v23;
	(pc) =	sbr.rel @p0 .LBB2_20-.Ltmp9, $4  }
0x60c: {  	v40 =	vcvt.f32.s32 v54;
	v31 =	vmul.f32 $6.243750000e+01, v56;
	v48 =	vadd.f32 v37, v55  }
0x60d: {  	v37 =	vsub.f32 v44, v45;
	v47 =	vmul.f32 v52, v36;
	(erf) = vpow2.f32 v42  }
0x60e: {  	v45 =	vcvt.s32.f32 v50;
	v23 =	vmul.f32 v39, v21;
	v39 =	vadd.f32 v48, v49;
	v36 =	vld.idx.msk [tilespmem:v50+s29+$0x0], $0xffff;
	v49 =	vpop (erf)  }
0x60f: {  	v42 =	vtrunc.f32 v31;
	v48 =	vsub.f32 v51, v34;
	v44 =	vld.idx.msk [tilespmem:v50+s0+$0x0], $0xffff;
	(erf) = vrcp.f32 v53;
	v50 =	vpop (erf)  }
0x610: {  	_ =	sdelay $0x2  }
0x611: {  	v41 =	vadd.f32 v47, v41;
	v62 =	vadd.f32 $1.000000000e+00, v49  }
0x612: {  	(erf) = vrcp.f32 v32;
	v63 =	vadd.f32 $1.000000000e+00, v46;
	v46 =	vld.idx.msk [tilespmem:v43+s29+$0x0], $0xffff;
	v42 =	vcvt.f32.s32 v42  }
0x613: {  	v52 =	vadd.f32 $1.000000000e+00, v50;
	v54 =	vld.idx.msk [tilespmem:v43+s0+$0x0], $0xffff;
	v24 =	vmul.f32 v24, v21;
	(erf) = vrcp.f32 v62;
	v53 =	vpop (erf)  }
0x614: {  	v35 =	vadd.f32 v41, v35;
	(erf) = vrcp.f32 v63;
	v55 =	vadd.f32 $1.000000000e+00, v53;
	v56 =	vpop (erf)  }
0x615: {  	v38 =	vmul.f32 v38, v48;
	(erf) = vrcp.f32 v52;
	v41 =	vadd.f32 $1.000000000e+00, v56  }
0x616: {  	v58 =	vld.idx.msk [tilespmem:v40+s0+$0x0], $0xffff;
	v35 =	vmul.f32 $1.442695020e+00, v35;
	(erf) = vrcp.f32 v55  }
0x617: {  	v59 =	vcvt.s32.f32 v40;
	v49 =	vld.idx.msk [tilespmem:v30+s0+$0x0], $0xffff;
	(erf) = vrcp.f32 v41  }
0x618: {  	v57 =	vadd.f32 v38, v34;
	v38 =	vld.idx.msk [tilespmem:v40+s29+$0x0], $0xffff;
	v60 =	vsub.f32 v54, v46;
	(erf) = vpow2.f32 v35  }
0x619: {  	v33 =	vsub.f32 v33, v45;
	v61 =	vcvt.s32.f32 v30;
	v25 =	vmul.f32 v25, v21;
	v62 =	vld.idx.msk [tilespmem:v42+s0+$0x0], $0xffff  }
0x61a: {  	v26 =	vmul.f32 v26, v21;
	v44 =	vsub.f32 v44, v36;
	v63 =	vld.idx.msk [tilespmem:v42+s29+$0x0], $0xffff;
	v32 =	vmul.f32 v37, v60;
	v41 =	vpop (erf)  }
0x61b: {  	v28 =	vsub.f32 v28, v59;
	v27 =	vsub.f32 v27, v61;
	v51 =	vcvt.s32.f32 v42;
	v40 =	vld.idx.msk [tilespmem:v30+s29+$0x0], $0xffff;
	v47 =	vpop (erf)  }
0x61c: {  	v24 =	vadd.f32 v57, v24;
	v33 =	vmul.f32 v33, v44;
	v32 =	vadd.f32 v32, v46;
	v48 =	vpop (erf)  }
0x61d: {  	v29 =	vmul.f32 v29, v21;
	v54 =	vsub.f32 v31, v51;
	v34 =	vsub.f32 v58, v38;
	v50 =	vpop (erf)  }
0x61e: {  	v21 =	vmul.f32 v22, v21;
	v33 =	vadd.f32 v33, v36;
	v22 =	vadd.f32 v32, v26;
	v52 =	vpop (erf)  }
0x61f: {  	v24 =	vmul.f32 $1.442695020e+00, v24;
	v28 =	vmul.f32 v28, v34;
	v56 =	vsub.f32 v62, v63;
	v53 =	vpop (erf)  }
0x620: {  	v30 =	vsub.f32 v49, v40;
	v29 =	vadd.f32 v33, v29;
	v22 =	vmul.f32 $1.442695020e+00, v22;
	v55 =	vpop (erf)  }
0x621: {  	(erf) = vpow2.f32 v24;
	v59 =	vadd.f32 v28, v38;
	v24 =	vmul.f32 v54, v56;
	v57 =	vpop (erf)  }
0x622: {  	(erf) = vpow2.f32 v22;
	v22 =	vmul.f32 v27, v30;
	v58 =	vadd.f32 $1.000000000e+00, v57  }
0x623: {  	v39 =	vmul.f32 $1.442695020e+00, v39;
	v60 =	vmul.f32 $1.442695020e+00, v29;
	v24 =	vadd.f32 v24, v63  }
0x624: {  	v21 =	vadd.f32 v59, v21;
	v22 =	vadd.f32 v22, v40;
	(erf) = vrcp.f32 v58  }
0x625: {  	v23 =	vadd.f32 v24, v23;
	(erf) = vpow2.f32 v39  }
0x626: {  	v21 =	vmul.f32 $1.442695020e+00, v21;
	v22 =	vadd.f32 v22, v25;
	(erf) = vpow2.f32 v60  }
0x627: {  	v23 =	vmul.f32 $1.442695020e+00, v23  }
0x628: {  	(erf) = vpow2.f32 v21;
	v21 =	vmul.f32 $1.442695020e+00, v22  }
0x629: {  	(erf) = vpow2.f32 v23  }
0x62a: {  	v22 =	vpop (erf);
	(erf) = vpow2.f32 v21;
	_ =	sdelay $0x1  }
0x62b: {  	v21 =	vpop (erf)  }
0x62c: {  	v22 =	vadd.f32 $1.000000000e+00, v22;
	v23 =	vpop (erf)  }
0x62d: {  	v21 =	vadd.f32 $1.000000000e+00, v21;
	v61 =	vpop (erf)  }
0x62e: {  	v62 =	vpop (erf)  }
0x62f: {  	(erf) = vrcp.f32 v21;
	v21 =	vadd.f32 $1.000000000e+00, v62  }
0x630: {  	(erf) = vrcp.f32 v22;
	v24 =	vadd.f32 $1.000000000e+00, v61;
	v22 =	vpop (erf)  }
0x631: {  	[tilespmem:s7+$0x10A30] =	vst v41;
	(erf) = vrcp.f32 v21;
	v21 =	vadd.f32 $1.000000000e+00, v22;
	v22 =	vpop (erf)  }
0x632: {  	[tilespmem:s7+$0x10A00] =	vst v47;
	(erf) = vrcp.f32 v24;
	v22 =	vadd.f32 $1.000000000e+00, v22;
	v63 =	vpop (erf)  }
0x633: {  	[tilespmem:s7+$0x10A50] =	vst v48;
	(erf) = vrcp.f32 v21;
	v21 =	vadd.f32 $1.000000000e+00, v63  }
0x634: {  	[tilespmem:s7+$0x10A70] =	vst v50;
	(erf) = vrcp.f32 v22  }
0x635: {  	[tilespmem:s7+$0x10A40] =	vst v52;
	(erf) = vrcp.f32 v21  }
0x636: {  	[tilespmem:s7+$0x10A60] =	vst v53  }
0x637: {  	[tilespmem:s7+$0x10A20] =	vst v55  }
0x638: {  	[tilespmem:s8+$0x10A10] =	vst v23;
	v21 =	vpop (erf)  }
0x639: {  	v22 =	vpop (erf);
	[tilespmem:s8+$0x10A30] =	vst v21  }
0x63a: {  	[tilespmem:s8+$0x10A00] =	vst v22;
	v21 =	vpop (erf)  }
0x63b: {  	[tilespmem:s8+$0x10A50] =	vst v21;
	v21 =	vpop (erf)  }
0x63c: {  	[tilespmem:s8+$0x10A70] =	vst v21;
	v21 =	vpop (erf)  }
0x63d: {  	[tilespmem:s8+$0x10A40] =	vst v21;
	v21 =	vpop (erf)  }
0x63e: {  	[tilespmem:s8+$0x10A60] =	vst v21;
	v21 =	vpop (erf)  }
0x63f: {  	s6 =	sadd.s32 $0x1, s6;
	[tilespmem:s8+$0x10A20] =	vst v21  }
0x640: {  	[hbm4b:s21+s3] =	stream.linear.scatter [tilespmem:s26], [sflag:$0x4], $0x4000, $0x38;
	[tilespmem:$0x14A00] =	vst v63  }
0x641: {  	p0 =	sne.s32 s6, s22;
	_ =	swait.ge [sflag:s4], $0x4000  }
.Ltmp10:
0x642: {  	[sflag:s4] =	ssyncset.done $0x0;
	(pc) =	sbr.rel @p0 .LBB2_1-.Ltmp10, $4  }
0x643: {  	[sflag:s4] =	ssyncadd.s32 $0xFFFFC000  }
0x644: {  	_ =	swait.ge [sflag:s5], $0x4000  }
0x645: {  	[sflag:s5] =	ssyncset.done $0x0  }
0x646: {  	[sflag:s5] =	ssyncadd.s32 $0xFFFFC000  }
0x647: {  	_ =	sfence.sel $0x180000  }
0x648: {  	[bflag:$0x0] =	sbarrier.arrive $0xFFFF  }
0x649: {  	_ =	strace $0x90000047  }
0x64a: {  	s0 =	stileid.u32;
	[bflag:$0x2] =	sbarrier.arrive $0xFFFF  }
0x64b: {  	p0 =	sne.s32 s0, $0x0;
	s0 =	rddreg [dreg:$0x4]  }
0x64c: {  	s0 =	sadd.s32 @!p0 $0x100000, s0  }
0x64d: {  	[sflag:s0] =	ssyncadd.tile.s32 @!p0 $0x1;
	_ =	shalt  }
.Lfunc_end2:
_tile_overlayer_lowered:
.L_overlay_start_2:
0x64e: {  	(tag) =	ssettag $0x2  }
0x64f: {  	s0 =	rddreg [dreg:$0x0];
	s2 =	stileid.u32  }
0x650: {  	s1 =	rddreg [dreg:$0x1];
	p0 =	sne.s32 s2, $0x0  }
0x651: {  	s3 =	rddreg [dreg:$0x2];
	[bflag:$0x3] =	sbarrier.arrive $0xFFFF;
	s2 =	simm.s32 @!p0 $0x1C05  }
0x652: {  	[timem:s3], [sflag:s2] =	dma.local @!p0 [hbm:s0], s1  }
0x653: {  	s0 =	simm.s32 @!p0 $0x5  }
0x654: {  	_ =	swait.ge @!p0 [sflag:s0], s1  }
0x655: {  	s1 =	ssub.s32 @!p0 $0x0, s1;
	[sflag:s0] =	ssyncset.done @!p0 $0x0  }
0x656: {  	[sflag:s0] =	ssyncadd.s32 @!p0 s1  }
0x657: {  	[bflag:$0x3] =	sbarrier.arrive $0xFFFF  }
0x658: {  	_ =	shalt  }

</sc_bundles>
